<compile_context>
chip_gen: v7x
topology: tpu7x:2x2x1
jax: 0.10.2.dev20260603
libtpu: 0.0.44.dev20260713+nightly
codegen_flags: <defaults>
</compile_context>

<pallas_src>
import functools

import jax
import jax.numpy as jnp
from jax import lax
from jax.experimental import pallas as pl
from jax.experimental.pallas import tpu as pltpu
from jax.experimental.pallas import tpu_sc as plsc

N_NODES = 10000
D = 128
N_PAD = 10240
N_EDGES = 320000
NC = 2
NS = 16
CHUNK = 128
AGG_CHUNK = 128
E_PAD = 327680
NCHUNK = E_PAD // (NC * NS * AGG_CHUNK)
NCHUNK_DEG = E_PAD // (NS * CHUNK)
SLAB = N_PAD // NS
TC_BLK = 640
TC_GRID = N_PAD // TC_BLK



def _deg_body(comb_hbm, ones_hbm, z_hbm, out_hbm,
              comb_v, idx_a, idx_b, ones_v, acc, sem_a, sem_b):
    cid = lax.axis_index("c")
    sid = lax.axis_index("s")
    pltpu.sync_copy(comb_hbm.at[sid], comb_v)
    pltpu.sync_copy(ones_hbm, ones_v)
    row0 = sid * SLAB
    pltpu.sync_copy(z_hbm, acc.at[pl.ds(row0, SLAB)])
    plsc.subcore_barrier()

    def extract(j, dst):
        for k in range(CHUNK // 16):
            v = comb_v[j, pl.ds(k * 16, 16)]
            lo = lax.bitwise_and(v, 0xFFFF)
            hi = lax.shift_right_logical(v, 16)
            dst[0, pl.ds(k * 16, 16)] = jnp.where(cid == 0, lo, hi)

    def scat(idx, sem):
        pltpu.async_copy(ones_v, acc.at[idx.at[0]], sem, add=True)

    def swait(idx, sem):
        pltpu.make_async_copy(ones_v, acc.at[idx.at[0]], sem).wait()

    extract(0, idx_a)
    scat(idx_a, sem_a)

    def body(jj, carry):
        j0 = 2 * jj
        extract(j0 + 1, idx_b)
        scat(idx_b, sem_b)
        swait(idx_a, sem_a)

        @pl.when(j0 + 2 < NCHUNK_DEG)
        def _():
            extract(j0 + 2, idx_a)
            scat(idx_a, sem_a)

        swait(idx_b, sem_b)
        return carry

    lax.fori_loop(0, NCHUNK_DEG // 2, body, 0)
    plsc.subcore_barrier()
    pltpu.sync_copy(acc.at[pl.ds(row0, SLAB)],
                    out_hbm.at[cid, pl.ds(row0, SLAB)])


def _agg_body(comb_hbm, h_hbm, z_hbm, out_hbm,
              comb_v, idx_a, idx_b, rows0, rows1, acc_sh, sem0, sem1):
    cid = lax.axis_index("c")
    sid = lax.axis_index("s")
    pltpu.sync_copy(comb_hbm.at[cid, sid], comb_v)
    row0 = sid * SLAB
    pltpu.sync_copy(z_hbm, acc_sh.at[pl.ds(row0, SLAB)])
    plsc.subcore_barrier()

    def extract(j, dst):
        for k in range(AGG_CHUNK // 16):
            v = comb_v[j, pl.ds(k * 16, 16)]
            dst[0, pl.ds(k * 16, 16)] = lax.bitwise_and(v, 0xFFFF)
            dst[1, pl.ds(k * 16, 16)] = lax.shift_right_logical(v, 16)

    def gather(idx, buf, sem):
        pltpu.async_copy(h_hbm.at[idx.at[0]], buf, sem)

    def gwait(idx, buf, sem):
        pltpu.make_async_copy(h_hbm.at[idx.at[0]], buf, sem).wait()

    extract(0, idx_a)
    gather(idx_a, rows0, sem0)

    def body(jj, carry):
        j0 = 2 * jj
        extract(j0 + 1, idx_b)
        gather(idx_b, rows1, sem1)
        gwait(idx_a, rows0, sem0)
        pltpu.sync_copy(rows0, acc_sh.at[idx_a.at[1]], add=True)

        @pl.when(j0 + 2 < NCHUNK)
        def _():
            extract(j0 + 2, idx_a)
            gather(idx_a, rows0, sem0)

        gwait(idx_b, rows1, sem1)
        pltpu.sync_copy(rows1, acc_sh.at[idx_b.at[1]], add=True)
        return carry

    lax.fori_loop(0, NCHUNK // 2, body, 0)
    plsc.subcore_barrier()
    pltpu.sync_copy(acc_sh.at[pl.ds(row0, SLAB)],
                    out_hbm.at[cid, pl.ds(row0, SLAB)])


def _sc_mesh():
    return plsc.VectorSubcoreMesh(core_axis_name="c", subcore_axis_name="s")


def _deg_call(comb_deg, ones128, z128):
    return pl.kernel(
        _deg_body,
        out_type=jax.ShapeDtypeStruct((NC, N_PAD, D), jnp.float32),
        mesh=_sc_mesh(),
        scratch_types=[
            pltpu.VMEM((NCHUNK_DEG, CHUNK), jnp.int32),
            pltpu.VMEM((1, CHUNK), jnp.int32),
            pltpu.VMEM((1, CHUNK), jnp.int32),
            pltpu.VMEM((CHUNK, D), jnp.float32),
            pltpu.VMEM_SHARED((N_PAD, D), jnp.float32),
            pltpu.SemaphoreType.DMA,
            pltpu.SemaphoreType.DMA,
        ],
    )(comb_deg, ones128, z128)


def _agg_call(comb, h, z128):
    return pl.kernel(
        _agg_body,
        out_type=jax.ShapeDtypeStruct((NC, N_PAD, D), jnp.float32),
        mesh=_sc_mesh(),
        scratch_types=[
            pltpu.VMEM((NCHUNK, AGG_CHUNK), jnp.int32),
            pltpu.VMEM((2, AGG_CHUNK), jnp.int32),
            pltpu.VMEM((2, AGG_CHUNK), jnp.int32),
            pltpu.VMEM((AGG_CHUNK, D), jnp.float32),
            pltpu.VMEM((AGG_CHUNK, D), jnp.float32),
            pltpu.VMEM_SHARED((N_PAD, D), jnp.float32),
            pltpu.SemaphoreType.DMA,
            pltpu.SemaphoreType.DMA,
        ],
    )(comb, h, z128)



def _inv_sqrt_deg(dp, kind):
    deg = dp[kind, :, 0:1].astype(jnp.float32)
    return lax.rsqrt(jnp.maximum(deg, 1.0))


def _mlp(h, w0, b0, w1, b1):
    h = jnp.maximum(jnp.dot(h, w0, preferred_element_type=jnp.float32) + b0, 0.0)
    h = jnp.maximum(jnp.dot(h, w1, preferred_element_type=jnp.float32) + b1, 0.0)
    return h


def _post(p, dp, nodes, lns, lnb):
    agg = (p[0] + p[1]) * _inv_sqrt_deg(dp, 1)
    nd = agg + nodes
    mean = jnp.mean(nd, axis=-1, keepdims=True)
    c = nd - mean
    var = jnp.mean(c * c, axis=-1, keepdims=True)
    return c * lax.rsqrt(var + 1e-6) * lns + lnb


def _ab0_body(x_ref, dp_ref, we, be, w0, b0, w1, b1, nodes_ref, h_ref):
    nodes = jnp.dot(x_ref[...], we[...],
                    preferred_element_type=jnp.float32) + be[...]
    h = _mlp(nodes, w0[...], b0[...], w1[...], b1[...])
    nodes_ref[...] = nodes
    h_ref[...] = h * _inv_sqrt_deg(dp_ref[...], 0)


def _cb_body(p_ref, dp_ref, nodes_ref, lns, lnb, w0, b0, w1, b1,
             nodes_out, h_out):
    dp = dp_ref[...]
    nodes_new = _post(p_ref[...], dp, nodes_ref[...], lns[...], lnb[...])
    h = _mlp(nodes_new, w0[...], b0[...], w1[...], b1[...])
    nodes_out[...] = nodes_new
    h_out[...] = h * _inv_sqrt_deg(dp, 0)


def _cd_body(p_ref, dp_ref, nodes_ref, lns, lnb, wd, bd, out_ref):
    nodes_new = _post(p_ref[...], dp_ref[...], nodes_ref[...], lns[...], lnb[...])
    out_ref[...] = jnp.dot(nodes_new, wd[...],
                           preferred_element_type=jnp.float32) + bd[...]


_spec_row = pl.BlockSpec((TC_BLK, D), lambda i: (i, 0))
_spec_w = pl.BlockSpec((D, D), lambda i: (0, 0))
_spec_b = pl.BlockSpec((1, D), lambda i: (0, 0))
_spec_dp = pl.BlockSpec((NC, TC_BLK, D), lambda i: (0, i, 0))
_spec_p = pl.BlockSpec((NC, TC_BLK, D), lambda i: (0, i, 0))

_row_out = jax.ShapeDtypeStruct((N_PAD, D), jnp.float32)

_ab0 = pl.pallas_call(
    _ab0_body, grid=(TC_GRID,),
    in_specs=[_spec_row, _spec_dp, _spec_w, _spec_b, _spec_w, _spec_b,
              _spec_w, _spec_b],
    out_specs=[_spec_row, _spec_row],
    out_shape=[_row_out, _row_out],
)

_cb = pl.pallas_call(
    _cb_body, grid=(TC_GRID,),
    in_specs=[_spec_p, _spec_dp, _spec_row, _spec_b, _spec_b, _spec_w,
              _spec_b, _spec_w, _spec_b],
    out_specs=[_spec_row, _spec_row],
    out_shape=[_row_out, _row_out],
)

_cd = pl.pallas_call(
    _cd_body, grid=(TC_GRID,),
    in_specs=[_spec_p, _spec_dp, _spec_row, _spec_b, _spec_b, _spec_w,
              _spec_b],
    out_specs=_spec_row,
    out_shape=_row_out,
)



def kernel(x, edge_index, params):
    f32 = jnp.float32
    x_pad = jnp.zeros((N_PAD, D), f32).at[:N_NODES].set(x)
    ei = edge_index.astype(jnp.int32)
    packed = ei[0] | (ei[1] << 16)
    padv = N_NODES + jnp.arange(240, dtype=jnp.int32)
    padv = padv | (padv << 16)

    def tile_pad(arr2d, pad_per):
        pad = jnp.broadcast_to(jnp.tile(padv, pad_per // 240)[None, :],
                               (arr2d.shape[0], pad_per))
        return jnp.concatenate([arr2d, pad], axis=1)

    comb = tile_pad(packed.reshape(NC * NS, N_EDGES // (NC * NS)),
                    E_PAD // (NC * NS) - N_EDGES // (NC * NS)
                    ).reshape(NC, NS, NCHUNK, AGG_CHUNK)
    comb_deg = tile_pad(packed.reshape(NS, N_EDGES // NS),
                        E_PAD // NS - N_EDGES // NS
                        ).reshape(NS, NCHUNK_DEG, CHUNK)
    z128 = jnp.zeros((SLAB, D), f32)
    ones128 = jnp.ones((CHUNK, D), f32)

    def b(name):
        return params[name].reshape(1, D)

    dp = _deg_call(comb_deg, ones128, z128)
    nodes, h = _ab0(x_pad, dp, params["W_embed"], b("b_embed"),
                    params["W_mlp_0_0"], b("b_mlp_0_0"),
                    params["W_mlp_0_1"], b("b_mlp_0_1"))
    for s in range(3):
        p = _agg_call(comb, h, z128)
        lns = params[f"ln_scale_{s}"].reshape(1, D)
        lnb = params[f"ln_bias_{s}"].reshape(1, D)
        if s < 2:
            nodes, h = _cb(p, dp, nodes, lns, lnb,
                           params[f"W_mlp_{s + 1}_0"], b(f"b_mlp_{s + 1}_0"),
                           params[f"W_mlp_{s + 1}_1"], b(f"b_mlp_{s + 1}_1"))
        else:
            out = _cd(p, dp, nodes, lns, lnb, params["W_dec"], b("b_dec"))
    return out[:N_NODES]

# --- scband reference (transcript-rebuilt; emitter-appended) ---
"""Pipeline reference for scband-graph-conv-net-86320252715499 (READ-ONLY COPY).

The authoritative reference and input builder live on the scoring server;
editing this copy changes nothing except your own understanding.
"""

import jax, jax.numpy as jnp
import numpy as np

N_NODES = 10000
D_FEAT = 128
LATENT = 128
STEPS = 3
MLP_LAYERS = 2
N_EDGES = 320000


def setup_inputs(seed: int = 0) -> dict:
    key = jax.random.key(seed)
    ks = jax.random.split(key, 40)
    inp = {}
    inp["x"] = jax.random.normal(ks[0], (N_NODES, D_FEAT), dtype=jnp.float32)
    inp["edge_index"] = jax.random.randint(ks[1], (2, N_EDGES), 0, N_NODES)
    params = {}
    ki = 2
    s_in = 1.0 / np.sqrt(D_FEAT)
    s_lat = 1.0 / np.sqrt(LATENT)
    params["W_embed"] = jax.random.normal(ks[ki], (D_FEAT, LATENT), dtype=jnp.float32) * s_in; ki += 1
    params["b_embed"] = jnp.zeros((LATENT,), dtype=jnp.float32)
    for s in range(STEPS):
        for l in range(MLP_LAYERS):
            params[f"W_mlp_{s}_{l}"] = jax.random.normal(ks[ki], (LATENT, LATENT), dtype=jnp.float32) * s_lat; ki += 1
            params[f"b_mlp_{s}_{l}"] = jnp.zeros((LATENT,), dtype=jnp.float32)
        params[f"ln_scale_{s}"] = jnp.ones((LATENT,), dtype=jnp.float32)
        params[f"ln_bias_{s}"] = jnp.zeros((LATENT,), dtype=jnp.float32)
    params["W_dec"] = jax.random.normal(ks[ki], (LATENT, D_FEAT), dtype=jnp.float32) * s_lat; ki += 1
    params["b_dec"] = jnp.zeros((D_FEAT,), dtype=jnp.float32)
    inp["params"] = params
    return inp


def _layer_norm(h, scale, bias, eps=1e-6):
    mean = jnp.mean(h, axis=-1, keepdims=True)
    var = jnp.mean(jnp.square(h - mean), axis=-1, keepdims=True)
    return (h - mean) * jax.lax.rsqrt(var + eps) * scale + bias


def _forward(x, edge_index, params):
    senders = edge_index[0]
    receivers = edge_index[1]
    n = x.shape[0]
    # embedder: GraphMapFeatures(Dense(latent))
    nodes = x @ params["W_embed"] + params["b_embed"]
    # symmetric normalization degrees (jraph.GraphConvolution, add_self_edges=False)
    ones_e = jnp.ones((senders.shape[0],), dtype=nodes.dtype)
    sender_deg = jax.ops.segment_sum(ones_e, senders, num_segments=n)
    receiver_deg = jax.ops.segment_sum(ones_e, receivers, num_segments=n)
    inv_sqrt_s = jax.lax.rsqrt(jnp.maximum(sender_deg, 1.0))[:, None]
    inv_sqrt_r = jax.lax.rsqrt(jnp.maximum(receiver_deg, 1.0))[:, None]
    for s in range(STEPS):
        # update_node_fn = concatenated_args(MLP([latent]*num_mlp_layers)) applied BEFORE aggregation
        h = nodes
        for l in range(MLP_LAYERS):
            h = jax.nn.relu(h @ params[f"W_mlp_{s}_{l}"] + params[f"b_mlp_{s}_{l}"])
        h = h * inv_sqrt_s
        h = jax.ops.segment_sum(h[senders], receivers, num_segments=n)
        h = h * inv_sqrt_r
        # skip connection: add_graphs_tuples
        nodes = h + nodes
        # LayerNorm on nodes
        nodes = _layer_norm(nodes, params[f"ln_scale_{s}"], params[f"ln_bias_{s}"])
    # decoder back to in_features
    out = nodes @ params["W_dec"] + params["b_dec"]
    return out


def reference(x, edge_index, params):
    return _forward(x, edge_index, params)

if __name__ == "__main__":
    import jax
    _d = setup_inputs()
    print(jax.jit(kernel)(*tuple(_d.values())))

</pallas_src>

<mosaic_0001>
#map = affine_map<(d0, d1) -> (0, 0, 0, 0)>
#map1 = affine_map<(d0, d1) -> (0, 0)>
#map2 = affine_map<(d0, d1) -> (0, 0, 0)>
module attributes {stable_mosaic.version = 14 : i64} {
  func.func @_agg_body(%arg0: i32, %arg1: i32, %arg2: memref<2x16x80x128xi32, #tpu.memory_space<hbm>>, %arg3: memref<10240x128xf32, #tpu.memory_space<hbm>>, %arg4: memref<640x128xf32, #tpu.memory_space<hbm>>, %arg5: memref<2x10240x128xf32, #tpu.memory_space<hbm>>, %arg6: memref<80x128xi32, #tpu.memory_space<vmem>>, %arg7: memref<2x128xi32, #tpu.memory_space<vmem>>, %arg8: memref<2x128xi32, #tpu.memory_space<vmem>>, %arg9: memref<128x128xf32, #tpu.memory_space<vmem>>, %arg10: memref<128x128xf32, #tpu.memory_space<vmem>>, %arg11: memref<10240x128xf32, #tpu.memory_space<vmem_shared>>, %arg12: memref<!tpu.dma_semaphore, #tpu.memory_space<semaphore_mem>>, %arg13: memref<!tpu.dma_semaphore, #tpu.memory_space<semaphore_mem>>) attributes {dimension_semantics = [#tpu.dimension_semantics<core_parallel>, #tpu.dimension_semantics<subcore_parallel>], iteration_bounds = array<i64: 2, 16>, scalar_prefetch = 0 : i64, scratch_operands = 8 : i64, tpu.core_type = #tpu.core_type<sc_vector_subcore>, window_params = [{transform_indices = #map}, {transform_indices = #map1}, {transform_indices = #map1}, {transform_indices = #map2}]} {
    "tpu.region"() ({
      %run_scoped3A = tpu.sem_alloc : memref<!tpu.dma_semaphore, #tpu.memory_space<semaphore_mem>>
      %dma_start3A_193 = arith.constant 0 : i32
      %dma_start3A_194 = arith.constant 0 : i32
      %dma_start3A_195 = tpu.memref_slice %arg2[%arg0, %arg1, %dma_start3A_193, %dma_start3A_194] : memref<2x16x80x128xi32, #tpu.memory_space<hbm>> -> memref<1x1x80x128xi32, #tpu.memory_space<hbm>>
      %dma_start3A_196 = tpu.memref_squeeze %dma_start3A_195 : memref<1x1x80x128xi32, #tpu.memory_space<hbm>> -> memref<80x128xi32, #tpu.memory_space<hbm>>
      %dma_start3A_197 = arith.constant 0 : i32
      %dma_start3A_198 = arith.constant 0 : i32
      %dma_start3A_199 = tpu.memref_slice %arg2[%arg0, %arg1, %dma_start3A_197, %dma_start3A_198] : memref<2x16x80x128xi32, #tpu.memory_space<hbm>> -> memref<1x1x80x128xi32, #tpu.memory_space<hbm>>
      %dma_start3A_200 = tpu.memref_squeeze %dma_start3A_199 : memref<1x1x80x128xi32, #tpu.memory_space<hbm>> -> memref<80x128xi32, #tpu.memory_space<hbm>>
      tpu.enqueue_dma source(%dma_start3A_200 : memref<80x128xi32, #tpu.memory_space<hbm>>) target(%arg6 : memref<80x128xi32, #tpu.memory_space<vmem>>) target_semaphore(%run_scoped3A : memref<!tpu.dma_semaphore, #tpu.memory_space<semaphore_mem>>)
      %dma_wait3A = arith.constant 0 : i32
      %dma_wait3A_201 = arith.constant 0 : i32
      %dma_wait3A_202 = tpu.memref_slice %arg2[%arg0, %arg1, %dma_wait3A, %dma_wait3A_201] : memref<2x16x80x128xi32, #tpu.memory_space<hbm>> -> memref<1x1x80x128xi32, #tpu.memory_space<hbm>>
      %dma_wait3A_203 = tpu.memref_squeeze %dma_wait3A_202 : memref<1x1x80x128xi32, #tpu.memory_space<hbm>> -> memref<80x128xi32, #tpu.memory_space<hbm>>
      %dma_wait3A_204 = arith.constant 0 : i32
      %dma_wait3A_205 = arith.constant 0 : i32
      %dma_wait3A_206 = tpu.memref_slice %arg2[%arg0, %arg1, %dma_wait3A_204, %dma_wait3A_205] : memref<2x16x80x128xi32, #tpu.memory_space<hbm>> -> memref<1x1x80x128xi32, #tpu.memory_space<hbm>>
      %dma_wait3A_207 = tpu.memref_squeeze %dma_wait3A_206 : memref<1x1x80x128xi32, #tpu.memory_space<hbm>> -> memref<80x128xi32, #tpu.memory_space<hbm>>
      tpu.wait_dma2 semaphore(%run_scoped3A : memref<!tpu.dma_semaphore, #tpu.memory_space<semaphore_mem>>) src(%dma_wait3A_207 : memref<80x128xi32, #tpu.memory_space<hbm>>) dst(%arg6 : memref<80x128xi32, #tpu.memory_space<vmem>>)
      tpu.yield
    }) : () -> ()
    %mul3A = arith.constant 640 : i32
    %mul3A_0 = arith.muli %arg1, %mul3A : i32
    "tpu.region"() ({
      %run_scoped3A = tpu.sem_alloc : memref<!tpu.dma_semaphore, #tpu.memory_space<semaphore_mem>>
      %dma_start3A_193 = arith.constant 0 : i32
      %dma_start3A_194 = tpu.memref_slice %arg11[%mul3A_0, %dma_start3A_193] : memref<10240x128xf32, #tpu.memory_space<vmem_shared>> -> memref<640x128xf32, #tpu.memory_space<vmem_shared>>
      tpu.enqueue_dma source(%arg4 : memref<640x128xf32, #tpu.memory_space<hbm>>) target(%dma_start3A_194 : memref<640x128xf32, #tpu.memory_space<vmem_shared>>) target_semaphore(%run_scoped3A : memref<!tpu.dma_semaphore, #tpu.memory_space<semaphore_mem>>)
      %dma_wait3A = arith.constant 0 : i32
      %dma_wait3A_195 = tpu.memref_slice %arg11[%mul3A_0, %dma_wait3A] : memref<10240x128xf32, #tpu.memory_space<vmem_shared>> -> memref<640x128xf32, #tpu.memory_space<vmem_shared>>
      tpu.wait_dma2 semaphore(%run_scoped3A : memref<!tpu.dma_semaphore, #tpu.memory_space<semaphore_mem>>) src(%arg4 : memref<640x128xf32, #tpu.memory_space<hbm>>) dst(%dma_wait3A_195 : memref<640x128xf32, #tpu.memory_space<vmem_shared>>)
      tpu.yield
    }) : () -> ()
    %barrier3A = arith.constant 0 : index
    tpu.barrier barrier_id(%barrier3A)
    %get3A = arith.constant 0 : i32
    %get3A_1 = arith.index_cast %get3A : i32 to index
    %get3A_2 = arith.constant 0 : index
    %get3A_3 = tpu.vector_load %arg6[%get3A_1, %get3A_2] {strides = array<i32>} : memref<80x128xi32, #tpu.memory_space<vmem>>, vector<1x16xi32>,
    %get3A_4 = vector.shape_cast %get3A_3 : vector<1x16xi32> to vector<16xi32>
    %and3A = arith.constant 65535 : i32
    %and3A_5 = vector.broadcast %and3A : i32 to vector<16xi32>
    %and3A_6 = arith.andi %get3A_4, %and3A_5 : vector<16xi32>
    %swap3A = arith.constant 0 : i32
    %swap3A_7 = arith.index_cast %swap3A : i32 to index
    %swap3A_8 = arith.constant 0 : index
    %swap3A_9 = tpu.vector_load %arg7[%swap3A_7, %swap3A_8] {strides = array<i32>} : memref<2x128xi32, #tpu.memory_space<vmem>>, vector<1x16xi32>,
    %swap3A_10 = vector.shape_cast %swap3A_9 : vector<1x16xi32> to vector<16xi32>
    %swap3A_11 = vector.shape_cast %and3A_6 : vector<16xi32> to vector<1x16xi32>
    tpu.vector_store %arg7[%swap3A_7, %swap3A_8], %swap3A_11 {strides = array<i32>} : memref<2x128xi32, #tpu.memory_space<vmem>>, vector<1x16xi32>,
    %shift_right_logical3A = arith.constant 16 : i32
    %shift_right_logical3A_12 = vector.broadcast %shift_right_logical3A : i32 to vector<16xi32>
    %shift_right_logical3A_13 = arith.shrui %get3A_4, %shift_right_logical3A_12 : vector<16xi32>
    %swap3A_14 = arith.constant 1 : i32
    %swap3A_15 = arith.index_cast %swap3A_14 : i32 to index
    %swap3A_16 = arith.constant 0 : index
    %swap3A_17 = tpu.vector_load %arg7[%swap3A_15, %swap3A_16] {strides = array<i32>} : memref<2x128xi32, #tpu.memory_space<vmem>>, vector<1x16xi32>,
    %swap3A_18 = vector.shape_cast %swap3A_17 : vector<1x16xi32> to vector<16xi32>
    %swap3A_19 = vector.shape_cast %shift_right_logical3A_13 : vector<16xi32> to vector<1x16xi32>
    tpu.vector_store %arg7[%swap3A_15, %swap3A_16], %swap3A_19 {strides = array<i32>} : memref<2x128xi32, #tpu.memory_space<vmem>>, vector<1x16xi32>,
    %get3A_20 = arith.constant 0 : i32
    %get3A_21 = arith.index_cast %get3A_20 : i32 to index
    %get3A_22 = arith.constant 16 : index
    %get3A_23 = tpu.vector_load %arg6[%get3A_21, %get3A_22] {strides = array<i32>} : memref<80x128xi32, #tpu.memory_space<vmem>>, vector<1x16xi32>,
    %get3A_24 = vector.shape_cast %get3A_23 : vector<1x16xi32> to vector<16xi32>
    %and3A_25 = arith.constant 65535 : i32
    %and3A_26 = vector.broadcast %and3A_25 : i32 to vector<16xi32>
    %and3A_27 = arith.andi %get3A_24, %and3A_26 : vector<16xi32>
    %swap3A_28 = arith.constant 0 : i32
    %swap3A_29 = arith.index_cast %swap3A_28 : i32 to index
    %swap3A_30 = arith.constant 16 : index
    %swap3A_31 = tpu.vector_load %arg7[%swap3A_29, %swap3A_30] {strides = array<i32>} : memref<2x128xi32, #tpu.memory_space<vmem>>, vector<1x16xi32>,
    %swap3A_32 = vector.shape_cast %swap3A_31 : vector<1x16xi32> to vector<16xi32>
    %swap3A_33 = vector.shape_cast %and3A_27 : vector<16xi32> to vector<1x16xi32>
    tpu.vector_store %arg7[%swap3A_29, %swap3A_30], %swap3A_33 {strides = array<i32>} : memref<2x128xi32, #tpu.memory_space<vmem>>, vector<1x16xi32>,
    %shift_right_logical3A_34 = arith.constant 16 : i32
    %shift_right_logical3A_35 = vector.broadcast %shift_right_logical3A_34 : i32 to vector<16xi32>
    %shift_right_logical3A_36 = arith.shrui %get3A_24, %shift_right_logical3A_35 : vector<16xi32>
    %swap3A_37 = arith.constant 1 : i32
    %swap3A_38 = arith.index_cast %swap3A_37 : i32 to index
    %swap3A_39 = arith.constant 16 : index
    %swap3A_40 = tpu.vector_load %arg7[%swap3A_38, %swap3A_39] {strides = array<i32>} : memref<2x128xi32, #tpu.memory_space<vmem>>, vector<1x16xi32>,
    %swap3A_41 = vector.shape_cast %swap3A_40 : vector<1x16xi32> to vector<16xi32>
    %swap3A_42 = vector.shape_cast %shift_right_logical3A_36 : vector<16xi32> to vector<1x16xi32>
    tpu.vector_store %arg7[%swap3A_38, %swap3A_39], %swap3A_42 {strides = array<i32>} : memref<2x128xi32, #tpu.memory_space<vmem>>, vector<1x16xi32>,
    %get3A_43 = arith.constant 0 : i32
    %get3A_44 = arith.index_cast %get3A_43 : i32 to index
    %get3A_45 = arith.constant 32 : index
    %get3A_46 = tpu.vector_load %arg6[%get3A_44, %get3A_45] {strides = array<i32>} : memref<80x128xi32, #tpu.memory_space<vmem>>, vector<1x16xi32>,
    %get3A_47 = vector.shape_cast %get3A_46 : vector<1x16xi32> to vector<16xi32>
    %and3A_48 = arith.constant 65535 : i32
    %and3A_49 = vector.broadcast %and3A_48 : i32 to vector<16xi32>
    %and3A_50 = arith.andi %get3A_47, %and3A_49 : vector<16xi32>
    %swap3A_51 = arith.constant 0 : i32
    %swap3A_52 = arith.index_cast %swap3A_51 : i32 to index
    %swap3A_53 = arith.constant 32 : index
    %swap3A_54 = tpu.vector_load %arg7[%swap3A_52, %swap3A_53] {strides = array<i32>} : memref<2x128xi32, #tpu.memory_space<vmem>>, vector<1x16xi32>,
    %swap3A_55 = vector.shape_cast %swap3A_54 : vector<1x16xi32> to vector<16xi32>
    %swap3A_56 = vector.shape_cast %and3A_50 : vector<16xi32> to vector<1x16xi32>
    tpu.vector_store %arg7[%swap3A_52, %swap3A_53], %swap3A_56 {strides = array<i32>} : memref<2x128xi32, #tpu.memory_space<vmem>>, vector<1x16xi32>,
    %shift_right_logical3A_57 = arith.constant 16 : i32
    %shift_right_logical3A_58 = vector.broadcast %shift_right_logical3A_57 : i32 to vector<16xi32>
    %shift_right_logical3A_59 = arith.shrui %get3A_47, %shift_right_logical3A_58 : vector<16xi32>
    %swap3A_60 = arith.constant 1 : i32
    %swap3A_61 = arith.index_cast %swap3A_60 : i32 to index
    %swap3A_62 = arith.constant 32 : index
    %swap3A_63 = tpu.vector_load %arg7[%swap3A_61, %swap3A_62] {strides = array<i32>} : memref<2x128xi32, #tpu.memory_space<vmem>>, vector<1x16xi32>,
    %swap3A_64 = vector.shape_cast %swap3A_63 : vector<1x16xi32> to vector<16xi32>
    %swap3A_65 = vector.shape_cast %shift_right_logical3A_59 : vector<16xi32> to vector<1x16xi32>
    tpu.vector_store %arg7[%swap3A_61, %swap3A_62], %swap3A_65 {strides = array<i32>} : memref<2x128xi32, #tpu.memory_space<vmem>>, vector<1x16xi32>,
    %get3A_66 = arith.constant 0 : i32
    %get3A_67 = arith.index_cast %get3A_66 : i32 to index
    %get3A_68 = arith.constant 48 : index
    %get3A_69 = tpu.vector_load %arg6[%get3A_67, %get3A_68] {strides = array<i32>} : memref<80x128xi32, #tpu.memory_space<vmem>>, vector<1x16xi32>,
    %get3A_70 = vector.shape_cast %get3A_69 : vector<1x16xi32> to vector<16xi32>
    %and3A_71 = arith.constant 65535 : i32
    %and3A_72 = vector.broadcast %and3A_71 : i32 to vector<16xi32>
    %and3A_73 = arith.andi %get3A_70, %and3A_72 : vector<16xi32>
    %swap3A_74 = arith.constant 0 : i32
    %swap3A_75 = arith.index_cast %swap3A_74 : i32 to index
    %swap3A_76 = arith.constant 48 : index
    %swap3A_77 = tpu.vector_load %arg7[%swap3A_75, %swap3A_76] {strides = array<i32>} : memref<2x128xi32, #tpu.memory_space<vmem>>, vector<1x16xi32>,
    %swap3A_78 = vector.shape_cast %swap3A_77 : vector<1x16xi32> to vector<16xi32>
    %swap3A_79 = vector.shape_cast %and3A_73 : vector<16xi32> to vector<1x16xi32>
    tpu.vector_store %arg7[%swap3A_75, %swap3A_76], %swap3A_79 {strides = array<i32>} : memref<2x128xi32, #tpu.memory_space<vmem>>, vector<1x16xi32>,
    %shift_right_logical3A_80 = arith.constant 16 : i32
    %shift_right_logical3A_81 = vector.broadcast %shift_right_logical3A_80 : i32 to vector<16xi32>
    %shift_right_logical3A_82 = arith.shrui %get3A_70, %shift_right_logical3A_81 : vector<16xi32>
    %swap3A_83 = arith.constant 1 : i32
    %swap3A_84 = arith.index_cast %swap3A_83 : i32 to index
    %swap3A_85 = arith.constant 48 : index
    %swap3A_86 = tpu.vector_load %arg7[%swap3A_84, %swap3A_85] {strides = array<i32>} : memref<2x128xi32, #tpu.memory_space<vmem>>, vector<1x16xi32>,
    %swap3A_87 = vector.shape_cast %swap3A_86 : vector<1x16xi32> to vector<16xi32>
    %swap3A_88 = vector.shape_cast %shift_right_logical3A_82 : vector<16xi32> to vector<1x16xi32>
    tpu.vector_store %arg7[%swap3A_84, %swap3A_85], %swap3A_88 {strides = array<i32>} : memref<2x128xi32, #tpu.memory_space<vmem>>, vector<1x16xi32>,
    %get3A_89 = arith.constant 0 : i32
    %get3A_90 = arith.index_cast %get3A_89 : i32 to index
    %get3A_91 = arith.constant 64 : index
    %get3A_92 = tpu.vector_load %arg6[%get3A_90, %get3A_91] {strides = array<i32>} : memref<80x128xi32, #tpu.memory_space<vmem>>, vector<1x16xi32>,
    %get3A_93 = vector.shape_cast %get3A_92 : vector<1x16xi32> to vector<16xi32>
    %and3A_94 = arith.constant 65535 : i32
    %and3A_95 = vector.broadcast %and3A_94 : i32 to vector<16xi32>
    %and3A_96 = arith.andi %get3A_93, %and3A_95 : vector<16xi32>
    %swap3A_97 = arith.constant 0 : i32
    %swap3A_98 = arith.index_cast %swap3A_97 : i32 to index
    %swap3A_99 = arith.constant 64 : index
    %swap3A_100 = tpu.vector_load %arg7[%swap3A_98, %swap3A_99] {strides = array<i32>} : memref<2x128xi32, #tpu.memory_space<vmem>>, vector<1x16xi32>,
    %swap3A_101 = vector.shape_cast %swap3A_100 : vector<1x16xi32> to vector<16xi32>
    %swap3A_102 = vector.shape_cast %and3A_96 : vector<16xi32> to vector<1x16xi32>
    tpu.vector_store %arg7[%swap3A_98, %swap3A_99], %swap3A_102 {strides = array<i32>} : memref<2x128xi32, #tpu.memory_space<vmem>>, vector<1x16xi32>,
    %shift_right_logical3A_103 = arith.constant 16 : i32
    %shift_right_logical3A_104 = vector.broadcast %shift_right_logical3A_103 : i32 to vector<16xi32>
    %shift_right_logical3A_105 = arith.shrui %get3A_93, %shift_right_logical3A_104 : vector<16xi32>
    %swap3A_106 = arith.constant 1 : i32
    %swap3A_107 = arith.index_cast %swap3A_106 : i32 to index
    %swap3A_108 = arith.constant 64 : index
    %swap3A_109 = tpu.vector_load %arg7[%swap3A_107, %swap3A_108] {strides = array<i32>} : memref<2x128xi32, #tpu.memory_space<vmem>>, vector<1x16xi32>,
    %swap3A_110 = vector.shape_cast %swap3A_109 : vector<1x16xi32> to vector<16xi32>
    %swap3A_111 = vector.shape_cast %shift_right_logical3A_105 : vector<16xi32> to vector<1x16xi32>
    tpu.vector_store %arg7[%swap3A_107, %swap3A_108], %swap3A_111 {strides = array<i32>} : memref<2x128xi32, #tpu.memory_space<vmem>>, vector<1x16xi32>,
    %get3A_112 = arith.constant 0 : i32
    %get3A_113 = arith.index_cast %get3A_112 : i32 to index
    %get3A_114 = arith.constant 80 : index
    %get3A_115 = tpu.vector_load %arg6[%get3A_113, %get3A_114] {strides = array<i32>} : memref<80x128xi32, #tpu.memory_space<vmem>>, vector<1x16xi32>,
    %get3A_116 = vector.shape_cast %get3A_115 : vector<1x16xi32> to vector<16xi32>
    %and3A_117 = arith.constant 65535 : i32
    %and3A_118 = vector.broadcast %and3A_117 : i32 to vector<16xi32>
    %and3A_119 = arith.andi %get3A_116, %and3A_118 : vector<16xi32>
    %swap3A_120 = arith.constant 0 : i32
    %swap3A_121 = arith.index_cast %swap3A_120 : i32 to index
    %swap3A_122 = arith.constant 80 : index
    %swap3A_123 = tpu.vector_load %arg7[%swap3A_121, %swap3A_122] {strides = array<i32>} : memref<2x128xi32, #tpu.memory_space<vmem>>, vector<1x16xi32>,
    %swap3A_124 = vector.shape_cast %swap3A_123 : vector<1x16xi32> to vector<16xi32>
    %swap3A_125 = vector.shape_cast %and3A_119 : vector<16xi32> to vector<1x16xi32>
    tpu.vector_store %arg7[%swap3A_121, %swap3A_122], %swap3A_125 {strides = array<i32>} : memref<2x128xi32, #tpu.memory_space<vmem>>, vector<1x16xi32>,
    %shift_right_logical3A_126 = arith.constant 16 : i32
    %shift_right_logical3A_127 = vector.broadcast %shift_right_logical3A_126 : i32 to vector<16xi32>
    %shift_right_logical3A_128 = arith.shrui %get3A_116, %shift_right_logical3A_127 : vector<16xi32>
    %swap3A_129 = arith.constant 1 : i32
    %swap3A_130 = arith.index_cast %swap3A_129 : i32 to index
    %swap3A_131 = arith.constant 80 : index
    %swap3A_132 = tpu.vector_load %arg7[%swap3A_130, %swap3A_131] {strides = array<i32>} : memref<2x128xi32, #tpu.memory_space<vmem>>, vector<1x16xi32>,
    %swap3A_133 = vector.shape_cast %swap3A_132 : vector<1x16xi32> to vector<16xi32>
    %swap3A_134 = vector.shape_cast %shift_right_logical3A_128 : vector<16xi32> to vector<1x16xi32>
    tpu.vector_store %arg7[%swap3A_130, %swap3A_131], %swap3A_134 {strides = array<i32>} : memref<2x128xi32, #tpu.memory_space<vmem>>, vector<1x16xi32>,
    %get3A_135 = arith.constant 0 : i32
    %get3A_136 = arith.index_cast %get3A_135 : i32 to index
    %get3A_137 = arith.constant 96 : index
    %get3A_138 = tpu.vector_load %arg6[%get3A_136, %get3A_137] {strides = array<i32>} : memref<80x128xi32, #tpu.memory_space<vmem>>, vector<1x16xi32>,
    %get3A_139 = vector.shape_cast %get3A_138 : vector<1x16xi32> to vector<16xi32>
    %and3A_140 = arith.constant 65535 : i32
    %and3A_141 = vector.broadcast %and3A_140 : i32 to vector<16xi32>
    %and3A_142 = arith.andi %get3A_139, %and3A_141 : vector<16xi32>
    %swap3A_143 = arith.constant 0 : i32
    %swap3A_144 = arith.index_cast %swap3A_143 : i32 to index
    %swap3A_145 = arith.constant 96 : index
    %swap3A_146 = tpu.vector_load %arg7[%swap3A_144, %swap3A_145] {strides = array<i32>} : memref<2x128xi32, #tpu.memory_space<vmem>>, vector<1x16xi32>,
    %swap3A_147 = vector.shape_cast %swap3A_146 : vector<1x16xi32> to vector<16xi32>
    %swap3A_148 = vector.shape_cast %and3A_142 : vector<16xi32> to vector<1x16xi32>
    tpu.vector_store %arg7[%swap3A_144, %swap3A_145], %swap3A_148 {strides = array<i32>} : memref<2x128xi32, #tpu.memory_space<vmem>>, vector<1x16xi32>,
    %shift_right_logical3A_149 = arith.constant 16 : i32
    %shift_right_logical3A_150 = vector.broadcast %shift_right_logical3A_149 : i32 to vector<16xi32>
    %shift_right_logical3A_151 = arith.shrui %get3A_139, %shift_right_logical3A_150 : vector<16xi32>
    %swap3A_152 = arith.constant 1 : i32
    %swap3A_153 = arith.index_cast %swap3A_152 : i32 to index
    %swap3A_154 = arith.constant 96 : index
    %swap3A_155 = tpu.vector_load %arg7[%swap3A_153, %swap3A_154] {strides = array<i32>} : memref<2x128xi32, #tpu.memory_space<vmem>>, vector<1x16xi32>,
    %swap3A_156 = vector.shape_cast %swap3A_155 : vector<1x16xi32> to vector<16xi32>
    %swap3A_157 = vector.shape_cast %shift_right_logical3A_151 : vector<16xi32> to vector<1x16xi32>
    tpu.vector_store %arg7[%swap3A_153, %swap3A_154], %swap3A_157 {strides = array<i32>} : memref<2x128xi32, #tpu.memory_space<vmem>>, vector<1x16xi32>,
    %get3A_158 = arith.constant 0 : i32
    %get3A_159 = arith.index_cast %get3A_158 : i32 to index
    %get3A_160 = arith.constant 112 : index
    %get3A_161 = tpu.vector_load %arg6[%get3A_159, %get3A_160] {strides = array<i32>} : memref<80x128xi32, #tpu.memory_space<vmem>>, vector<1x16xi32>,
    %get3A_162 = vector.shape_cast %get3A_161 : vector<1x16xi32> to vector<16xi32>
    %and3A_163 = arith.constant 65535 : i32
    %and3A_164 = vector.broadcast %and3A_163 : i32 to vector<16xi32>
    %and3A_165 = arith.andi %get3A_162, %and3A_164 : vector<16xi32>
    %swap3A_166 = arith.constant 0 : i32
    %swap3A_167 = arith.index_cast %swap3A_166 : i32 to index
    %swap3A_168 = arith.constant 112 : index
    %swap3A_169 = tpu.vector_load %arg7[%swap3A_167, %swap3A_168] {strides = array<i32>} : memref<2x128xi32, #tpu.memory_space<vmem>>, vector<1x16xi32>,
    %swap3A_170 = vector.shape_cast %swap3A_169 : vector<1x16xi32> to vector<16xi32>
    %swap3A_171 = vector.shape_cast %and3A_165 : vector<16xi32> to vector<1x16xi32>
    tpu.vector_store %arg7[%swap3A_167, %swap3A_168], %swap3A_171 {strides = array<i32>} : memref<2x128xi32, #tpu.memory_space<vmem>>, vector<1x16xi32>,
    %shift_right_logical3A_172 = arith.constant 16 : i32
    %shift_right_logical3A_173 = vector.broadcast %shift_right_logical3A_172 : i32 to vector<16xi32>
    %shift_right_logical3A_174 = arith.shrui %get3A_162, %shift_right_logical3A_173 : vector<16xi32>
    %swap3A_175 = arith.constant 1 : i32
    %swap3A_176 = arith.index_cast %swap3A_175 : i32 to index
    %swap3A_177 = arith.constant 112 : index
    %swap3A_178 = tpu.vector_load %arg7[%swap3A_176, %swap3A_177] {strides = array<i32>} : memref<2x128xi32, #tpu.memory_space<vmem>>, vector<1x16xi32>,
    %swap3A_179 = vector.shape_cast %swap3A_178 : vector<1x16xi32> to vector<16xi32>
    %swap3A_180 = vector.shape_cast %shift_right_logical3A_174 : vector<16xi32> to vector<1x16xi32>
    tpu.vector_store %arg7[%swap3A_176, %swap3A_177], %swap3A_180 {strides = array<i32>} : memref<2x128xi32, #tpu.memory_space<vmem>>, vector<1x16xi32>,
    %dma_start3A = arith.constant 0 : i32
    %dma_start3A_181 = arith.constant 0 : i32
    %dma_start3A_182 = tpu.memref_slice %arg7[%dma_start3A, %dma_start3A_181] : memref<2x128xi32, #tpu.memory_space<vmem>> -> memref<1x128xi32, #tpu.memory_space<vmem>>
    %dma_start3A_183 = tpu.memref_squeeze %dma_start3A_182 : memref<1x128xi32, #tpu.memory_space<vmem>> -> memref<128xi32, #tpu.memory_space<vmem>>
    %dma_start3A_184 = arith.constant 0 : i32
    %dma_start3A_185 = arith.constant 0 : i32
    %dma_start3A_186 = tpu.memref_slice %arg3[%dma_start3A_184, %dma_start3A_185] : memref<10240x128xf32, #tpu.memory_space<hbm>> -> memref<10240x128xf32, #tpu.memory_space<hbm>>
    tpu.enqueue_indirect_dma source(%dma_start3A_186 : memref<10240x128xf32, #tpu.memory_space<hbm>>) target(%arg9 : memref<128x128xf32, #tpu.memory_space<vmem>>) offsets(%dma_start3A_183 : memref<128xi32, #tpu.memory_space<vmem>>) semaphore(%arg12 : memref<!tpu.dma_semaphore, #tpu.memory_space<semaphore_mem>>)
    %scan3A = arith.constant 0 : i32
    %scan3A_187 = arith.constant 0 : i32
    %scan3A_188 = arith.constant 40 : i32
    %scan3A_189 = arith.addi %scan3A_187, %scan3A_188 : i32
    %scan3A_190 = arith.constant 1 : i32
    scf.for %scan3A_193 = %scan3A_187 to %scan3A_189 step %scan3A_190  : i32 {
      %mul3A_194 = arith.constant 2 : i32
      %mul3A_195 = arith.muli %mul3A_194, %scan3A_193 : i32
      %add3A = arith.constant 1 : i32
      %add3A_196 = arith.addi %mul3A_195, %add3A : i32
      %get3A_197 = arith.index_cast %add3A_196 : i32 to index
      %get3A_198 = arith.constant 0 : index
      %get3A_199 = tpu.vector_load %arg6[%get3A_197, %get3A_198] {strides = array<i32>} : memref<80x128xi32, #tpu.memory_space<vmem>>, vector<1x16xi32>,
      %get3A_200 = vector.shape_cast %get3A_199 : vector<1x16xi32> to vector<16xi32>
      %and3A_201 = arith.constant 65535 : i32
      %and3A_202 = vector.broadcast %and3A_201 : i32 to vector<16xi32>
      %and3A_203 = arith.andi %get3A_200, %and3A_202 : vector<16xi32>
      %swap3A_204 = arith.constant 0 : i32
      %swap3A_205 = arith.index_cast %swap3A_204 : i32 to index
      %swap3A_206 = arith.constant 0 : index
      %swap3A_207 = tpu.vector_load %arg8[%swap3A_205, %swap3A_206] {strides = array<i32>} : memref<2x128xi32, #tpu.memory_space<vmem>>, vector<1x16xi32>,
      %swap3A_208 = vector.shape_cast %swap3A_207 : vector<1x16xi32> to vector<16xi32>
      %swap3A_209 = vector.shape_cast %and3A_203 : vector<16xi32> to vector<1x16xi32>
      tpu.vector_store %arg8[%swap3A_205, %swap3A_206], %swap3A_209 {strides = array<i32>} : memref<2x128xi32, #tpu.memory_space<vmem>>, vector<1x16xi32>,
      %shift_right_logical3A_210 = arith.constant 16 : i32
      %shift_right_logical3A_211 = vector.broadcast %shift_right_logical3A_210 : i32 to vector<16xi32>
      %shift_right_logical3A_212 = arith.shrui %get3A_200, %shift_right_logical3A_211 : vector<16xi32>
      %swap3A_213 = arith.constant 1 : i32
      %swap3A_214 = arith.index_cast %swap3A_213 : i32 to index
      %swap3A_215 = arith.constant 0 : index
      %swap3A_216 = tpu.vector_load %arg8[%swap3A_214, %swap3A_215] {strides = array<i32>} : memref<2x128xi32, #tpu.memory_space<vmem>>, vector<1x16xi32>,
      %swap3A_217 = vector.shape_cast %swap3A_216 : vector<1x16xi32> to vector<16xi32>
      %swap3A_218 = vector.shape_cast %shift_right_logical3A_212 : vector<16xi32> to vector<1x16xi32>
      tpu.vector_store %arg8[%swap3A_214, %swap3A_215], %swap3A_218 {strides = array<i32>} : memref<2x128xi32, #tpu.memory_space<vmem>>, vector<1x16xi32>,
      %get3A_219 = arith.index_cast %add3A_196 : i32 to index
      %get3A_220 = arith.constant 16 : index
      %get3A_221 = tpu.vector_load %arg6[%get3A_219, %get3A_220] {strides = array<i32>} : memref<80x128xi32, #tpu.memory_space<vmem>>, vector<1x16xi32>,
      %get3A_222 = vector.shape_cast %get3A_221 : vector<1x16xi32> to vector<16xi32>
      %and3A_223 = arith.constant 65535 : i32
      %and3A_224 = vector.broadcast %and3A_223 : i32 to vector<16xi32>
      %and3A_225 = arith.andi %get3A_222, %and3A_224 : vector<16xi32>
      %swap3A_226 = arith.constant 0 : i32
      %swap3A_227 = arith.index_cast %swap3A_226 : i32 to index
      %swap3A_228 = arith.constant 16 : index
      %swap3A_229 = tpu.vector_load %arg8[%swap3A_227, %swap3A_228] {strides = array<i32>} : memref<2x128xi32, #tpu.memory_space<vmem>>, vector<1x16xi32>,
      %swap3A_230 = vector.shape_cast %swap3A_229 : vector<1x16xi32> to vector<16xi32>
      %swap3A_231 = vector.shape_cast %and3A_225 : vector<16xi32> to vector<1x16xi32>
      tpu.vector_store %arg8[%swap3A_227, %swap3A_228], %swap3A_231 {strides = array<i32>} : memref<2x128xi32, #tpu.memory_space<vmem>>, vector<1x16xi32>,
      %shift_right_logical3A_232 = arith.constant 16 : i32
      %shift_right_logical3A_233 = vector.broadcast %shift_right_logical3A_232 : i32 to vector<16xi32>
      %shift_right_logical3A_234 = arith.shrui %get3A_222, %shift_right_logical3A_233 : vector<16xi32>
      %swap3A_235 = arith.constant 1 : i32
      %swap3A_236 = arith.index_cast %swap3A_235 : i32 to index
      %swap3A_237 = arith.constant 16 : index
      %swap3A_238 = tpu.vector_load %arg8[%swap3A_236, %swap3A_237] {strides = array<i32>} : memref<2x128xi32, #tpu.memory_space<vmem>>, vector<1x16xi32>,
      %swap3A_239 = vector.shape_cast %swap3A_238 : vector<1x16xi32> to vector<16xi32>
      %swap3A_240 = vector.shape_cast %shift_right_logical3A_234 : vector<16xi32> to vector<1x16xi32>
      tpu.vector_store %arg8[%swap3A_236, %swap3A_237], %swap3A_240 {strides = array<i32>} : memref<2x128xi32, #tpu.memory_space<vmem>>, vector<1x16xi32>,
      %get3A_241 = arith.index_cast %add3A_196 : i32 to index
      %get3A_242 = arith.constant 32 : index
      %get3A_243 = tpu.vector_load %arg6[%get3A_241, %get3A_242] {strides = array<i32>} : memref<80x128xi32, #tpu.memory_space<vmem>>, vector<1x16xi32>,
      %get3A_244 = vector.shape_cast %get3A_243 : vector<1x16xi32> to vector<16xi32>
      %and3A_245 = arith.constant 65535 : i32
      %and3A_246 = vector.broadcast %and3A_245 : i32 to vector<16xi32>
      %and3A_247 = arith.andi %get3A_244, %and3A_246 : vector<16xi32>
      %swap3A_248 = arith.constant 0 : i32
      %swap3A_249 = arith.index_cast %swap3A_248 : i32 to index
      %swap3A_250 = arith.constant 32 : index
      %swap3A_251 = tpu.vector_load %arg8[%swap3A_249, %swap3A_250] {strides = array<i32>} : memref<2x128xi32, #tpu.memory_space<vmem>>, vector<1x16xi32>,
      %swap3A_252 = vector.shape_cast %swap3A_251 : vector<1x16xi32> to vector<16xi32>
      %swap3A_253 = vector.shape_cast %and3A_247 : vector<16xi32> to vector<1x16xi32>
      tpu.vector_store %arg8[%swap3A_249, %swap3A_250], %swap3A_253 {strides = array<i32>} : memref<2x128xi32, #tpu.memory_space<vmem>>, vector<1x16xi32>,
      %shift_right_logical3A_254 = arith.constant 16 : i32
      %shift_right_logical3A_255 = vector.broadcast %shift_right_logical3A_254 : i32 to vector<16xi32>
      %shift_right_logical3A_256 = arith.shrui %get3A_244, %shift_right_logical3A_255 : vector<16xi32>
      %swap3A_257 = arith.constant 1 : i32
      %swap3A_258 = arith.index_cast %swap3A_257 : i32 to index
      %swap3A_259 = arith.constant 32 : index
      %swap3A_260 = tpu.vector_load %arg8[%swap3A_258, %swap3A_259] {strides = array<i32>} : memref<2x128xi32, #tpu.memory_space<vmem>>, vector<1x16xi32>,
      %swap3A_261 = vector.shape_cast %swap3A_260 : vector<1x16xi32> to vector<16xi32>
      %swap3A_262 = vector.shape_cast %shift_right_logical3A_256 : vector<16xi32> to vector<1x16xi32>
      tpu.vector_store %arg8[%swap3A_258, %swap3A_259], %swap3A_262 {strides = array<i32>} : memref<2x128xi32, #tpu.memory_space<vmem>>, vector<1x16xi32>,
      %get3A_263 = arith.index_cast %add3A_196 : i32 to index
      %get3A_264 = arith.constant 48 : index
      %get3A_265 = tpu.vector_load %arg6[%get3A_263, %get3A_264] {strides = array<i32>} : memref<80x128xi32, #tpu.memory_space<vmem>>, vector<1x16xi32>,
      %get3A_266 = vector.shape_cast %get3A_265 : vector<1x16xi32> to vector<16xi32>
      %and3A_267 = arith.constant 65535 : i32
      %and3A_268 = vector.broadcast %and3A_267 : i32 to vector<16xi32>
      %and3A_269 = arith.andi %get3A_266, %and3A_268 : vector<16xi32>
      %swap3A_270 = arith.constant 0 : i32
      %swap3A_271 = arith.index_cast %swap3A_270 : i32 to index
      %swap3A_272 = arith.constant 48 : index
      %swap3A_273 = tpu.vector_load %arg8[%swap3A_271, %swap3A_272] {strides = array<i32>} : memref<2x128xi32, #tpu.memory_space<vmem>>, vector<1x16xi32>,
      %swap3A_274 = vector.shape_cast %swap3A_273 : vector<1x16xi32> to vector<16xi32>
      %swap3A_275 = vector.shape_cast %and3A_269 : vector<16xi32> to vector<1x16xi32>
      tpu.vector_store %arg8[%swap3A_271, %swap3A_272], %swap3A_275 {strides = array<i32>} : memref<2x128xi32, #tpu.memory_space<vmem>>, vector<1x16xi32>,
      %shift_right_logical3A_276 = arith.constant 16 : i32
      %shift_right_logical3A_277 = vector.broadcast %shift_right_logical3A_276 : i32 to vector<16xi32>
      %shift_right_logical3A_278 = arith.shrui %get3A_266, %shift_right_logical3A_277 : vector<16xi32>
      %swap3A_279 = arith.constant 1 : i32
      %swap3A_280 = arith.index_cast %swap3A_279 : i32 to index
      %swap3A_281 = arith.constant 48 : index
      %swap3A_282 = tpu.vector_load %arg8[%swap3A_280, %swap3A_281] {strides = array<i32>} : memref<2x128xi32, #tpu.memory_space<vmem>>, vector<1x16xi32>,
      %swap3A_283 = vector.shape_cast %swap3A_282 : vector<1x16xi32> to vector<16xi32>
      %swap3A_284 = vector.shape_cast %shift_right_logical3A_278 : vector<16xi32> to vector<1x16xi32>
      tpu.vector_store %arg8[%swap3A_280, %swap3A_281], %swap3A_284 {strides = array<i32>} : memref<2x128xi32, #tpu.memory_space<vmem>>, vector<1x16xi32>,
      %get3A_285 = arith.index_cast %add3A_196 : i32 to index
      %get3A_286 = arith.constant 64 : index
      %get3A_287 = tpu.vector_load %arg6[%get3A_285, %get3A_286] {strides = array<i32>} : memref<80x128xi32, #tpu.memory_space<vmem>>, vector<1x16xi32>,
      %get3A_288 = vector.shape_cast %get3A_287 : vector<1x16xi32> to vector<16xi32>
      %and3A_289 = arith.constant 65535 : i32
      %and3A_290 = vector.broadcast %and3A_289 : i32 to vector<16xi32>
      %and3A_291 = arith.andi %get3A_288, %and3A_290 : vector<16xi32>
      %swap3A_292 = arith.constant 0 : i32
      %swap3A_293 = arith.index_cast %swap3A_292 : i32 to index
      %swap3A_294 = arith.constant 64 : index
      %swap3A_295 = tpu.vector_load %arg8[%swap3A_293, %swap3A_294] {strides = array<i32>} : memref<2x128xi32, #tpu.memory_space<vmem>>, vector<1x16xi32>,
      %swap3A_296 = vector.shape_cast %swap3A_295 : vector<1x16xi32> to vector<16xi32>
      %swap3A_297 = vector.shape_cast %and3A_291 : vector<16xi32> to vector<1x16xi32>
      tpu.vector_store %arg8[%swap3A_293, %swap3A_294], %swap3A_297 {strides = array<i32>} : memref<2x128xi32, #tpu.memory_space<vmem>>, vector<1x16xi32>,
      %shift_right_logical3A_298 = arith.constant 16 : i32
      %shift_right_logical3A_299 = vector.broadcast %shift_right_logical3A_298 : i32 to vector<16xi32>
      %shift_right_logical3A_300 = arith.shrui %get3A_288, %shift_right_logical3A_299 : vector<16xi32>
      %swap3A_301 = arith.constant 1 : i32
      %swap3A_302 = arith.index_cast %swap3A_301 : i32 to index
      %swap3A_303 = arith.constant 64 : index
      %swap3A_304 = tpu.vector_load %arg8[%swap3A_302, %swap3A_303] {strides = array<i32>} : memref<2x128xi32, #tpu.memory_space<vmem>>, vector<1x16xi32>,
      %swap3A_305 = vector.shape_cast %swap3A_304 : vector<1x16xi32> to vector<16xi32>
      %swap3A_306 = vector.shape_cast %shift_right_logical3A_300 : vector<16xi32> to vector<1x16xi32>
      tpu.vector_store %arg8[%swap3A_302, %swap3A_303], %swap3A_306 {strides = array<i32>} : memref<2x128xi32, #tpu.memory_space<vmem>>, vector<1x16xi32>,
      %get3A_307 = arith.index_cast %add3A_196 : i32 to index
      %get3A_308 = arith.constant 80 : index
      %get3A_309 = tpu.vector_load %arg6[%get3A_307, %get3A_308] {strides = array<i32>} : memref<80x128xi32, #tpu.memory_space<vmem>>, vector<1x16xi32>,
      %get3A_310 = vector.shape_cast %get3A_309 : vector<1x16xi32> to vector<16xi32>
      %and3A_311 = arith.constant 65535 : i32
      %and3A_312 = vector.broadcast %and3A_311 : i32 to vector<16xi32>
      %and3A_313 = arith.andi %get3A_310, %and3A_312 : vector<16xi32>
      %swap3A_314 = arith.constant 0 : i32
      %swap3A_315 = arith.index_cast %swap3A_314 : i32 to index
      %swap3A_316 = arith.constant 80 : index
      %swap3A_317 = tpu.vector_load %arg8[%swap3A_315, %swap3A_316] {strides = array<i32>} : memref<2x128xi32, #tpu.memory_space<vmem>>, vector<1x16xi32>,
      %swap3A_318 = vector.shape_cast %swap3A_317 : vector<1x16xi32> to vector<16xi32>
      %swap3A_319 = vector.shape_cast %and3A_313 : vector<16xi32> to vector<1x16xi32>
      tpu.vector_store %arg8[%swap3A_315, %swap3A_316], %swap3A_319 {strides = array<i32>} : memref<2x128xi32, #tpu.memory_space<vmem>>, vector<1x16xi32>,
      %shift_right_logical3A_320 = arith.constant 16 : i32
      %shift_right_logical3A_321 = vector.broadcast %shift_right_logical3A_320 : i32 to vector<16xi32>
      %shift_right_logical3A_322 = arith.shrui %get3A_310, %shift_right_logical3A_321 : vector<16xi32>
      %swap3A_323 = arith.constant 1 : i32
      %swap3A_324 = arith.index_cast %swap3A_323 : i32 to index
      %swap3A_325 = arith.constant 80 : index
      %swap3A_326 = tpu.vector_load %arg8[%swap3A_324, %swap3A_325] {strides = array<i32>} : memref<2x128xi32, #tpu.memory_space<vmem>>, vector<1x16xi32>,
      %swap3A_327 = vector.shape_cast %swap3A_326 : vector<1x16xi32> to vector<16xi32>
      %swap3A_328 = vector.shape_cast %shift_right_logical3A_322 : vector<16xi32> to vector<1x16xi32>
      tpu.vector_store %arg8[%swap3A_324, %swap3A_325], %swap3A_328 {strides = array<i32>} : memref<2x128xi32, #tpu.memory_space<vmem>>, vector<1x16xi32>,
      %get3A_329 = arith.index_cast %add3A_196 : i32 to index
      %get3A_330 = arith.constant 96 : index
      %get3A_331 = tpu.vector_load %arg6[%get3A_329, %get3A_330] {strides = array<i32>} : memref<80x128xi32, #tpu.memory_space<vmem>>, vector<1x16xi32>,
      %get3A_332 = vector.shape_cast %get3A_331 : vector<1x16xi32> to vector<16xi32>
      %and3A_333 = arith.constant 65535 : i32
      %and3A_334 = vector.broadcast %and3A_333 : i32 to vector<16xi32>
      %and3A_335 = arith.andi %get3A_332, %and3A_334 : vector<16xi32>
      %swap3A_336 = arith.constant 0 : i32
      %swap3A_337 = arith.index_cast %swap3A_336 : i32 to index
      %swap3A_338 = arith.constant 96 : index
      %swap3A_339 = tpu.vector_load %arg8[%swap3A_337, %swap3A_338] {strides = array<i32>} : memref<2x128xi32, #tpu.memory_space<vmem>>, vector<1x16xi32>,
      %swap3A_340 = vector.shape_cast %swap3A_339 : vector<1x16xi32> to vector<16xi32>
      %swap3A_341 = vector.shape_cast %and3A_335 : vector<16xi32> to vector<1x16xi32>
      tpu.vector_store %arg8[%swap3A_337, %swap3A_338], %swap3A_341 {strides = array<i32>} : memref<2x128xi32, #tpu.memory_space<vmem>>, vector<1x16xi32>,
      %shift_right_logical3A_342 = arith.constant 16 : i32
      %shift_right_logical3A_343 = vector.broadcast %shift_right_logical3A_342 : i32 to vector<16xi32>
      %shift_right_logical3A_344 = arith.shrui %get3A_332, %shift_right_logical3A_343 : vector<16xi32>
      %swap3A_345 = arith.constant 1 : i32
      %swap3A_346 = arith.index_cast %swap3A_345 : i32 to index
      %swap3A_347 = arith.constant 96 : index
      %swap3A_348 = tpu.vector_load %arg8[%swap3A_346, %swap3A_347] {strides = array<i32>} : memref<2x128xi32, #tpu.memory_space<vmem>>, vector<1x16xi32>,
      %swap3A_349 = vector.shape_cast %swap3A_348 : vector<1x16xi32> to vector<16xi32>
      %swap3A_350 = vector.shape_cast %shift_right_logical3A_344 : vector<16xi32> to vector<1x16xi32>
      tpu.vector_store %arg8[%swap3A_346, %swap3A_347], %swap3A_350 {strides = array<i32>} : memref<2x128xi32, #tpu.memory_space<vmem>>, vector<1x16xi32>,
      %get3A_351 = arith.index_cast %add3A_196 : i32 to index
      %get3A_352 = arith.constant 112 : index
      %get3A_353 = tpu.vector_load %arg6[%get3A_351, %get3A_352] {strides = array<i32>} : memref<80x128xi32, #tpu.memory_space<vmem>>, vector<1x16xi32>,
      %get3A_354 = vector.shape_cast %get3A_353 : vector<1x16xi32> to vector<16xi32>
      %and3A_355 = arith.constant 65535 : i32
      %and3A_356 = vector.broadcast %and3A_355 : i32 to vector<16xi32>
      %and3A_357 = arith.andi %get3A_354, %and3A_356 : vector<16xi32>
      %swap3A_358 = arith.constant 0 : i32
      %swap3A_359 = arith.index_cast %swap3A_358 : i32 to index
      %swap3A_360 = arith.constant 112 : index
      %swap3A_361 = tpu.vector_load %arg8[%swap3A_359, %swap3A_360] {strides = array<i32>} : memref<2x128xi32, #tpu.memory_space<vmem>>, vector<1x16xi32>,
      %swap3A_362 = vector.shape_cast %swap3A_361 : vector<1x16xi32> to vector<16xi32>
      %swap3A_363 = vector.shape_cast %and3A_357 : vector<16xi32> to vector<1x16xi32>
      tpu.vector_store %arg8[%swap3A_359, %swap3A_360], %swap3A_363 {strides = array<i32>} : memref<2x128xi32, #tpu.memory_space<vmem>>, vector<1x16xi32>,
      %shift_right_logical3A_364 = arith.constant 16 : i32
      %shift_right_logical3A_365 = vector.broadcast %shift_right_logical3A_364 : i32 to vector<16xi32>
      %shift_right_logical3A_366 = arith.shrui %get3A_354, %shift_right_logical3A_365 : vector<16xi32>
      %swap3A_367 = arith.constant 1 : i32
      %swap3A_368 = arith.index_cast %swap3A_367 : i32 to index
      %swap3A_369 = arith.constant 112 : index
      %swap3A_370 = tpu.vector_load %arg8[%swap3A_368, %swap3A_369] {strides = array<i32>} : memref<2x128xi32, #tpu.memory_space<vmem>>, vector<1x16xi32>,
      %swap3A_371 = vector.shape_cast %swap3A_370 : vector<1x16xi32> to vector<16xi32>
      %swap3A_372 = vector.shape_cast %shift_right_logical3A_366 : vector<16xi32> to vector<1x16xi32>
      tpu.vector_store %arg8[%swap3A_368, %swap3A_369], %swap3A_372 {strides = array<i32>} : memref<2x128xi32, #tpu.memory_space<vmem>>, vector<1x16xi32>,
      %dma_start3A_373 = arith.constant 0 : i32
      %dma_start3A_374 = arith.constant 0 : i32
      %dma_start3A_375 = tpu.memref_slice %arg8[%dma_start3A_373, %dma_start3A_374] : memref<2x128xi32, #tpu.memory_space<vmem>> -> memref<1x128xi32, #tpu.memory_space<vmem>>
      %dma_start3A_376 = tpu.memref_squeeze %dma_start3A_375 : memref<1x128xi32, #tpu.memory_space<vmem>> -> memref<128xi32, #tpu.memory_space<vmem>>
      %dma_start3A_377 = arith.constant 0 : i32
      %dma_start3A_378 = arith.constant 0 : i32
      %dma_start3A_379 = tpu.memref_slice %arg3[%dma_start3A_377, %dma_start3A_378] : memref<10240x128xf32, #tpu.memory_space<hbm>> -> memref<10240x128xf32, #tpu.memory_space<hbm>>
      tpu.enqueue_indirect_dma source(%dma_start3A_379 : memref<10240x128xf32, #tpu.memory_space<hbm>>) target(%arg10 : memref<128x128xf32, #tpu.memory_space<vmem>>) offsets(%dma_start3A_376 : memref<128xi32, #tpu.memory_space<vmem>>) semaphore(%arg13 : memref<!tpu.dma_semaphore, #tpu.memory_space<semaphore_mem>>)
      %dma_wait3A = arith.constant 0 : i32
      %dma_wait3A_380 = arith.constant 0 : i32
      %dma_wait3A_381 = tpu.memref_slice %arg7[%dma_wait3A, %dma_wait3A_380] : memref<2x128xi32, #tpu.memory_space<vmem>> -> memref<1x128xi32, #tpu.memory_space<vmem>>
      %dma_wait3A_382 = tpu.memref_squeeze %dma_wait3A_381 : memref<1x128xi32, #tpu.memory_space<vmem>> -> memref<128xi32, #tpu.memory_space<vmem>>
      %dma_wait3A_383 = arith.constant 0 : i32
      %dma_wait3A_384 = arith.constant 0 : i32
      %dma_wait3A_385 = tpu.memref_slice %arg3[%dma_wait3A_383, %dma_wait3A_384] : memref<10240x128xf32, #tpu.memory_space<hbm>> -> memref<10240x128xf32, #tpu.memory_space<hbm>>
      tpu.wait_indirect_dma semaphore(%arg12 : memref<!tpu.dma_semaphore, #tpu.memory_space<semaphore_mem>>) src(%dma_wait3A_385 : memref<10240x128xf32, #tpu.memory_space<hbm>>) dst(%arg9 : memref<128x128xf32, #tpu.memory_space<vmem>>)
      %run_scoped3A = arith.constant 1 : i32
      "tpu.region"() ({
        %run_scoped3A_398 = tpu.sem_alloc : memref<!tpu.dma_semaphore, #tpu.memory_space<semaphore_mem>>
        %dma_start3A_399 = arith.constant 0 : i32
        %dma_start3A_400 = tpu.memref_slice %arg7[%run_scoped3A, %dma_start3A_399] : memref<2x128xi32, #tpu.memory_space<vmem>> -> memref<1x128xi32, #tpu.memory_space<vmem>>
        %dma_start3A_401 = tpu.memref_squeeze %dma_start3A_400 : memref<1x128xi32, #tpu.memory_space<vmem>> -> memref<128xi32, #tpu.memory_space<vmem>>
        %dma_start3A_402 = arith.constant 0 : i32
        %dma_start3A_403 = arith.constant 0 : i32
        %dma_start3A_404 = tpu.memref_slice %arg11[%dma_start3A_402, %dma_start3A_403] : memref<10240x128xf32, #tpu.memory_space<vmem_shared>> -> memref<10240x128xf32, #tpu.memory_space<vmem_shared>>
        tpu.enqueue_indirect_dma source(%arg9 : memref<128x128xf32, #tpu.memory_space<vmem>>) target(%dma_start3A_404 : memref<10240x128xf32, #tpu.memory_space<vmem_shared>>) offsets(%dma_start3A_401 : memref<128xi32, #tpu.memory_space<vmem>>) semaphore(%run_scoped3A_398 : memref<!tpu.dma_semaphore, #tpu.memory_space<semaphore_mem>>) {add = true}
        %dma_wait3A_405 = arith.constant 0 : i32
        %dma_wait3A_406 = tpu.memref_slice %arg7[%run_scoped3A, %dma_wait3A_405] : memref<2x128xi32, #tpu.memory_space<vmem>> -> memref<1x128xi32, #tpu.memory_space<vmem>>
        %dma_wait3A_407 = tpu.memref_squeeze %dma_wait3A_406 : memref<1x128xi32, #tpu.memory_space<vmem>> -> memref<128xi32, #tpu.memory_space<vmem>>
        %dma_wait3A_408 = arith.constant 0 : i32
        %dma_wait3A_409 = arith.constant 0 : i32
        %dma_wait3A_410 = tpu.memref_slice %arg11[%dma_wait3A_408, %dma_wait3A_409] : memref<10240x128xf32, #tpu.memory_space<vmem_shared>> -> memref<10240x128xf32, #tpu.memory_space<vmem_shared>>
        tpu.wait_indirect_dma semaphore(%run_scoped3A_398 : memref<!tpu.dma_semaphore, #tpu.memory_space<semaphore_mem>>) src(%arg9 : memref<128x128xf32, #tpu.memory_space<vmem>>) dst(%dma_wait3A_410 : memref<10240x128xf32, #tpu.memory_space<vmem_shared>>)
        tpu.yield
      }) : () -> ()
      %add3A_386 = arith.constant 2 : i32
      %add3A_387 = arith.addi %mul3A_195, %add3A_386 : i32
      %lt3A = arith.constant 80 : i32
      %lt3A_388 = arith.cmpi slt, %add3A_387, %lt3A : i32
      %convert_element_type3A = arith.extui %lt3A_388 : i1 to i32
      %cond3A = arith.constant 0 : i32
      %cond3A_389 = arith.cmpi ne, %convert_element_type3A, %cond3A : i32
      scf.if %cond3A_389 {
        %add3A_398 = arith.constant 2 : i32
        %add3A_399 = arith.addi %mul3A_195, %add3A_398 : i32
        %get3A_400 = arith.index_cast %add3A_399 : i32 to index
        %get3A_401 = arith.constant 0 : index
        %get3A_402 = tpu.vector_load %arg6[%get3A_400, %get3A_401] {strides = array<i32>} : memref<80x128xi32, #tpu.memory_space<vmem>>, vector<1x16xi32>,
        %get3A_403 = vector.shape_cast %get3A_402 : vector<1x16xi32> to vector<16xi32>
        %and3A_404 = arith.constant 65535 : i32
        %and3A_405 = vector.broadcast %and3A_404 : i32 to vector<16xi32>
        %and3A_406 = arith.andi %get3A_403, %and3A_405 : vector<16xi32>
        %swap3A_407 = arith.constant 0 : i32
        %swap3A_408 = arith.index_cast %swap3A_407 : i32 to index
        %swap3A_409 = arith.constant 0 : index
        %swap3A_410 = tpu.vector_load %arg7[%swap3A_408, %swap3A_409] {strides = array<i32>} : memref<2x128xi32, #tpu.memory_space<vmem>>, vector<1x16xi32>,
        %swap3A_411 = vector.shape_cast %swap3A_410 : vector<1x16xi32> to vector<16xi32>
        %swap3A_412 = vector.shape_cast %and3A_406 : vector<16xi32> to vector<1x16xi32>
        tpu.vector_store %arg7[%swap3A_408, %swap3A_409], %swap3A_412 {strides = array<i32>} : memref<2x128xi32, #tpu.memory_space<vmem>>, vector<1x16xi32>,
        %shift_right_logical3A_413 = arith.constant 16 : i32
        %shift_right_logical3A_414 = vector.broadcast %shift_right_logical3A_413 : i32 to vector<16xi32>
        %shift_right_logical3A_415 = arith.shrui %get3A_403, %shift_right_logical3A_414 : vector<16xi32>
        %swap3A_416 = arith.constant 1 : i32
        %swap3A_417 = arith.index_cast %swap3A_416 : i32 to index
        %swap3A_418 = arith.constant 0 : index
        %swap3A_419 = tpu.vector_load %arg7[%swap3A_417, %swap3A_418] {strides = array<i32>} : memref<2x128xi32, #tpu.memory_space<vmem>>, vector<1x16xi32>,
        %swap3A_420 = vector.shape_cast %swap3A_419 : vector<1x16xi32> to vector<16xi32>
        %swap3A_421 = vector.shape_cast %shift_right_logical3A_415 : vector<16xi32> to vector<1x16xi32>
        tpu.vector_store %arg7[%swap3A_417, %swap3A_418], %swap3A_421 {strides = array<i32>} : memref<2x128xi32, #tpu.memory_space<vmem>>, vector<1x16xi32>,
        %get3A_422 = arith.index_cast %add3A_399 : i32 to index
        %get3A_423 = arith.constant 16 : index
        %get3A_424 = tpu.vector_load %arg6[%get3A_422, %get3A_423] {strides = array<i32>} : memref<80x128xi32, #tpu.memory_space<vmem>>, vector<1x16xi32>,
        %get3A_425 = vector.shape_cast %get3A_424 : vector<1x16xi32> to vector<16xi32>
        %and3A_426 = arith.constant 65535 : i32
        %and3A_427 = vector.broadcast %and3A_426 : i32 to vector<16xi32>
        %and3A_428 = arith.andi %get3A_425, %and3A_427 : vector<16xi32>
        %swap3A_429 = arith.constant 0 : i32
        %swap3A_430 = arith.index_cast %swap3A_429 : i32 to index
        %swap3A_431 = arith.constant 16 : index
        %swap3A_432 = tpu.vector_load %arg7[%swap3A_430, %swap3A_431] {strides = array<i32>} : memref<2x128xi32, #tpu.memory_space<vmem>>, vector<1x16xi32>,
        %swap3A_433 = vector.shape_cast %swap3A_432 : vector<1x16xi32> to vector<16xi32>
        %swap3A_434 = vector.shape_cast %and3A_428 : vector<16xi32> to vector<1x16xi32>
        tpu.vector_store %arg7[%swap3A_430, %swap3A_431], %swap3A_434 {strides = array<i32>} : memref<2x128xi32, #tpu.memory_space<vmem>>, vector<1x16xi32>,
        %shift_right_logical3A_435 = arith.constant 16 : i32
        %shift_right_logical3A_436 = vector.broadcast %shift_right_logical3A_435 : i32 to vector<16xi32>
        %shift_right_logical3A_437 = arith.shrui %get3A_425, %shift_right_logical3A_436 : vector<16xi32>
        %swap3A_438 = arith.constant 1 : i32
        %swap3A_439 = arith.index_cast %swap3A_438 : i32 to index
        %swap3A_440 = arith.constant 16 : index
        %swap3A_441 = tpu.vector_load %arg7[%swap3A_439, %swap3A_440] {strides = array<i32>} : memref<2x128xi32, #tpu.memory_space<vmem>>, vector<1x16xi32>,
        %swap3A_442 = vector.shape_cast %swap3A_441 : vector<1x16xi32> to vector<16xi32>
        %swap3A_443 = vector.shape_cast %shift_right_logical3A_437 : vector<16xi32> to vector<1x16xi32>
        tpu.vector_store %arg7[%swap3A_439, %swap3A_440], %swap3A_443 {strides = array<i32>} : memref<2x128xi32, #tpu.memory_space<vmem>>, vector<1x16xi32>,
        %get3A_444 = arith.index_cast %add3A_399 : i32 to index
        %get3A_445 = arith.constant 32 : index
        %get3A_446 = tpu.vector_load %arg6[%get3A_444, %get3A_445] {strides = array<i32>} : memref<80x128xi32, #tpu.memory_space<vmem>>, vector<1x16xi32>,
        %get3A_447 = vector.shape_cast %get3A_446 : vector<1x16xi32> to vector<16xi32>
        %and3A_448 = arith.constant 65535 : i32
        %and3A_449 = vector.broadcast %and3A_448 : i32 to vector<16xi32>
        %and3A_450 = arith.andi %get3A_447, %and3A_449 : vector<16xi32>
        %swap3A_451 = arith.constant 0 : i32
        %swap3A_452 = arith.index_cast %swap3A_451 : i32 to index
        %swap3A_453 = arith.constant 32 : index
        %swap3A_454 = tpu.vector_load %arg7[%swap3A_452, %swap3A_453] {strides = array<i32>} : memref<2x128xi32, #tpu.memory_space<vmem>>, vector<1x16xi32>,
        %swap3A_455 = vector.shape_cast %swap3A_454 : vector<1x16xi32> to vector<16xi32>
        %swap3A_456 = vector.shape_cast %and3A_450 : vector<16xi32> to vector<1x16xi32>
        tpu.vector_store %arg7[%swap3A_452, %swap3A_453], %swap3A_456 {strides = array<i32>} : memref<2x128xi32, #tpu.memory_space<vmem>>, vector<1x16xi32>,
        %shift_right_logical3A_457 = arith.constant 16 : i32
        %shift_right_logical3A_458 = vector.broadcast %shift_right_logical3A_457 : i32 to vector<16xi32>
        %shift_right_logical3A_459 = arith.shrui %get3A_447, %shift_right_logical3A_458 : vector<16xi32>
        %swap3A_460 = arith.constant 1 : i32
        %swap3A_461 = arith.index_cast %swap3A_460 : i32 to index
        %swap3A_462 = arith.constant 32 : index
        %swap3A_463 = tpu.vector_load %arg7[%swap3A_461, %swap3A_462] {strides = array<i32>} : memref<2x128xi32, #tpu.memory_space<vmem>>, vector<1x16xi32>,
        %swap3A_464 = vector.shape_cast %swap3A_463 : vector<1x16xi32> to vector<16xi32>
        %swap3A_465 = vector.shape_cast %shift_right_logical3A_459 : vector<16xi32> to vector<1x16xi32>
        tpu.vector_store %arg7[%swap3A_461, %swap3A_462], %swap3A_465 {strides = array<i32>} : memref<2x128xi32, #tpu.memory_space<vmem>>, vector<1x16xi32>,
        %get3A_466 = arith.index_cast %add3A_399 : i32 to index
        %get3A_467 = arith.constant 48 : index
        %get3A_468 = tpu.vector_load %arg6[%get3A_466, %get3A_467] {strides = array<i32>} : memref<80x128xi32, #tpu.memory_space<vmem>>, vector<1x16xi32>,
        %get3A_469 = vector.shape_cast %get3A_468 : vector<1x16xi32> to vector<16xi32>
        %and3A_470 = arith.constant 65535 : i32
        %and3A_471 = vector.broadcast %and3A_470 : i32 to vector<16xi32>
        %and3A_472 = arith.andi %get3A_469, %and3A_471 : vector<16xi32>
        %swap3A_473 = arith.constant 0 : i32
        %swap3A_474 = arith.index_cast %swap3A_473 : i32 to index
        %swap3A_475 = arith.constant 48 : index
        %swap3A_476 = tpu.vector_load %arg7[%swap3A_474, %swap3A_475] {strides = array<i32>} : memref<2x128xi32, #tpu.memory_space<vmem>>, vector<1x16xi32>,
        %swap3A_477 = vector.shape_cast %swap3A_476 : vector<1x16xi32> to vector<16xi32>
        %swap3A_478 = vector.shape_cast %and3A_472 : vector<16xi32> to vector<1x16xi32>
        tpu.vector_store %arg7[%swap3A_474, %swap3A_475], %swap3A_478 {strides = array<i32>} : memref<2x128xi32, #tpu.memory_space<vmem>>, vector<1x16xi32>,
        %shift_right_logical3A_479 = arith.constant 16 : i32
        %shift_right_logical3A_480 = vector.broadcast %shift_right_logical3A_479 : i32 to vector<16xi32>
        %shift_right_logical3A_481 = arith.shrui %get3A_469, %shift_right_logical3A_480 : vector<16xi32>
        %swap3A_482 = arith.constant 1 : i32
        %swap3A_483 = arith.index_cast %swap3A_482 : i32 to index
        %swap3A_484 = arith.constant 48 : index
        %swap3A_485 = tpu.vector_load %arg7[%swap3A_483, %swap3A_484] {strides = array<i32>} : memref<2x128xi32, #tpu.memory_space<vmem>>, vector<1x16xi32>,
        %swap3A_486 = vector.shape_cast %swap3A_485 : vector<1x16xi32> to vector<16xi32>
        %swap3A_487 = vector.shape_cast %shift_right_logical3A_481 : vector<16xi32> to vector<1x16xi32>
        tpu.vector_store %arg7[%swap3A_483, %swap3A_484], %swap3A_487 {strides = array<i32>} : memref<2x128xi32, #tpu.memory_space<vmem>>, vector<1x16xi32>,
        %get3A_488 = arith.index_cast %add3A_399 : i32 to index
        %get3A_489 = arith.constant 64 : index
        %get3A_490 = tpu.vector_load %arg6[%get3A_488, %get3A_489] {strides = array<i32>} : memref<80x128xi32, #tpu.memory_space<vmem>>, vector<1x16xi32>,
        %get3A_491 = vector.shape_cast %get3A_490 : vector<1x16xi32> to vector<16xi32>
        %and3A_492 = arith.constant 65535 : i32
        %and3A_493 = vector.broadcast %and3A_492 : i32 to vector<16xi32>
        %and3A_494 = arith.andi %get3A_491, %and3A_493 : vector<16xi32>
        %swap3A_495 = arith.constant 0 : i32
        %swap3A_496 = arith.index_cast %swap3A_495 : i32 to index
        %swap3A_497 = arith.constant 64 : index
        %swap3A_498 = tpu.vector_load %arg7[%swap3A_496, %swap3A_497] {strides = array<i32>} : memref<2x128xi32, #tpu.memory_space<vmem>>, vector<1x16xi32>,
        %swap3A_499 = vector.shape_cast %swap3A_498 : vector<1x16xi32> to vector<16xi32>
        %swap3A_500 = vector.shape_cast %and3A_494 : vector<16xi32> to vector<1x16xi32>
        tpu.vector_store %arg7[%swap3A_496, %swap3A_497], %swap3A_500 {strides = array<i32>} : memref<2x128xi32, #tpu.memory_space<vmem>>, vector<1x16xi32>,
        %shift_right_logical3A_501 = arith.constant 16 : i32
        %shift_right_logical3A_502 = vector.broadcast %shift_right_logical3A_501 : i32 to vector<16xi32>
        %shift_right_logical3A_503 = arith.shrui %get3A_491, %shift_right_logical3A_502 : vector<16xi32>
        %swap3A_504 = arith.constant 1 : i32
        %swap3A_505 = arith.index_cast %swap3A_504 : i32 to index
        %swap3A_506 = arith.constant 64 : index
        %swap3A_507 = tpu.vector_load %arg7[%swap3A_505, %swap3A_506] {strides = array<i32>} : memref<2x128xi32, #tpu.memory_space<vmem>>, vector<1x16xi32>,
        %swap3A_508 = vector.shape_cast %swap3A_507 : vector<1x16xi32> to vector<16xi32>
        %swap3A_509 = vector.shape_cast %shift_right_logical3A_503 : vector<16xi32> to vector<1x16xi32>
        tpu.vector_store %arg7[%swap3A_505, %swap3A_506], %swap3A_509 {strides = array<i32>} : memref<2x128xi32, #tpu.memory_space<vmem>>, vector<1x16xi32>,
        %get3A_510 = arith.index_cast %add3A_399 : i32 to index
        %get3A_511 = arith.constant 80 : index
        %get3A_512 = tpu.vector_load %arg6[%get3A_510, %get3A_511] {strides = array<i32>} : memref<80x128xi32, #tpu.memory_space<vmem>>, vector<1x16xi32>,
        %get3A_513 = vector.shape_cast %get3A_512 : vector<1x16xi32> to vector<16xi32>
        %and3A_514 = arith.constant 65535 : i32
        %and3A_515 = vector.broadcast %and3A_514 : i32 to vector<16xi32>
        %and3A_516 = arith.andi %get3A_513, %and3A_515 : vector<16xi32>
        %swap3A_517 = arith.constant 0 : i32
        %swap3A_518 = arith.index_cast %swap3A_517 : i32 to index
        %swap3A_519 = arith.constant 80 : index
        %swap3A_520 = tpu.vector_load %arg7[%swap3A_518, %swap3A_519] {strides = array<i32>} : memref<2x128xi32, #tpu.memory_space<vmem>>, vector<1x16xi32>,
        %swap3A_521 = vector.shape_cast %swap3A_520 : vector<1x16xi32> to vector<16xi32>
        %swap3A_522 = vector.shape_cast %and3A_516 : vector<16xi32> to vector<1x16xi32>
        tpu.vector_store %arg7[%swap3A_518, %swap3A_519], %swap3A_522 {strides = array<i32>} : memref<2x128xi32, #tpu.memory_space<vmem>>, vector<1x16xi32>,
        %shift_right_logical3A_523 = arith.constant 16 : i32
        %shift_right_logical3A_524 = vector.broadcast %shift_right_logical3A_523 : i32 to vector<16xi32>
        %shift_right_logical3A_525 = arith.shrui %get3A_513, %shift_right_logical3A_524 : vector<16xi32>
        %swap3A_526 = arith.constant 1 : i32
        %swap3A_527 = arith.index_cast %swap3A_526 : i32 to index
        %swap3A_528 = arith.constant 80 : index
        %swap3A_529 = tpu.vector_load %arg7[%swap3A_527, %swap3A_528] {strides = array<i32>} : memref<2x128xi32, #tpu.memory_space<vmem>>, vector<1x16xi32>,
        %swap3A_530 = vector.shape_cast %swap3A_529 : vector<1x16xi32> to vector<16xi32>
        %swap3A_531 = vector.shape_cast %shift_right_logical3A_525 : vector<16xi32> to vector<1x16xi32>
        tpu.vector_store %arg7[%swap3A_527, %swap3A_528], %swap3A_531 {strides = array<i32>} : memref<2x128xi32, #tpu.memory_space<vmem>>, vector<1x16xi32>,
        %get3A_532 = arith.index_cast %add3A_399 : i32 to index
        %get3A_533 = arith.constant 96 : index
        %get3A_534 = tpu.vector_load %arg6[%get3A_532, %get3A_533] {strides = array<i32>} : memref<80x128xi32, #tpu.memory_space<vmem>>, vector<1x16xi32>,
        %get3A_535 = vector.shape_cast %get3A_534 : vector<1x16xi32> to vector<16xi32>
        %and3A_536 = arith.constant 65535 : i32
        %and3A_537 = vector.broadcast %and3A_536 : i32 to vector<16xi32>
        %and3A_538 = arith.andi %get3A_535, %and3A_537 : vector<16xi32>
        %swap3A_539 = arith.constant 0 : i32
        %swap3A_540 = arith.index_cast %swap3A_539 : i32 to index
        %swap3A_541 = arith.constant 96 : index
        %swap3A_542 = tpu.vector_load %arg7[%swap3A_540, %swap3A_541] {strides = array<i32>} : memref<2x128xi32, #tpu.memory_space<vmem>>, vector<1x16xi32>,
        %swap3A_543 = vector.shape_cast %swap3A_542 : vector<1x16xi32> to vector<16xi32>
        %swap3A_544 = vector.shape_cast %and3A_538 : vector<16xi32> to vector<1x16xi32>
        tpu.vector_store %arg7[%swap3A_540, %swap3A_541], %swap3A_544 {strides = array<i32>} : memref<2x128xi32, #tpu.memory_space<vmem>>, vector<1x16xi32>,
        %shift_right_logical3A_545 = arith.constant 16 : i32
        %shift_right_logical3A_546 = vector.broadcast %shift_right_logical3A_545 : i32 to vector<16xi32>
        %shift_right_logical3A_547 = arith.shrui %get3A_535, %shift_right_logical3A_546 : vector<16xi32>
        %swap3A_548 = arith.constant 1 : i32
        %swap3A_549 = arith.index_cast %swap3A_548 : i32 to index
        %swap3A_550 = arith.constant 96 : index
        %swap3A_551 = tpu.vector_load %arg7[%swap3A_549, %swap3A_550] {strides = array<i32>} : memref<2x128xi32, #tpu.memory_space<vmem>>, vector<1x16xi32>,
        %swap3A_552 = vector.shape_cast %swap3A_551 : vector<1x16xi32> to vector<16xi32>
        %swap3A_553 = vector.shape_cast %shift_right_logical3A_547 : vector<16xi32> to vector<1x16xi32>
        tpu.vector_store %arg7[%swap3A_549, %swap3A_550], %swap3A_553 {strides = array<i32>} : memref<2x128xi32, #tpu.memory_space<vmem>>, vector<1x16xi32>,
        %get3A_554 = arith.index_cast %add3A_399 : i32 to index
        %get3A_555 = arith.constant 112 : index
        %get3A_556 = tpu.vector_load %arg6[%get3A_554, %get3A_555] {strides = array<i32>} : memref<80x128xi32, #tpu.memory_space<vmem>>, vector<1x16xi32>,
        %get3A_557 = vector.shape_cast %get3A_556 : vector<1x16xi32> to vector<16xi32>
        %and3A_558 = arith.constant 65535 : i32
        %and3A_559 = vector.broadcast %and3A_558 : i32 to vector<16xi32>
        %and3A_560 = arith.andi %get3A_557, %and3A_559 : vector<16xi32>
        %swap3A_561 = arith.constant 0 : i32
        %swap3A_562 = arith.index_cast %swap3A_561 : i32 to index
        %swap3A_563 = arith.constant 112 : index
        %swap3A_564 = tpu.vector_load %arg7[%swap3A_562, %swap3A_563] {strides = array<i32>} : memref<2x128xi32, #tpu.memory_space<vmem>>, vector<1x16xi32>,
        %swap3A_565 = vector.shape_cast %swap3A_564 : vector<1x16xi32> to vector<16xi32>
        %swap3A_566 = vector.shape_cast %and3A_560 : vector<16xi32> to vector<1x16xi32>
        tpu.vector_store %arg7[%swap3A_562, %swap3A_563], %swap3A_566 {strides = array<i32>} : memref<2x128xi32, #tpu.memory_space<vmem>>, vector<1x16xi32>,
        %shift_right_logical3A_567 = arith.constant 16 : i32
        %shift_right_logical3A_568 = vector.broadcast %shift_right_logical3A_567 : i32 to vector<16xi32>
        %shift_right_logical3A_569 = arith.shrui %get3A_557, %shift_right_logical3A_568 : vector<16xi32>
        %swap3A_570 = arith.constant 1 : i32
        %swap3A_571 = arith.index_cast %swap3A_570 : i32 to index
        %swap3A_572 = arith.constant 112 : index
        %swap3A_573 = tpu.vector_load %arg7[%swap3A_571, %swap3A_572] {strides = array<i32>} : memref<2x128xi32, #tpu.memory_space<vmem>>, vector<1x16xi32>,
        %swap3A_574 = vector.shape_cast %swap3A_573 : vector<1x16xi32> to vector<16xi32>
        %swap3A_575 = vector.shape_cast %shift_right_logical3A_569 : vector<16xi32> to vector<1x16xi32>
        tpu.vector_store %arg7[%swap3A_571, %swap3A_572], %swap3A_575 {strides = array<i32>} : memref<2x128xi32, #tpu.memory_space<vmem>>, vector<1x16xi32>,
        %dma_start3A_576 = arith.constant 0 : i32
        %dma_start3A_577 = arith.constant 0 : i32
        %dma_start3A_578 = tpu.memref_slice %arg7[%dma_start3A_576, %dma_start3A_577] : memref<2x128xi32, #tpu.memory_space<vmem>> -> memref<1x128xi32, #tpu.memory_space<vmem>>
        %dma_start3A_579 = tpu.memref_squeeze %dma_start3A_578 : memref<1x128xi32, #tpu.memory_space<vmem>> -> memref<128xi32, #tpu.memory_space<vmem>>
        %dma_start3A_580 = arith.constant 0 : i32
        %dma_start3A_581 = arith.constant 0 : i32
        %dma_start3A_582 = tpu.memref_slice %arg3[%dma_start3A_580, %dma_start3A_581] : memref<10240x128xf32, #tpu.memory_space<hbm>> -> memref<10240x128xf32, #tpu.memory_space<hbm>>
        tpu.enqueue_indirect_dma source(%dma_start3A_582 : memref<10240x128xf32, #tpu.memory_space<hbm>>) target(%arg9 : memref<128x128xf32, #tpu.memory_space<vmem>>) offsets(%dma_start3A_579 : memref<128xi32, #tpu.memory_space<vmem>>) semaphore(%arg12 : memref<!tpu.dma_semaphore, #tpu.memory_space<semaphore_mem>>)
      } else {
      }
      %dma_wait3A_390 = arith.constant 0 : i32
      %dma_wait3A_391 = arith.constant 0 : i32
      %dma_wait3A_392 = tpu.memref_slice %arg8[%dma_wait3A_390, %dma_wait3A_391] : memref<2x128xi32, #tpu.memory_space<vmem>> -> memref<1x128xi32, #tpu.memory_space<vmem>>
      %dma_wait3A_393 = tpu.memref_squeeze %dma_wait3A_392 : memref<1x128xi32, #tpu.memory_space<vmem>> -> memref<128xi32, #tpu.memory_space<vmem>>
      %dma_wait3A_394 = arith.constant 0 : i32
      %dma_wait3A_395 = arith.constant 0 : i32
      %dma_wait3A_396 = tpu.memref_slice %arg3[%dma_wait3A_394, %dma_wait3A_395] : memref<10240x128xf32, #tpu.memory_space<hbm>> -> memref<10240x128xf32, #tpu.memory_space<hbm>>
      tpu.wait_indirect_dma semaphore(%arg13 : memref<!tpu.dma_semaphore, #tpu.memory_space<semaphore_mem>>) src(%dma_wait3A_396 : memref<10240x128xf32, #tpu.memory_space<hbm>>) dst(%arg10 : memref<128x128xf32, #tpu.memory_space<vmem>>)
      %run_scoped3A_397 = arith.constant 1 : i32
      "tpu.region"() ({
        %run_scoped3A_398 = tpu.sem_alloc : memref<!tpu.dma_semaphore, #tpu.memory_space<semaphore_mem>>
        %dma_start3A_399 = arith.constant 0 : i32
        %dma_start3A_400 = tpu.memref_slice %arg8[%run_scoped3A_397, %dma_start3A_399] : memref<2x128xi32, #tpu.memory_space<vmem>> -> memref<1x128xi32, #tpu.memory_space<vmem>>
        %dma_start3A_401 = tpu.memref_squeeze %dma_start3A_400 : memref<1x128xi32, #tpu.memory_space<vmem>> -> memref<128xi32, #tpu.memory_space<vmem>>
        %dma_start3A_402 = arith.constant 0 : i32
        %dma_start3A_403 = arith.constant 0 : i32
        %dma_start3A_404 = tpu.memref_slice %arg11[%dma_start3A_402, %dma_start3A_403] : memref<10240x128xf32, #tpu.memory_space<vmem_shared>> -> memref<10240x128xf32, #tpu.memory_space<vmem_shared>>
        tpu.enqueue_indirect_dma source(%arg10 : memref<128x128xf32, #tpu.memory_space<vmem>>) target(%dma_start3A_404 : memref<10240x128xf32, #tpu.memory_space<vmem_shared>>) offsets(%dma_start3A_401 : memref<128xi32, #tpu.memory_space<vmem>>) semaphore(%run_scoped3A_398 : memref<!tpu.dma_semaphore, #tpu.memory_space<semaphore_mem>>) {add = true}
        %dma_wait3A_405 = arith.constant 0 : i32
        %dma_wait3A_406 = tpu.memref_slice %arg8[%run_scoped3A_397, %dma_wait3A_405] : memref<2x128xi32, #tpu.memory_space<vmem>> -> memref<1x128xi32, #tpu.memory_space<vmem>>
        %dma_wait3A_407 = tpu.memref_squeeze %dma_wait3A_406 : memref<1x128xi32, #tpu.memory_space<vmem>> -> memref<128xi32, #tpu.memory_space<vmem>>
        %dma_wait3A_408 = arith.constant 0 : i32
        %dma_wait3A_409 = arith.constant 0 : i32
        %dma_wait3A_410 = tpu.memref_slice %arg11[%dma_wait3A_408, %dma_wait3A_409] : memref<10240x128xf32, #tpu.memory_space<vmem_shared>> -> memref<10240x128xf32, #tpu.memory_space<vmem_shared>>
        tpu.wait_indirect_dma semaphore(%run_scoped3A_398 : memref<!tpu.dma_semaphore, #tpu.memory_space<semaphore_mem>>) src(%arg10 : memref<128x128xf32, #tpu.memory_space<vmem>>) dst(%dma_wait3A_410 : memref<10240x128xf32, #tpu.memory_space<vmem_shared>>)
        tpu.yield
      }) : () -> ()
    }
    %scan3A_191 = arith.constant 40 : i32
    %barrier3A_192 = arith.constant 0 : index
    tpu.barrier barrier_id(%barrier3A_192)
    "tpu.region"() ({
      %run_scoped3A = tpu.sem_alloc : memref<!tpu.dma_semaphore, #tpu.memory_space<semaphore_mem>>
      %dma_start3A_193 = arith.constant 0 : i32
      %dma_start3A_194 = tpu.memref_slice %arg5[%arg0, %mul3A_0, %dma_start3A_193] : memref<2x10240x128xf32, #tpu.memory_space<hbm>> -> memref<1x640x128xf32, #tpu.memory_space<hbm>>
      %dma_start3A_195 = tpu.memref_squeeze %dma_start3A_194 : memref<1x640x128xf32, #tpu.memory_space<hbm>> -> memref<640x128xf32, #tpu.memory_space<hbm>>
      %dma_start3A_196 = arith.constant 0 : i32
      %dma_start3A_197 = tpu.memref_slice %arg11[%mul3A_0, %dma_start3A_196] : memref<10240x128xf32, #tpu.memory_space<vmem_shared>> -> memref<640x128xf32, #tpu.memory_space<vmem_shared>>
      tpu.enqueue_dma source(%dma_start3A_197 : memref<640x128xf32, #tpu.memory_space<vmem_shared>>) target(%dma_start3A_195 : memref<640x128xf32, #tpu.memory_space<hbm>>) target_semaphore(%run_scoped3A : memref<!tpu.dma_semaphore, #tpu.memory_space<semaphore_mem>>)
      %dma_wait3A = arith.constant 0 : i32
      %dma_wait3A_198 = tpu.memref_slice %arg5[%arg0, %mul3A_0, %dma_wait3A] : memref<2x10240x128xf32, #tpu.memory_space<hbm>> -> memref<1x640x128xf32, #tpu.memory_space<hbm>>
      %dma_wait3A_199 = tpu.memref_squeeze %dma_wait3A_198 : memref<1x640x128xf32, #tpu.memory_space<hbm>> -> memref<640x128xf32, #tpu.memory_space<hbm>>
      %dma_wait3A_200 = arith.constant 0 : i32
      %dma_wait3A_201 = tpu.memref_slice %arg11[%mul3A_0, %dma_wait3A_200] : memref<10240x128xf32, #tpu.memory_space<vmem_shared>> -> memref<640x128xf32, #tpu.memory_space<vmem_shared>>
      tpu.wait_dma2 semaphore(%run_scoped3A : memref<!tpu.dma_semaphore, #tpu.memory_space<semaphore_mem>>) src(%dma_wait3A_201 : memref<640x128xf32, #tpu.memory_space<vmem_shared>>) dst(%dma_wait3A_199 : memref<640x128xf32, #tpu.memory_space<hbm>>)
      tpu.yield
    }) : () -> ()
    return
  }
}

#map = affine_map<(d0, d1) -> (0, 0, 0)>
#map1 = affine_map<(d0, d1) -> (0, 0)>
module attributes {stable_mosaic.version = 14 : i64} {
  func.func @_deg_body(%arg0: i32, %arg1: i32, %arg2: memref<16x160x128xi32, #tpu.memory_space<hbm>>, %arg3: memref<128x128xf32, #tpu.memory_space<hbm>>, %arg4: memref<640x128xf32, #tpu.memory_space<hbm>>, %arg5: memref<2x10240x128xf32, #tpu.memory_space<hbm>>, %arg6: memref<160x128xi32, #tpu.memory_space<vmem>>, %arg7: memref<1x128xi32, #tpu.memory_space<vmem>>, %arg8: memref<1x128xi32, #tpu.memory_space<vmem>>, %arg9: memref<128x128xf32, #tpu.memory_space<vmem>>, %arg10: memref<10240x128xf32, #tpu.memory_space<vmem_shared>>, %arg11: memref<!tpu.dma_semaphore, #tpu.memory_space<semaphore_mem>>, %arg12: memref<!tpu.dma_semaphore, #tpu.memory_space<semaphore_mem>>) attributes {dimension_semantics = [#tpu.dimension_semantics<core_parallel>, #tpu.dimension_semantics<subcore_parallel>], iteration_bounds = array<i64: 2, 16>, scalar_prefetch = 0 : i64, scratch_operands = 7 : i64, tpu.core_type = #tpu.core_type<sc_vector_subcore>, window_params = [{transform_indices = #map}, {transform_indices = #map1}, {transform_indices = #map1}, {transform_indices = #map}]} {
    "tpu.region"() ({
      %run_scoped3A = tpu.sem_alloc : memref<!tpu.dma_semaphore, #tpu.memory_space<semaphore_mem>>
      %dma_start3A_167 = arith.constant 0 : i32
      %dma_start3A_168 = arith.constant 0 : i32
      %dma_start3A_169 = tpu.memref_slice %arg2[%arg1, %dma_start3A_167, %dma_start3A_168] : memref<16x160x128xi32, #tpu.memory_space<hbm>> -> memref<1x160x128xi32, #tpu.memory_space<hbm>>
      %dma_start3A_170 = tpu.memref_squeeze %dma_start3A_169 : memref<1x160x128xi32, #tpu.memory_space<hbm>> -> memref<160x128xi32, #tpu.memory_space<hbm>>
      %dma_start3A_171 = arith.constant 0 : i32
      %dma_start3A_172 = arith.constant 0 : i32
      %dma_start3A_173 = tpu.memref_slice %arg2[%arg1, %dma_start3A_171, %dma_start3A_172] : memref<16x160x128xi32, #tpu.memory_space<hbm>> -> memref<1x160x128xi32, #tpu.memory_space<hbm>>
      %dma_start3A_174 = tpu.memref_squeeze %dma_start3A_173 : memref<1x160x128xi32, #tpu.memory_space<hbm>> -> memref<160x128xi32, #tpu.memory_space<hbm>>
      tpu.enqueue_dma source(%dma_start3A_174 : memref<160x128xi32, #tpu.memory_space<hbm>>) target(%arg6 : memref<160x128xi32, #tpu.memory_space<vmem>>) target_semaphore(%run_scoped3A : memref<!tpu.dma_semaphore, #tpu.memory_space<semaphore_mem>>)
      %dma_wait3A = arith.constant 0 : i32
      %dma_wait3A_175 = arith.constant 0 : i32
      %dma_wait3A_176 = tpu.memref_slice %arg2[%arg1, %dma_wait3A, %dma_wait3A_175] : memref<16x160x128xi32, #tpu.memory_space<hbm>> -> memref<1x160x128xi32, #tpu.memory_space<hbm>>
      %dma_wait3A_177 = tpu.memref_squeeze %dma_wait3A_176 : memref<1x160x128xi32, #tpu.memory_space<hbm>> -> memref<160x128xi32, #tpu.memory_space<hbm>>
      %dma_wait3A_178 = arith.constant 0 : i32
      %dma_wait3A_179 = arith.constant 0 : i32
      %dma_wait3A_180 = tpu.memref_slice %arg2[%arg1, %dma_wait3A_178, %dma_wait3A_179] : memref<16x160x128xi32, #tpu.memory_space<hbm>> -> memref<1x160x128xi32, #tpu.memory_space<hbm>>
      %dma_wait3A_181 = tpu.memref_squeeze %dma_wait3A_180 : memref<1x160x128xi32, #tpu.memory_space<hbm>> -> memref<160x128xi32, #tpu.memory_space<hbm>>
      tpu.wait_dma2 semaphore(%run_scoped3A : memref<!tpu.dma_semaphore, #tpu.memory_space<semaphore_mem>>) src(%dma_wait3A_181 : memref<160x128xi32, #tpu.memory_space<hbm>>) dst(%arg6 : memref<160x128xi32, #tpu.memory_space<vmem>>)
      tpu.yield
    }) : () -> ()
    "tpu.region"() ({
      %run_scoped3A = tpu.sem_alloc : memref<!tpu.dma_semaphore, #tpu.memory_space<semaphore_mem>>
      tpu.enqueue_dma source(%arg3 : memref<128x128xf32, #tpu.memory_space<hbm>>) target(%arg9 : memref<128x128xf32, #tpu.memory_space<vmem>>) target_semaphore(%run_scoped3A : memref<!tpu.dma_semaphore, #tpu.memory_space<semaphore_mem>>)
      tpu.wait_dma2 semaphore(%run_scoped3A : memref<!tpu.dma_semaphore, #tpu.memory_space<semaphore_mem>>) src(%arg3 : memref<128x128xf32, #tpu.memory_space<hbm>>) dst(%arg9 : memref<128x128xf32, #tpu.memory_space<vmem>>)
      tpu.yield
    }) : () -> ()
    %mul3A = arith.constant 640 : i32
    %mul3A_0 = arith.muli %arg1, %mul3A : i32
    "tpu.region"() ({
      %run_scoped3A = tpu.sem_alloc : memref<!tpu.dma_semaphore, #tpu.memory_space<semaphore_mem>>
      %dma_start3A_167 = arith.constant 0 : i32
      %dma_start3A_168 = tpu.memref_slice %arg10[%mul3A_0, %dma_start3A_167] : memref<10240x128xf32, #tpu.memory_space<vmem_shared>> -> memref<640x128xf32, #tpu.memory_space<vmem_shared>>
      tpu.enqueue_dma source(%arg4 : memref<640x128xf32, #tpu.memory_space<hbm>>) target(%dma_start3A_168 : memref<640x128xf32, #tpu.memory_space<vmem_shared>>) target_semaphore(%run_scoped3A : memref<!tpu.dma_semaphore, #tpu.memory_space<semaphore_mem>>)
      %dma_wait3A = arith.constant 0 : i32
      %dma_wait3A_169 = tpu.memref_slice %arg10[%mul3A_0, %dma_wait3A] : memref<10240x128xf32, #tpu.memory_space<vmem_shared>> -> memref<640x128xf32, #tpu.memory_space<vmem_shared>>
      tpu.wait_dma2 semaphore(%run_scoped3A : memref<!tpu.dma_semaphore, #tpu.memory_space<semaphore_mem>>) src(%arg4 : memref<640x128xf32, #tpu.memory_space<hbm>>) dst(%dma_wait3A_169 : memref<640x128xf32, #tpu.memory_space<vmem_shared>>)
      tpu.yield
    }) : () -> ()
    %barrier3A = arith.constant 0 : index
    tpu.barrier barrier_id(%barrier3A)
    %get3A = arith.constant 0 : i32
    %get3A_1 = arith.index_cast %get3A : i32 to index
    %get3A_2 = arith.constant 0 : index
    %get3A_3 = tpu.vector_load %arg6[%get3A_1, %get3A_2] {strides = array<i32>} : memref<160x128xi32, #tpu.memory_space<vmem>>, vector<1x16xi32>,
    %get3A_4 = vector.shape_cast %get3A_3 : vector<1x16xi32> to vector<16xi32>
    %and3A = arith.constant 65535 : i32
    %and3A_5 = vector.broadcast %and3A : i32 to vector<16xi32>
    %and3A_6 = arith.andi %get3A_4, %and3A_5 : vector<16xi32>
    %shift_right_logical3A = arith.constant 16 : i32
    %shift_right_logical3A_7 = vector.broadcast %shift_right_logical3A : i32 to vector<16xi32>
    %shift_right_logical3A_8 = arith.shrui %get3A_4, %shift_right_logical3A_7 : vector<16xi32>
    %eq3A = arith.constant 0 : i32
    %eq3A_9 = arith.cmpi eq, %arg0, %eq3A : i32
    %select_n3A = arith.select %eq3A_9, %and3A_6, %shift_right_logical3A_8 : vector<16xi32>
    %swap3A = arith.constant 0 : i32
    %swap3A_10 = arith.index_cast %swap3A : i32 to index
    %swap3A_11 = arith.constant 0 : index
    %swap3A_12 = tpu.vector_load %arg7[%swap3A_10, %swap3A_11] {strides = array<i32>} : memref<1x128xi32, #tpu.memory_space<vmem>>, vector<1x16xi32>,
    %swap3A_13 = vector.shape_cast %swap3A_12 : vector<1x16xi32> to vector<16xi32>
    %swap3A_14 = vector.shape_cast %select_n3A : vector<16xi32> to vector<1x16xi32>
    tpu.vector_store %arg7[%swap3A_10, %swap3A_11], %swap3A_14 {strides = array<i32>} : memref<1x128xi32, #tpu.memory_space<vmem>>, vector<1x16xi32>,
    %get3A_15 = arith.constant 0 : i32
    %get3A_16 = arith.index_cast %get3A_15 : i32 to index
    %get3A_17 = arith.constant 16 : index
    %get3A_18 = tpu.vector_load %arg6[%get3A_16, %get3A_17] {strides = array<i32>} : memref<160x128xi32, #tpu.memory_space<vmem>>, vector<1x16xi32>,
    %get3A_19 = vector.shape_cast %get3A_18 : vector<1x16xi32> to vector<16xi32>
    %and3A_20 = arith.constant 65535 : i32
    %and3A_21 = vector.broadcast %and3A_20 : i32 to vector<16xi32>
    %and3A_22 = arith.andi %get3A_19, %and3A_21 : vector<16xi32>
    %shift_right_logical3A_23 = arith.constant 16 : i32
    %shift_right_logical3A_24 = vector.broadcast %shift_right_logical3A_23 : i32 to vector<16xi32>
    %shift_right_logical3A_25 = arith.shrui %get3A_19, %shift_right_logical3A_24 : vector<16xi32>
    %eq3A_26 = arith.constant 0 : i32
    %eq3A_27 = arith.cmpi eq, %arg0, %eq3A_26 : i32
    %select_n3A_28 = arith.select %eq3A_27, %and3A_22, %shift_right_logical3A_25 : vector<16xi32>
    %swap3A_29 = arith.constant 0 : i32
    %swap3A_30 = arith.index_cast %swap3A_29 : i32 to index
    %swap3A_31 = arith.constant 16 : index
    %swap3A_32 = tpu.vector_load %arg7[%swap3A_30, %swap3A_31] {strides = array<i32>} : memref<1x128xi32, #tpu.memory_space<vmem>>, vector<1x16xi32>,
    %swap3A_33 = vector.shape_cast %swap3A_32 : vector<1x16xi32> to vector<16xi32>
    %swap3A_34 = vector.shape_cast %select_n3A_28 : vector<16xi32> to vector<1x16xi32>
    tpu.vector_store %arg7[%swap3A_30, %swap3A_31], %swap3A_34 {strides = array<i32>} : memref<1x128xi32, #tpu.memory_space<vmem>>, vector<1x16xi32>,
    %get3A_35 = arith.constant 0 : i32
    %get3A_36 = arith.index_cast %get3A_35 : i32 to index
    %get3A_37 = arith.constant 32 : index
    %get3A_38 = tpu.vector_load %arg6[%get3A_36, %get3A_37] {strides = array<i32>} : memref<160x128xi32, #tpu.memory_space<vmem>>, vector<1x16xi32>,
    %get3A_39 = vector.shape_cast %get3A_38 : vector<1x16xi32> to vector<16xi32>
    %and3A_40 = arith.constant 65535 : i32
    %and3A_41 = vector.broadcast %and3A_40 : i32 to vector<16xi32>
    %and3A_42 = arith.andi %get3A_39, %and3A_41 : vector<16xi32>
    %shift_right_logical3A_43 = arith.constant 16 : i32
    %shift_right_logical3A_44 = vector.broadcast %shift_right_logical3A_43 : i32 to vector<16xi32>
    %shift_right_logical3A_45 = arith.shrui %get3A_39, %shift_right_logical3A_44 : vector<16xi32>
    %eq3A_46 = arith.constant 0 : i32
    %eq3A_47 = arith.cmpi eq, %arg0, %eq3A_46 : i32
    %select_n3A_48 = arith.select %eq3A_47, %and3A_42, %shift_right_logical3A_45 : vector<16xi32>
    %swap3A_49 = arith.constant 0 : i32
    %swap3A_50 = arith.index_cast %swap3A_49 : i32 to index
    %swap3A_51 = arith.constant 32 : index
    %swap3A_52 = tpu.vector_load %arg7[%swap3A_50, %swap3A_51] {strides = array<i32>} : memref<1x128xi32, #tpu.memory_space<vmem>>, vector<1x16xi32>,
    %swap3A_53 = vector.shape_cast %swap3A_52 : vector<1x16xi32> to vector<16xi32>
    %swap3A_54 = vector.shape_cast %select_n3A_48 : vector<16xi32> to vector<1x16xi32>
    tpu.vector_store %arg7[%swap3A_50, %swap3A_51], %swap3A_54 {strides = array<i32>} : memref<1x128xi32, #tpu.memory_space<vmem>>, vector<1x16xi32>,
    %get3A_55 = arith.constant 0 : i32
    %get3A_56 = arith.index_cast %get3A_55 : i32 to index
    %get3A_57 = arith.constant 48 : index
    %get3A_58 = tpu.vector_load %arg6[%get3A_56, %get3A_57] {strides = array<i32>} : memref<160x128xi32, #tpu.memory_space<vmem>>, vector<1x16xi32>,
    %get3A_59 = vector.shape_cast %get3A_58 : vector<1x16xi32> to vector<16xi32>
    %and3A_60 = arith.constant 65535 : i32
    %and3A_61 = vector.broadcast %and3A_60 : i32 to vector<16xi32>
    %and3A_62 = arith.andi %get3A_59, %and3A_61 : vector<16xi32>
    %shift_right_logical3A_63 = arith.constant 16 : i32
    %shift_right_logical3A_64 = vector.broadcast %shift_right_logical3A_63 : i32 to vector<16xi32>
    %shift_right_logical3A_65 = arith.shrui %get3A_59, %shift_right_logical3A_64 : vector<16xi32>
    %eq3A_66 = arith.constant 0 : i32
    %eq3A_67 = arith.cmpi eq, %arg0, %eq3A_66 : i32
    %select_n3A_68 = arith.select %eq3A_67, %and3A_62, %shift_right_logical3A_65 : vector<16xi32>
    %swap3A_69 = arith.constant 0 : i32
    %swap3A_70 = arith.index_cast %swap3A_69 : i32 to index
    %swap3A_71 = arith.constant 48 : index
    %swap3A_72 = tpu.vector_load %arg7[%swap3A_70, %swap3A_71] {strides = array<i32>} : memref<1x128xi32, #tpu.memory_space<vmem>>, vector<1x16xi32>,
    %swap3A_73 = vector.shape_cast %swap3A_72 : vector<1x16xi32> to vector<16xi32>
    %swap3A_74 = vector.shape_cast %select_n3A_68 : vector<16xi32> to vector<1x16xi32>
    tpu.vector_store %arg7[%swap3A_70, %swap3A_71], %swap3A_74 {strides = array<i32>} : memref<1x128xi32, #tpu.memory_space<vmem>>, vector<1x16xi32>,
    %get3A_75 = arith.constant 0 : i32
    %get3A_76 = arith.index_cast %get3A_75 : i32 to index
    %get3A_77 = arith.constant 64 : index
    %get3A_78 = tpu.vector_load %arg6[%get3A_76, %get3A_77] {strides = array<i32>} : memref<160x128xi32, #tpu.memory_space<vmem>>, vector<1x16xi32>,
    %get3A_79 = vector.shape_cast %get3A_78 : vector<1x16xi32> to vector<16xi32>
    %and3A_80 = arith.constant 65535 : i32
    %and3A_81 = vector.broadcast %and3A_80 : i32 to vector<16xi32>
    %and3A_82 = arith.andi %get3A_79, %and3A_81 : vector<16xi32>
    %shift_right_logical3A_83 = arith.constant 16 : i32
    %shift_right_logical3A_84 = vector.broadcast %shift_right_logical3A_83 : i32 to vector<16xi32>
    %shift_right_logical3A_85 = arith.shrui %get3A_79, %shift_right_logical3A_84 : vector<16xi32>
    %eq3A_86 = arith.constant 0 : i32
    %eq3A_87 = arith.cmpi eq, %arg0, %eq3A_86 : i32
    %select_n3A_88 = arith.select %eq3A_87, %and3A_82, %shift_right_logical3A_85 : vector<16xi32>
    %swap3A_89 = arith.constant 0 : i32
    %swap3A_90 = arith.index_cast %swap3A_89 : i32 to index
    %swap3A_91 = arith.constant 64 : index
    %swap3A_92 = tpu.vector_load %arg7[%swap3A_90, %swap3A_91] {strides = array<i32>} : memref<1x128xi32, #tpu.memory_space<vmem>>, vector<1x16xi32>,
    %swap3A_93 = vector.shape_cast %swap3A_92 : vector<1x16xi32> to vector<16xi32>
    %swap3A_94 = vector.shape_cast %select_n3A_88 : vector<16xi32> to vector<1x16xi32>
    tpu.vector_store %arg7[%swap3A_90, %swap3A_91], %swap3A_94 {strides = array<i32>} : memref<1x128xi32, #tpu.memory_space<vmem>>, vector<1x16xi32>,
    %get3A_95 = arith.constant 0 : i32
    %get3A_96 = arith.index_cast %get3A_95 : i32 to index
    %get3A_97 = arith.constant 80 : index
    %get3A_98 = tpu.vector_load %arg6[%get3A_96, %get3A_97] {strides = array<i32>} : memref<160x128xi32, #tpu.memory_space<vmem>>, vector<1x16xi32>,
    %get3A_99 = vector.shape_cast %get3A_98 : vector<1x16xi32> to vector<16xi32>
    %and3A_100 = arith.constant 65535 : i32
    %and3A_101 = vector.broadcast %and3A_100 : i32 to vector<16xi32>
    %and3A_102 = arith.andi %get3A_99, %and3A_101 : vector<16xi32>
    %shift_right_logical3A_103 = arith.constant 16 : i32
    %shift_right_logical3A_104 = vector.broadcast %shift_right_logical3A_103 : i32 to vector<16xi32>
    %shift_right_logical3A_105 = arith.shrui %get3A_99, %shift_right_logical3A_104 : vector<16xi32>
    %eq3A_106 = arith.constant 0 : i32
    %eq3A_107 = arith.cmpi eq, %arg0, %eq3A_106 : i32
    %select_n3A_108 = arith.select %eq3A_107, %and3A_102, %shift_right_logical3A_105 : vector<16xi32>
    %swap3A_109 = arith.constant 0 : i32
    %swap3A_110 = arith.index_cast %swap3A_109 : i32 to index
    %swap3A_111 = arith.constant 80 : index
    %swap3A_112 = tpu.vector_load %arg7[%swap3A_110, %swap3A_111] {strides = array<i32>} : memref<1x128xi32, #tpu.memory_space<vmem>>, vector<1x16xi32>,
    %swap3A_113 = vector.shape_cast %swap3A_112 : vector<1x16xi32> to vector<16xi32>
    %swap3A_114 = vector.shape_cast %select_n3A_108 : vector<16xi32> to vector<1x16xi32>
    tpu.vector_store %arg7[%swap3A_110, %swap3A_111], %swap3A_114 {strides = array<i32>} : memref<1x128xi32, #tpu.memory_space<vmem>>, vector<1x16xi32>,
    %get3A_115 = arith.constant 0 : i32
    %get3A_116 = arith.index_cast %get3A_115 : i32 to index
    %get3A_117 = arith.constant 96 : index
    %get3A_118 = tpu.vector_load %arg6[%get3A_116, %get3A_117] {strides = array<i32>} : memref<160x128xi32, #tpu.memory_space<vmem>>, vector<1x16xi32>,
    %get3A_119 = vector.shape_cast %get3A_118 : vector<1x16xi32> to vector<16xi32>
    %and3A_120 = arith.constant 65535 : i32
    %and3A_121 = vector.broadcast %and3A_120 : i32 to vector<16xi32>
    %and3A_122 = arith.andi %get3A_119, %and3A_121 : vector<16xi32>
    %shift_right_logical3A_123 = arith.constant 16 : i32
    %shift_right_logical3A_124 = vector.broadcast %shift_right_logical3A_123 : i32 to vector<16xi32>
    %shift_right_logical3A_125 = arith.shrui %get3A_119, %shift_right_logical3A_124 : vector<16xi32>
    %eq3A_126 = arith.constant 0 : i32
    %eq3A_127 = arith.cmpi eq, %arg0, %eq3A_126 : i32
    %select_n3A_128 = arith.select %eq3A_127, %and3A_122, %shift_right_logical3A_125 : vector<16xi32>
    %swap3A_129 = arith.constant 0 : i32
    %swap3A_130 = arith.index_cast %swap3A_129 : i32 to index
    %swap3A_131 = arith.constant 96 : index
    %swap3A_132 = tpu.vector_load %arg7[%swap3A_130, %swap3A_131] {strides = array<i32>} : memref<1x128xi32, #tpu.memory_space<vmem>>, vector<1x16xi32>,
    %swap3A_133 = vector.shape_cast %swap3A_132 : vector<1x16xi32> to vector<16xi32>
    %swap3A_134 = vector.shape_cast %select_n3A_128 : vector<16xi32> to vector<1x16xi32>
    tpu.vector_store %arg7[%swap3A_130, %swap3A_131], %swap3A_134 {strides = array<i32>} : memref<1x128xi32, #tpu.memory_space<vmem>>, vector<1x16xi32>,
    %get3A_135 = arith.constant 0 : i32
    %get3A_136 = arith.index_cast %get3A_135 : i32 to index
    %get3A_137 = arith.constant 112 : index
    %get3A_138 = tpu.vector_load %arg6[%get3A_136, %get3A_137] {strides = array<i32>} : memref<160x128xi32, #tpu.memory_space<vmem>>, vector<1x16xi32>,
    %get3A_139 = vector.shape_cast %get3A_138 : vector<1x16xi32> to vector<16xi32>
    %and3A_140 = arith.constant 65535 : i32
    %and3A_141 = vector.broadcast %and3A_140 : i32 to vector<16xi32>
    %and3A_142 = arith.andi %get3A_139, %and3A_141 : vector<16xi32>
    %shift_right_logical3A_143 = arith.constant 16 : i32
    %shift_right_logical3A_144 = vector.broadcast %shift_right_logical3A_143 : i32 to vector<16xi32>
    %shift_right_logical3A_145 = arith.shrui %get3A_139, %shift_right_logical3A_144 : vector<16xi32>
    %eq3A_146 = arith.constant 0 : i32
    %eq3A_147 = arith.cmpi eq, %arg0, %eq3A_146 : i32
    %select_n3A_148 = arith.select %eq3A_147, %and3A_142, %shift_right_logical3A_145 : vector<16xi32>
    %swap3A_149 = arith.constant 0 : i32
    %swap3A_150 = arith.index_cast %swap3A_149 : i32 to index
    %swap3A_151 = arith.constant 112 : index
    %swap3A_152 = tpu.vector_load %arg7[%swap3A_150, %swap3A_151] {strides = array<i32>} : memref<1x128xi32, #tpu.memory_space<vmem>>, vector<1x16xi32>,
    %swap3A_153 = vector.shape_cast %swap3A_152 : vector<1x16xi32> to vector<16xi32>
    %swap3A_154 = vector.shape_cast %select_n3A_148 : vector<16xi32> to vector<1x16xi32>
    tpu.vector_store %arg7[%swap3A_150, %swap3A_151], %swap3A_154 {strides = array<i32>} : memref<1x128xi32, #tpu.memory_space<vmem>>, vector<1x16xi32>,
    %dma_start3A = arith.constant 0 : i32
    %dma_start3A_155 = arith.constant 0 : i32
    %dma_start3A_156 = tpu.memref_slice %arg7[%dma_start3A, %dma_start3A_155] : memref<1x128xi32, #tpu.memory_space<vmem>> -> memref<1x128xi32, #tpu.memory_space<vmem>>
    %dma_start3A_157 = tpu.memref_squeeze %dma_start3A_156 : memref<1x128xi32, #tpu.memory_space<vmem>> -> memref<128xi32, #tpu.memory_space<vmem>>
    %dma_start3A_158 = arith.constant 0 : i32
    %dma_start3A_159 = arith.constant 0 : i32
    %dma_start3A_160 = tpu.memref_slice %arg10[%dma_start3A_158, %dma_start3A_159] : memref<10240x128xf32, #tpu.memory_space<vmem_shared>> -> memref<10240x128xf32, #tpu.memory_space<vmem_shared>>
    tpu.enqueue_indirect_dma source(%arg9 : memref<128x128xf32, #tpu.memory_space<vmem>>) target(%dma_start3A_160 : memref<10240x128xf32, #tpu.memory_space<vmem_shared>>) offsets(%dma_start3A_157 : memref<128xi32, #tpu.memory_space<vmem>>) semaphore(%arg11 : memref<!tpu.dma_semaphore, #tpu.memory_space<semaphore_mem>>) {add = true}
    %scan3A = arith.constant 0 : i32
    %scan3A_161 = arith.constant 0 : i32
    %scan3A_162 = arith.constant 80 : i32
    %scan3A_163 = arith.addi %scan3A_161, %scan3A_162 : i32
    %scan3A_164 = arith.constant 1 : i32
    scf.for %scan3A_167 = %scan3A_161 to %scan3A_163 step %scan3A_164  : i32 {
      %mul3A_168 = arith.constant 2 : i32
      %mul3A_169 = arith.muli %mul3A_168, %scan3A_167 : i32
      %add3A = arith.constant 1 : i32
      %add3A_170 = arith.addi %mul3A_169, %add3A : i32
      %get3A_171 = arith.index_cast %add3A_170 : i32 to index
      %get3A_172 = arith.constant 0 : index
      %get3A_173 = tpu.vector_load %arg6[%get3A_171, %get3A_172] {strides = array<i32>} : memref<160x128xi32, #tpu.memory_space<vmem>>, vector<1x16xi32>,
      %get3A_174 = vector.shape_cast %get3A_173 : vector<1x16xi32> to vector<16xi32>
      %and3A_175 = arith.constant 65535 : i32
      %and3A_176 = vector.broadcast %and3A_175 : i32 to vector<16xi32>
      %and3A_177 = arith.andi %get3A_174, %and3A_176 : vector<16xi32>
      %shift_right_logical3A_178 = arith.constant 16 : i32
      %shift_right_logical3A_179 = vector.broadcast %shift_right_logical3A_178 : i32 to vector<16xi32>
      %shift_right_logical3A_180 = arith.shrui %get3A_174, %shift_right_logical3A_179 : vector<16xi32>
      %eq3A_181 = arith.constant 0 : i32
      %eq3A_182 = arith.cmpi eq, %arg0, %eq3A_181 : i32
      %select_n3A_183 = arith.select %eq3A_182, %and3A_177, %shift_right_logical3A_180 : vector<16xi32>
      %swap3A_184 = arith.constant 0 : i32
      %swap3A_185 = arith.index_cast %swap3A_184 : i32 to index
      %swap3A_186 = arith.constant 0 : index
      %swap3A_187 = tpu.vector_load %arg8[%swap3A_185, %swap3A_186] {strides = array<i32>} : memref<1x128xi32, #tpu.memory_space<vmem>>, vector<1x16xi32>,
      %swap3A_188 = vector.shape_cast %swap3A_187 : vector<1x16xi32> to vector<16xi32>
      %swap3A_189 = vector.shape_cast %select_n3A_183 : vector<16xi32> to vector<1x16xi32>
      tpu.vector_store %arg8[%swap3A_185, %swap3A_186], %swap3A_189 {strides = array<i32>} : memref<1x128xi32, #tpu.memory_space<vmem>>, vector<1x16xi32>,
      %get3A_190 = arith.index_cast %add3A_170 : i32 to index
      %get3A_191 = arith.constant 16 : index
      %get3A_192 = tpu.vector_load %arg6[%get3A_190, %get3A_191] {strides = array<i32>} : memref<160x128xi32, #tpu.memory_space<vmem>>, vector<1x16xi32>,
      %get3A_193 = vector.shape_cast %get3A_192 : vector<1x16xi32> to vector<16xi32>
      %and3A_194 = arith.constant 65535 : i32
      %and3A_195 = vector.broadcast %and3A_194 : i32 to vector<16xi32>
      %and3A_196 = arith.andi %get3A_193, %and3A_195 : vector<16xi32>
      %shift_right_logical3A_197 = arith.constant 16 : i32
      %shift_right_logical3A_198 = vector.broadcast %shift_right_logical3A_197 : i32 to vector<16xi32>
      %shift_right_logical3A_199 = arith.shrui %get3A_193, %shift_right_logical3A_198 : vector<16xi32>
      %eq3A_200 = arith.constant 0 : i32
      %eq3A_201 = arith.cmpi eq, %arg0, %eq3A_200 : i32
      %select_n3A_202 = arith.select %eq3A_201, %and3A_196, %shift_right_logical3A_199 : vector<16xi32>
      %swap3A_203 = arith.constant 0 : i32
      %swap3A_204 = arith.index_cast %swap3A_203 : i32 to index
      %swap3A_205 = arith.constant 16 : index
      %swap3A_206 = tpu.vector_load %arg8[%swap3A_204, %swap3A_205] {strides = array<i32>} : memref<1x128xi32, #tpu.memory_space<vmem>>, vector<1x16xi32>,
      %swap3A_207 = vector.shape_cast %swap3A_206 : vector<1x16xi32> to vector<16xi32>
      %swap3A_208 = vector.shape_cast %select_n3A_202 : vector<16xi32> to vector<1x16xi32>
      tpu.vector_store %arg8[%swap3A_204, %swap3A_205], %swap3A_208 {strides = array<i32>} : memref<1x128xi32, #tpu.memory_space<vmem>>, vector<1x16xi32>,
      %get3A_209 = arith.index_cast %add3A_170 : i32 to index
      %get3A_210 = arith.constant 32 : index
      %get3A_211 = tpu.vector_load %arg6[%get3A_209, %get3A_210] {strides = array<i32>} : memref<160x128xi32, #tpu.memory_space<vmem>>, vector<1x16xi32>,
      %get3A_212 = vector.shape_cast %get3A_211 : vector<1x16xi32> to vector<16xi32>
      %and3A_213 = arith.constant 65535 : i32
      %and3A_214 = vector.broadcast %and3A_213 : i32 to vector<16xi32>
      %and3A_215 = arith.andi %get3A_212, %and3A_214 : vector<16xi32>
      %shift_right_logical3A_216 = arith.constant 16 : i32
      %shift_right_logical3A_217 = vector.broadcast %shift_right_logical3A_216 : i32 to vector<16xi32>
      %shift_right_logical3A_218 = arith.shrui %get3A_212, %shift_right_logical3A_217 : vector<16xi32>
      %eq3A_219 = arith.constant 0 : i32
      %eq3A_220 = arith.cmpi eq, %arg0, %eq3A_219 : i32
      %select_n3A_221 = arith.select %eq3A_220, %and3A_215, %shift_right_logical3A_218 : vector<16xi32>
      %swap3A_222 = arith.constant 0 : i32
      %swap3A_223 = arith.index_cast %swap3A_222 : i32 to index
      %swap3A_224 = arith.constant 32 : index
      %swap3A_225 = tpu.vector_load %arg8[%swap3A_223, %swap3A_224] {strides = array<i32>} : memref<1x128xi32, #tpu.memory_space<vmem>>, vector<1x16xi32>,
      %swap3A_226 = vector.shape_cast %swap3A_225 : vector<1x16xi32> to vector<16xi32>
      %swap3A_227 = vector.shape_cast %select_n3A_221 : vector<16xi32> to vector<1x16xi32>
      tpu.vector_store %arg8[%swap3A_223, %swap3A_224], %swap3A_227 {strides = array<i32>} : memref<1x128xi32, #tpu.memory_space<vmem>>, vector<1x16xi32>,
      %get3A_228 = arith.index_cast %add3A_170 : i32 to index
      %get3A_229 = arith.constant 48 : index
      %get3A_230 = tpu.vector_load %arg6[%get3A_228, %get3A_229] {strides = array<i32>} : memref<160x128xi32, #tpu.memory_space<vmem>>, vector<1x16xi32>,
      %get3A_231 = vector.shape_cast %get3A_230 : vector<1x16xi32> to vector<16xi32>
      %and3A_232 = arith.constant 65535 : i32
      %and3A_233 = vector.broadcast %and3A_232 : i32 to vector<16xi32>
      %and3A_234 = arith.andi %get3A_231, %and3A_233 : vector<16xi32>
      %shift_right_logical3A_235 = arith.constant 16 : i32
      %shift_right_logical3A_236 = vector.broadcast %shift_right_logical3A_235 : i32 to vector<16xi32>
      %shift_right_logical3A_237 = arith.shrui %get3A_231, %shift_right_logical3A_236 : vector<16xi32>
      %eq3A_238 = arith.constant 0 : i32
      %eq3A_239 = arith.cmpi eq, %arg0, %eq3A_238 : i32
      %select_n3A_240 = arith.select %eq3A_239, %and3A_234, %shift_right_logical3A_237 : vector<16xi32>
      %swap3A_241 = arith.constant 0 : i32
      %swap3A_242 = arith.index_cast %swap3A_241 : i32 to index
      %swap3A_243 = arith.constant 48 : index
      %swap3A_244 = tpu.vector_load %arg8[%swap3A_242, %swap3A_243] {strides = array<i32>} : memref<1x128xi32, #tpu.memory_space<vmem>>, vector<1x16xi32>,
      %swap3A_245 = vector.shape_cast %swap3A_244 : vector<1x16xi32> to vector<16xi32>
      %swap3A_246 = vector.shape_cast %select_n3A_240 : vector<16xi32> to vector<1x16xi32>
      tpu.vector_store %arg8[%swap3A_242, %swap3A_243], %swap3A_246 {strides = array<i32>} : memref<1x128xi32, #tpu.memory_space<vmem>>, vector<1x16xi32>,
      %get3A_247 = arith.index_cast %add3A_170 : i32 to index
      %get3A_248 = arith.constant 64 : index
      %get3A_249 = tpu.vector_load %arg6[%get3A_247, %get3A_248] {strides = array<i32>} : memref<160x128xi32, #tpu.memory_space<vmem>>, vector<1x16xi32>,
      %get3A_250 = vector.shape_cast %get3A_249 : vector<1x16xi32> to vector<16xi32>
      %and3A_251 = arith.constant 65535 : i32
      %and3A_252 = vector.broadcast %and3A_251 : i32 to vector<16xi32>
      %and3A_253 = arith.andi %get3A_250, %and3A_252 : vector<16xi32>
      %shift_right_logical3A_254 = arith.constant 16 : i32
      %shift_right_logical3A_255 = vector.broadcast %shift_right_logical3A_254 : i32 to vector<16xi32>
      %shift_right_logical3A_256 = arith.shrui %get3A_250, %shift_right_logical3A_255 : vector<16xi32>
      %eq3A_257 = arith.constant 0 : i32
      %eq3A_258 = arith.cmpi eq, %arg0, %eq3A_257 : i32
      %select_n3A_259 = arith.select %eq3A_258, %and3A_253, %shift_right_logical3A_256 : vector<16xi32>
      %swap3A_260 = arith.constant 0 : i32
      %swap3A_261 = arith.index_cast %swap3A_260 : i32 to index
      %swap3A_262 = arith.constant 64 : index
      %swap3A_263 = tpu.vector_load %arg8[%swap3A_261, %swap3A_262] {strides = array<i32>} : memref<1x128xi32, #tpu.memory_space<vmem>>, vector<1x16xi32>,
      %swap3A_264 = vector.shape_cast %swap3A_263 : vector<1x16xi32> to vector<16xi32>
      %swap3A_265 = vector.shape_cast %select_n3A_259 : vector<16xi32> to vector<1x16xi32>
      tpu.vector_store %arg8[%swap3A_261, %swap3A_262], %swap3A_265 {strides = array<i32>} : memref<1x128xi32, #tpu.memory_space<vmem>>, vector<1x16xi32>,
      %get3A_266 = arith.index_cast %add3A_170 : i32 to index
      %get3A_267 = arith.constant 80 : index
      %get3A_268 = tpu.vector_load %arg6[%get3A_266, %get3A_267] {strides = array<i32>} : memref<160x128xi32, #tpu.memory_space<vmem>>, vector<1x16xi32>,
      %get3A_269 = vector.shape_cast %get3A_268 : vector<1x16xi32> to vector<16xi32>
      %and3A_270 = arith.constant 65535 : i32
      %and3A_271 = vector.broadcast %and3A_270 : i32 to vector<16xi32>
      %and3A_272 = arith.andi %get3A_269, %and3A_271 : vector<16xi32>
      %shift_right_logical3A_273 = arith.constant 16 : i32
      %shift_right_logical3A_274 = vector.broadcast %shift_right_logical3A_273 : i32 to vector<16xi32>
      %shift_right_logical3A_275 = arith.shrui %get3A_269, %shift_right_logical3A_274 : vector<16xi32>
      %eq3A_276 = arith.constant 0 : i32
      %eq3A_277 = arith.cmpi eq, %arg0, %eq3A_276 : i32
      %select_n3A_278 = arith.select %eq3A_277, %and3A_272, %shift_right_logical3A_275 : vector<16xi32>
      %swap3A_279 = arith.constant 0 : i32
      %swap3A_280 = arith.index_cast %swap3A_279 : i32 to index
      %swap3A_281 = arith.constant 80 : index
      %swap3A_282 = tpu.vector_load %arg8[%swap3A_280, %swap3A_281] {strides = array<i32>} : memref<1x128xi32, #tpu.memory_space<vmem>>, vector<1x16xi32>,
      %swap3A_283 = vector.shape_cast %swap3A_282 : vector<1x16xi32> to vector<16xi32>
      %swap3A_284 = vector.shape_cast %select_n3A_278 : vector<16xi32> to vector<1x16xi32>
      tpu.vector_store %arg8[%swap3A_280, %swap3A_281], %swap3A_284 {strides = array<i32>} : memref<1x128xi32, #tpu.memory_space<vmem>>, vector<1x16xi32>,
      %get3A_285 = arith.index_cast %add3A_170 : i32 to index
      %get3A_286 = arith.constant 96 : index
      %get3A_287 = tpu.vector_load %arg6[%get3A_285, %get3A_286] {strides = array<i32>} : memref<160x128xi32, #tpu.memory_space<vmem>>, vector<1x16xi32>,
      %get3A_288 = vector.shape_cast %get3A_287 : vector<1x16xi32> to vector<16xi32>
      %and3A_289 = arith.constant 65535 : i32
      %and3A_290 = vector.broadcast %and3A_289 : i32 to vector<16xi32>
      %and3A_291 = arith.andi %get3A_288, %and3A_290 : vector<16xi32>
      %shift_right_logical3A_292 = arith.constant 16 : i32
      %shift_right_logical3A_293 = vector.broadcast %shift_right_logical3A_292 : i32 to vector<16xi32>
      %shift_right_logical3A_294 = arith.shrui %get3A_288, %shift_right_logical3A_293 : vector<16xi32>
      %eq3A_295 = arith.constant 0 : i32
      %eq3A_296 = arith.cmpi eq, %arg0, %eq3A_295 : i32
      %select_n3A_297 = arith.select %eq3A_296, %and3A_291, %shift_right_logical3A_294 : vector<16xi32>
      %swap3A_298 = arith.constant 0 : i32
      %swap3A_299 = arith.index_cast %swap3A_298 : i32 to index
      %swap3A_300 = arith.constant 96 : index
      %swap3A_301 = tpu.vector_load %arg8[%swap3A_299, %swap3A_300] {strides = array<i32>} : memref<1x128xi32, #tpu.memory_space<vmem>>, vector<1x16xi32>,
      %swap3A_302 = vector.shape_cast %swap3A_301 : vector<1x16xi32> to vector<16xi32>
      %swap3A_303 = vector.shape_cast %select_n3A_297 : vector<16xi32> to vector<1x16xi32>
      tpu.vector_store %arg8[%swap3A_299, %swap3A_300], %swap3A_303 {strides = array<i32>} : memref<1x128xi32, #tpu.memory_space<vmem>>, vector<1x16xi32>,
      %get3A_304 = arith.index_cast %add3A_170 : i32 to index
      %get3A_305 = arith.constant 112 : index
      %get3A_306 = tpu.vector_load %arg6[%get3A_304, %get3A_305] {strides = array<i32>} : memref<160x128xi32, #tpu.memory_space<vmem>>, vector<1x16xi32>,
      %get3A_307 = vector.shape_cast %get3A_306 : vector<1x16xi32> to vector<16xi32>
      %and3A_308 = arith.constant 65535 : i32
      %and3A_309 = vector.broadcast %and3A_308 : i32 to vector<16xi32>
      %and3A_310 = arith.andi %get3A_307, %and3A_309 : vector<16xi32>
      %shift_right_logical3A_311 = arith.constant 16 : i32
      %shift_right_logical3A_312 = vector.broadcast %shift_right_logical3A_311 : i32 to vector<16xi32>
      %shift_right_logical3A_313 = arith.shrui %get3A_307, %shift_right_logical3A_312 : vector<16xi32>
      %eq3A_314 = arith.constant 0 : i32
      %eq3A_315 = arith.cmpi eq, %arg0, %eq3A_314 : i32
      %select_n3A_316 = arith.select %eq3A_315, %and3A_310, %shift_right_logical3A_313 : vector<16xi32>
      %swap3A_317 = arith.constant 0 : i32
      %swap3A_318 = arith.index_cast %swap3A_317 : i32 to index
      %swap3A_319 = arith.constant 112 : index
      %swap3A_320 = tpu.vector_load %arg8[%swap3A_318, %swap3A_319] {strides = array<i32>} : memref<1x128xi32, #tpu.memory_space<vmem>>, vector<1x16xi32>,
      %swap3A_321 = vector.shape_cast %swap3A_320 : vector<1x16xi32> to vector<16xi32>
      %swap3A_322 = vector.shape_cast %select_n3A_316 : vector<16xi32> to vector<1x16xi32>
      tpu.vector_store %arg8[%swap3A_318, %swap3A_319], %swap3A_322 {strides = array<i32>} : memref<1x128xi32, #tpu.memory_space<vmem>>, vector<1x16xi32>,
      %dma_start3A_323 = arith.constant 0 : i32
      %dma_start3A_324 = arith.constant 0 : i32
      %dma_start3A_325 = tpu.memref_slice %arg8[%dma_start3A_323, %dma_start3A_324] : memref<1x128xi32, #tpu.memory_space<vmem>> -> memref<1x128xi32, #tpu.memory_space<vmem>>
      %dma_start3A_326 = tpu.memref_squeeze %dma_start3A_325 : memref<1x128xi32, #tpu.memory_space<vmem>> -> memref<128xi32, #tpu.memory_space<vmem>>
      %dma_start3A_327 = arith.constant 0 : i32
      %dma_start3A_328 = arith.constant 0 : i32
      %dma_start3A_329 = tpu.memref_slice %arg10[%dma_start3A_327, %dma_start3A_328] : memref<10240x128xf32, #tpu.memory_space<vmem_shared>> -> memref<10240x128xf32, #tpu.memory_space<vmem_shared>>
      tpu.enqueue_indirect_dma source(%arg9 : memref<128x128xf32, #tpu.memory_space<vmem>>) target(%dma_start3A_329 : memref<10240x128xf32, #tpu.memory_space<vmem_shared>>) offsets(%dma_start3A_326 : memref<128xi32, #tpu.memory_space<vmem>>) semaphore(%arg12 : memref<!tpu.dma_semaphore, #tpu.memory_space<semaphore_mem>>) {add = true}
      %dma_wait3A = arith.constant 0 : i32
      %dma_wait3A_330 = arith.constant 0 : i32
      %dma_wait3A_331 = tpu.memref_slice %arg7[%dma_wait3A, %dma_wait3A_330] : memref<1x128xi32, #tpu.memory_space<vmem>> -> memref<1x128xi32, #tpu.memory_space<vmem>>
      %dma_wait3A_332 = tpu.memref_squeeze %dma_wait3A_331 : memref<1x128xi32, #tpu.memory_space<vmem>> -> memref<128xi32, #tpu.memory_space<vmem>>
      %dma_wait3A_333 = arith.constant 0 : i32
      %dma_wait3A_334 = arith.constant 0 : i32
      %dma_wait3A_335 = tpu.memref_slice %arg10[%dma_wait3A_333, %dma_wait3A_334] : memref<10240x128xf32, #tpu.memory_space<vmem_shared>> -> memref<10240x128xf32, #tpu.memory_space<vmem_shared>>
      tpu.wait_indirect_dma semaphore(%arg11 : memref<!tpu.dma_semaphore, #tpu.memory_space<semaphore_mem>>) src(%arg9 : memref<128x128xf32, #tpu.memory_space<vmem>>) dst(%dma_wait3A_335 : memref<10240x128xf32, #tpu.memory_space<vmem_shared>>)
      %add3A_336 = arith.constant 2 : i32
      %add3A_337 = arith.addi %mul3A_169, %add3A_336 : i32
      %lt3A = arith.constant 160 : i32
      %lt3A_338 = arith.cmpi slt, %add3A_337, %lt3A : i32
      %convert_element_type3A = arith.extui %lt3A_338 : i1 to i32
      %cond3A = arith.constant 0 : i32
      %cond3A_339 = arith.cmpi ne, %convert_element_type3A, %cond3A : i32
      scf.if %cond3A_339 {
        %add3A_347 = arith.constant 2 : i32
        %add3A_348 = arith.addi %mul3A_169, %add3A_347 : i32
        %get3A_349 = arith.index_cast %add3A_348 : i32 to index
        %get3A_350 = arith.constant 0 : index
        %get3A_351 = tpu.vector_load %arg6[%get3A_349, %get3A_350] {strides = array<i32>} : memref<160x128xi32, #tpu.memory_space<vmem>>, vector<1x16xi32>,
        %get3A_352 = vector.shape_cast %get3A_351 : vector<1x16xi32> to vector<16xi32>
        %and3A_353 = arith.constant 65535 : i32
        %and3A_354 = vector.broadcast %and3A_353 : i32 to vector<16xi32>
        %and3A_355 = arith.andi %get3A_352, %and3A_354 : vector<16xi32>
        %shift_right_logical3A_356 = arith.constant 16 : i32
        %shift_right_logical3A_357 = vector.broadcast %shift_right_logical3A_356 : i32 to vector<16xi32>
        %shift_right_logical3A_358 = arith.shrui %get3A_352, %shift_right_logical3A_357 : vector<16xi32>
        %eq3A_359 = arith.constant 0 : i32
        %eq3A_360 = arith.cmpi eq, %arg0, %eq3A_359 : i32
        %select_n3A_361 = arith.select %eq3A_360, %and3A_355, %shift_right_logical3A_358 : vector<16xi32>
        %swap3A_362 = arith.constant 0 : i32
        %swap3A_363 = arith.index_cast %swap3A_362 : i32 to index
        %swap3A_364 = arith.constant 0 : index
        %swap3A_365 = tpu.vector_load %arg7[%swap3A_363, %swap3A_364] {strides = array<i32>} : memref<1x128xi32, #tpu.memory_space<vmem>>, vector<1x16xi32>,
        %swap3A_366 = vector.shape_cast %swap3A_365 : vector<1x16xi32> to vector<16xi32>
        %swap3A_367 = vector.shape_cast %select_n3A_361 : vector<16xi32> to vector<1x16xi32>
        tpu.vector_store %arg7[%swap3A_363, %swap3A_364], %swap3A_367 {strides = array<i32>} : memref<1x128xi32, #tpu.memory_space<vmem>>, vector<1x16xi32>,
        %get3A_368 = arith.index_cast %add3A_348 : i32 to index
        %get3A_369 = arith.constant 16 : index
        %get3A_370 = tpu.vector_load %arg6[%get3A_368, %get3A_369] {strides = array<i32>} : memref<160x128xi32, #tpu.memory_space<vmem>>, vector<1x16xi32>,
        %get3A_371 = vector.shape_cast %get3A_370 : vector<1x16xi32> to vector<16xi32>
        %and3A_372 = arith.constant 65535 : i32
        %and3A_373 = vector.broadcast %and3A_372 : i32 to vector<16xi32>
        %and3A_374 = arith.andi %get3A_371, %and3A_373 : vector<16xi32>
        %shift_right_logical3A_375 = arith.constant 16 : i32
        %shift_right_logical3A_376 = vector.broadcast %shift_right_logical3A_375 : i32 to vector<16xi32>
        %shift_right_logical3A_377 = arith.shrui %get3A_371, %shift_right_logical3A_376 : vector<16xi32>
        %eq3A_378 = arith.constant 0 : i32
        %eq3A_379 = arith.cmpi eq, %arg0, %eq3A_378 : i32
        %select_n3A_380 = arith.select %eq3A_379, %and3A_374, %shift_right_logical3A_377 : vector<16xi32>
        %swap3A_381 = arith.constant 0 : i32
        %swap3A_382 = arith.index_cast %swap3A_381 : i32 to index
        %swap3A_383 = arith.constant 16 : index
        %swap3A_384 = tpu.vector_load %arg7[%swap3A_382, %swap3A_383] {strides = array<i32>} : memref<1x128xi32, #tpu.memory_space<vmem>>, vector<1x16xi32>,
        %swap3A_385 = vector.shape_cast %swap3A_384 : vector<1x16xi32> to vector<16xi32>
        %swap3A_386 = vector.shape_cast %select_n3A_380 : vector<16xi32> to vector<1x16xi32>
        tpu.vector_store %arg7[%swap3A_382, %swap3A_383], %swap3A_386 {strides = array<i32>} : memref<1x128xi32, #tpu.memory_space<vmem>>, vector<1x16xi32>,
        %get3A_387 = arith.index_cast %add3A_348 : i32 to index
        %get3A_388 = arith.constant 32 : index
        %get3A_389 = tpu.vector_load %arg6[%get3A_387, %get3A_388] {strides = array<i32>} : memref<160x128xi32, #tpu.memory_space<vmem>>, vector<1x16xi32>,
        %get3A_390 = vector.shape_cast %get3A_389 : vector<1x16xi32> to vector<16xi32>
        %and3A_391 = arith.constant 65535 : i32
        %and3A_392 = vector.broadcast %and3A_391 : i32 to vector<16xi32>
        %and3A_393 = arith.andi %get3A_390, %and3A_392 : vector<16xi32>
        %shift_right_logical3A_394 = arith.constant 16 : i32
        %shift_right_logical3A_395 = vector.broadcast %shift_right_logical3A_394 : i32 to vector<16xi32>
        %shift_right_logical3A_396 = arith.shrui %get3A_390, %shift_right_logical3A_395 : vector<16xi32>
        %eq3A_397 = arith.constant 0 : i32
        %eq3A_398 = arith.cmpi eq, %arg0, %eq3A_397 : i32
        %select_n3A_399 = arith.select %eq3A_398, %and3A_393, %shift_right_logical3A_396 : vector<16xi32>
        %swap3A_400 = arith.constant 0 : i32
        %swap3A_401 = arith.index_cast %swap3A_400 : i32 to index
        %swap3A_402 = arith.constant 32 : index
        %swap3A_403 = tpu.vector_load %arg7[%swap3A_401, %swap3A_402] {strides = array<i32>} : memref<1x128xi32, #tpu.memory_space<vmem>>, vector<1x16xi32>,
        %swap3A_404 = vector.shape_cast %swap3A_403 : vector<1x16xi32> to vector<16xi32>
        %swap3A_405 = vector.shape_cast %select_n3A_399 : vector<16xi32> to vector<1x16xi32>
        tpu.vector_store %arg7[%swap3A_401, %swap3A_402], %swap3A_405 {strides = array<i32>} : memref<1x128xi32, #tpu.memory_space<vmem>>, vector<1x16xi32>,
        %get3A_406 = arith.index_cast %add3A_348 : i32 to index
        %get3A_407 = arith.constant 48 : index
        %get3A_408 = tpu.vector_load %arg6[%get3A_406, %get3A_407] {strides = array<i32>} : memref<160x128xi32, #tpu.memory_space<vmem>>, vector<1x16xi32>,
        %get3A_409 = vector.shape_cast %get3A_408 : vector<1x16xi32> to vector<16xi32>
        %and3A_410 = arith.constant 65535 : i32
        %and3A_411 = vector.broadcast %and3A_410 : i32 to vector<16xi32>
        %and3A_412 = arith.andi %get3A_409, %and3A_411 : vector<16xi32>
        %shift_right_logical3A_413 = arith.constant 16 : i32
        %shift_right_logical3A_414 = vector.broadcast %shift_right_logical3A_413 : i32 to vector<16xi32>
        %shift_right_logical3A_415 = arith.shrui %get3A_409, %shift_right_logical3A_414 : vector<16xi32>
        %eq3A_416 = arith.constant 0 : i32
        %eq3A_417 = arith.cmpi eq, %arg0, %eq3A_416 : i32
        %select_n3A_418 = arith.select %eq3A_417, %and3A_412, %shift_right_logical3A_415 : vector<16xi32>
        %swap3A_419 = arith.constant 0 : i32
        %swap3A_420 = arith.index_cast %swap3A_419 : i32 to index
        %swap3A_421 = arith.constant 48 : index
        %swap3A_422 = tpu.vector_load %arg7[%swap3A_420, %swap3A_421] {strides = array<i32>} : memref<1x128xi32, #tpu.memory_space<vmem>>, vector<1x16xi32>,
        %swap3A_423 = vector.shape_cast %swap3A_422 : vector<1x16xi32> to vector<16xi32>
        %swap3A_424 = vector.shape_cast %select_n3A_418 : vector<16xi32> to vector<1x16xi32>
        tpu.vector_store %arg7[%swap3A_420, %swap3A_421], %swap3A_424 {strides = array<i32>} : memref<1x128xi32, #tpu.memory_space<vmem>>, vector<1x16xi32>,
        %get3A_425 = arith.index_cast %add3A_348 : i32 to index
        %get3A_426 = arith.constant 64 : index
        %get3A_427 = tpu.vector_load %arg6[%get3A_425, %get3A_426] {strides = array<i32>} : memref<160x128xi32, #tpu.memory_space<vmem>>, vector<1x16xi32>,
        %get3A_428 = vector.shape_cast %get3A_427 : vector<1x16xi32> to vector<16xi32>
        %and3A_429 = arith.constant 65535 : i32
        %and3A_430 = vector.broadcast %and3A_429 : i32 to vector<16xi32>
        %and3A_431 = arith.andi %get3A_428, %and3A_430 : vector<16xi32>
        %shift_right_logical3A_432 = arith.constant 16 : i32
        %shift_right_logical3A_433 = vector.broadcast %shift_right_logical3A_432 : i32 to vector<16xi32>
        %shift_right_logical3A_434 = arith.shrui %get3A_428, %shift_right_logical3A_433 : vector<16xi32>
        %eq3A_435 = arith.constant 0 : i32
        %eq3A_436 = arith.cmpi eq, %arg0, %eq3A_435 : i32
        %select_n3A_437 = arith.select %eq3A_436, %and3A_431, %shift_right_logical3A_434 : vector<16xi32>
        %swap3A_438 = arith.constant 0 : i32
        %swap3A_439 = arith.index_cast %swap3A_438 : i32 to index
        %swap3A_440 = arith.constant 64 : index
        %swap3A_441 = tpu.vector_load %arg7[%swap3A_439, %swap3A_440] {strides = array<i32>} : memref<1x128xi32, #tpu.memory_space<vmem>>, vector<1x16xi32>,
        %swap3A_442 = vector.shape_cast %swap3A_441 : vector<1x16xi32> to vector<16xi32>
        %swap3A_443 = vector.shape_cast %select_n3A_437 : vector<16xi32> to vector<1x16xi32>
        tpu.vector_store %arg7[%swap3A_439, %swap3A_440], %swap3A_443 {strides = array<i32>} : memref<1x128xi32, #tpu.memory_space<vmem>>, vector<1x16xi32>,
        %get3A_444 = arith.index_cast %add3A_348 : i32 to index
        %get3A_445 = arith.constant 80 : index
        %get3A_446 = tpu.vector_load %arg6[%get3A_444, %get3A_445] {strides = array<i32>} : memref<160x128xi32, #tpu.memory_space<vmem>>, vector<1x16xi32>,
        %get3A_447 = vector.shape_cast %get3A_446 : vector<1x16xi32> to vector<16xi32>
        %and3A_448 = arith.constant 65535 : i32
        %and3A_449 = vector.broadcast %and3A_448 : i32 to vector<16xi32>
        %and3A_450 = arith.andi %get3A_447, %and3A_449 : vector<16xi32>
        %shift_right_logical3A_451 = arith.constant 16 : i32
        %shift_right_logical3A_452 = vector.broadcast %shift_right_logical3A_451 : i32 to vector<16xi32>
        %shift_right_logical3A_453 = arith.shrui %get3A_447, %shift_right_logical3A_452 : vector<16xi32>
        %eq3A_454 = arith.constant 0 : i32
        %eq3A_455 = arith.cmpi eq, %arg0, %eq3A_454 : i32
        %select_n3A_456 = arith.select %eq3A_455, %and3A_450, %shift_right_logical3A_453 : vector<16xi32>
        %swap3A_457 = arith.constant 0 : i32
        %swap3A_458 = arith.index_cast %swap3A_457 : i32 to index
        %swap3A_459 = arith.constant 80 : index
        %swap3A_460 = tpu.vector_load %arg7[%swap3A_458, %swap3A_459] {strides = array<i32>} : memref<1x128xi32, #tpu.memory_space<vmem>>, vector<1x16xi32>,
        %swap3A_461 = vector.shape_cast %swap3A_460 : vector<1x16xi32> to vector<16xi32>
        %swap3A_462 = vector.shape_cast %select_n3A_456 : vector<16xi32> to vector<1x16xi32>
        tpu.vector_store %arg7[%swap3A_458, %swap3A_459], %swap3A_462 {strides = array<i32>} : memref<1x128xi32, #tpu.memory_space<vmem>>, vector<1x16xi32>,
        %get3A_463 = arith.index_cast %add3A_348 : i32 to index
        %get3A_464 = arith.constant 96 : index
        %get3A_465 = tpu.vector_load %arg6[%get3A_463, %get3A_464] {strides = array<i32>} : memref<160x128xi32, #tpu.memory_space<vmem>>, vector<1x16xi32>,
        %get3A_466 = vector.shape_cast %get3A_465 : vector<1x16xi32> to vector<16xi32>
        %and3A_467 = arith.constant 65535 : i32
        %and3A_468 = vector.broadcast %and3A_467 : i32 to vector<16xi32>
        %and3A_469 = arith.andi %get3A_466, %and3A_468 : vector<16xi32>
        %shift_right_logical3A_470 = arith.constant 16 : i32
        %shift_right_logical3A_471 = vector.broadcast %shift_right_logical3A_470 : i32 to vector<16xi32>
        %shift_right_logical3A_472 = arith.shrui %get3A_466, %shift_right_logical3A_471 : vector<16xi32>
        %eq3A_473 = arith.constant 0 : i32
        %eq3A_474 = arith.cmpi eq, %arg0, %eq3A_473 : i32
        %select_n3A_475 = arith.select %eq3A_474, %and3A_469, %shift_right_logical3A_472 : vector<16xi32>
        %swap3A_476 = arith.constant 0 : i32
        %swap3A_477 = arith.index_cast %swap3A_476 : i32 to index
        %swap3A_478 = arith.constant 96 : index
        %swap3A_479 = tpu.vector_load %arg7[%swap3A_477, %swap3A_478] {strides = array<i32>} : memref<1x128xi32, #tpu.memory_space<vmem>>, vector<1x16xi32>,
        %swap3A_480 = vector.shape_cast %swap3A_479 : vector<1x16xi32> to vector<16xi32>
        %swap3A_481 = vector.shape_cast %select_n3A_475 : vector<16xi32> to vector<1x16xi32>
        tpu.vector_store %arg7[%swap3A_477, %swap3A_478], %swap3A_481 {strides = array<i32>} : memref<1x128xi32, #tpu.memory_space<vmem>>, vector<1x16xi32>,
        %get3A_482 = arith.index_cast %add3A_348 : i32 to index
        %get3A_483 = arith.constant 112 : index
        %get3A_484 = tpu.vector_load %arg6[%get3A_482, %get3A_483] {strides = array<i32>} : memref<160x128xi32, #tpu.memory_space<vmem>>, vector<1x16xi32>,
        %get3A_485 = vector.shape_cast %get3A_484 : vector<1x16xi32> to vector<16xi32>
        %and3A_486 = arith.constant 65535 : i32
        %and3A_487 = vector.broadcast %and3A_486 : i32 to vector<16xi32>
        %and3A_488 = arith.andi %get3A_485, %and3A_487 : vector<16xi32>
        %shift_right_logical3A_489 = arith.constant 16 : i32
        %shift_right_logical3A_490 = vector.broadcast %shift_right_logical3A_489 : i32 to vector<16xi32>
        %shift_right_logical3A_491 = arith.shrui %get3A_485, %shift_right_logical3A_490 : vector<16xi32>
        %eq3A_492 = arith.constant 0 : i32
        %eq3A_493 = arith.cmpi eq, %arg0, %eq3A_492 : i32
        %select_n3A_494 = arith.select %eq3A_493, %and3A_488, %shift_right_logical3A_491 : vector<16xi32>
        %swap3A_495 = arith.constant 0 : i32
        %swap3A_496 = arith.index_cast %swap3A_495 : i32 to index
        %swap3A_497 = arith.constant 112 : index
        %swap3A_498 = tpu.vector_load %arg7[%swap3A_496, %swap3A_497] {strides = array<i32>} : memref<1x128xi32, #tpu.memory_space<vmem>>, vector<1x16xi32>,
        %swap3A_499 = vector.shape_cast %swap3A_498 : vector<1x16xi32> to vector<16xi32>
        %swap3A_500 = vector.shape_cast %select_n3A_494 : vector<16xi32> to vector<1x16xi32>
        tpu.vector_store %arg7[%swap3A_496, %swap3A_497], %swap3A_500 {strides = array<i32>} : memref<1x128xi32, #tpu.memory_space<vmem>>, vector<1x16xi32>,
        %dma_start3A_501 = arith.constant 0 : i32
        %dma_start3A_502 = arith.constant 0 : i32
        %dma_start3A_503 = tpu.memref_slice %arg7[%dma_start3A_501, %dma_start3A_502] : memref<1x128xi32, #tpu.memory_space<vmem>> -> memref<1x128xi32, #tpu.memory_space<vmem>>
        %dma_start3A_504 = tpu.memref_squeeze %dma_start3A_503 : memref<1x128xi32, #tpu.memory_space<vmem>> -> memref<128xi32, #tpu.memory_space<vmem>>
        %dma_start3A_505 = arith.constant 0 : i32
        %dma_start3A_506 = arith.constant 0 : i32
        %dma_start3A_507 = tpu.memref_slice %arg10[%dma_start3A_505, %dma_start3A_506] : memref<10240x128xf32, #tpu.memory_space<vmem_shared>> -> memref<10240x128xf32, #tpu.memory_space<vmem_shared>>
        tpu.enqueue_indirect_dma source(%arg9 : memref<128x128xf32, #tpu.memory_space<vmem>>) target(%dma_start3A_507 : memref<10240x128xf32, #tpu.memory_space<vmem_shared>>) offsets(%dma_start3A_504 : memref<128xi32, #tpu.memory_space<vmem>>) semaphore(%arg11 : memref<!tpu.dma_semaphore, #tpu.memory_space<semaphore_mem>>) {add = true}
      } else {
      }
      %dma_wait3A_340 = arith.constant 0 : i32
      %dma_wait3A_341 = arith.constant 0 : i32
      %dma_wait3A_342 = tpu.memref_slice %arg8[%dma_wait3A_340, %dma_wait3A_341] : memref<1x128xi32, #tpu.memory_space<vmem>> -> memref<1x128xi32, #tpu.memory_space<vmem>>
      %dma_wait3A_343 = tpu.memref_squeeze %dma_wait3A_342 : memref<1x128xi32, #tpu.memory_space<vmem>> -> memref<128xi32, #tpu.memory_space<vmem>>
      %dma_wait3A_344 = arith.constant 0 : i32
      %dma_wait3A_345 = arith.constant 0 : i32
      %dma_wait3A_346 = tpu.memref_slice %arg10[%dma_wait3A_344, %dma_wait3A_345] : memref<10240x128xf32, #tpu.memory_space<vmem_shared>> -> memref<10240x128xf32, #tpu.memory_space<vmem_shared>>
      tpu.wait_indirect_dma semaphore(%arg12 : memref<!tpu.dma_semaphore, #tpu.memory_space<semaphore_mem>>) src(%arg9 : memref<128x128xf32, #tpu.memory_space<vmem>>) dst(%dma_wait3A_346 : memref<10240x128xf32, #tpu.memory_space<vmem_shared>>)
    }
    %scan3A_165 = arith.constant 80 : i32
    %barrier3A_166 = arith.constant 0 : index
    tpu.barrier barrier_id(%barrier3A_166)
    "tpu.region"() ({
      %run_scoped3A = tpu.sem_alloc : memref<!tpu.dma_semaphore, #tpu.memory_space<semaphore_mem>>
      %dma_start3A_167 = arith.constant 0 : i32
      %dma_start3A_168 = tpu.memref_slice %arg5[%arg0, %mul3A_0, %dma_start3A_167] : memref<2x10240x128xf32, #tpu.memory_space<hbm>> -> memref<1x640x128xf32, #tpu.memory_space<hbm>>
      %dma_start3A_169 = tpu.memref_squeeze %dma_start3A_168 : memref<1x640x128xf32, #tpu.memory_space<hbm>> -> memref<640x128xf32, #tpu.memory_space<hbm>>
      %dma_start3A_170 = arith.constant 0 : i32
      %dma_start3A_171 = tpu.memref_slice %arg10[%mul3A_0, %dma_start3A_170] : memref<10240x128xf32, #tpu.memory_space<vmem_shared>> -> memref<640x128xf32, #tpu.memory_space<vmem_shared>>
      tpu.enqueue_dma source(%dma_start3A_171 : memref<640x128xf32, #tpu.memory_space<vmem_shared>>) target(%dma_start3A_169 : memref<640x128xf32, #tpu.memory_space<hbm>>) target_semaphore(%run_scoped3A : memref<!tpu.dma_semaphore, #tpu.memory_space<semaphore_mem>>)
      %dma_wait3A = arith.constant 0 : i32
      %dma_wait3A_172 = tpu.memref_slice %arg5[%arg0, %mul3A_0, %dma_wait3A] : memref<2x10240x128xf32, #tpu.memory_space<hbm>> -> memref<1x640x128xf32, #tpu.memory_space<hbm>>
      %dma_wait3A_173 = tpu.memref_squeeze %dma_wait3A_172 : memref<1x640x128xf32, #tpu.memory_space<hbm>> -> memref<640x128xf32, #tpu.memory_space<hbm>>
      %dma_wait3A_174 = arith.constant 0 : i32
      %dma_wait3A_175 = tpu.memref_slice %arg10[%mul3A_0, %dma_wait3A_174] : memref<10240x128xf32, #tpu.memory_space<vmem_shared>> -> memref<640x128xf32, #tpu.memory_space<vmem_shared>>
      tpu.wait_dma2 semaphore(%run_scoped3A : memref<!tpu.dma_semaphore, #tpu.memory_space<semaphore_mem>>) src(%dma_wait3A_175 : memref<640x128xf32, #tpu.memory_space<vmem_shared>>) dst(%dma_wait3A_173 : memref<640x128xf32, #tpu.memory_space<hbm>>)
      tpu.yield
    }) : () -> ()
    return
  }
}

#map = affine_map<(d0, d1) -> (0, 0, 0, 0)>
#map1 = affine_map<(d0, d1) -> (0, 0)>
#map2 = affine_map<(d0, d1) -> (0, 0, 0)>
module attributes {stable_mosaic.version = 14 : i64} {
  func.func @_agg_body(%arg0: i32, %arg1: i32, %arg2: memref<2x16x80x128xi32, #tpu.memory_space<hbm>>, %arg3: memref<10240x128xf32, #tpu.memory_space<hbm>>, %arg4: memref<640x128xf32, #tpu.memory_space<hbm>>, %arg5: memref<2x10240x128xf32, #tpu.memory_space<hbm>>, %arg6: memref<80x128xi32, #tpu.memory_space<vmem>>, %arg7: memref<2x128xi32, #tpu.memory_space<vmem>>, %arg8: memref<2x128xi32, #tpu.memory_space<vmem>>, %arg9: memref<128x128xf32, #tpu.memory_space<vmem>>, %arg10: memref<128x128xf32, #tpu.memory_space<vmem>>, %arg11: memref<10240x128xf32, #tpu.memory_space<vmem_shared>>, %arg12: memref<!tpu.dma_semaphore, #tpu.memory_space<semaphore_mem>>, %arg13: memref<!tpu.dma_semaphore, #tpu.memory_space<semaphore_mem>>) attributes {dimension_semantics = [#tpu.dimension_semantics<core_parallel>, #tpu.dimension_semantics<subcore_parallel>], iteration_bounds = array<i64: 2, 16>, scalar_prefetch = 0 : i64, scratch_operands = 8 : i64, tpu.core_type = #tpu.core_type<sc_vector_subcore>, window_params = [{transform_indices = #map}, {transform_indices = #map1}, {transform_indices = #map1}, {transform_indices = #map2}]} {
    "tpu.region"() ({
      %run_scoped3A = tpu.sem_alloc : memref<!tpu.dma_semaphore, #tpu.memory_space<semaphore_mem>>
      %dma_start3A_193 = arith.constant 0 : i32
      %dma_start3A_194 = arith.constant 0 : i32
      %dma_start3A_195 = tpu.memref_slice %arg2[%arg0, %arg1, %dma_start3A_193, %dma_start3A_194] : memref<2x16x80x128xi32, #tpu.memory_space<hbm>> -> memref<1x1x80x128xi32, #tpu.memory_space<hbm>>
      %dma_start3A_196 = tpu.memref_squeeze %dma_start3A_195 : memref<1x1x80x128xi32, #tpu.memory_space<hbm>> -> memref<80x128xi32, #tpu.memory_space<hbm>>
      %dma_start3A_197 = arith.constant 0 : i32
      %dma_start3A_198 = arith.constant 0 : i32
      %dma_start3A_199 = tpu.memref_slice %arg2[%arg0, %arg1, %dma_start3A_197, %dma_start3A_198] : memref<2x16x80x128xi32, #tpu.memory_space<hbm>> -> memref<1x1x80x128xi32, #tpu.memory_space<hbm>>
      %dma_start3A_200 = tpu.memref_squeeze %dma_start3A_199 : memref<1x1x80x128xi32, #tpu.memory_space<hbm>> -> memref<80x128xi32, #tpu.memory_space<hbm>>
      tpu.enqueue_dma source(%dma_start3A_200 : memref<80x128xi32, #tpu.memory_space<hbm>>) target(%arg6 : memref<80x128xi32, #tpu.memory_space<vmem>>) target_semaphore(%run_scoped3A : memref<!tpu.dma_semaphore, #tpu.memory_space<semaphore_mem>>)
      %dma_wait3A = arith.constant 0 : i32
      %dma_wait3A_201 = arith.constant 0 : i32
      %dma_wait3A_202 = tpu.memref_slice %arg2[%arg0, %arg1, %dma_wait3A, %dma_wait3A_201] : memref<2x16x80x128xi32, #tpu.memory_space<hbm>> -> memref<1x1x80x128xi32, #tpu.memory_space<hbm>>
      %dma_wait3A_203 = tpu.memref_squeeze %dma_wait3A_202 : memref<1x1x80x128xi32, #tpu.memory_space<hbm>> -> memref<80x128xi32, #tpu.memory_space<hbm>>
      %dma_wait3A_204 = arith.constant 0 : i32
      %dma_wait3A_205 = arith.constant 0 : i32
      %dma_wait3A_206 = tpu.memref_slice %arg2[%arg0, %arg1, %dma_wait3A_204, %dma_wait3A_205] : memref<2x16x80x128xi32, #tpu.memory_space<hbm>> -> memref<1x1x80x128xi32, #tpu.memory_space<hbm>>
      %dma_wait3A_207 = tpu.memref_squeeze %dma_wait3A_206 : memref<1x1x80x128xi32, #tpu.memory_space<hbm>> -> memref<80x128xi32, #tpu.memory_space<hbm>>
      tpu.wait_dma2 semaphore(%run_scoped3A : memref<!tpu.dma_semaphore, #tpu.memory_space<semaphore_mem>>) src(%dma_wait3A_207 : memref<80x128xi32, #tpu.memory_space<hbm>>) dst(%arg6 : memref<80x128xi32, #tpu.memory_space<vmem>>)
      tpu.yield
    }) : () -> ()
    %mul3A = arith.constant 640 : i32
    %mul3A_0 = arith.muli %arg1, %mul3A : i32
    "tpu.region"() ({
      %run_scoped3A = tpu.sem_alloc : memref<!tpu.dma_semaphore, #tpu.memory_space<semaphore_mem>>
      %dma_start3A_193 = arith.constant 0 : i32
      %dma_start3A_194 = tpu.memref_slice %arg11[%mul3A_0, %dma_start3A_193] : memref<10240x128xf32, #tpu.memory_space<vmem_shared>> -> memref<640x128xf32, #tpu.memory_space<vmem_shared>>
      tpu.enqueue_dma source(%arg4 : memref<640x128xf32, #tpu.memory_space<hbm>>) target(%dma_start3A_194 : memref<640x128xf32, #tpu.memory_space<vmem_shared>>) target_semaphore(%run_scoped3A : memref<!tpu.dma_semaphore, #tpu.memory_space<semaphore_mem>>)
      %dma_wait3A = arith.constant 0 : i32
      %dma_wait3A_195 = tpu.memref_slice %arg11[%mul3A_0, %dma_wait3A] : memref<10240x128xf32, #tpu.memory_space<vmem_shared>> -> memref<640x128xf32, #tpu.memory_space<vmem_shared>>
      tpu.wait_dma2 semaphore(%run_scoped3A : memref<!tpu.dma_semaphore, #tpu.memory_space<semaphore_mem>>) src(%arg4 : memref<640x128xf32, #tpu.memory_space<hbm>>) dst(%dma_wait3A_195 : memref<640x128xf32, #tpu.memory_space<vmem_shared>>)
      tpu.yield
    }) : () -> ()
    %barrier3A = arith.constant 0 : index
    tpu.barrier barrier_id(%barrier3A)
    %get3A = arith.constant 0 : i32
    %get3A_1 = arith.index_cast %get3A : i32 to index
    %get3A_2 = arith.constant 0 : index
    %get3A_3 = tpu.vector_load %arg6[%get3A_1, %get3A_2] {strides = array<i32>} : memref<80x128xi32, #tpu.memory_space<vmem>>, vector<1x16xi32>,
    %get3A_4 = vector.shape_cast %get3A_3 : vector<1x16xi32> to vector<16xi32>
    %and3A = arith.constant 65535 : i32
    %and3A_5 = vector.broadcast %and3A : i32 to vector<16xi32>
    %and3A_6 = arith.andi %get3A_4, %and3A_5 : vector<16xi32>
    %swap3A = arith.constant 0 : i32
    %swap3A_7 = arith.index_cast %swap3A : i32 to index
    %swap3A_8 = arith.constant 0 : index
    %swap3A_9 = tpu.vector_load %arg7[%swap3A_7, %swap3A_8] {strides = array<i32>} : memref<2x128xi32, #tpu.memory_space<vmem>>, vector<1x16xi32>,
    %swap3A_10 = vector.shape_cast %swap3A_9 : vector<1x16xi32> to vector<16xi32>
    %swap3A_11 = vector.shape_cast %and3A_6 : vector<16xi32> to vector<1x16xi32>
    tpu.vector_store %arg7[%swap3A_7, %swap3A_8], %swap3A_11 {strides = array<i32>} : memref<2x128xi32, #tpu.memory_space<vmem>>, vector<1x16xi32>,
    %shift_right_logical3A = arith.constant 16 : i32
    %shift_right_logical3A_12 = vector.broadcast %shift_right_logical3A : i32 to vector<16xi32>
    %shift_right_logical3A_13 = arith.shrui %get3A_4, %shift_right_logical3A_12 : vector<16xi32>
    %swap3A_14 = arith.constant 1 : i32
    %swap3A_15 = arith.index_cast %swap3A_14 : i32 to index
    %swap3A_16 = arith.constant 0 : index
    %swap3A_17 = tpu.vector_load %arg7[%swap3A_15, %swap3A_16] {strides = array<i32>} : memref<2x128xi32, #tpu.memory_space<vmem>>, vector<1x16xi32>,
    %swap3A_18 = vector.shape_cast %swap3A_17 : vector<1x16xi32> to vector<16xi32>
    %swap3A_19 = vector.shape_cast %shift_right_logical3A_13 : vector<16xi32> to vector<1x16xi32>
    tpu.vector_store %arg7[%swap3A_15, %swap3A_16], %swap3A_19 {strides = array<i32>} : memref<2x128xi32, #tpu.memory_space<vmem>>, vector<1x16xi32>,
    %get3A_20 = arith.constant 0 : i32
    %get3A_21 = arith.index_cast %get3A_20 : i32 to index
    %get3A_22 = arith.constant 16 : index
    %get3A_23 = tpu.vector_load %arg6[%get3A_21, %get3A_22] {strides = array<i32>} : memref<80x128xi32, #tpu.memory_space<vmem>>, vector<1x16xi32>,
    %get3A_24 = vector.shape_cast %get3A_23 : vector<1x16xi32> to vector<16xi32>
    %and3A_25 = arith.constant 65535 : i32
    %and3A_26 = vector.broadcast %and3A_25 : i32 to vector<16xi32>
    %and3A_27 = arith.andi %get3A_24, %and3A_26 : vector<16xi32>
    %swap3A_28 = arith.constant 0 : i32
    %swap3A_29 = arith.index_cast %swap3A_28 : i32 to index
    %swap3A_30 = arith.constant 16 : index
    %swap3A_31 = tpu.vector_load %arg7[%swap3A_29, %swap3A_30] {strides = array<i32>} : memref<2x128xi32, #tpu.memory_space<vmem>>, vector<1x16xi32>,
    %swap3A_32 = vector.shape_cast %swap3A_31 : vector<1x16xi32> to vector<16xi32>
    %swap3A_33 = vector.shape_cast %and3A_27 : vector<16xi32> to vector<1x16xi32>
    tpu.vector_store %arg7[%swap3A_29, %swap3A_30], %swap3A_33 {strides = array<i32>} : memref<2x128xi32, #tpu.memory_space<vmem>>, vector<1x16xi32>,
    %shift_right_logical3A_34 = arith.constant 16 : i32
    %shift_right_logical3A_35 = vector.broadcast %shift_right_logical3A_34 : i32 to vector<16xi32>
    %shift_right_logical3A_36 = arith.shrui %get3A_24, %shift_right_logical3A_35 : vector<16xi32>
    %swap3A_37 = arith.constant 1 : i32
    %swap3A_38 = arith.index_cast %swap3A_37 : i32 to index
    %swap3A_39 = arith.constant 16 : index
    %swap3A_40 = tpu.vector_load %arg7[%swap3A_38, %swap3A_39] {strides = array<i32>} : memref<2x128xi32, #tpu.memory_space<vmem>>, vector<1x16xi32>,
    %swap3A_41 = vector.shape_cast %swap3A_40 : vector<1x16xi32> to vector<16xi32>
    %swap3A_42 = vector.shape_cast %shift_right_logical3A_36 : vector<16xi32> to vector<1x16xi32>
    tpu.vector_store %arg7[%swap3A_38, %swap3A_39], %swap3A_42 {strides = array<i32>} : memref<2x128xi32, #tpu.memory_space<vmem>>, vector<1x16xi32>,
    %get3A_43 = arith.constant 0 : i32
    %get3A_44 = arith.index_cast %get3A_43 : i32 to index
    %get3A_45 = arith.constant 32 : index
    %get3A_46 = tpu.vector_load %arg6[%get3A_44, %get3A_45] {strides = array<i32>} : memref<80x128xi32, #tpu.memory_space<vmem>>, vector<1x16xi32>,
    %get3A_47 = vector.shape_cast %get3A_46 : vector<1x16xi32> to vector<16xi32>
    %and3A_48 = arith.constant 65535 : i32
    %and3A_49 = vector.broadcast %and3A_48 : i32 to vector<16xi32>
    %and3A_50 = arith.andi %get3A_47, %and3A_49 : vector<16xi32>
    %swap3A_51 = arith.constant 0 : i32
    %swap3A_52 = arith.index_cast %swap3A_51 : i32 to index
    %swap3A_53 = arith.constant 32 : index
    %swap3A_54 = tpu.vector_load %arg7[%swap3A_52, %swap3A_53] {strides = array<i32>} : memref<2x128xi32, #tpu.memory_space<vmem>>, vector<1x16xi32>,
    %swap3A_55 = vector.shape_cast %swap3A_54 : vector<1x16xi32> to vector<16xi32>
    %swap3A_56 = vector.shape_cast %and3A_50 : vector<16xi32> to vector<1x16xi32>
    tpu.vector_store %arg7[%swap3A_52, %swap3A_53], %swap3A_56 {strides = array<i32>} : memref<2x128xi32, #tpu.memory_space<vmem>>, vector<1x16xi32>,
    %shift_right_logical3A_57 = arith.constant 16 : i32
    %shift_right_logical3A_58 = vector.broadcast %shift_right_logical3A_57 : i32 to vector<16xi32>
    %shift_right_logical3A_59 = arith.shrui %get3A_47, %shift_right_logical3A_58 : vector<16xi32>
    %swap3A_60 = arith.constant 1 : i32
    %swap3A_61 = arith.index_cast %swap3A_60 : i32 to index
    %swap3A_62 = arith.constant 32 : index
    %swap3A_63 = tpu.vector_load %arg7[%swap3A_61, %swap3A_62] {strides = array<i32>} : memref<2x128xi32, #tpu.memory_space<vmem>>, vector<1x16xi32>,
    %swap3A_64 = vector.shape_cast %swap3A_63 : vector<1x16xi32> to vector<16xi32>
    %swap3A_65 = vector.shape_cast %shift_right_logical3A_59 : vector<16xi32> to vector<1x16xi32>
    tpu.vector_store %arg7[%swap3A_61, %swap3A_62], %swap3A_65 {strides = array<i32>} : memref<2x128xi32, #tpu.memory_space<vmem>>, vector<1x16xi32>,
    %get3A_66 = arith.constant 0 : i32
    %get3A_67 = arith.index_cast %get3A_66 : i32 to index
    %get3A_68 = arith.constant 48 : index
    %get3A_69 = tpu.vector_load %arg6[%get3A_67, %get3A_68] {strides = array<i32>} : memref<80x128xi32, #tpu.memory_space<vmem>>, vector<1x16xi32>,
    %get3A_70 = vector.shape_cast %get3A_69 : vector<1x16xi32> to vector<16xi32>
    %and3A_71 = arith.constant 65535 : i32
    %and3A_72 = vector.broadcast %and3A_71 : i32 to vector<16xi32>
    %and3A_73 = arith.andi %get3A_70, %and3A_72 : vector<16xi32>
    %swap3A_74 = arith.constant 0 : i32
    %swap3A_75 = arith.index_cast %swap3A_74 : i32 to index
    %swap3A_76 = arith.constant 48 : index
    %swap3A_77 = tpu.vector_load %arg7[%swap3A_75, %swap3A_76] {strides = array<i32>} : memref<2x128xi32, #tpu.memory_space<vmem>>, vector<1x16xi32>,
    %swap3A_78 = vector.shape_cast %swap3A_77 : vector<1x16xi32> to vector<16xi32>
    %swap3A_79 = vector.shape_cast %and3A_73 : vector<16xi32> to vector<1x16xi32>
    tpu.vector_store %arg7[%swap3A_75, %swap3A_76], %swap3A_79 {strides = array<i32>} : memref<2x128xi32, #tpu.memory_space<vmem>>, vector<1x16xi32>,
    %shift_right_logical3A_80 = arith.constant 16 : i32
    %shift_right_logical3A_81 = vector.broadcast %shift_right_logical3A_80 : i32 to vector<16xi32>
    %shift_right_logical3A_82 = arith.shrui %get3A_70, %shift_right_logical3A_81 : vector<16xi32>
    %swap3A_83 = arith.constant 1 : i32
    %swap3A_84 = arith.index_cast %swap3A_83 : i32 to index
    %swap3A_85 = arith.constant 48 : index
    %swap3A_86 = tpu.vector_load %arg7[%swap3A_84, %swap3A_85] {strides = array<i32>} : memref<2x128xi32, #tpu.memory_space<vmem>>, vector<1x16xi32>,
    %swap3A_87 = vector.shape_cast %swap3A_86 : vector<1x16xi32> to vector<16xi32>
    %swap3A_88 = vector.shape_cast %shift_right_logical3A_82 : vector<16xi32> to vector<1x16xi32>
    tpu.vector_store %arg7[%swap3A_84, %swap3A_85], %swap3A_88 {strides = array<i32>} : memref<2x128xi32, #tpu.memory_space<vmem>>, vector<1x16xi32>,
    %get3A_89 = arith.constant 0 : i32
    %get3A_90 = arith.index_cast %get3A_89 : i32 to index
    %get3A_91 = arith.constant 64 : index
    %get3A_92 = tpu.vector_load %arg6[%get3A_90, %get3A_91] {strides = array<i32>} : memref<80x128xi32, #tpu.memory_space<vmem>>, vector<1x16xi32>,
    %get3A_93 = vector.shape_cast %get3A_92 : vector<1x16xi32> to vector<16xi32>
    %and3A_94 = arith.constant 65535 : i32
    %and3A_95 = vector.broadcast %and3A_94 : i32 to vector<16xi32>
    %and3A_96 = arith.andi %get3A_93, %and3A_95 : vector<16xi32>
    %swap3A_97 = arith.constant 0 : i32
    %swap3A_98 = arith.index_cast %swap3A_97 : i32 to index
    %swap3A_99 = arith.constant 64 : index
    %swap3A_100 = tpu.vector_load %arg7[%swap3A_98, %swap3A_99] {strides = array<i32>} : memref<2x128xi32, #tpu.memory_space<vmem>>, vector<1x16xi32>,
    %swap3A_101 = vector.shape_cast %swap3A_100 : vector<1x16xi32> to vector<16xi32>
    %swap3A_102 = vector.shape_cast %and3A_96 : vector<16xi32> to vector<1x16xi32>
    tpu.vector_store %arg7[%swap3A_98, %swap3A_99], %swap3A_102 {strides = array<i32>} : memref<2x128xi32, #tpu.memory_space<vmem>>, vector<1x16xi32>,
    %shift_right_logical3A_103 = arith.constant 16 : i32
    %shift_right_logical3A_104 = vector.broadcast %shift_right_logical3A_103 : i32 to vector<16xi32>
    %shift_right_logical3A_105 = arith.shrui %get3A_93, %shift_right_logical3A_104 : vector<16xi32>
    %swap3A_106 = arith.constant 1 : i32
    %swap3A_107 = arith.index_cast %swap3A_106 : i32 to index
    %swap3A_108 = arith.constant 64 : index
    %swap3A_109 = tpu.vector_load %arg7[%swap3A_107, %swap3A_108] {strides = array<i32>} : memref<2x128xi32, #tpu.memory_space<vmem>>, vector<1x16xi32>,
    %swap3A_110 = vector.shape_cast %swap3A_109 : vector<1x16xi32> to vector<16xi32>
    %swap3A_111 = vector.shape_cast %shift_right_logical3A_105 : vector<16xi32> to vector<1x16xi32>
    tpu.vector_store %arg7[%swap3A_107, %swap3A_108], %swap3A_111 {strides = array<i32>} : memref<2x128xi32, #tpu.memory_space<vmem>>, vector<1x16xi32>,
    %get3A_112 = arith.constant 0 : i32
    %get3A_113 = arith.index_cast %get3A_112 : i32 to index
    %get3A_114 = arith.constant 80 : index
    %get3A_115 = tpu.vector_load %arg6[%get3A_113, %get3A_114] {strides = array<i32>} : memref<80x128xi32, #tpu.memory_space<vmem>>, vector<1x16xi32>,
    %get3A_116 = vector.shape_cast %get3A_115 : vector<1x16xi32> to vector<16xi32>
    %and3A_117 = arith.constant 65535 : i32
    %and3A_118 = vector.broadcast %and3A_117 : i32 to vector<16xi32>
    %and3A_119 = arith.andi %get3A_116, %and3A_118 : vector<16xi32>
    %swap3A_120 = arith.constant 0 : i32
    %swap3A_121 = arith.index_cast %swap3A_120 : i32 to index
    %swap3A_122 = arith.constant 80 : index
    %swap3A_123 = tpu.vector_load %arg7[%swap3A_121, %swap3A_122] {strides = array<i32>} : memref<2x128xi32, #tpu.memory_space<vmem>>, vector<1x16xi32>,
    %swap3A_124 = vector.shape_cast %swap3A_123 : vector<1x16xi32> to vector<16xi32>
    %swap3A_125 = vector.shape_cast %and3A_119 : vector<16xi32> to vector<1x16xi32>
    tpu.vector_store %arg7[%swap3A_121, %swap3A_122], %swap3A_125 {strides = array<i32>} : memref<2x128xi32, #tpu.memory_space<vmem>>, vector<1x16xi32>,
    %shift_right_logical3A_126 = arith.constant 16 : i32
    %shift_right_logical3A_127 = vector.broadcast %shift_right_logical3A_126 : i32 to vector<16xi32>
    %shift_right_logical3A_128 = arith.shrui %get3A_116, %shift_right_logical3A_127 : vector<16xi32>
    %swap3A_129 = arith.constant 1 : i32
    %swap3A_130 = arith.index_cast %swap3A_129 : i32 to index
    %swap3A_131 = arith.constant 80 : index
    %swap3A_132 = tpu.vector_load %arg7[%swap3A_130, %swap3A_131] {strides = array<i32>} : memref<2x128xi32, #tpu.memory_space<vmem>>, vector<1x16xi32>,
    %swap3A_133 = vector.shape_cast %swap3A_132 : vector<1x16xi32> to vector<16xi32>
    %swap3A_134 = vector.shape_cast %shift_right_logical3A_128 : vector<16xi32> to vector<1x16xi32>
    tpu.vector_store %arg7[%swap3A_130, %swap3A_131], %swap3A_134 {strides = array<i32>} : memref<2x128xi32, #tpu.memory_space<vmem>>, vector<1x16xi32>,
    %get3A_135 = arith.constant 0 : i32
    %get3A_136 = arith.index_cast %get3A_135 : i32 to index
    %get3A_137 = arith.constant 96 : index
    %get3A_138 = tpu.vector_load %arg6[%get3A_136, %get3A_137] {strides = array<i32>} : memref<80x128xi32, #tpu.memory_space<vmem>>, vector<1x16xi32>,
    %get3A_139 = vector.shape_cast %get3A_138 : vector<1x16xi32> to vector<16xi32>
    %and3A_140 = arith.constant 65535 : i32
    %and3A_141 = vector.broadcast %and3A_140 : i32 to vector<16xi32>
    %and3A_142 = arith.andi %get3A_139, %and3A_141 : vector<16xi32>
    %swap3A_143 = arith.constant 0 : i32
    %swap3A_144 = arith.index_cast %swap3A_143 : i32 to index
    %swap3A_145 = arith.constant 96 : index
    %swap3A_146 = tpu.vector_load %arg7[%swap3A_144, %swap3A_145] {strides = array<i32>} : memref<2x128xi32, #tpu.memory_space<vmem>>, vector<1x16xi32>,
    %swap3A_147 = vector.shape_cast %swap3A_146 : vector<1x16xi32> to vector<16xi32>
    %swap3A_148 = vector.shape_cast %and3A_142 : vector<16xi32> to vector<1x16xi32>
    tpu.vector_store %arg7[%swap3A_144, %swap3A_145], %swap3A_148 {strides = array<i32>} : memref<2x128xi32, #tpu.memory_space<vmem>>, vector<1x16xi32>,
    %shift_right_logical3A_149 = arith.constant 16 : i32
    %shift_right_logical3A_150 = vector.broadcast %shift_right_logical3A_149 : i32 to vector<16xi32>
    %shift_right_logical3A_151 = arith.shrui %get3A_139, %shift_right_logical3A_150 : vector<16xi32>
    %swap3A_152 = arith.constant 1 : i32
    %swap3A_153 = arith.index_cast %swap3A_152 : i32 to index
    %swap3A_154 = arith.constant 96 : index
    %swap3A_155 = tpu.vector_load %arg7[%swap3A_153, %swap3A_154] {strides = array<i32>} : memref<2x128xi32, #tpu.memory_space<vmem>>, vector<1x16xi32>,
    %swap3A_156 = vector.shape_cast %swap3A_155 : vector<1x16xi32> to vector<16xi32>
    %swap3A_157 = vector.shape_cast %shift_right_logical3A_151 : vector<16xi32> to vector<1x16xi32>
    tpu.vector_store %arg7[%swap3A_153, %swap3A_154], %swap3A_157 {strides = array<i32>} : memref<2x128xi32, #tpu.memory_space<vmem>>, vector<1x16xi32>,
    %get3A_158 = arith.constant 0 : i32
    %get3A_159 = arith.index_cast %get3A_158 : i32 to index
    %get3A_160 = arith.constant 112 : index
    %get3A_161 = tpu.vector_load %arg6[%get3A_159, %get3A_160] {strides = array<i32>} : memref<80x128xi32, #tpu.memory_space<vmem>>, vector<1x16xi32>,
    %get3A_162 = vector.shape_cast %get3A_161 : vector<1x16xi32> to vector<16xi32>
    %and3A_163 = arith.constant 65535 : i32
    %and3A_164 = vector.broadcast %and3A_163 : i32 to vector<16xi32>
    %and3A_165 = arith.andi %get3A_162, %and3A_164 : vector<16xi32>
    %swap3A_166 = arith.constant 0 : i32
    %swap3A_167 = arith.index_cast %swap3A_166 : i32 to index
    %swap3A_168 = arith.constant 112 : index
    %swap3A_169 = tpu.vector_load %arg7[%swap3A_167, %swap3A_168] {strides = array<i32>} : memref<2x128xi32, #tpu.memory_space<vmem>>, vector<1x16xi32>,
    %swap3A_170 = vector.shape_cast %swap3A_169 : vector<1x16xi32> to vector<16xi32>
    %swap3A_171 = vector.shape_cast %and3A_165 : vector<16xi32> to vector<1x16xi32>
    tpu.vector_store %arg7[%swap3A_167, %swap3A_168], %swap3A_171 {strides = array<i32>} : memref<2x128xi32, #tpu.memory_space<vmem>>, vector<1x16xi32>,
    %shift_right_logical3A_172 = arith.constant 16 : i32
    %shift_right_logical3A_173 = vector.broadcast %shift_right_logical3A_172 : i32 to vector<16xi32>
    %shift_right_logical3A_174 = arith.shrui %get3A_162, %shift_right_logical3A_173 : vector<16xi32>
    %swap3A_175 = arith.constant 1 : i32
    %swap3A_176 = arith.index_cast %swap3A_175 : i32 to index
    %swap3A_177 = arith.constant 112 : index
    %swap3A_178 = tpu.vector_load %arg7[%swap3A_176, %swap3A_177] {strides = array<i32>} : memref<2x128xi32, #tpu.memory_space<vmem>>, vector<1x16xi32>,
    %swap3A_179 = vector.shape_cast %swap3A_178 : vector<1x16xi32> to vector<16xi32>
    %swap3A_180 = vector.shape_cast %shift_right_logical3A_174 : vector<16xi32> to vector<1x16xi32>
    tpu.vector_store %arg7[%swap3A_176, %swap3A_177], %swap3A_180 {strides = array<i32>} : memref<2x128xi32, #tpu.memory_space<vmem>>, vector<1x16xi32>,
    %dma_start3A = arith.constant 0 : i32
    %dma_start3A_181 = arith.constant 0 : i32
    %dma_start3A_182 = tpu.memref_slice %arg7[%dma_start3A, %dma_start3A_181] : memref<2x128xi32, #tpu.memory_space<vmem>> -> memref<1x128xi32, #tpu.memory_space<vmem>>
    %dma_start3A_183 = tpu.memref_squeeze %dma_start3A_182 : memref<1x128xi32, #tpu.memory_space<vmem>> -> memref<128xi32, #tpu.memory_space<vmem>>
    %dma_start3A_184 = arith.constant 0 : i32
    %dma_start3A_185 = arith.constant 0 : i32
    %dma_start3A_186 = tpu.memref_slice %arg3[%dma_start3A_184, %dma_start3A_185] : memref<10240x128xf32, #tpu.memory_space<hbm>> -> memref<10240x128xf32, #tpu.memory_space<hbm>>
    tpu.enqueue_indirect_dma source(%dma_start3A_186 : memref<10240x128xf32, #tpu.memory_space<hbm>>) target(%arg9 : memref<128x128xf32, #tpu.memory_space<vmem>>) offsets(%dma_start3A_183 : memref<128xi32, #tpu.memory_space<vmem>>) semaphore(%arg12 : memref<!tpu.dma_semaphore, #tpu.memory_space<semaphore_mem>>)
    %scan3A = arith.constant 0 : i32
    %scan3A_187 = arith.constant 0 : i32
    %scan3A_188 = arith.constant 40 : i32
    %scan3A_189 = arith.addi %scan3A_187, %scan3A_188 : i32
    %scan3A_190 = arith.constant 1 : i32
    scf.for %scan3A_193 = %scan3A_187 to %scan3A_189 step %scan3A_190  : i32 {
      %mul3A_194 = arith.constant 2 : i32
      %mul3A_195 = arith.muli %mul3A_194, %scan3A_193 : i32
      %add3A = arith.constant 1 : i32
      %add3A_196 = arith.addi %mul3A_195, %add3A : i32
      %get3A_197 = arith.index_cast %add3A_196 : i32 to index
      %get3A_198 = arith.constant 0 : index
      %get3A_199 = tpu.vector_load %arg6[%get3A_197, %get3A_198] {strides = array<i32>} : memref<80x128xi32, #tpu.memory_space<vmem>>, vector<1x16xi32>,
      %get3A_200 = vector.shape_cast %get3A_199 : vector<1x16xi32> to vector<16xi32>
      %and3A_201 = arith.constant 65535 : i32
      %and3A_202 = vector.broadcast %and3A_201 : i32 to vector<16xi32>
      %and3A_203 = arith.andi %get3A_200, %and3A_202 : vector<16xi32>
      %swap3A_204 = arith.constant 0 : i32
      %swap3A_205 = arith.index_cast %swap3A_204 : i32 to index
      %swap3A_206 = arith.constant 0 : index
      %swap3A_207 = tpu.vector_load %arg8[%swap3A_205, %swap3A_206] {strides = array<i32>} : memref<2x128xi32, #tpu.memory_space<vmem>>, vector<1x16xi32>,
      %swap3A_208 = vector.shape_cast %swap3A_207 : vector<1x16xi32> to vector<16xi32>
      %swap3A_209 = vector.shape_cast %and3A_203 : vector<16xi32> to vector<1x16xi32>
      tpu.vector_store %arg8[%swap3A_205, %swap3A_206], %swap3A_209 {strides = array<i32>} : memref<2x128xi32, #tpu.memory_space<vmem>>, vector<1x16xi32>,
      %shift_right_logical3A_210 = arith.constant 16 : i32
      %shift_right_logical3A_211 = vector.broadcast %shift_right_logical3A_210 : i32 to vector<16xi32>
      %shift_right_logical3A_212 = arith.shrui %get3A_200, %shift_right_logical3A_211 : vector<16xi32>
      %swap3A_213 = arith.constant 1 : i32
      %swap3A_214 = arith.index_cast %swap3A_213 : i32 to index
      %swap3A_215 = arith.constant 0 : index
      %swap3A_216 = tpu.vector_load %arg8[%swap3A_214, %swap3A_215] {strides = array<i32>} : memref<2x128xi32, #tpu.memory_space<vmem>>, vector<1x16xi32>,
      %swap3A_217 = vector.shape_cast %swap3A_216 : vector<1x16xi32> to vector<16xi32>
      %swap3A_218 = vector.shape_cast %shift_right_logical3A_212 : vector<16xi32> to vector<1x16xi32>
      tpu.vector_store %arg8[%swap3A_214, %swap3A_215], %swap3A_218 {strides = array<i32>} : memref<2x128xi32, #tpu.memory_space<vmem>>, vector<1x16xi32>,
      %get3A_219 = arith.index_cast %add3A_196 : i32 to index
      %get3A_220 = arith.constant 16 : index
      %get3A_221 = tpu.vector_load %arg6[%get3A_219, %get3A_220] {strides = array<i32>} : memref<80x128xi32, #tpu.memory_space<vmem>>, vector<1x16xi32>,
      %get3A_222 = vector.shape_cast %get3A_221 : vector<1x16xi32> to vector<16xi32>
      %and3A_223 = arith.constant 65535 : i32
      %and3A_224 = vector.broadcast %and3A_223 : i32 to vector<16xi32>
      %and3A_225 = arith.andi %get3A_222, %and3A_224 : vector<16xi32>
      %swap3A_226 = arith.constant 0 : i32
      %swap3A_227 = arith.index_cast %swap3A_226 : i32 to index
      %swap3A_228 = arith.constant 16 : index
      %swap3A_229 = tpu.vector_load %arg8[%swap3A_227, %swap3A_228] {strides = array<i32>} : memref<2x128xi32, #tpu.memory_space<vmem>>, vector<1x16xi32>,
      %swap3A_230 = vector.shape_cast %swap3A_229 : vector<1x16xi32> to vector<16xi32>
      %swap3A_231 = vector.shape_cast %and3A_225 : vector<16xi32> to vector<1x16xi32>
      tpu.vector_store %arg8[%swap3A_227, %swap3A_228], %swap3A_231 {strides = array<i32>} : memref<2x128xi32, #tpu.memory_space<vmem>>, vector<1x16xi32>,
      %shift_right_logical3A_232 = arith.constant 16 : i32
      %shift_right_logical3A_233 = vector.broadcast %shift_right_logical3A_232 : i32 to vector<16xi32>
      %shift_right_logical3A_234 = arith.shrui %get3A_222, %shift_right_logical3A_233 : vector<16xi32>
      %swap3A_235 = arith.constant 1 : i32
      %swap3A_236 = arith.index_cast %swap3A_235 : i32 to index
      %swap3A_237 = arith.constant 16 : index
      %swap3A_238 = tpu.vector_load %arg8[%swap3A_236, %swap3A_237] {strides = array<i32>} : memref<2x128xi32, #tpu.memory_space<vmem>>, vector<1x16xi32>,
      %swap3A_239 = vector.shape_cast %swap3A_238 : vector<1x16xi32> to vector<16xi32>
      %swap3A_240 = vector.shape_cast %shift_right_logical3A_234 : vector<16xi32> to vector<1x16xi32>
      tpu.vector_store %arg8[%swap3A_236, %swap3A_237], %swap3A_240 {strides = array<i32>} : memref<2x128xi32, #tpu.memory_space<vmem>>, vector<1x16xi32>,
      %get3A_241 = arith.index_cast %add3A_196 : i32 to index
      %get3A_242 = arith.constant 32 : index
      %get3A_243 = tpu.vector_load %arg6[%get3A_241, %get3A_242] {strides = array<i32>} : memref<80x128xi32, #tpu.memory_space<vmem>>, vector<1x16xi32>,
      %get3A_244 = vector.shape_cast %get3A_243 : vector<1x16xi32> to vector<16xi32>
      %and3A_245 = arith.constant 65535 : i32
      %and3A_246 = vector.broadcast %and3A_245 : i32 to vector<16xi32>
      %and3A_247 = arith.andi %get3A_244, %and3A_246 : vector<16xi32>
      %swap3A_248 = arith.constant 0 : i32
      %swap3A_249 = arith.index_cast %swap3A_248 : i32 to index
      %swap3A_250 = arith.constant 32 : index
      %swap3A_251 = tpu.vector_load %arg8[%swap3A_249, %swap3A_250] {strides = array<i32>} : memref<2x128xi32, #tpu.memory_space<vmem>>, vector<1x16xi32>,
      %swap3A_252 = vector.shape_cast %swap3A_251 : vector<1x16xi32> to vector<16xi32>
      %swap3A_253 = vector.shape_cast %and3A_247 : vector<16xi32> to vector<1x16xi32>
      tpu.vector_store %arg8[%swap3A_249, %swap3A_250], %swap3A_253 {strides = array<i32>} : memref<2x128xi32, #tpu.memory_space<vmem>>, vector<1x16xi32>,
      %shift_right_logical3A_254 = arith.constant 16 : i32
      %shift_right_logical3A_255 = vector.broadcast %shift_right_logical3A_254 : i32 to vector<16xi32>
      %shift_right_logical3A_256 = arith.shrui %get3A_244, %shift_right_logical3A_255 : vector<16xi32>
      %swap3A_257 = arith.constant 1 : i32
      %swap3A_258 = arith.index_cast %swap3A_257 : i32 to index
      %swap3A_259 = arith.constant 32 : index
      %swap3A_260 = tpu.vector_load %arg8[%swap3A_258, %swap3A_259] {strides = array<i32>} : memref<2x128xi32, #tpu.memory_space<vmem>>, vector<1x16xi32>,
      %swap3A_261 = vector.shape_cast %swap3A_260 : vector<1x16xi32> to vector<16xi32>
      %swap3A_262 = vector.shape_cast %shift_right_logical3A_256 : vector<16xi32> to vector<1x16xi32>
      tpu.vector_store %arg8[%swap3A_258, %swap3A_259], %swap3A_262 {strides = array<i32>} : memref<2x128xi32, #tpu.memory_space<vmem>>, vector<1x16xi32>,
      %get3A_263 = arith.index_cast %add3A_196 : i32 to index
      %get3A_264 = arith.constant 48 : index
      %get3A_265 = tpu.vector_load %arg6[%get3A_263, %get3A_264] {strides = array<i32>} : memref<80x128xi32, #tpu.memory_space<vmem>>, vector<1x16xi32>,
      %get3A_266 = vector.shape_cast %get3A_265 : vector<1x16xi32> to vector<16xi32>
      %and3A_267 = arith.constant 65535 : i32
      %and3A_268 = vector.broadcast %and3A_267 : i32 to vector<16xi32>
      %and3A_269 = arith.andi %get3A_266, %and3A_268 : vector<16xi32>
      %swap3A_270 = arith.constant 0 : i32
      %swap3A_271 = arith.index_cast %swap3A_270 : i32 to index
      %swap3A_272 = arith.constant 48 : index
      %swap3A_273 = tpu.vector_load %arg8[%swap3A_271, %swap3A_272] {strides = array<i32>} : memref<2x128xi32, #tpu.memory_space<vmem>>, vector<1x16xi32>,
      %swap3A_274 = vector.shape_cast %swap3A_273 : vector<1x16xi32> to vector<16xi32>
      %swap3A_275 = vector.shape_cast %and3A_269 : vector<16xi32> to vector<1x16xi32>
      tpu.vector_store %arg8[%swap3A_271, %swap3A_272], %swap3A_275 {strides = array<i32>} : memref<2x128xi32, #tpu.memory_space<vmem>>, vector<1x16xi32>,
      %shift_right_logical3A_276 = arith.constant 16 : i32
      %shift_right_logical3A_277 = vector.broadcast %shift_right_logical3A_276 : i32 to vector<16xi32>
      %shift_right_logical3A_278 = arith.shrui %get3A_266, %shift_right_logical3A_277 : vector<16xi32>
      %swap3A_279 = arith.constant 1 : i32
      %swap3A_280 = arith.index_cast %swap3A_279 : i32 to index
      %swap3A_281 = arith.constant 48 : index
      %swap3A_282 = tpu.vector_load %arg8[%swap3A_280, %swap3A_281] {strides = array<i32>} : memref<2x128xi32, #tpu.memory_space<vmem>>, vector<1x16xi32>,
      %swap3A_283 = vector.shape_cast %swap3A_282 : vector<1x16xi32> to vector<16xi32>
      %swap3A_284 = vector.shape_cast %shift_right_logical3A_278 : vector<16xi32> to vector<1x16xi32>
      tpu.vector_store %arg8[%swap3A_280, %swap3A_281], %swap3A_284 {strides = array<i32>} : memref<2x128xi32, #tpu.memory_space<vmem>>, vector<1x16xi32>,
      %get3A_285 = arith.index_cast %add3A_196 : i32 to index
      %get3A_286 = arith.constant 64 : index
      %get3A_287 = tpu.vector_load %arg6[%get3A_285, %get3A_286] {strides = array<i32>} : memref<80x128xi32, #tpu.memory_space<vmem>>, vector<1x16xi32>,
      %get3A_288 = vector.shape_cast %get3A_287 : vector<1x16xi32> to vector<16xi32>
      %and3A_289 = arith.constant 65535 : i32
      %and3A_290 = vector.broadcast %and3A_289 : i32 to vector<16xi32>
      %and3A_291 = arith.andi %get3A_288, %and3A_290 : vector<16xi32>
      %swap3A_292 = arith.constant 0 : i32
      %swap3A_293 = arith.index_cast %swap3A_292 : i32 to index
      %swap3A_294 = arith.constant 64 : index
      %swap3A_295 = tpu.vector_load %arg8[%swap3A_293, %swap3A_294] {strides = array<i32>} : memref<2x128xi32, #tpu.memory_space<vmem>>, vector<1x16xi32>,
      %swap3A_296 = vector.shape_cast %swap3A_295 : vector<1x16xi32> to vector<16xi32>
      %swap3A_297 = vector.shape_cast %and3A_291 : vector<16xi32> to vector<1x16xi32>
      tpu.vector_store %arg8[%swap3A_293, %swap3A_294], %swap3A_297 {strides = array<i32>} : memref<2x128xi32, #tpu.memory_space<vmem>>, vector<1x16xi32>,
      %shift_right_logical3A_298 = arith.constant 16 : i32
      %shift_right_logical3A_299 = vector.broadcast %shift_right_logical3A_298 : i32 to vector<16xi32>
      %shift_right_logical3A_300 = arith.shrui %get3A_288, %shift_right_logical3A_299 : vector<16xi32>
      %swap3A_301 = arith.constant 1 : i32
      %swap3A_302 = arith.index_cast %swap3A_301 : i32 to index
      %swap3A_303 = arith.constant 64 : index
      %swap3A_304 = tpu.vector_load %arg8[%swap3A_302, %swap3A_303] {strides = array<i32>} : memref<2x128xi32, #tpu.memory_space<vmem>>, vector<1x16xi32>,
      %swap3A_305 = vector.shape_cast %swap3A_304 : vector<1x16xi32> to vector<16xi32>
      %swap3A_306 = vector.shape_cast %shift_right_logical3A_300 : vector<16xi32> to vector<1x16xi32>
      tpu.vector_store %arg8[%swap3A_302, %swap3A_303], %swap3A_306 {strides = array<i32>} : memref<2x128xi32, #tpu.memory_space<vmem>>, vector<1x16xi32>,
      %get3A_307 = arith.index_cast %add3A_196 : i32 to index
      %get3A_308 = arith.constant 80 : index
      %get3A_309 = tpu.vector_load %arg6[%get3A_307, %get3A_308] {strides = array<i32>} : memref<80x128xi32, #tpu.memory_space<vmem>>, vector<1x16xi32>,
      %get3A_310 = vector.shape_cast %get3A_309 : vector<1x16xi32> to vector<16xi32>
      %and3A_311 = arith.constant 65535 : i32
      %and3A_312 = vector.broadcast %and3A_311 : i32 to vector<16xi32>
      %and3A_313 = arith.andi %get3A_310, %and3A_312 : vector<16xi32>
      %swap3A_314 = arith.constant 0 : i32
      %swap3A_315 = arith.index_cast %swap3A_314 : i32 to index
      %swap3A_316 = arith.constant 80 : index
      %swap3A_317 = tpu.vector_load %arg8[%swap3A_315, %swap3A_316] {strides = array<i32>} : memref<2x128xi32, #tpu.memory_space<vmem>>, vector<1x16xi32>,
      %swap3A_318 = vector.shape_cast %swap3A_317 : vector<1x16xi32> to vector<16xi32>
      %swap3A_319 = vector.shape_cast %and3A_313 : vector<16xi32> to vector<1x16xi32>
      tpu.vector_store %arg8[%swap3A_315, %swap3A_316], %swap3A_319 {strides = array<i32>} : memref<2x128xi32, #tpu.memory_space<vmem>>, vector<1x16xi32>,
      %shift_right_logical3A_320 = arith.constant 16 : i32
      %shift_right_logical3A_321 = vector.broadcast %shift_right_logical3A_320 : i32 to vector<16xi32>
      %shift_right_logical3A_322 = arith.shrui %get3A_310, %shift_right_logical3A_321 : vector<16xi32>
      %swap3A_323 = arith.constant 1 : i32
      %swap3A_324 = arith.index_cast %swap3A_323 : i32 to index
      %swap3A_325 = arith.constant 80 : index
      %swap3A_326 = tpu.vector_load %arg8[%swap3A_324, %swap3A_325] {strides = array<i32>} : memref<2x128xi32, #tpu.memory_space<vmem>>, vector<1x16xi32>,
      %swap3A_327 = vector.shape_cast %swap3A_326 : vector<1x16xi32> to vector<16xi32>
      %swap3A_328 = vector.shape_cast %shift_right_logical3A_322 : vector<16xi32> to vector<1x16xi32>
      tpu.vector_store %arg8[%swap3A_324, %swap3A_325], %swap3A_328 {strides = array<i32>} : memref<2x128xi32, #tpu.memory_space<vmem>>, vector<1x16xi32>,
      %get3A_329 = arith.index_cast %add3A_196 : i32 to index
      %get3A_330 = arith.constant 96 : index
      %get3A_331 = tpu.vector_load %arg6[%get3A_329, %get3A_330] {strides = array<i32>} : memref<80x128xi32, #tpu.memory_space<vmem>>, vector<1x16xi32>,
      %get3A_332 = vector.shape_cast %get3A_331 : vector<1x16xi32> to vector<16xi32>
      %and3A_333 = arith.constant 65535 : i32
      %and3A_334 = vector.broadcast %and3A_333 : i32 to vector<16xi32>
      %and3A_335 = arith.andi %get3A_332, %and3A_334 : vector<16xi32>
      %swap3A_336 = arith.constant 0 : i32
      %swap3A_337 = arith.index_cast %swap3A_336 : i32 to index
      %swap3A_338 = arith.constant 96 : index
      %swap3A_339 = tpu.vector_load %arg8[%swap3A_337, %swap3A_338] {strides = array<i32>} : memref<2x128xi32, #tpu.memory_space<vmem>>, vector<1x16xi32>,
      %swap3A_340 = vector.shape_cast %swap3A_339 : vector<1x16xi32> to vector<16xi32>
      %swap3A_341 = vector.shape_cast %and3A_335 : vector<16xi32> to vector<1x16xi32>
      tpu.vector_store %arg8[%swap3A_337, %swap3A_338], %swap3A_341 {strides = array<i32>} : memref<2x128xi32, #tpu.memory_space<vmem>>, vector<1x16xi32>,
      %shift_right_logical3A_342 = arith.constant 16 : i32
      %shift_right_logical3A_343 = vector.broadcast %shift_right_logical3A_342 : i32 to vector<16xi32>
      %shift_right_logical3A_344 = arith.shrui %get3A_332, %shift_right_logical3A_343 : vector<16xi32>
      %swap3A_345 = arith.constant 1 : i32
      %swap3A_346 = arith.index_cast %swap3A_345 : i32 to index
      %swap3A_347 = arith.constant 96 : index
      %swap3A_348 = tpu.vector_load %arg8[%swap3A_346, %swap3A_347] {strides = array<i32>} : memref<2x128xi32, #tpu.memory_space<vmem>>, vector<1x16xi32>,
      %swap3A_349 = vector.shape_cast %swap3A_348 : vector<1x16xi32> to vector<16xi32>
      %swap3A_350 = vector.shape_cast %shift_right_logical3A_344 : vector<16xi32> to vector<1x16xi32>
      tpu.vector_store %arg8[%swap3A_346, %swap3A_347], %swap3A_350 {strides = array<i32>} : memref<2x128xi32, #tpu.memory_space<vmem>>, vector<1x16xi32>,
      %get3A_351 = arith.index_cast %add3A_196 : i32 to index
      %get3A_352 = arith.constant 112 : index
      %get3A_353 = tpu.vector_load %arg6[%get3A_351, %get3A_352] {strides = array<i32>} : memref<80x128xi32, #tpu.memory_space<vmem>>, vector<1x16xi32>,
      %get3A_354 = vector.shape_cast %get3A_353 : vector<1x16xi32> to vector<16xi32>
      %and3A_355 = arith.constant 65535 : i32
      %and3A_356 = vector.broadcast %and3A_355 : i32 to vector<16xi32>
      %and3A_357 = arith.andi %get3A_354, %and3A_356 : vector<16xi32>
      %swap3A_358 = arith.constant 0 : i32
      %swap3A_359 = arith.index_cast %swap3A_358 : i32 to index
      %swap3A_360 = arith.constant 112 : index
      %swap3A_361 = tpu.vector_load %arg8[%swap3A_359, %swap3A_360] {strides = array<i32>} : memref<2x128xi32, #tpu.memory_space<vmem>>, vector<1x16xi32>,
      %swap3A_362 = vector.shape_cast %swap3A_361 : vector<1x16xi32> to vector<16xi32>
      %swap3A_363 = vector.shape_cast %and3A_357 : vector<16xi32> to vector<1x16xi32>
      tpu.vector_store %arg8[%swap3A_359, %swap3A_360], %swap3A_363 {strides = array<i32>} : memref<2x128xi32, #tpu.memory_space<vmem>>, vector<1x16xi32>,
      %shift_right_logical3A_364 = arith.constant 16 : i32
      %shift_right_logical3A_365 = vector.broadcast %shift_right_logical3A_364 : i32 to vector<16xi32>
      %shift_right_logical3A_366 = arith.shrui %get3A_354, %shift_right_logical3A_365 : vector<16xi32>
      %swap3A_367 = arith.constant 1 : i32
      %swap3A_368 = arith.index_cast %swap3A_367 : i32 to index
      %swap3A_369 = arith.constant 112 : index
      %swap3A_370 = tpu.vector_load %arg8[%swap3A_368, %swap3A_369] {strides = array<i32>} : memref<2x128xi32, #tpu.memory_space<vmem>>, vector<1x16xi32>,
      %swap3A_371 = vector.shape_cast %swap3A_370 : vector<1x16xi32> to vector<16xi32>
      %swap3A_372 = vector.shape_cast %shift_right_logical3A_366 : vector<16xi32> to vector<1x16xi32>
      tpu.vector_store %arg8[%swap3A_368, %swap3A_369], %swap3A_372 {strides = array<i32>} : memref<2x128xi32, #tpu.memory_space<vmem>>, vector<1x16xi32>,
      %dma_start3A_373 = arith.constant 0 : i32
      %dma_start3A_374 = arith.constant 0 : i32
      %dma_start3A_375 = tpu.memref_slice %arg8[%dma_start3A_373, %dma_start3A_374] : memref<2x128xi32, #tpu.memory_space<vmem>> -> memref<1x128xi32, #tpu.memory_space<vmem>>
      %dma_start3A_376 = tpu.memref_squeeze %dma_start3A_375 : memref<1x128xi32, #tpu.memory_space<vmem>> -> memref<128xi32, #tpu.memory_space<vmem>>
      %dma_start3A_377 = arith.constant 0 : i32
      %dma_start3A_378 = arith.constant 0 : i32
      %dma_start3A_379 = tpu.memref_slice %arg3[%dma_start3A_377, %dma_start3A_378] : memref<10240x128xf32, #tpu.memory_space<hbm>> -> memref<10240x128xf32, #tpu.memory_space<hbm>>
      tpu.enqueue_indirect_dma source(%dma_start3A_379 : memref<10240x128xf32, #tpu.memory_space<hbm>>) target(%arg10 : memref<128x128xf32, #tpu.memory_space<vmem>>) offsets(%dma_start3A_376 : memref<128xi32, #tpu.memory_space<vmem>>) semaphore(%arg13 : memref<!tpu.dma_semaphore, #tpu.memory_space<semaphore_mem>>)
      %dma_wait3A = arith.constant 0 : i32
      %dma_wait3A_380 = arith.constant 0 : i32
      %dma_wait3A_381 = tpu.memref_slice %arg7[%dma_wait3A, %dma_wait3A_380] : memref<2x128xi32, #tpu.memory_space<vmem>> -> memref<1x128xi32, #tpu.memory_space<vmem>>
      %dma_wait3A_382 = tpu.memref_squeeze %dma_wait3A_381 : memref<1x128xi32, #tpu.memory_space<vmem>> -> memref<128xi32, #tpu.memory_space<vmem>>
      %dma_wait3A_383 = arith.constant 0 : i32
      %dma_wait3A_384 = arith.constant 0 : i32
      %dma_wait3A_385 = tpu.memref_slice %arg3[%dma_wait3A_383, %dma_wait3A_384] : memref<10240x128xf32, #tpu.memory_space<hbm>> -> memref<10240x128xf32, #tpu.memory_space<hbm>>
      tpu.wait_indirect_dma semaphore(%arg12 : memref<!tpu.dma_semaphore, #tpu.memory_space<semaphore_mem>>) src(%dma_wait3A_385 : memref<10240x128xf32, #tpu.memory_space<hbm>>) dst(%arg9 : memref<128x128xf32, #tpu.memory_space<vmem>>)
      %run_scoped3A = arith.constant 1 : i32
      "tpu.region"() ({
        %run_scoped3A_398 = tpu.sem_alloc : memref<!tpu.dma_semaphore, #tpu.memory_space<semaphore_mem>>
        %dma_start3A_399 = arith.constant 0 : i32
        %dma_start3A_400 = tpu.memref_slice %arg7[%run_scoped3A, %dma_start3A_399] : memref<2x128xi32, #tpu.memory_space<vmem>> -> memref<1x128xi32, #tpu.memory_space<vmem>>
        %dma_start3A_401 = tpu.memref_squeeze %dma_start3A_400 : memref<1x128xi32, #tpu.memory_space<vmem>> -> memref<128xi32, #tpu.memory_space<vmem>>
        %dma_start3A_402 = arith.constant 0 : i32
        %dma_start3A_403 = arith.constant 0 : i32
        %dma_start3A_404 = tpu.memref_slice %arg11[%dma_start3A_402, %dma_start3A_403] : memref<10240x128xf32, #tpu.memory_space<vmem_shared>> -> memref<10240x128xf32, #tpu.memory_space<vmem_shared>>
        tpu.enqueue_indirect_dma source(%arg9 : memref<128x128xf32, #tpu.memory_space<vmem>>) target(%dma_start3A_404 : memref<10240x128xf32, #tpu.memory_space<vmem_shared>>) offsets(%dma_start3A_401 : memref<128xi32, #tpu.memory_space<vmem>>) semaphore(%run_scoped3A_398 : memref<!tpu.dma_semaphore, #tpu.memory_space<semaphore_mem>>) {add = true}
        %dma_wait3A_405 = arith.constant 0 : i32
        %dma_wait3A_406 = tpu.memref_slice %arg7[%run_scoped3A, %dma_wait3A_405] : memref<2x128xi32, #tpu.memory_space<vmem>> -> memref<1x128xi32, #tpu.memory_space<vmem>>
        %dma_wait3A_407 = tpu.memref_squeeze %dma_wait3A_406 : memref<1x128xi32, #tpu.memory_space<vmem>> -> memref<128xi32, #tpu.memory_space<vmem>>
        %dma_wait3A_408 = arith.constant 0 : i32
        %dma_wait3A_409 = arith.constant 0 : i32
        %dma_wait3A_410 = tpu.memref_slice %arg11[%dma_wait3A_408, %dma_wait3A_409] : memref<10240x128xf32, #tpu.memory_space<vmem_shared>> -> memref<10240x128xf32, #tpu.memory_space<vmem_shared>>
        tpu.wait_indirect_dma semaphore(%run_scoped3A_398 : memref<!tpu.dma_semaphore, #tpu.memory_space<semaphore_mem>>) src(%arg9 : memref<128x128xf32, #tpu.memory_space<vmem>>) dst(%dma_wait3A_410 : memref<10240x128xf32, #tpu.memory_space<vmem_shared>>)
        tpu.yield
      }) : () -> ()
      %add3A_386 = arith.constant 2 : i32
      %add3A_387 = arith.addi %mul3A_195, %add3A_386 : i32
      %lt3A = arith.constant 80 : i32
      %lt3A_388 = arith.cmpi slt, %add3A_387, %lt3A : i32
      %convert_element_type3A = arith.extui %lt3A_388 : i1 to i32
      %cond3A = arith.constant 0 : i32
      %cond3A_389 = arith.cmpi ne, %convert_element_type3A, %cond3A : i32
      scf.if %cond3A_389 {
        %add3A_398 = arith.constant 2 : i32
        %add3A_399 = arith.addi %mul3A_195, %add3A_398 : i32
        %get3A_400 = arith.index_cast %add3A_399 : i32 to index
        %get3A_401 = arith.constant 0 : index
        %get3A_402 = tpu.vector_load %arg6[%get3A_400, %get3A_401] {strides = array<i32>} : memref<80x128xi32, #tpu.memory_space<vmem>>, vector<1x16xi32>,
        %get3A_403 = vector.shape_cast %get3A_402 : vector<1x16xi32> to vector<16xi32>
        %and3A_404 = arith.constant 65535 : i32
        %and3A_405 = vector.broadcast %and3A_404 : i32 to vector<16xi32>
        %and3A_406 = arith.andi %get3A_403, %and3A_405 : vector<16xi32>
        %swap3A_407 = arith.constant 0 : i32
        %swap3A_408 = arith.index_cast %swap3A_407 : i32 to index
        %swap3A_409 = arith.constant 0 : index
        %swap3A_410 = tpu.vector_load %arg7[%swap3A_408, %swap3A_409] {strides = array<i32>} : memref<2x128xi32, #tpu.memory_space<vmem>>, vector<1x16xi32>,
        %swap3A_411 = vector.shape_cast %swap3A_410 : vector<1x16xi32> to vector<16xi32>
        %swap3A_412 = vector.shape_cast %and3A_406 : vector<16xi32> to vector<1x16xi32>
        tpu.vector_store %arg7[%swap3A_408, %swap3A_409], %swap3A_412 {strides = array<i32>} : memref<2x128xi32, #tpu.memory_space<vmem>>, vector<1x16xi32>,
        %shift_right_logical3A_413 = arith.constant 16 : i32
        %shift_right_logical3A_414 = vector.broadcast %shift_right_logical3A_413 : i32 to vector<16xi32>
        %shift_right_logical3A_415 = arith.shrui %get3A_403, %shift_right_logical3A_414 : vector<16xi32>
        %swap3A_416 = arith.constant 1 : i32
        %swap3A_417 = arith.index_cast %swap3A_416 : i32 to index
        %swap3A_418 = arith.constant 0 : index
        %swap3A_419 = tpu.vector_load %arg7[%swap3A_417, %swap3A_418] {strides = array<i32>} : memref<2x128xi32, #tpu.memory_space<vmem>>, vector<1x16xi32>,
        %swap3A_420 = vector.shape_cast %swap3A_419 : vector<1x16xi32> to vector<16xi32>
        %swap3A_421 = vector.shape_cast %shift_right_logical3A_415 : vector<16xi32> to vector<1x16xi32>
        tpu.vector_store %arg7[%swap3A_417, %swap3A_418], %swap3A_421 {strides = array<i32>} : memref<2x128xi32, #tpu.memory_space<vmem>>, vector<1x16xi32>,
        %get3A_422 = arith.index_cast %add3A_399 : i32 to index
        %get3A_423 = arith.constant 16 : index
        %get3A_424 = tpu.vector_load %arg6[%get3A_422, %get3A_423] {strides = array<i32>} : memref<80x128xi32, #tpu.memory_space<vmem>>, vector<1x16xi32>,
        %get3A_425 = vector.shape_cast %get3A_424 : vector<1x16xi32> to vector<16xi32>
        %and3A_426 = arith.constant 65535 : i32
        %and3A_427 = vector.broadcast %and3A_426 : i32 to vector<16xi32>
        %and3A_428 = arith.andi %get3A_425, %and3A_427 : vector<16xi32>
        %swap3A_429 = arith.constant 0 : i32
        %swap3A_430 = arith.index_cast %swap3A_429 : i32 to index
        %swap3A_431 = arith.constant 16 : index
        %swap3A_432 = tpu.vector_load %arg7[%swap3A_430, %swap3A_431] {strides = array<i32>} : memref<2x128xi32, #tpu.memory_space<vmem>>, vector<1x16xi32>,
        %swap3A_433 = vector.shape_cast %swap3A_432 : vector<1x16xi32> to vector<16xi32>
        %swap3A_434 = vector.shape_cast %and3A_428 : vector<16xi32> to vector<1x16xi32>
        tpu.vector_store %arg7[%swap3A_430, %swap3A_431], %swap3A_434 {strides = array<i32>} : memref<2x128xi32, #tpu.memory_space<vmem>>, vector<1x16xi32>,
        %shift_right_logical3A_435 = arith.constant 16 : i32
        %shift_right_logical3A_436 = vector.broadcast %shift_right_logical3A_435 : i32 to vector<16xi32>
        %shift_right_logical3A_437 = arith.shrui %get3A_425, %shift_right_logical3A_436 : vector<16xi32>
        %swap3A_438 = arith.constant 1 : i32
        %swap3A_439 = arith.index_cast %swap3A_438 : i32 to index
        %swap3A_440 = arith.constant 16 : index
        %swap3A_441 = tpu.vector_load %arg7[%swap3A_439, %swap3A_440] {strides = array<i32>} : memref<2x128xi32, #tpu.memory_space<vmem>>, vector<1x16xi32>,
        %swap3A_442 = vector.shape_cast %swap3A_441 : vector<1x16xi32> to vector<16xi32>
        %swap3A_443 = vector.shape_cast %shift_right_logical3A_437 : vector<16xi32> to vector<1x16xi32>
        tpu.vector_store %arg7[%swap3A_439, %swap3A_440], %swap3A_443 {strides = array<i32>} : memref<2x128xi32, #tpu.memory_space<vmem>>, vector<1x16xi32>,
        %get3A_444 = arith.index_cast %add3A_399 : i32 to index
        %get3A_445 = arith.constant 32 : index
        %get3A_446 = tpu.vector_load %arg6[%get3A_444, %get3A_445] {strides = array<i32>} : memref<80x128xi32, #tpu.memory_space<vmem>>, vector<1x16xi32>,
        %get3A_447 = vector.shape_cast %get3A_446 : vector<1x16xi32> to vector<16xi32>
        %and3A_448 = arith.constant 65535 : i32
        %and3A_449 = vector.broadcast %and3A_448 : i32 to vector<16xi32>
        %and3A_450 = arith.andi %get3A_447, %and3A_449 : vector<16xi32>
        %swap3A_451 = arith.constant 0 : i32
        %swap3A_452 = arith.index_cast %swap3A_451 : i32 to index
        %swap3A_453 = arith.constant 32 : index
        %swap3A_454 = tpu.vector_load %arg7[%swap3A_452, %swap3A_453] {strides = array<i32>} : memref<2x128xi32, #tpu.memory_space<vmem>>, vector<1x16xi32>,
        %swap3A_455 = vector.shape_cast %swap3A_454 : vector<1x16xi32> to vector<16xi32>
        %swap3A_456 = vector.shape_cast %and3A_450 : vector<16xi32> to vector<1x16xi32>
        tpu.vector_store %arg7[%swap3A_452, %swap3A_453], %swap3A_456 {strides = array<i32>} : memref<2x128xi32, #tpu.memory_space<vmem>>, vector<1x16xi32>,
        %shift_right_logical3A_457 = arith.constant 16 : i32
        %shift_right_logical3A_458 = vector.broadcast %shift_right_logical3A_457 : i32 to vector<16xi32>
        %shift_right_logical3A_459 = arith.shrui %get3A_447, %shift_right_logical3A_458 : vector<16xi32>
        %swap3A_460 = arith.constant 1 : i32
        %swap3A_461 = arith.index_cast %swap3A_460 : i32 to index
        %swap3A_462 = arith.constant 32 : index
        %swap3A_463 = tpu.vector_load %arg7[%swap3A_461, %swap3A_462] {strides = array<i32>} : memref<2x128xi32, #tpu.memory_space<vmem>>, vector<1x16xi32>,
        %swap3A_464 = vector.shape_cast %swap3A_463 : vector<1x16xi32> to vector<16xi32>
        %swap3A_465 = vector.shape_cast %shift_right_logical3A_459 : vector<16xi32> to vector<1x16xi32>
        tpu.vector_store %arg7[%swap3A_461, %swap3A_462], %swap3A_465 {strides = array<i32>} : memref<2x128xi32, #tpu.memory_space<vmem>>, vector<1x16xi32>,
        %get3A_466 = arith.index_cast %add3A_399 : i32 to index
        %get3A_467 = arith.constant 48 : index
        %get3A_468 = tpu.vector_load %arg6[%get3A_466, %get3A_467] {strides = array<i32>} : memref<80x128xi32, #tpu.memory_space<vmem>>, vector<1x16xi32>,
        %get3A_469 = vector.shape_cast %get3A_468 : vector<1x16xi32> to vector<16xi32>
        %and3A_470 = arith.constant 65535 : i32
        %and3A_471 = vector.broadcast %and3A_470 : i32 to vector<16xi32>
        %and3A_472 = arith.andi %get3A_469, %and3A_471 : vector<16xi32>
        %swap3A_473 = arith.constant 0 : i32
        %swap3A_474 = arith.index_cast %swap3A_473 : i32 to index
        %swap3A_475 = arith.constant 48 : index
        %swap3A_476 = tpu.vector_load %arg7[%swap3A_474, %swap3A_475] {strides = array<i32>} : memref<2x128xi32, #tpu.memory_space<vmem>>, vector<1x16xi32>,
        %swap3A_477 = vector.shape_cast %swap3A_476 : vector<1x16xi32> to vector<16xi32>
        %swap3A_478 = vector.shape_cast %and3A_472 : vector<16xi32> to vector<1x16xi32>
        tpu.vector_store %arg7[%swap3A_474, %swap3A_475], %swap3A_478 {strides = array<i32>} : memref<2x128xi32, #tpu.memory_space<vmem>>, vector<1x16xi32>,
        %shift_right_logical3A_479 = arith.constant 16 : i32
        %shift_right_logical3A_480 = vector.broadcast %shift_right_logical3A_479 : i32 to vector<16xi32>
        %shift_right_logical3A_481 = arith.shrui %get3A_469, %shift_right_logical3A_480 : vector<16xi32>
        %swap3A_482 = arith.constant 1 : i32
        %swap3A_483 = arith.index_cast %swap3A_482 : i32 to index
        %swap3A_484 = arith.constant 48 : index
        %swap3A_485 = tpu.vector_load %arg7[%swap3A_483, %swap3A_484] {strides = array<i32>} : memref<2x128xi32, #tpu.memory_space<vmem>>, vector<1x16xi32>,
        %swap3A_486 = vector.shape_cast %swap3A_485 : vector<1x16xi32> to vector<16xi32>
        %swap3A_487 = vector.shape_cast %shift_right_logical3A_481 : vector<16xi32> to vector<1x16xi32>
        tpu.vector_store %arg7[%swap3A_483, %swap3A_484], %swap3A_487 {strides = array<i32>} : memref<2x128xi32, #tpu.memory_space<vmem>>, vector<1x16xi32>,
        %get3A_488 = arith.index_cast %add3A_399 : i32 to index
        %get3A_489 = arith.constant 64 : index
        %get3A_490 = tpu.vector_load %arg6[%get3A_488, %get3A_489] {strides = array<i32>} : memref<80x128xi32, #tpu.memory_space<vmem>>, vector<1x16xi32>,
        %get3A_491 = vector.shape_cast %get3A_490 : vector<1x16xi32> to vector<16xi32>
        %and3A_492 = arith.constant 65535 : i32
        %and3A_493 = vector.broadcast %and3A_492 : i32 to vector<16xi32>
        %and3A_494 = arith.andi %get3A_491, %and3A_493 : vector<16xi32>
        %swap3A_495 = arith.constant 0 : i32
        %swap3A_496 = arith.index_cast %swap3A_495 : i32 to index
        %swap3A_497 = arith.constant 64 : index
        %swap3A_498 = tpu.vector_load %arg7[%swap3A_496, %swap3A_497] {strides = array<i32>} : memref<2x128xi32, #tpu.memory_space<vmem>>, vector<1x16xi32>,
        %swap3A_499 = vector.shape_cast %swap3A_498 : vector<1x16xi32> to vector<16xi32>
        %swap3A_500 = vector.shape_cast %and3A_494 : vector<16xi32> to vector<1x16xi32>
        tpu.vector_store %arg7[%swap3A_496, %swap3A_497], %swap3A_500 {strides = array<i32>} : memref<2x128xi32, #tpu.memory_space<vmem>>, vector<1x16xi32>,
        %shift_right_logical3A_501 = arith.constant 16 : i32
        %shift_right_logical3A_502 = vector.broadcast %shift_right_logical3A_501 : i32 to vector<16xi32>
        %shift_right_logical3A_503 = arith.shrui %get3A_491, %shift_right_logical3A_502 : vector<16xi32>
        %swap3A_504 = arith.constant 1 : i32
        %swap3A_505 = arith.index_cast %swap3A_504 : i32 to index
        %swap3A_506 = arith.constant 64 : index
        %swap3A_507 = tpu.vector_load %arg7[%swap3A_505, %swap3A_506] {strides = array<i32>} : memref<2x128xi32, #tpu.memory_space<vmem>>, vector<1x16xi32>,
        %swap3A_508 = vector.shape_cast %swap3A_507 : vector<1x16xi32> to vector<16xi32>
        %swap3A_509 = vector.shape_cast %shift_right_logical3A_503 : vector<16xi32> to vector<1x16xi32>
        tpu.vector_store %arg7[%swap3A_505, %swap3A_506], %swap3A_509 {strides = array<i32>} : memref<2x128xi32, #tpu.memory_space<vmem>>, vector<1x16xi32>,
        %get3A_510 = arith.index_cast %add3A_399 : i32 to index
        %get3A_511 = arith.constant 80 : index
        %get3A_512 = tpu.vector_load %arg6[%get3A_510, %get3A_511] {strides = array<i32>} : memref<80x128xi32, #tpu.memory_space<vmem>>, vector<1x16xi32>,
        %get3A_513 = vector.shape_cast %get3A_512 : vector<1x16xi32> to vector<16xi32>
        %and3A_514 = arith.constant 65535 : i32
        %and3A_515 = vector.broadcast %and3A_514 : i32 to vector<16xi32>
        %and3A_516 = arith.andi %get3A_513, %and3A_515 : vector<16xi32>
        %swap3A_517 = arith.constant 0 : i32
        %swap3A_518 = arith.index_cast %swap3A_517 : i32 to index
        %swap3A_519 = arith.constant 80 : index
        %swap3A_520 = tpu.vector_load %arg7[%swap3A_518, %swap3A_519] {strides = array<i32>} : memref<2x128xi32, #tpu.memory_space<vmem>>, vector<1x16xi32>,
        %swap3A_521 = vector.shape_cast %swap3A_520 : vector<1x16xi32> to vector<16xi32>
        %swap3A_522 = vector.shape_cast %and3A_516 : vector<16xi32> to vector<1x16xi32>
        tpu.vector_store %arg7[%swap3A_518, %swap3A_519], %swap3A_522 {strides = array<i32>} : memref<2x128xi32, #tpu.memory_space<vmem>>, vector<1x16xi32>,
        %shift_right_logical3A_523 = arith.constant 16 : i32
        %shift_right_logical3A_524 = vector.broadcast %shift_right_logical3A_523 : i32 to vector<16xi32>
        %shift_right_logical3A_525 = arith.shrui %get3A_513, %shift_right_logical3A_524 : vector<16xi32>
        %swap3A_526 = arith.constant 1 : i32
        %swap3A_527 = arith.index_cast %swap3A_526 : i32 to index
        %swap3A_528 = arith.constant 80 : index
        %swap3A_529 = tpu.vector_load %arg7[%swap3A_527, %swap3A_528] {strides = array<i32>} : memref<2x128xi32, #tpu.memory_space<vmem>>, vector<1x16xi32>,
        %swap3A_530 = vector.shape_cast %swap3A_529 : vector<1x16xi32> to vector<16xi32>
        %swap3A_531 = vector.shape_cast %shift_right_logical3A_525 : vector<16xi32> to vector<1x16xi32>
        tpu.vector_store %arg7[%swap3A_527, %swap3A_528], %swap3A_531 {strides = array<i32>} : memref<2x128xi32, #tpu.memory_space<vmem>>, vector<1x16xi32>,
        %get3A_532 = arith.index_cast %add3A_399 : i32 to index
        %get3A_533 = arith.constant 96 : index
        %get3A_534 = tpu.vector_load %arg6[%get3A_532, %get3A_533] {strides = array<i32>} : memref<80x128xi32, #tpu.memory_space<vmem>>, vector<1x16xi32>,
        %get3A_535 = vector.shape_cast %get3A_534 : vector<1x16xi32> to vector<16xi32>
        %and3A_536 = arith.constant 65535 : i32
        %and3A_537 = vector.broadcast %and3A_536 : i32 to vector<16xi32>
        %and3A_538 = arith.andi %get3A_535, %and3A_537 : vector<16xi32>
        %swap3A_539 = arith.constant 0 : i32
        %swap3A_540 = arith.index_cast %swap3A_539 : i32 to index
        %swap3A_541 = arith.constant 96 : index
        %swap3A_542 = tpu.vector_load %arg7[%swap3A_540, %swap3A_541] {strides = array<i32>} : memref<2x128xi32, #tpu.memory_space<vmem>>, vector<1x16xi32>,
        %swap3A_543 = vector.shape_cast %swap3A_542 : vector<1x16xi32> to vector<16xi32>
        %swap3A_544 = vector.shape_cast %and3A_538 : vector<16xi32> to vector<1x16xi32>
        tpu.vector_store %arg7[%swap3A_540, %swap3A_541], %swap3A_544 {strides = array<i32>} : memref<2x128xi32, #tpu.memory_space<vmem>>, vector<1x16xi32>,
        %shift_right_logical3A_545 = arith.constant 16 : i32
        %shift_right_logical3A_546 = vector.broadcast %shift_right_logical3A_545 : i32 to vector<16xi32>
        %shift_right_logical3A_547 = arith.shrui %get3A_535, %shift_right_logical3A_546 : vector<16xi32>
        %swap3A_548 = arith.constant 1 : i32
        %swap3A_549 = arith.index_cast %swap3A_548 : i32 to index
        %swap3A_550 = arith.constant 96 : index
        %swap3A_551 = tpu.vector_load %arg7[%swap3A_549, %swap3A_550] {strides = array<i32>} : memref<2x128xi32, #tpu.memory_space<vmem>>, vector<1x16xi32>,
        %swap3A_552 = vector.shape_cast %swap3A_551 : vector<1x16xi32> to vector<16xi32>
        %swap3A_553 = vector.shape_cast %shift_right_logical3A_547 : vector<16xi32> to vector<1x16xi32>
        tpu.vector_store %arg7[%swap3A_549, %swap3A_550], %swap3A_553 {strides = array<i32>} : memref<2x128xi32, #tpu.memory_space<vmem>>, vector<1x16xi32>,
        %get3A_554 = arith.index_cast %add3A_399 : i32 to index
        %get3A_555 = arith.constant 112 : index
        %get3A_556 = tpu.vector_load %arg6[%get3A_554, %get3A_555] {strides = array<i32>} : memref<80x128xi32, #tpu.memory_space<vmem>>, vector<1x16xi32>,
        %get3A_557 = vector.shape_cast %get3A_556 : vector<1x16xi32> to vector<16xi32>
        %and3A_558 = arith.constant 65535 : i32
        %and3A_559 = vector.broadcast %and3A_558 : i32 to vector<16xi32>
        %and3A_560 = arith.andi %get3A_557, %and3A_559 : vector<16xi32>
        %swap3A_561 = arith.constant 0 : i32
        %swap3A_562 = arith.index_cast %swap3A_561 : i32 to index
        %swap3A_563 = arith.constant 112 : index
        %swap3A_564 = tpu.vector_load %arg7[%swap3A_562, %swap3A_563] {strides = array<i32>} : memref<2x128xi32, #tpu.memory_space<vmem>>, vector<1x16xi32>,
        %swap3A_565 = vector.shape_cast %swap3A_564 : vector<1x16xi32> to vector<16xi32>
        %swap3A_566 = vector.shape_cast %and3A_560 : vector<16xi32> to vector<1x16xi32>
        tpu.vector_store %arg7[%swap3A_562, %swap3A_563], %swap3A_566 {strides = array<i32>} : memref<2x128xi32, #tpu.memory_space<vmem>>, vector<1x16xi32>,
        %shift_right_logical3A_567 = arith.constant 16 : i32
        %shift_right_logical3A_568 = vector.broadcast %shift_right_logical3A_567 : i32 to vector<16xi32>
        %shift_right_logical3A_569 = arith.shrui %get3A_557, %shift_right_logical3A_568 : vector<16xi32>
        %swap3A_570 = arith.constant 1 : i32
        %swap3A_571 = arith.index_cast %swap3A_570 : i32 to index
        %swap3A_572 = arith.constant 112 : index
        %swap3A_573 = tpu.vector_load %arg7[%swap3A_571, %swap3A_572] {strides = array<i32>} : memref<2x128xi32, #tpu.memory_space<vmem>>, vector<1x16xi32>,
        %swap3A_574 = vector.shape_cast %swap3A_573 : vector<1x16xi32> to vector<16xi32>
        %swap3A_575 = vector.shape_cast %shift_right_logical3A_569 : vector<16xi32> to vector<1x16xi32>
        tpu.vector_store %arg7[%swap3A_571, %swap3A_572], %swap3A_575 {strides = array<i32>} : memref<2x128xi32, #tpu.memory_space<vmem>>, vector<1x16xi32>,
        %dma_start3A_576 = arith.constant 0 : i32
        %dma_start3A_577 = arith.constant 0 : i32
        %dma_start3A_578 = tpu.memref_slice %arg7[%dma_start3A_576, %dma_start3A_577] : memref<2x128xi32, #tpu.memory_space<vmem>> -> memref<1x128xi32, #tpu.memory_space<vmem>>
        %dma_start3A_579 = tpu.memref_squeeze %dma_start3A_578 : memref<1x128xi32, #tpu.memory_space<vmem>> -> memref<128xi32, #tpu.memory_space<vmem>>
        %dma_start3A_580 = arith.constant 0 : i32
        %dma_start3A_581 = arith.constant 0 : i32
        %dma_start3A_582 = tpu.memref_slice %arg3[%dma_start3A_580, %dma_start3A_581] : memref<10240x128xf32, #tpu.memory_space<hbm>> -> memref<10240x128xf32, #tpu.memory_space<hbm>>
        tpu.enqueue_indirect_dma source(%dma_start3A_582 : memref<10240x128xf32, #tpu.memory_space<hbm>>) target(%arg9 : memref<128x128xf32, #tpu.memory_space<vmem>>) offsets(%dma_start3A_579 : memref<128xi32, #tpu.memory_space<vmem>>) semaphore(%arg12 : memref<!tpu.dma_semaphore, #tpu.memory_space<semaphore_mem>>)
      } else {
      }
      %dma_wait3A_390 = arith.constant 0 : i32
      %dma_wait3A_391 = arith.constant 0 : i32
      %dma_wait3A_392 = tpu.memref_slice %arg8[%dma_wait3A_390, %dma_wait3A_391] : memref<2x128xi32, #tpu.memory_space<vmem>> -> memref<1x128xi32, #tpu.memory_space<vmem>>
      %dma_wait3A_393 = tpu.memref_squeeze %dma_wait3A_392 : memref<1x128xi32, #tpu.memory_space<vmem>> -> memref<128xi32, #tpu.memory_space<vmem>>
      %dma_wait3A_394 = arith.constant 0 : i32
      %dma_wait3A_395 = arith.constant 0 : i32
      %dma_wait3A_396 = tpu.memref_slice %arg3[%dma_wait3A_394, %dma_wait3A_395] : memref<10240x128xf32, #tpu.memory_space<hbm>> -> memref<10240x128xf32, #tpu.memory_space<hbm>>
      tpu.wait_indirect_dma semaphore(%arg13 : memref<!tpu.dma_semaphore, #tpu.memory_space<semaphore_mem>>) src(%dma_wait3A_396 : memref<10240x128xf32, #tpu.memory_space<hbm>>) dst(%arg10 : memref<128x128xf32, #tpu.memory_space<vmem>>)
      %run_scoped3A_397 = arith.constant 1 : i32
      "tpu.region"() ({
        %run_scoped3A_398 = tpu.sem_alloc : memref<!tpu.dma_semaphore, #tpu.memory_space<semaphore_mem>>
        %dma_start3A_399 = arith.constant 0 : i32
        %dma_start3A_400 = tpu.memref_slice %arg8[%run_scoped3A_397, %dma_start3A_399] : memref<2x128xi32, #tpu.memory_space<vmem>> -> memref<1x128xi32, #tpu.memory_space<vmem>>
        %dma_start3A_401 = tpu.memref_squeeze %dma_start3A_400 : memref<1x128xi32, #tpu.memory_space<vmem>> -> memref<128xi32, #tpu.memory_space<vmem>>
        %dma_start3A_402 = arith.constant 0 : i32
        %dma_start3A_403 = arith.constant 0 : i32
        %dma_start3A_404 = tpu.memref_slice %arg11[%dma_start3A_402, %dma_start3A_403] : memref<10240x128xf32, #tpu.memory_space<vmem_shared>> -> memref<10240x128xf32, #tpu.memory_space<vmem_shared>>
        tpu.enqueue_indirect_dma source(%arg10 : memref<128x128xf32, #tpu.memory_space<vmem>>) target(%dma_start3A_404 : memref<10240x128xf32, #tpu.memory_space<vmem_shared>>) offsets(%dma_start3A_401 : memref<128xi32, #tpu.memory_space<vmem>>) semaphore(%run_scoped3A_398 : memref<!tpu.dma_semaphore, #tpu.memory_space<semaphore_mem>>) {add = true}
        %dma_wait3A_405 = arith.constant 0 : i32
        %dma_wait3A_406 = tpu.memref_slice %arg8[%run_scoped3A_397, %dma_wait3A_405] : memref<2x128xi32, #tpu.memory_space<vmem>> -> memref<1x128xi32, #tpu.memory_space<vmem>>
        %dma_wait3A_407 = tpu.memref_squeeze %dma_wait3A_406 : memref<1x128xi32, #tpu.memory_space<vmem>> -> memref<128xi32, #tpu.memory_space<vmem>>
        %dma_wait3A_408 = arith.constant 0 : i32
        %dma_wait3A_409 = arith.constant 0 : i32
        %dma_wait3A_410 = tpu.memref_slice %arg11[%dma_wait3A_408, %dma_wait3A_409] : memref<10240x128xf32, #tpu.memory_space<vmem_shared>> -> memref<10240x128xf32, #tpu.memory_space<vmem_shared>>
        tpu.wait_indirect_dma semaphore(%run_scoped3A_398 : memref<!tpu.dma_semaphore, #tpu.memory_space<semaphore_mem>>) src(%arg10 : memref<128x128xf32, #tpu.memory_space<vmem>>) dst(%dma_wait3A_410 : memref<10240x128xf32, #tpu.memory_space<vmem_shared>>)
        tpu.yield
      }) : () -> ()
    }
    %scan3A_191 = arith.constant 40 : i32
    %barrier3A_192 = arith.constant 0 : index
    tpu.barrier barrier_id(%barrier3A_192)
    "tpu.region"() ({
      %run_scoped3A = tpu.sem_alloc : memref<!tpu.dma_semaphore, #tpu.memory_space<semaphore_mem>>
      %dma_start3A_193 = arith.constant 0 : i32
      %dma_start3A_194 = tpu.memref_slice %arg5[%arg0, %mul3A_0, %dma_start3A_193] : memref<2x10240x128xf32, #tpu.memory_space<hbm>> -> memref<1x640x128xf32, #tpu.memory_space<hbm>>
      %dma_start3A_195 = tpu.memref_squeeze %dma_start3A_194 : memref<1x640x128xf32, #tpu.memory_space<hbm>> -> memref<640x128xf32, #tpu.memory_space<hbm>>
      %dma_start3A_196 = arith.constant 0 : i32
      %dma_start3A_197 = tpu.memref_slice %arg11[%mul3A_0, %dma_start3A_196] : memref<10240x128xf32, #tpu.memory_space<vmem_shared>> -> memref<640x128xf32, #tpu.memory_space<vmem_shared>>
      tpu.enqueue_dma source(%dma_start3A_197 : memref<640x128xf32, #tpu.memory_space<vmem_shared>>) target(%dma_start3A_195 : memref<640x128xf32, #tpu.memory_space<hbm>>) target_semaphore(%run_scoped3A : memref<!tpu.dma_semaphore, #tpu.memory_space<semaphore_mem>>)
      %dma_wait3A = arith.constant 0 : i32
      %dma_wait3A_198 = tpu.memref_slice %arg5[%arg0, %mul3A_0, %dma_wait3A] : memref<2x10240x128xf32, #tpu.memory_space<hbm>> -> memref<1x640x128xf32, #tpu.memory_space<hbm>>
      %dma_wait3A_199 = tpu.memref_squeeze %dma_wait3A_198 : memref<1x640x128xf32, #tpu.memory_space<hbm>> -> memref<640x128xf32, #tpu.memory_space<hbm>>
      %dma_wait3A_200 = arith.constant 0 : i32
      %dma_wait3A_201 = tpu.memref_slice %arg11[%mul3A_0, %dma_wait3A_200] : memref<10240x128xf32, #tpu.memory_space<vmem_shared>> -> memref<640x128xf32, #tpu.memory_space<vmem_shared>>
      tpu.wait_dma2 semaphore(%run_scoped3A : memref<!tpu.dma_semaphore, #tpu.memory_space<semaphore_mem>>) src(%dma_wait3A_201 : memref<640x128xf32, #tpu.memory_space<vmem_shared>>) dst(%dma_wait3A_199 : memref<640x128xf32, #tpu.memory_space<hbm>>)
      tpu.yield
    }) : () -> ()
    return
  }
}

#map = affine_map<(d0, d1) -> (0, 0, 0, 0)>
#map1 = affine_map<(d0, d1) -> (0, 0)>
#map2 = affine_map<(d0, d1) -> (0, 0, 0)>
module attributes {stable_mosaic.version = 14 : i64} {
  func.func @_agg_body(%arg0: i32, %arg1: i32, %arg2: memref<2x16x80x128xi32, #tpu.memory_space<hbm>>, %arg3: memref<10240x128xf32, #tpu.memory_space<hbm>>, %arg4: memref<640x128xf32, #tpu.memory_space<hbm>>, %arg5: memref<2x10240x128xf32, #tpu.memory_space<hbm>>, %arg6: memref<80x128xi32, #tpu.memory_space<vmem>>, %arg7: memref<2x128xi32, #tpu.memory_space<vmem>>, %arg8: memref<2x128xi32, #tpu.memory_space<vmem>>, %arg9: memref<128x128xf32, #tpu.memory_space<vmem>>, %arg10: memref<128x128xf32, #tpu.memory_space<vmem>>, %arg11: memref<10240x128xf32, #tpu.memory_space<vmem_shared>>, %arg12: memref<!tpu.dma_semaphore, #tpu.memory_space<semaphore_mem>>, %arg13: memref<!tpu.dma_semaphore, #tpu.memory_space<semaphore_mem>>) attributes {dimension_semantics = [#tpu.dimension_semantics<core_parallel>, #tpu.dimension_semantics<subcore_parallel>], iteration_bounds = array<i64: 2, 16>, scalar_prefetch = 0 : i64, scratch_operands = 8 : i64, tpu.core_type = #tpu.core_type<sc_vector_subcore>, window_params = [{transform_indices = #map}, {transform_indices = #map1}, {transform_indices = #map1}, {transform_indices = #map2}]} {
    "tpu.region"() ({
      %run_scoped3A = tpu.sem_alloc : memref<!tpu.dma_semaphore, #tpu.memory_space<semaphore_mem>>
      %dma_start3A_193 = arith.constant 0 : i32
      %dma_start3A_194 = arith.constant 0 : i32
      %dma_start3A_195 = tpu.memref_slice %arg2[%arg0, %arg1, %dma_start3A_193, %dma_start3A_194] : memref<2x16x80x128xi32, #tpu.memory_space<hbm>> -> memref<1x1x80x128xi32, #tpu.memory_space<hbm>>
      %dma_start3A_196 = tpu.memref_squeeze %dma_start3A_195 : memref<1x1x80x128xi32, #tpu.memory_space<hbm>> -> memref<80x128xi32, #tpu.memory_space<hbm>>
      %dma_start3A_197 = arith.constant 0 : i32
      %dma_start3A_198 = arith.constant 0 : i32
      %dma_start3A_199 = tpu.memref_slice %arg2[%arg0, %arg1, %dma_start3A_197, %dma_start3A_198] : memref<2x16x80x128xi32, #tpu.memory_space<hbm>> -> memref<1x1x80x128xi32, #tpu.memory_space<hbm>>
      %dma_start3A_200 = tpu.memref_squeeze %dma_start3A_199 : memref<1x1x80x128xi32, #tpu.memory_space<hbm>> -> memref<80x128xi32, #tpu.memory_space<hbm>>
      tpu.enqueue_dma source(%dma_start3A_200 : memref<80x128xi32, #tpu.memory_space<hbm>>) target(%arg6 : memref<80x128xi32, #tpu.memory_space<vmem>>) target_semaphore(%run_scoped3A : memref<!tpu.dma_semaphore, #tpu.memory_space<semaphore_mem>>)
      %dma_wait3A = arith.constant 0 : i32
      %dma_wait3A_201 = arith.constant 0 : i32
      %dma_wait3A_202 = tpu.memref_slice %arg2[%arg0, %arg1, %dma_wait3A, %dma_wait3A_201] : memref<2x16x80x128xi32, #tpu.memory_space<hbm>> -> memref<1x1x80x128xi32, #tpu.memory_space<hbm>>
      %dma_wait3A_203 = tpu.memref_squeeze %dma_wait3A_202 : memref<1x1x80x128xi32, #tpu.memory_space<hbm>> -> memref<80x128xi32, #tpu.memory_space<hbm>>
      %dma_wait3A_204 = arith.constant 0 : i32
      %dma_wait3A_205 = arith.constant 0 : i32
      %dma_wait3A_206 = tpu.memref_slice %arg2[%arg0, %arg1, %dma_wait3A_204, %dma_wait3A_205] : memref<2x16x80x128xi32, #tpu.memory_space<hbm>> -> memref<1x1x80x128xi32, #tpu.memory_space<hbm>>
      %dma_wait3A_207 = tpu.memref_squeeze %dma_wait3A_206 : memref<1x1x80x128xi32, #tpu.memory_space<hbm>> -> memref<80x128xi32, #tpu.memory_space<hbm>>
      tpu.wait_dma2 semaphore(%run_scoped3A : memref<!tpu.dma_semaphore, #tpu.memory_space<semaphore_mem>>) src(%dma_wait3A_207 : memref<80x128xi32, #tpu.memory_space<hbm>>) dst(%arg6 : memref<80x128xi32, #tpu.memory_space<vmem>>)
      tpu.yield
    }) : () -> ()
    %mul3A = arith.constant 640 : i32
    %mul3A_0 = arith.muli %arg1, %mul3A : i32
    "tpu.region"() ({
      %run_scoped3A = tpu.sem_alloc : memref<!tpu.dma_semaphore, #tpu.memory_space<semaphore_mem>>
      %dma_start3A_193 = arith.constant 0 : i32
      %dma_start3A_194 = tpu.memref_slice %arg11[%mul3A_0, %dma_start3A_193] : memref<10240x128xf32, #tpu.memory_space<vmem_shared>> -> memref<640x128xf32, #tpu.memory_space<vmem_shared>>
      tpu.enqueue_dma source(%arg4 : memref<640x128xf32, #tpu.memory_space<hbm>>) target(%dma_start3A_194 : memref<640x128xf32, #tpu.memory_space<vmem_shared>>) target_semaphore(%run_scoped3A : memref<!tpu.dma_semaphore, #tpu.memory_space<semaphore_mem>>)
      %dma_wait3A = arith.constant 0 : i32
      %dma_wait3A_195 = tpu.memref_slice %arg11[%mul3A_0, %dma_wait3A] : memref<10240x128xf32, #tpu.memory_space<vmem_shared>> -> memref<640x128xf32, #tpu.memory_space<vmem_shared>>
      tpu.wait_dma2 semaphore(%run_scoped3A : memref<!tpu.dma_semaphore, #tpu.memory_space<semaphore_mem>>) src(%arg4 : memref<640x128xf32, #tpu.memory_space<hbm>>) dst(%dma_wait3A_195 : memref<640x128xf32, #tpu.memory_space<vmem_shared>>)
      tpu.yield
    }) : () -> ()
    %barrier3A = arith.constant 0 : index
    tpu.barrier barrier_id(%barrier3A)
    %get3A = arith.constant 0 : i32
    %get3A_1 = arith.index_cast %get3A : i32 to index
    %get3A_2 = arith.constant 0 : index
    %get3A_3 = tpu.vector_load %arg6[%get3A_1, %get3A_2] {strides = array<i32>} : memref<80x128xi32, #tpu.memory_space<vmem>>, vector<1x16xi32>,
    %get3A_4 = vector.shape_cast %get3A_3 : vector<1x16xi32> to vector<16xi32>
    %and3A = arith.constant 65535 : i32
    %and3A_5 = vector.broadcast %and3A : i32 to vector<16xi32>
    %and3A_6 = arith.andi %get3A_4, %and3A_5 : vector<16xi32>
    %swap3A = arith.constant 0 : i32
    %swap3A_7 = arith.index_cast %swap3A : i32 to index
    %swap3A_8 = arith.constant 0 : index
    %swap3A_9 = tpu.vector_load %arg7[%swap3A_7, %swap3A_8] {strides = array<i32>} : memref<2x128xi32, #tpu.memory_space<vmem>>, vector<1x16xi32>,
    %swap3A_10 = vector.shape_cast %swap3A_9 : vector<1x16xi32> to vector<16xi32>
    %swap3A_11 = vector.shape_cast %and3A_6 : vector<16xi32> to vector<1x16xi32>
    tpu.vector_store %arg7[%swap3A_7, %swap3A_8], %swap3A_11 {strides = array<i32>} : memref<2x128xi32, #tpu.memory_space<vmem>>, vector<1x16xi32>,
    %shift_right_logical3A = arith.constant 16 : i32
    %shift_right_logical3A_12 = vector.broadcast %shift_right_logical3A : i32 to vector<16xi32>
    %shift_right_logical3A_13 = arith.shrui %get3A_4, %shift_right_logical3A_12 : vector<16xi32>
    %swap3A_14 = arith.constant 1 : i32
    %swap3A_15 = arith.index_cast %swap3A_14 : i32 to index
    %swap3A_16 = arith.constant 0 : index
    %swap3A_17 = tpu.vector_load %arg7[%swap3A_15, %swap3A_16] {strides = array<i32>} : memref<2x128xi32, #tpu.memory_space<vmem>>, vector<1x16xi32>,
    %swap3A_18 = vector.shape_cast %swap3A_17 : vector<1x16xi32> to vector<16xi32>
    %swap3A_19 = vector.shape_cast %shift_right_logical3A_13 : vector<16xi32> to vector<1x16xi32>
    tpu.vector_store %arg7[%swap3A_15, %swap3A_16], %swap3A_19 {strides = array<i32>} : memref<2x128xi32, #tpu.memory_space<vmem>>, vector<1x16xi32>,
    %get3A_20 = arith.constant 0 : i32
    %get3A_21 = arith.index_cast %get3A_20 : i32 to index
    %get3A_22 = arith.constant 16 : index
    %get3A_23 = tpu.vector_load %arg6[%get3A_21, %get3A_22] {strides = array<i32>} : memref<80x128xi32, #tpu.memory_space<vmem>>, vector<1x16xi32>,
    %get3A_24 = vector.shape_cast %get3A_23 : vector<1x16xi32> to vector<16xi32>
    %and3A_25 = arith.constant 65535 : i32
    %and3A_26 = vector.broadcast %and3A_25 : i32 to vector<16xi32>
    %and3A_27 = arith.andi %get3A_24, %and3A_26 : vector<16xi32>
    %swap3A_28 = arith.constant 0 : i32
    %swap3A_29 = arith.index_cast %swap3A_28 : i32 to index
    %swap3A_30 = arith.constant 16 : index
    %swap3A_31 = tpu.vector_load %arg7[%swap3A_29, %swap3A_30] {strides = array<i32>} : memref<2x128xi32, #tpu.memory_space<vmem>>, vector<1x16xi32>,
    %swap3A_32 = vector.shape_cast %swap3A_31 : vector<1x16xi32> to vector<16xi32>
    %swap3A_33 = vector.shape_cast %and3A_27 : vector<16xi32> to vector<1x16xi32>
    tpu.vector_store %arg7[%swap3A_29, %swap3A_30], %swap3A_33 {strides = array<i32>} : memref<2x128xi32, #tpu.memory_space<vmem>>, vector<1x16xi32>,
    %shift_right_logical3A_34 = arith.constant 16 : i32
    %shift_right_logical3A_35 = vector.broadcast %shift_right_logical3A_34 : i32 to vector<16xi32>
    %shift_right_logical3A_36 = arith.shrui %get3A_24, %shift_right_logical3A_35 : vector<16xi32>
    %swap3A_37 = arith.constant 1 : i32
    %swap3A_38 = arith.index_cast %swap3A_37 : i32 to index
    %swap3A_39 = arith.constant 16 : index
    %swap3A_40 = tpu.vector_load %arg7[%swap3A_38, %swap3A_39] {strides = array<i32>} : memref<2x128xi32, #tpu.memory_space<vmem>>, vector<1x16xi32>,
    %swap3A_41 = vector.shape_cast %swap3A_40 : vector<1x16xi32> to vector<16xi32>
    %swap3A_42 = vector.shape_cast %shift_right_logical3A_36 : vector<16xi32> to vector<1x16xi32>
    tpu.vector_store %arg7[%swap3A_38, %swap3A_39], %swap3A_42 {strides = array<i32>} : memref<2x128xi32, #tpu.memory_space<vmem>>, vector<1x16xi32>,
    %get3A_43 = arith.constant 0 : i32
    %get3A_44 = arith.index_cast %get3A_43 : i32 to index
    %get3A_45 = arith.constant 32 : index
    %get3A_46 = tpu.vector_load %arg6[%get3A_44, %get3A_45] {strides = array<i32>} : memref<80x128xi32, #tpu.memory_space<vmem>>, vector<1x16xi32>,
    %get3A_47 = vector.shape_cast %get3A_46 : vector<1x16xi32> to vector<16xi32>
    %and3A_48 = arith.constant 65535 : i32
    %and3A_49 = vector.broadcast %and3A_48 : i32 to vector<16xi32>
    %and3A_50 = arith.andi %get3A_47, %and3A_49 : vector<16xi32>
    %swap3A_51 = arith.constant 0 : i32
    %swap3A_52 = arith.index_cast %swap3A_51 : i32 to index
    %swap3A_53 = arith.constant 32 : index
    %swap3A_54 = tpu.vector_load %arg7[%swap3A_52, %swap3A_53] {strides = array<i32>} : memref<2x128xi32, #tpu.memory_space<vmem>>, vector<1x16xi32>,
    %swap3A_55 = vector.shape_cast %swap3A_54 : vector<1x16xi32> to vector<16xi32>
    %swap3A_56 = vector.shape_cast %and3A_50 : vector<16xi32> to vector<1x16xi32>
    tpu.vector_store %arg7[%swap3A_52, %swap3A_53], %swap3A_56 {strides = array<i32>} : memref<2x128xi32, #tpu.memory_space<vmem>>, vector<1x16xi32>,
    %shift_right_logical3A_57 = arith.constant 16 : i32
    %shift_right_logical3A_58 = vector.broadcast %shift_right_logical3A_57 : i32 to vector<16xi32>
    %shift_right_logical3A_59 = arith.shrui %get3A_47, %shift_right_logical3A_58 : vector<16xi32>
    %swap3A_60 = arith.constant 1 : i32
    %swap3A_61 = arith.index_cast %swap3A_60 : i32 to index
    %swap3A_62 = arith.constant 32 : index
    %swap3A_63 = tpu.vector_load %arg7[%swap3A_61, %swap3A_62] {strides = array<i32>} : memref<2x128xi32, #tpu.memory_space<vmem>>, vector<1x16xi32>,
    %swap3A_64 = vector.shape_cast %swap3A_63 : vector<1x16xi32> to vector<16xi32>
    %swap3A_65 = vector.shape_cast %shift_right_logical3A_59 : vector<16xi32> to vector<1x16xi32>
    tpu.vector_store %arg7[%swap3A_61, %swap3A_62], %swap3A_65 {strides = array<i32>} : memref<2x128xi32, #tpu.memory_space<vmem>>, vector<1x16xi32>,
    %get3A_66 = arith.constant 0 : i32
    %get3A_67 = arith.index_cast %get3A_66 : i32 to index
    %get3A_68 = arith.constant 48 : index
    %get3A_69 = tpu.vector_load %arg6[%get3A_67, %get3A_68] {strides = array<i32>} : memref<80x128xi32, #tpu.memory_space<vmem>>, vector<1x16xi32>,
    %get3A_70 = vector.shape_cast %get3A_69 : vector<1x16xi32> to vector<16xi32>
    %and3A_71 = arith.constant 65535 : i32
    %and3A_72 = vector.broadcast %and3A_71 : i32 to vector<16xi32>
    %and3A_73 = arith.andi %get3A_70, %and3A_72 : vector<16xi32>
    %swap3A_74 = arith.constant 0 : i32
    %swap3A_75 = arith.index_cast %swap3A_74 : i32 to index
    %swap3A_76 = arith.constant 48 : index
    %swap3A_77 = tpu.vector_load %arg7[%swap3A_75, %swap3A_76] {strides = array<i32>} : memref<2x128xi32, #tpu.memory_space<vmem>>, vector<1x16xi32>,
    %swap3A_78 = vector.shape_cast %swap3A_77 : vector<1x16xi32> to vector<16xi32>
    %swap3A_79 = vector.shape_cast %and3A_73 : vector<16xi32> to vector<1x16xi32>
    tpu.vector_store %arg7[%swap3A_75, %swap3A_76], %swap3A_79 {strides = array<i32>} : memref<2x128xi32, #tpu.memory_space<vmem>>, vector<1x16xi32>,
    %shift_right_logical3A_80 = arith.constant 16 : i32
    %shift_right_logical3A_81 = vector.broadcast %shift_right_logical3A_80 : i32 to vector<16xi32>
    %shift_right_logical3A_82 = arith.shrui %get3A_70, %shift_right_logical3A_81 : vector<16xi32>
    %swap3A_83 = arith.constant 1 : i32
    %swap3A_84 = arith.index_cast %swap3A_83 : i32 to index
    %swap3A_85 = arith.constant 48 : index
    %swap3A_86 = tpu.vector_load %arg7[%swap3A_84, %swap3A_85] {strides = array<i32>} : memref<2x128xi32, #tpu.memory_space<vmem>>, vector<1x16xi32>,
    %swap3A_87 = vector.shape_cast %swap3A_86 : vector<1x16xi32> to vector<16xi32>
    %swap3A_88 = vector.shape_cast %shift_right_logical3A_82 : vector<16xi32> to vector<1x16xi32>
    tpu.vector_store %arg7[%swap3A_84, %swap3A_85], %swap3A_88 {strides = array<i32>} : memref<2x128xi32, #tpu.memory_space<vmem>>, vector<1x16xi32>,
    %get3A_89 = arith.constant 0 : i32
    %get3A_90 = arith.index_cast %get3A_89 : i32 to index
    %get3A_91 = arith.constant 64 : index
    %get3A_92 = tpu.vector_load %arg6[%get3A_90, %get3A_91] {strides = array<i32>} : memref<80x128xi32, #tpu.memory_space<vmem>>, vector<1x16xi32>,
    %get3A_93 = vector.shape_cast %get3A_92 : vector<1x16xi32> to vector<16xi32>
    %and3A_94 = arith.constant 65535 : i32
    %and3A_95 = vector.broadcast %and3A_94 : i32 to vector<16xi32>
    %and3A_96 = arith.andi %get3A_93, %and3A_95 : vector<16xi32>
    %swap3A_97 = arith.constant 0 : i32
    %swap3A_98 = arith.index_cast %swap3A_97 : i32 to index
    %swap3A_99 = arith.constant 64 : index
    %swap3A_100 = tpu.vector_load %arg7[%swap3A_98, %swap3A_99] {strides = array<i32>} : memref<2x128xi32, #tpu.memory_space<vmem>>, vector<1x16xi32>,
    %swap3A_101 = vector.shape_cast %swap3A_100 : vector<1x16xi32> to vector<16xi32>
    %swap3A_102 = vector.shape_cast %and3A_96 : vector<16xi32> to vector<1x16xi32>
    tpu.vector_store %arg7[%swap3A_98, %swap3A_99], %swap3A_102 {strides = array<i32>} : memref<2x128xi32, #tpu.memory_space<vmem>>, vector<1x16xi32>,
    %shift_right_logical3A_103 = arith.constant 16 : i32
    %shift_right_logical3A_104 = vector.broadcast %shift_right_logical3A_103 : i32 to vector<16xi32>
    %shift_right_logical3A_105 = arith.shrui %get3A_93, %shift_right_logical3A_104 : vector<16xi32>
    %swap3A_106 = arith.constant 1 : i32
    %swap3A_107 = arith.index_cast %swap3A_106 : i32 to index
    %swap3A_108 = arith.constant 64 : index
    %swap3A_109 = tpu.vector_load %arg7[%swap3A_107, %swap3A_108] {strides = array<i32>} : memref<2x128xi32, #tpu.memory_space<vmem>>, vector<1x16xi32>,
    %swap3A_110 = vector.shape_cast %swap3A_109 : vector<1x16xi32> to vector<16xi32>
    %swap3A_111 = vector.shape_cast %shift_right_logical3A_105 : vector<16xi32> to vector<1x16xi32>
    tpu.vector_store %arg7[%swap3A_107, %swap3A_108], %swap3A_111 {strides = array<i32>} : memref<2x128xi32, #tpu.memory_space<vmem>>, vector<1x16xi32>,
    %get3A_112 = arith.constant 0 : i32
    %get3A_113 = arith.index_cast %get3A_112 : i32 to index
    %get3A_114 = arith.constant 80 : index
    %get3A_115 = tpu.vector_load %arg6[%get3A_113, %get3A_114] {strides = array<i32>} : memref<80x128xi32, #tpu.memory_space<vmem>>, vector<1x16xi32>,
    %get3A_116 = vector.shape_cast %get3A_115 : vector<1x16xi32> to vector<16xi32>
    %and3A_117 = arith.constant 65535 : i32
    %and3A_118 = vector.broadcast %and3A_117 : i32 to vector<16xi32>
    %and3A_119 = arith.andi %get3A_116, %and3A_118 : vector<16xi32>
    %swap3A_120 = arith.constant 0 : i32
    %swap3A_121 = arith.index_cast %swap3A_120 : i32 to index
    %swap3A_122 = arith.constant 80 : index
    %swap3A_123 = tpu.vector_load %arg7[%swap3A_121, %swap3A_122] {strides = array<i32>} : memref<2x128xi32, #tpu.memory_space<vmem>>, vector<1x16xi32>,
    %swap3A_124 = vector.shape_cast %swap3A_123 : vector<1x16xi32> to vector<16xi32>
    %swap3A_125 = vector.shape_cast %and3A_119 : vector<16xi32> to vector<1x16xi32>
    tpu.vector_store %arg7[%swap3A_121, %swap3A_122], %swap3A_125 {strides = array<i32>} : memref<2x128xi32, #tpu.memory_space<vmem>>, vector<1x16xi32>,
    %shift_right_logical3A_126 = arith.constant 16 : i32
    %shift_right_logical3A_127 = vector.broadcast %shift_right_logical3A_126 : i32 to vector<16xi32>
    %shift_right_logical3A_128 = arith.shrui %get3A_116, %shift_right_logical3A_127 : vector<16xi32>
    %swap3A_129 = arith.constant 1 : i32
    %swap3A_130 = arith.index_cast %swap3A_129 : i32 to index
    %swap3A_131 = arith.constant 80 : index
    %swap3A_132 = tpu.vector_load %arg7[%swap3A_130, %swap3A_131] {strides = array<i32>} : memref<2x128xi32, #tpu.memory_space<vmem>>, vector<1x16xi32>,
    %swap3A_133 = vector.shape_cast %swap3A_132 : vector<1x16xi32> to vector<16xi32>
    %swap3A_134 = vector.shape_cast %shift_right_logical3A_128 : vector<16xi32> to vector<1x16xi32>
    tpu.vector_store %arg7[%swap3A_130, %swap3A_131], %swap3A_134 {strides = array<i32>} : memref<2x128xi32, #tpu.memory_space<vmem>>, vector<1x16xi32>,
    %get3A_135 = arith.constant 0 : i32
    %get3A_136 = arith.index_cast %get3A_135 : i32 to index
    %get3A_137 = arith.constant 96 : index
    %get3A_138 = tpu.vector_load %arg6[%get3A_136, %get3A_137] {strides = array<i32>} : memref<80x128xi32, #tpu.memory_space<vmem>>, vector<1x16xi32>,
    %get3A_139 = vector.shape_cast %get3A_138 : vector<1x16xi32> to vector<16xi32>
    %and3A_140 = arith.constant 65535 : i32
    %and3A_141 = vector.broadcast %and3A_140 : i32 to vector<16xi32>
    %and3A_142 = arith.andi %get3A_139, %and3A_141 : vector<16xi32>
    %swap3A_143 = arith.constant 0 : i32
    %swap3A_144 = arith.index_cast %swap3A_143 : i32 to index
    %swap3A_145 = arith.constant 96 : index
    %swap3A_146 = tpu.vector_load %arg7[%swap3A_144, %swap3A_145] {strides = array<i32>} : memref<2x128xi32, #tpu.memory_space<vmem>>, vector<1x16xi32>,
    %swap3A_147 = vector.shape_cast %swap3A_146 : vector<1x16xi32> to vector<16xi32>
    %swap3A_148 = vector.shape_cast %and3A_142 : vector<16xi32> to vector<1x16xi32>
    tpu.vector_store %arg7[%swap3A_144, %swap3A_145], %swap3A_148 {strides = array<i32>} : memref<2x128xi32, #tpu.memory_space<vmem>>, vector<1x16xi32>,
    %shift_right_logical3A_149 = arith.constant 16 : i32
    %shift_right_logical3A_150 = vector.broadcast %shift_right_logical3A_149 : i32 to vector<16xi32>
    %shift_right_logical3A_151 = arith.shrui %get3A_139, %shift_right_logical3A_150 : vector<16xi32>
    %swap3A_152 = arith.constant 1 : i32
    %swap3A_153 = arith.index_cast %swap3A_152 : i32 to index
    %swap3A_154 = arith.constant 96 : index
    %swap3A_155 = tpu.vector_load %arg7[%swap3A_153, %swap3A_154] {strides = array<i32>} : memref<2x128xi32, #tpu.memory_space<vmem>>, vector<1x16xi32>,
    %swap3A_156 = vector.shape_cast %swap3A_155 : vector<1x16xi32> to vector<16xi32>
    %swap3A_157 = vector.shape_cast %shift_right_logical3A_151 : vector<16xi32> to vector<1x16xi32>
    tpu.vector_store %arg7[%swap3A_153, %swap3A_154], %swap3A_157 {strides = array<i32>} : memref<2x128xi32, #tpu.memory_space<vmem>>, vector<1x16xi32>,
    %get3A_158 = arith.constant 0 : i32
    %get3A_159 = arith.index_cast %get3A_158 : i32 to index
    %get3A_160 = arith.constant 112 : index
    %get3A_161 = tpu.vector_load %arg6[%get3A_159, %get3A_160] {strides = array<i32>} : memref<80x128xi32, #tpu.memory_space<vmem>>, vector<1x16xi32>,
    %get3A_162 = vector.shape_cast %get3A_161 : vector<1x16xi32> to vector<16xi32>
    %and3A_163 = arith.constant 65535 : i32
    %and3A_164 = vector.broadcast %and3A_163 : i32 to vector<16xi32>
    %and3A_165 = arith.andi %get3A_162, %and3A_164 : vector<16xi32>
    %swap3A_166 = arith.constant 0 : i32
    %swap3A_167 = arith.index_cast %swap3A_166 : i32 to index
    %swap3A_168 = arith.constant 112 : index
    %swap3A_169 = tpu.vector_load %arg7[%swap3A_167, %swap3A_168] {strides = array<i32>} : memref<2x128xi32, #tpu.memory_space<vmem>>, vector<1x16xi32>,
    %swap3A_170 = vector.shape_cast %swap3A_169 : vector<1x16xi32> to vector<16xi32>
    %swap3A_171 = vector.shape_cast %and3A_165 : vector<16xi32> to vector<1x16xi32>
    tpu.vector_store %arg7[%swap3A_167, %swap3A_168], %swap3A_171 {strides = array<i32>} : memref<2x128xi32, #tpu.memory_space<vmem>>, vector<1x16xi32>,
    %shift_right_logical3A_172 = arith.constant 16 : i32
    %shift_right_logical3A_173 = vector.broadcast %shift_right_logical3A_172 : i32 to vector<16xi32>
    %shift_right_logical3A_174 = arith.shrui %get3A_162, %shift_right_logical3A_173 : vector<16xi32>
    %swap3A_175 = arith.constant 1 : i32
    %swap3A_176 = arith.index_cast %swap3A_175 : i32 to index
    %swap3A_177 = arith.constant 112 : index
    %swap3A_178 = tpu.vector_load %arg7[%swap3A_176, %swap3A_177] {strides = array<i32>} : memref<2x128xi32, #tpu.memory_space<vmem>>, vector<1x16xi32>,
    %swap3A_179 = vector.shape_cast %swap3A_178 : vector<1x16xi32> to vector<16xi32>
    %swap3A_180 = vector.shape_cast %shift_right_logical3A_174 : vector<16xi32> to vector<1x16xi32>
    tpu.vector_store %arg7[%swap3A_176, %swap3A_177], %swap3A_180 {strides = array<i32>} : memref<2x128xi32, #tpu.memory_space<vmem>>, vector<1x16xi32>,
    %dma_start3A = arith.constant 0 : i32
    %dma_start3A_181 = arith.constant 0 : i32
    %dma_start3A_182 = tpu.memref_slice %arg7[%dma_start3A, %dma_start3A_181] : memref<2x128xi32, #tpu.memory_space<vmem>> -> memref<1x128xi32, #tpu.memory_space<vmem>>
    %dma_start3A_183 = tpu.memref_squeeze %dma_start3A_182 : memref<1x128xi32, #tpu.memory_space<vmem>> -> memref<128xi32, #tpu.memory_space<vmem>>
    %dma_start3A_184 = arith.constant 0 : i32
    %dma_start3A_185 = arith.constant 0 : i32
    %dma_start3A_186 = tpu.memref_slice %arg3[%dma_start3A_184, %dma_start3A_185] : memref<10240x128xf32, #tpu.memory_space<hbm>> -> memref<10240x128xf32, #tpu.memory_space<hbm>>
    tpu.enqueue_indirect_dma source(%dma_start3A_186 : memref<10240x128xf32, #tpu.memory_space<hbm>>) target(%arg9 : memref<128x128xf32, #tpu.memory_space<vmem>>) offsets(%dma_start3A_183 : memref<128xi32, #tpu.memory_space<vmem>>) semaphore(%arg12 : memref<!tpu.dma_semaphore, #tpu.memory_space<semaphore_mem>>)
    %scan3A = arith.constant 0 : i32
    %scan3A_187 = arith.constant 0 : i32
    %scan3A_188 = arith.constant 40 : i32
    %scan3A_189 = arith.addi %scan3A_187, %scan3A_188 : i32
    %scan3A_190 = arith.constant 1 : i32
    scf.for %scan3A_193 = %scan3A_187 to %scan3A_189 step %scan3A_190  : i32 {
      %mul3A_194 = arith.constant 2 : i32
      %mul3A_195 = arith.muli %mul3A_194, %scan3A_193 : i32
      %add3A = arith.constant 1 : i32
      %add3A_196 = arith.addi %mul3A_195, %add3A : i32
      %get3A_197 = arith.index_cast %add3A_196 : i32 to index
      %get3A_198 = arith.constant 0 : index
      %get3A_199 = tpu.vector_load %arg6[%get3A_197, %get3A_198] {strides = array<i32>} : memref<80x128xi32, #tpu.memory_space<vmem>>, vector<1x16xi32>,
      %get3A_200 = vector.shape_cast %get3A_199 : vector<1x16xi32> to vector<16xi32>
      %and3A_201 = arith.constant 65535 : i32
      %and3A_202 = vector.broadcast %and3A_201 : i32 to vector<16xi32>
      %and3A_203 = arith.andi %get3A_200, %and3A_202 : vector<16xi32>
      %swap3A_204 = arith.constant 0 : i32
      %swap3A_205 = arith.index_cast %swap3A_204 : i32 to index
      %swap3A_206 = arith.constant 0 : index
      %swap3A_207 = tpu.vector_load %arg8[%swap3A_205, %swap3A_206] {strides = array<i32>} : memref<2x128xi32, #tpu.memory_space<vmem>>, vector<1x16xi32>,
      %swap3A_208 = vector.shape_cast %swap3A_207 : vector<1x16xi32> to vector<16xi32>
      %swap3A_209 = vector.shape_cast %and3A_203 : vector<16xi32> to vector<1x16xi32>
      tpu.vector_store %arg8[%swap3A_205, %swap3A_206], %swap3A_209 {strides = array<i32>} : memref<2x128xi32, #tpu.memory_space<vmem>>, vector<1x16xi32>,
      %shift_right_logical3A_210 = arith.constant 16 : i32
      %shift_right_logical3A_211 = vector.broadcast %shift_right_logical3A_210 : i32 to vector<16xi32>
      %shift_right_logical3A_212 = arith.shrui %get3A_200, %shift_right_logical3A_211 : vector<16xi32>
      %swap3A_213 = arith.constant 1 : i32
      %swap3A_214 = arith.index_cast %swap3A_213 : i32 to index
      %swap3A_215 = arith.constant 0 : index
      %swap3A_216 = tpu.vector_load %arg8[%swap3A_214, %swap3A_215] {strides = array<i32>} : memref<2x128xi32, #tpu.memory_space<vmem>>, vector<1x16xi32>,
      %swap3A_217 = vector.shape_cast %swap3A_216 : vector<1x16xi32> to vector<16xi32>
      %swap3A_218 = vector.shape_cast %shift_right_logical3A_212 : vector<16xi32> to vector<1x16xi32>
      tpu.vector_store %arg8[%swap3A_214, %swap3A_215], %swap3A_218 {strides = array<i32>} : memref<2x128xi32, #tpu.memory_space<vmem>>, vector<1x16xi32>,
      %get3A_219 = arith.index_cast %add3A_196 : i32 to index
      %get3A_220 = arith.constant 16 : index
      %get3A_221 = tpu.vector_load %arg6[%get3A_219, %get3A_220] {strides = array<i32>} : memref<80x128xi32, #tpu.memory_space<vmem>>, vector<1x16xi32>,
      %get3A_222 = vector.shape_cast %get3A_221 : vector<1x16xi32> to vector<16xi32>
      %and3A_223 = arith.constant 65535 : i32
      %and3A_224 = vector.broadcast %and3A_223 : i32 to vector<16xi32>
      %and3A_225 = arith.andi %get3A_222, %and3A_224 : vector<16xi32>
      %swap3A_226 = arith.constant 0 : i32
      %swap3A_227 = arith.index_cast %swap3A_226 : i32 to index
      %swap3A_228 = arith.constant 16 : index
      %swap3A_229 = tpu.vector_load %arg8[%swap3A_227, %swap3A_228] {strides = array<i32>} : memref<2x128xi32, #tpu.memory_space<vmem>>, vector<1x16xi32>,
      %swap3A_230 = vector.shape_cast %swap3A_229 : vector<1x16xi32> to vector<16xi32>
      %swap3A_231 = vector.shape_cast %and3A_225 : vector<16xi32> to vector<1x16xi32>
      tpu.vector_store %arg8[%swap3A_227, %swap3A_228], %swap3A_231 {strides = array<i32>} : memref<2x128xi32, #tpu.memory_space<vmem>>, vector<1x16xi32>,
      %shift_right_logical3A_232 = arith.constant 16 : i32
      %shift_right_logical3A_233 = vector.broadcast %shift_right_logical3A_232 : i32 to vector<16xi32>
      %shift_right_logical3A_234 = arith.shrui %get3A_222, %shift_right_logical3A_233 : vector<16xi32>
      %swap3A_235 = arith.constant 1 : i32
      %swap3A_236 = arith.index_cast %swap3A_235 : i32 to index
      %swap3A_237 = arith.constant 16 : index
      %swap3A_238 = tpu.vector_load %arg8[%swap3A_236, %swap3A_237] {strides = array<i32>} : memref<2x128xi32, #tpu.memory_space<vmem>>, vector<1x16xi32>,
      %swap3A_239 = vector.shape_cast %swap3A_238 : vector<1x16xi32> to vector<16xi32>
      %swap3A_240 = vector.shape_cast %shift_right_logical3A_234 : vector<16xi32> to vector<1x16xi32>
      tpu.vector_store %arg8[%swap3A_236, %swap3A_237], %swap3A_240 {strides = array<i32>} : memref<2x128xi32, #tpu.memory_space<vmem>>, vector<1x16xi32>,
      %get3A_241 = arith.index_cast %add3A_196 : i32 to index
      %get3A_242 = arith.constant 32 : index
      %get3A_243 = tpu.vector_load %arg6[%get3A_241, %get3A_242] {strides = array<i32>} : memref<80x128xi32, #tpu.memory_space<vmem>>, vector<1x16xi32>,
      %get3A_244 = vector.shape_cast %get3A_243 : vector<1x16xi32> to vector<16xi32>
      %and3A_245 = arith.constant 65535 : i32
      %and3A_246 = vector.broadcast %and3A_245 : i32 to vector<16xi32>
      %and3A_247 = arith.andi %get3A_244, %and3A_246 : vector<16xi32>
      %swap3A_248 = arith.constant 0 : i32
      %swap3A_249 = arith.index_cast %swap3A_248 : i32 to index
      %swap3A_250 = arith.constant 32 : index
      %swap3A_251 = tpu.vector_load %arg8[%swap3A_249, %swap3A_250] {strides = array<i32>} : memref<2x128xi32, #tpu.memory_space<vmem>>, vector<1x16xi32>,
      %swap3A_252 = vector.shape_cast %swap3A_251 : vector<1x16xi32> to vector<16xi32>
      %swap3A_253 = vector.shape_cast %and3A_247 : vector<16xi32> to vector<1x16xi32>
      tpu.vector_store %arg8[%swap3A_249, %swap3A_250], %swap3A_253 {strides = array<i32>} : memref<2x128xi32, #tpu.memory_space<vmem>>, vector<1x16xi32>,
      %shift_right_logical3A_254 = arith.constant 16 : i32
      %shift_right_logical3A_255 = vector.broadcast %shift_right_logical3A_254 : i32 to vector<16xi32>
      %shift_right_logical3A_256 = arith.shrui %get3A_244, %shift_right_logical3A_255 : vector<16xi32>
      %swap3A_257 = arith.constant 1 : i32
      %swap3A_258 = arith.index_cast %swap3A_257 : i32 to index
      %swap3A_259 = arith.constant 32 : index
      %swap3A_260 = tpu.vector_load %arg8[%swap3A_258, %swap3A_259] {strides = array<i32>} : memref<2x128xi32, #tpu.memory_space<vmem>>, vector<1x16xi32>,
      %swap3A_261 = vector.shape_cast %swap3A_260 : vector<1x16xi32> to vector<16xi32>
      %swap3A_262 = vector.shape_cast %shift_right_logical3A_256 : vector<16xi32> to vector<1x16xi32>
      tpu.vector_store %arg8[%swap3A_258, %swap3A_259], %swap3A_262 {strides = array<i32>} : memref<2x128xi32, #tpu.memory_space<vmem>>, vector<1x16xi32>,
      %get3A_263 = arith.index_cast %add3A_196 : i32 to index
      %get3A_264 = arith.constant 48 : index
      %get3A_265 = tpu.vector_load %arg6[%get3A_263, %get3A_264] {strides = array<i32>} : memref<80x128xi32, #tpu.memory_space<vmem>>, vector<1x16xi32>,
      %get3A_266 = vector.shape_cast %get3A_265 : vector<1x16xi32> to vector<16xi32>
      %and3A_267 = arith.constant 65535 : i32
      %and3A_268 = vector.broadcast %and3A_267 : i32 to vector<16xi32>
      %and3A_269 = arith.andi %get3A_266, %and3A_268 : vector<16xi32>
      %swap3A_270 = arith.constant 0 : i32
      %swap3A_271 = arith.index_cast %swap3A_270 : i32 to index
      %swap3A_272 = arith.constant 48 : index
      %swap3A_273 = tpu.vector_load %arg8[%swap3A_271, %swap3A_272] {strides = array<i32>} : memref<2x128xi32, #tpu.memory_space<vmem>>, vector<1x16xi32>,
      %swap3A_274 = vector.shape_cast %swap3A_273 : vector<1x16xi32> to vector<16xi32>
      %swap3A_275 = vector.shape_cast %and3A_269 : vector<16xi32> to vector<1x16xi32>
      tpu.vector_store %arg8[%swap3A_271, %swap3A_272], %swap3A_275 {strides = array<i32>} : memref<2x128xi32, #tpu.memory_space<vmem>>, vector<1x16xi32>,
      %shift_right_logical3A_276 = arith.constant 16 : i32
      %shift_right_logical3A_277 = vector.broadcast %shift_right_logical3A_276 : i32 to vector<16xi32>
      %shift_right_logical3A_278 = arith.shrui %get3A_266, %shift_right_logical3A_277 : vector<16xi32>
      %swap3A_279 = arith.constant 1 : i32
      %swap3A_280 = arith.index_cast %swap3A_279 : i32 to index
      %swap3A_281 = arith.constant 48 : index
      %swap3A_282 = tpu.vector_load %arg8[%swap3A_280, %swap3A_281] {strides = array<i32>} : memref<2x128xi32, #tpu.memory_space<vmem>>, vector<1x16xi32>,
      %swap3A_283 = vector.shape_cast %swap3A_282 : vector<1x16xi32> to vector<16xi32>
      %swap3A_284 = vector.shape_cast %shift_right_logical3A_278 : vector<16xi32> to vector<1x16xi32>
      tpu.vector_store %arg8[%swap3A_280, %swap3A_281], %swap3A_284 {strides = array<i32>} : memref<2x128xi32, #tpu.memory_space<vmem>>, vector<1x16xi32>,
      %get3A_285 = arith.index_cast %add3A_196 : i32 to index
      %get3A_286 = arith.constant 64 : index
      %get3A_287 = tpu.vector_load %arg6[%get3A_285, %get3A_286] {strides = array<i32>} : memref<80x128xi32, #tpu.memory_space<vmem>>, vector<1x16xi32>,
      %get3A_288 = vector.shape_cast %get3A_287 : vector<1x16xi32> to vector<16xi32>
      %and3A_289 = arith.constant 65535 : i32
      %and3A_290 = vector.broadcast %and3A_289 : i32 to vector<16xi32>
      %and3A_291 = arith.andi %get3A_288, %and3A_290 : vector<16xi32>
      %swap3A_292 = arith.constant 0 : i32
      %swap3A_293 = arith.index_cast %swap3A_292 : i32 to index
      %swap3A_294 = arith.constant 64 : index
      %swap3A_295 = tpu.vector_load %arg8[%swap3A_293, %swap3A_294] {strides = array<i32>} : memref<2x128xi32, #tpu.memory_space<vmem>>, vector<1x16xi32>,
      %swap3A_296 = vector.shape_cast %swap3A_295 : vector<1x16xi32> to vector<16xi32>
      %swap3A_297 = vector.shape_cast %and3A_291 : vector<16xi32> to vector<1x16xi32>
      tpu.vector_store %arg8[%swap3A_293, %swap3A_294], %swap3A_297 {strides = array<i32>} : memref<2x128xi32, #tpu.memory_space<vmem>>, vector<1x16xi32>,
      %shift_right_logical3A_298 = arith.constant 16 : i32
      %shift_right_logical3A_299 = vector.broadcast %shift_right_logical3A_298 : i32 to vector<16xi32>
      %shift_right_logical3A_300 = arith.shrui %get3A_288, %shift_right_logical3A_299 : vector<16xi32>
      %swap3A_301 = arith.constant 1 : i32
      %swap3A_302 = arith.index_cast %swap3A_301 : i32 to index
      %swap3A_303 = arith.constant 64 : index
      %swap3A_304 = tpu.vector_load %arg8[%swap3A_302, %swap3A_303] {strides = array<i32>} : memref<2x128xi32, #tpu.memory_space<vmem>>, vector<1x16xi32>,
      %swap3A_305 = vector.shape_cast %swap3A_304 : vector<1x16xi32> to vector<16xi32>
      %swap3A_306 = vector.shape_cast %shift_right_logical3A_300 : vector<16xi32> to vector<1x16xi32>
      tpu.vector_store %arg8[%swap3A_302, %swap3A_303], %swap3A_306 {strides = array<i32>} : memref<2x128xi32, #tpu.memory_space<vmem>>, vector<1x16xi32>,
      %get3A_307 = arith.index_cast %add3A_196 : i32 to index
      %get3A_308 = arith.constant 80 : index
      %get3A_309 = tpu.vector_load %arg6[%get3A_307, %get3A_308] {strides = array<i32>} : memref<80x128xi32, #tpu.memory_space<vmem>>, vector<1x16xi32>,
      %get3A_310 = vector.shape_cast %get3A_309 : vector<1x16xi32> to vector<16xi32>
      %and3A_311 = arith.constant 65535 : i32
      %and3A_312 = vector.broadcast %and3A_311 : i32 to vector<16xi32>
      %and3A_313 = arith.andi %get3A_310, %and3A_312 : vector<16xi32>
      %swap3A_314 = arith.constant 0 : i32
      %swap3A_315 = arith.index_cast %swap3A_314 : i32 to index
      %swap3A_316 = arith.constant 80 : index
      %swap3A_317 = tpu.vector_load %arg8[%swap3A_315, %swap3A_316] {strides = array<i32>} : memref<2x128xi32, #tpu.memory_space<vmem>>, vector<1x16xi32>,
      %swap3A_318 = vector.shape_cast %swap3A_317 : vector<1x16xi32> to vector<16xi32>
      %swap3A_319 = vector.shape_cast %and3A_313 : vector<16xi32> to vector<1x16xi32>
      tpu.vector_store %arg8[%swap3A_315, %swap3A_316], %swap3A_319 {strides = array<i32>} : memref<2x128xi32, #tpu.memory_space<vmem>>, vector<1x16xi32>,
      %shift_right_logical3A_320 = arith.constant 16 : i32
      %shift_right_logical3A_321 = vector.broadcast %shift_right_logical3A_320 : i32 to vector<16xi32>
      %shift_right_logical3A_322 = arith.shrui %get3A_310, %shift_right_logical3A_321 : vector<16xi32>
      %swap3A_323 = arith.constant 1 : i32
      %swap3A_324 = arith.index_cast %swap3A_323 : i32 to index
      %swap3A_325 = arith.constant 80 : index
      %swap3A_326 = tpu.vector_load %arg8[%swap3A_324, %swap3A_325] {strides = array<i32>} : memref<2x128xi32, #tpu.memory_space<vmem>>, vector<1x16xi32>,
      %swap3A_327 = vector.shape_cast %swap3A_326 : vector<1x16xi32> to vector<16xi32>
      %swap3A_328 = vector.shape_cast %shift_right_logical3A_322 : vector<16xi32> to vector<1x16xi32>
      tpu.vector_store %arg8[%swap3A_324, %swap3A_325], %swap3A_328 {strides = array<i32>} : memref<2x128xi32, #tpu.memory_space<vmem>>, vector<1x16xi32>,
      %get3A_329 = arith.index_cast %add3A_196 : i32 to index
      %get3A_330 = arith.constant 96 : index
      %get3A_331 = tpu.vector_load %arg6[%get3A_329, %get3A_330] {strides = array<i32>} : memref<80x128xi32, #tpu.memory_space<vmem>>, vector<1x16xi32>,
      %get3A_332 = vector.shape_cast %get3A_331 : vector<1x16xi32> to vector<16xi32>
      %and3A_333 = arith.constant 65535 : i32
      %and3A_334 = vector.broadcast %and3A_333 : i32 to vector<16xi32>
      %and3A_335 = arith.andi %get3A_332, %and3A_334 : vector<16xi32>
      %swap3A_336 = arith.constant 0 : i32
      %swap3A_337 = arith.index_cast %swap3A_336 : i32 to index
      %swap3A_338 = arith.constant 96 : index
      %swap3A_339 = tpu.vector_load %arg8[%swap3A_337, %swap3A_338] {strides = array<i32>} : memref<2x128xi32, #tpu.memory_space<vmem>>, vector<1x16xi32>,
      %swap3A_340 = vector.shape_cast %swap3A_339 : vector<1x16xi32> to vector<16xi32>
      %swap3A_341 = vector.shape_cast %and3A_335 : vector<16xi32> to vector<1x16xi32>
      tpu.vector_store %arg8[%swap3A_337, %swap3A_338], %swap3A_341 {strides = array<i32>} : memref<2x128xi32, #tpu.memory_space<vmem>>, vector<1x16xi32>,
      %shift_right_logical3A_342 = arith.constant 16 : i32
      %shift_right_logical3A_343 = vector.broadcast %shift_right_logical3A_342 : i32 to vector<16xi32>
      %shift_right_logical3A_344 = arith.shrui %get3A_332, %shift_right_logical3A_343 : vector<16xi32>
      %swap3A_345 = arith.constant 1 : i32
      %swap3A_346 = arith.index_cast %swap3A_345 : i32 to index
      %swap3A_347 = arith.constant 96 : index
      %swap3A_348 = tpu.vector_load %arg8[%swap3A_346, %swap3A_347] {strides = array<i32>} : memref<2x128xi32, #tpu.memory_space<vmem>>, vector<1x16xi32>,
      %swap3A_349 = vector.shape_cast %swap3A_348 : vector<1x16xi32> to vector<16xi32>
      %swap3A_350 = vector.shape_cast %shift_right_logical3A_344 : vector<16xi32> to vector<1x16xi32>
      tpu.vector_store %arg8[%swap3A_346, %swap3A_347], %swap3A_350 {strides = array<i32>} : memref<2x128xi32, #tpu.memory_space<vmem>>, vector<1x16xi32>,
      %get3A_351 = arith.index_cast %add3A_196 : i32 to index
      %get3A_352 = arith.constant 112 : index
      %get3A_353 = tpu.vector_load %arg6[%get3A_351, %get3A_352] {strides = array<i32>} : memref<80x128xi32, #tpu.memory_space<vmem>>, vector<1x16xi32>,
      %get3A_354 = vector.shape_cast %get3A_353 : vector<1x16xi32> to vector<16xi32>
      %and3A_355 = arith.constant 65535 : i32
      %and3A_356 = vector.broadcast %and3A_355 : i32 to vector<16xi32>
      %and3A_357 = arith.andi %get3A_354, %and3A_356 : vector<16xi32>
      %swap3A_358 = arith.constant 0 : i32
      %swap3A_359 = arith.index_cast %swap3A_358 : i32 to index
      %swap3A_360 = arith.constant 112 : index
      %swap3A_361 = tpu.vector_load %arg8[%swap3A_359, %swap3A_360] {strides = array<i32>} : memref<2x128xi32, #tpu.memory_space<vmem>>, vector<1x16xi32>,
      %swap3A_362 = vector.shape_cast %swap3A_361 : vector<1x16xi32> to vector<16xi32>
      %swap3A_363 = vector.shape_cast %and3A_357 : vector<16xi32> to vector<1x16xi32>
      tpu.vector_store %arg8[%swap3A_359, %swap3A_360], %swap3A_363 {strides = array<i32>} : memref<2x128xi32, #tpu.memory_space<vmem>>, vector<1x16xi32>,
      %shift_right_logical3A_364 = arith.constant 16 : i32
      %shift_right_logical3A_365 = vector.broadcast %shift_right_logical3A_364 : i32 to vector<16xi32>
      %shift_right_logical3A_366 = arith.shrui %get3A_354, %shift_right_logical3A_365 : vector<16xi32>
      %swap3A_367 = arith.constant 1 : i32
      %swap3A_368 = arith.index_cast %swap3A_367 : i32 to index
      %swap3A_369 = arith.constant 112 : index
      %swap3A_370 = tpu.vector_load %arg8[%swap3A_368, %swap3A_369] {strides = array<i32>} : memref<2x128xi32, #tpu.memory_space<vmem>>, vector<1x16xi32>,
      %swap3A_371 = vector.shape_cast %swap3A_370 : vector<1x16xi32> to vector<16xi32>
      %swap3A_372 = vector.shape_cast %shift_right_logical3A_366 : vector<16xi32> to vector<1x16xi32>
      tpu.vector_store %arg8[%swap3A_368, %swap3A_369], %swap3A_372 {strides = array<i32>} : memref<2x128xi32, #tpu.memory_space<vmem>>, vector<1x16xi32>,
      %dma_start3A_373 = arith.constant 0 : i32
      %dma_start3A_374 = arith.constant 0 : i32
      %dma_start3A_375 = tpu.memref_slice %arg8[%dma_start3A_373, %dma_start3A_374] : memref<2x128xi32, #tpu.memory_space<vmem>> -> memref<1x128xi32, #tpu.memory_space<vmem>>
      %dma_start3A_376 = tpu.memref_squeeze %dma_start3A_375 : memref<1x128xi32, #tpu.memory_space<vmem>> -> memref<128xi32, #tpu.memory_space<vmem>>
      %dma_start3A_377 = arith.constant 0 : i32
      %dma_start3A_378 = arith.constant 0 : i32
      %dma_start3A_379 = tpu.memref_slice %arg3[%dma_start3A_377, %dma_start3A_378] : memref<10240x128xf32, #tpu.memory_space<hbm>> -> memref<10240x128xf32, #tpu.memory_space<hbm>>
      tpu.enqueue_indirect_dma source(%dma_start3A_379 : memref<10240x128xf32, #tpu.memory_space<hbm>>) target(%arg10 : memref<128x128xf32, #tpu.memory_space<vmem>>) offsets(%dma_start3A_376 : memref<128xi32, #tpu.memory_space<vmem>>) semaphore(%arg13 : memref<!tpu.dma_semaphore, #tpu.memory_space<semaphore_mem>>)
      %dma_wait3A = arith.constant 0 : i32
      %dma_wait3A_380 = arith.constant 0 : i32
      %dma_wait3A_381 = tpu.memref_slice %arg7[%dma_wait3A, %dma_wait3A_380] : memref<2x128xi32, #tpu.memory_space<vmem>> -> memref<1x128xi32, #tpu.memory_space<vmem>>
      %dma_wait3A_382 = tpu.memref_squeeze %dma_wait3A_381 : memref<1x128xi32, #tpu.memory_space<vmem>> -> memref<128xi32, #tpu.memory_space<vmem>>
      %dma_wait3A_383 = arith.constant 0 : i32
      %dma_wait3A_384 = arith.constant 0 : i32
      %dma_wait3A_385 = tpu.memref_slice %arg3[%dma_wait3A_383, %dma_wait3A_384] : memref<10240x128xf32, #tpu.memory_space<hbm>> -> memref<10240x128xf32, #tpu.memory_space<hbm>>
      tpu.wait_indirect_dma semaphore(%arg12 : memref<!tpu.dma_semaphore, #tpu.memory_space<semaphore_mem>>) src(%dma_wait3A_385 : memref<10240x128xf32, #tpu.memory_space<hbm>>) dst(%arg9 : memref<128x128xf32, #tpu.memory_space<vmem>>)
      %run_scoped3A = arith.constant 1 : i32
      "tpu.region"() ({
        %run_scoped3A_398 = tpu.sem_alloc : memref<!tpu.dma_semaphore, #tpu.memory_space<semaphore_mem>>
        %dma_start3A_399 = arith.constant 0 : i32
        %dma_start3A_400 = tpu.memref_slice %arg7[%run_scoped3A, %dma_start3A_399] : memref<2x128xi32, #tpu.memory_space<vmem>> -> memref<1x128xi32, #tpu.memory_space<vmem>>
        %dma_start3A_401 = tpu.memref_squeeze %dma_start3A_400 : memref<1x128xi32, #tpu.memory_space<vmem>> -> memref<128xi32, #tpu.memory_space<vmem>>
        %dma_start3A_402 = arith.constant 0 : i32
        %dma_start3A_403 = arith.constant 0 : i32
        %dma_start3A_404 = tpu.memref_slice %arg11[%dma_start3A_402, %dma_start3A_403] : memref<10240x128xf32, #tpu.memory_space<vmem_shared>> -> memref<10240x128xf32, #tpu.memory_space<vmem_shared>>
        tpu.enqueue_indirect_dma source(%arg9 : memref<128x128xf32, #tpu.memory_space<vmem>>) target(%dma_start3A_404 : memref<10240x128xf32, #tpu.memory_space<vmem_shared>>) offsets(%dma_start3A_401 : memref<128xi32, #tpu.memory_space<vmem>>) semaphore(%run_scoped3A_398 : memref<!tpu.dma_semaphore, #tpu.memory_space<semaphore_mem>>) {add = true}
        %dma_wait3A_405 = arith.constant 0 : i32
        %dma_wait3A_406 = tpu.memref_slice %arg7[%run_scoped3A, %dma_wait3A_405] : memref<2x128xi32, #tpu.memory_space<vmem>> -> memref<1x128xi32, #tpu.memory_space<vmem>>
        %dma_wait3A_407 = tpu.memref_squeeze %dma_wait3A_406 : memref<1x128xi32, #tpu.memory_space<vmem>> -> memref<128xi32, #tpu.memory_space<vmem>>
        %dma_wait3A_408 = arith.constant 0 : i32
        %dma_wait3A_409 = arith.constant 0 : i32
        %dma_wait3A_410 = tpu.memref_slice %arg11[%dma_wait3A_408, %dma_wait3A_409] : memref<10240x128xf32, #tpu.memory_space<vmem_shared>> -> memref<10240x128xf32, #tpu.memory_space<vmem_shared>>
        tpu.wait_indirect_dma semaphore(%run_scoped3A_398 : memref<!tpu.dma_semaphore, #tpu.memory_space<semaphore_mem>>) src(%arg9 : memref<128x128xf32, #tpu.memory_space<vmem>>) dst(%dma_wait3A_410 : memref<10240x128xf32, #tpu.memory_space<vmem_shared>>)
        tpu.yield
      }) : () -> ()
      %add3A_386 = arith.constant 2 : i32
      %add3A_387 = arith.addi %mul3A_195, %add3A_386 : i32
      %lt3A = arith.constant 80 : i32
      %lt3A_388 = arith.cmpi slt, %add3A_387, %lt3A : i32
      %convert_element_type3A = arith.extui %lt3A_388 : i1 to i32
      %cond3A = arith.constant 0 : i32
      %cond3A_389 = arith.cmpi ne, %convert_element_type3A, %cond3A : i32
      scf.if %cond3A_389 {
        %add3A_398 = arith.constant 2 : i32
        %add3A_399 = arith.addi %mul3A_195, %add3A_398 : i32
        %get3A_400 = arith.index_cast %add3A_399 : i32 to index
        %get3A_401 = arith.constant 0 : index
        %get3A_402 = tpu.vector_load %arg6[%get3A_400, %get3A_401] {strides = array<i32>} : memref<80x128xi32, #tpu.memory_space<vmem>>, vector<1x16xi32>,
        %get3A_403 = vector.shape_cast %get3A_402 : vector<1x16xi32> to vector<16xi32>
        %and3A_404 = arith.constant 65535 : i32
        %and3A_405 = vector.broadcast %and3A_404 : i32 to vector<16xi32>
        %and3A_406 = arith.andi %get3A_403, %and3A_405 : vector<16xi32>
        %swap3A_407 = arith.constant 0 : i32
        %swap3A_408 = arith.index_cast %swap3A_407 : i32 to index
        %swap3A_409 = arith.constant 0 : index
        %swap3A_410 = tpu.vector_load %arg7[%swap3A_408, %swap3A_409] {strides = array<i32>} : memref<2x128xi32, #tpu.memory_space<vmem>>, vector<1x16xi32>,
        %swap3A_411 = vector.shape_cast %swap3A_410 : vector<1x16xi32> to vector<16xi32>
        %swap3A_412 = vector.shape_cast %and3A_406 : vector<16xi32> to vector<1x16xi32>
        tpu.vector_store %arg7[%swap3A_408, %swap3A_409], %swap3A_412 {strides = array<i32>} : memref<2x128xi32, #tpu.memory_space<vmem>>, vector<1x16xi32>,
        %shift_right_logical3A_413 = arith.constant 16 : i32
        %shift_right_logical3A_414 = vector.broadcast %shift_right_logical3A_413 : i32 to vector<16xi32>
        %shift_right_logical3A_415 = arith.shrui %get3A_403, %shift_right_logical3A_414 : vector<16xi32>
        %swap3A_416 = arith.constant 1 : i32
        %swap3A_417 = arith.index_cast %swap3A_416 : i32 to index
        %swap3A_418 = arith.constant 0 : index
        %swap3A_419 = tpu.vector_load %arg7[%swap3A_417, %swap3A_418] {strides = array<i32>} : memref<2x128xi32, #tpu.memory_space<vmem>>, vector<1x16xi32>,
        %swap3A_420 = vector.shape_cast %swap3A_419 : vector<1x16xi32> to vector<16xi32>
        %swap3A_421 = vector.shape_cast %shift_right_logical3A_415 : vector<16xi32> to vector<1x16xi32>
        tpu.vector_store %arg7[%swap3A_417, %swap3A_418], %swap3A_421 {strides = array<i32>} : memref<2x128xi32, #tpu.memory_space<vmem>>, vector<1x16xi32>,
        %get3A_422 = arith.index_cast %add3A_399 : i32 to index
        %get3A_423 = arith.constant 16 : index
        %get3A_424 = tpu.vector_load %arg6[%get3A_422, %get3A_423] {strides = array<i32>} : memref<80x128xi32, #tpu.memory_space<vmem>>, vector<1x16xi32>,
        %get3A_425 = vector.shape_cast %get3A_424 : vector<1x16xi32> to vector<16xi32>
        %and3A_426 = arith.constant 65535 : i32
        %and3A_427 = vector.broadcast %and3A_426 : i32 to vector<16xi32>
        %and3A_428 = arith.andi %get3A_425, %and3A_427 : vector<16xi32>
        %swap3A_429 = arith.constant 0 : i32
        %swap3A_430 = arith.index_cast %swap3A_429 : i32 to index
        %swap3A_431 = arith.constant 16 : index
        %swap3A_432 = tpu.vector_load %arg7[%swap3A_430, %swap3A_431] {strides = array<i32>} : memref<2x128xi32, #tpu.memory_space<vmem>>, vector<1x16xi32>,
        %swap3A_433 = vector.shape_cast %swap3A_432 : vector<1x16xi32> to vector<16xi32>
        %swap3A_434 = vector.shape_cast %and3A_428 : vector<16xi32> to vector<1x16xi32>
        tpu.vector_store %arg7[%swap3A_430, %swap3A_431], %swap3A_434 {strides = array<i32>} : memref<2x128xi32, #tpu.memory_space<vmem>>, vector<1x16xi32>,
        %shift_right_logical3A_435 = arith.constant 16 : i32
        %shift_right_logical3A_436 = vector.broadcast %shift_right_logical3A_435 : i32 to vector<16xi32>
        %shift_right_logical3A_437 = arith.shrui %get3A_425, %shift_right_logical3A_436 : vector<16xi32>
        %swap3A_438 = arith.constant 1 : i32
        %swap3A_439 = arith.index_cast %swap3A_438 : i32 to index
        %swap3A_440 = arith.constant 16 : index
        %swap3A_441 = tpu.vector_load %arg7[%swap3A_439, %swap3A_440] {strides = array<i32>} : memref<2x128xi32, #tpu.memory_space<vmem>>, vector<1x16xi32>,
        %swap3A_442 = vector.shape_cast %swap3A_441 : vector<1x16xi32> to vector<16xi32>
        %swap3A_443 = vector.shape_cast %shift_right_logical3A_437 : vector<16xi32> to vector<1x16xi32>
        tpu.vector_store %arg7[%swap3A_439, %swap3A_440], %swap3A_443 {strides = array<i32>} : memref<2x128xi32, #tpu.memory_space<vmem>>, vector<1x16xi32>,
        %get3A_444 = arith.index_cast %add3A_399 : i32 to index
        %get3A_445 = arith.constant 32 : index
        %get3A_446 = tpu.vector_load %arg6[%get3A_444, %get3A_445] {strides = array<i32>} : memref<80x128xi32, #tpu.memory_space<vmem>>, vector<1x16xi32>,
        %get3A_447 = vector.shape_cast %get3A_446 : vector<1x16xi32> to vector<16xi32>
        %and3A_448 = arith.constant 65535 : i32
        %and3A_449 = vector.broadcast %and3A_448 : i32 to vector<16xi32>
        %and3A_450 = arith.andi %get3A_447, %and3A_449 : vector<16xi32>
        %swap3A_451 = arith.constant 0 : i32
        %swap3A_452 = arith.index_cast %swap3A_451 : i32 to index
        %swap3A_453 = arith.constant 32 : index
        %swap3A_454 = tpu.vector_load %arg7[%swap3A_452, %swap3A_453] {strides = array<i32>} : memref<2x128xi32, #tpu.memory_space<vmem>>, vector<1x16xi32>,
        %swap3A_455 = vector.shape_cast %swap3A_454 : vector<1x16xi32> to vector<16xi32>
        %swap3A_456 = vector.shape_cast %and3A_450 : vector<16xi32> to vector<1x16xi32>
        tpu.vector_store %arg7[%swap3A_452, %swap3A_453], %swap3A_456 {strides = array<i32>} : memref<2x128xi32, #tpu.memory_space<vmem>>, vector<1x16xi32>,
        %shift_right_logical3A_457 = arith.constant 16 : i32
        %shift_right_logical3A_458 = vector.broadcast %shift_right_logical3A_457 : i32 to vector<16xi32>
        %shift_right_logical3A_459 = arith.shrui %get3A_447, %shift_right_logical3A_458 : vector<16xi32>
        %swap3A_460 = arith.constant 1 : i32
        %swap3A_461 = arith.index_cast %swap3A_460 : i32 to index
        %swap3A_462 = arith.constant 32 : index
        %swap3A_463 = tpu.vector_load %arg7[%swap3A_461, %swap3A_462] {strides = array<i32>} : memref<2x128xi32, #tpu.memory_space<vmem>>, vector<1x16xi32>,
        %swap3A_464 = vector.shape_cast %swap3A_463 : vector<1x16xi32> to vector<16xi32>
        %swap3A_465 = vector.shape_cast %shift_right_logical3A_459 : vector<16xi32> to vector<1x16xi32>
        tpu.vector_store %arg7[%swap3A_461, %swap3A_462], %swap3A_465 {strides = array<i32>} : memref<2x128xi32, #tpu.memory_space<vmem>>, vector<1x16xi32>,
        %get3A_466 = arith.index_cast %add3A_399 : i32 to index
        %get3A_467 = arith.constant 48 : index
        %get3A_468 = tpu.vector_load %arg6[%get3A_466, %get3A_467] {strides = array<i32>} : memref<80x128xi32, #tpu.memory_space<vmem>>, vector<1x16xi32>,
        %get3A_469 = vector.shape_cast %get3A_468 : vector<1x16xi32> to vector<16xi32>
        %and3A_470 = arith.constant 65535 : i32
        %and3A_471 = vector.broadcast %and3A_470 : i32 to vector<16xi32>
        %and3A_472 = arith.andi %get3A_469, %and3A_471 : vector<16xi32>
        %swap3A_473 = arith.constant 0 : i32
        %swap3A_474 = arith.index_cast %swap3A_473 : i32 to index
        %swap3A_475 = arith.constant 48 : index
        %swap3A_476 = tpu.vector_load %arg7[%swap3A_474, %swap3A_475] {strides = array<i32>} : memref<2x128xi32, #tpu.memory_space<vmem>>, vector<1x16xi32>,
        %swap3A_477 = vector.shape_cast %swap3A_476 : vector<1x16xi32> to vector<16xi32>
        %swap3A_478 = vector.shape_cast %and3A_472 : vector<16xi32> to vector<1x16xi32>
        tpu.vector_store %arg7[%swap3A_474, %swap3A_475], %swap3A_478 {strides = array<i32>} : memref<2x128xi32, #tpu.memory_space<vmem>>, vector<1x16xi32>,
        %shift_right_logical3A_479 = arith.constant 16 : i32
        %shift_right_logical3A_480 = vector.broadcast %shift_right_logical3A_479 : i32 to vector<16xi32>
        %shift_right_logical3A_481 = arith.shrui %get3A_469, %shift_right_logical3A_480 : vector<16xi32>
        %swap3A_482 = arith.constant 1 : i32
        %swap3A_483 = arith.index_cast %swap3A_482 : i32 to index
        %swap3A_484 = arith.constant 48 : index
        %swap3A_485 = tpu.vector_load %arg7[%swap3A_483, %swap3A_484] {strides = array<i32>} : memref<2x128xi32, #tpu.memory_space<vmem>>, vector<1x16xi32>,
        %swap3A_486 = vector.shape_cast %swap3A_485 : vector<1x16xi32> to vector<16xi32>
        %swap3A_487 = vector.shape_cast %shift_right_logical3A_481 : vector<16xi32> to vector<1x16xi32>
        tpu.vector_store %arg7[%swap3A_483, %swap3A_484], %swap3A_487 {strides = array<i32>} : memref<2x128xi32, #tpu.memory_space<vmem>>, vector<1x16xi32>,
        %get3A_488 = arith.index_cast %add3A_399 : i32 to index
        %get3A_489 = arith.constant 64 : index
        %get3A_490 = tpu.vector_load %arg6[%get3A_488, %get3A_489] {strides = array<i32>} : memref<80x128xi32, #tpu.memory_space<vmem>>, vector<1x16xi32>,
        %get3A_491 = vector.shape_cast %get3A_490 : vector<1x16xi32> to vector<16xi32>
        %and3A_492 = arith.constant 65535 : i32
        %and3A_493 = vector.broadcast %and3A_492 : i32 to vector<16xi32>
        %and3A_494 = arith.andi %get3A_491, %and3A_493 : vector<16xi32>
        %swap3A_495 = arith.constant 0 : i32
        %swap3A_496 = arith.index_cast %swap3A_495 : i32 to index
        %swap3A_497 = arith.constant 64 : index
        %swap3A_498 = tpu.vector_load %arg7[%swap3A_496, %swap3A_497] {strides = array<i32>} : memref<2x128xi32, #tpu.memory_space<vmem>>, vector<1x16xi32>,
        %swap3A_499 = vector.shape_cast %swap3A_498 : vector<1x16xi32> to vector<16xi32>
        %swap3A_500 = vector.shape_cast %and3A_494 : vector<16xi32> to vector<1x16xi32>
        tpu.vector_store %arg7[%swap3A_496, %swap3A_497], %swap3A_500 {strides = array<i32>} : memref<2x128xi32, #tpu.memory_space<vmem>>, vector<1x16xi32>,
        %shift_right_logical3A_501 = arith.constant 16 : i32
        %shift_right_logical3A_502 = vector.broadcast %shift_right_logical3A_501 : i32 to vector<16xi32>
        %shift_right_logical3A_503 = arith.shrui %get3A_491, %shift_right_logical3A_502 : vector<16xi32>
        %swap3A_504 = arith.constant 1 : i32
        %swap3A_505 = arith.index_cast %swap3A_504 : i32 to index
        %swap3A_506 = arith.constant 64 : index
        %swap3A_507 = tpu.vector_load %arg7[%swap3A_505, %swap3A_506] {strides = array<i32>} : memref<2x128xi32, #tpu.memory_space<vmem>>, vector<1x16xi32>,
        %swap3A_508 = vector.shape_cast %swap3A_507 : vector<1x16xi32> to vector<16xi32>
        %swap3A_509 = vector.shape_cast %shift_right_logical3A_503 : vector<16xi32> to vector<1x16xi32>
        tpu.vector_store %arg7[%swap3A_505, %swap3A_506], %swap3A_509 {strides = array<i32>} : memref<2x128xi32, #tpu.memory_space<vmem>>, vector<1x16xi32>,
        %get3A_510 = arith.index_cast %add3A_399 : i32 to index
        %get3A_511 = arith.constant 80 : index
        %get3A_512 = tpu.vector_load %arg6[%get3A_510, %get3A_511] {strides = array<i32>} : memref<80x128xi32, #tpu.memory_space<vmem>>, vector<1x16xi32>,
        %get3A_513 = vector.shape_cast %get3A_512 : vector<1x16xi32> to vector<16xi32>
        %and3A_514 = arith.constant 65535 : i32
        %and3A_515 = vector.broadcast %and3A_514 : i32 to vector<16xi32>
        %and3A_516 = arith.andi %get3A_513, %and3A_515 : vector<16xi32>
        %swap3A_517 = arith.constant 0 : i32
        %swap3A_518 = arith.index_cast %swap3A_517 : i32 to index
        %swap3A_519 = arith.constant 80 : index
        %swap3A_520 = tpu.vector_load %arg7[%swap3A_518, %swap3A_519] {strides = array<i32>} : memref<2x128xi32, #tpu.memory_space<vmem>>, vector<1x16xi32>,
        %swap3A_521 = vector.shape_cast %swap3A_520 : vector<1x16xi32> to vector<16xi32>
        %swap3A_522 = vector.shape_cast %and3A_516 : vector<16xi32> to vector<1x16xi32>
        tpu.vector_store %arg7[%swap3A_518, %swap3A_519], %swap3A_522 {strides = array<i32>} : memref<2x128xi32, #tpu.memory_space<vmem>>, vector<1x16xi32>,
        %shift_right_logical3A_523 = arith.constant 16 : i32
        %shift_right_logical3A_524 = vector.broadcast %shift_right_logical3A_523 : i32 to vector<16xi32>
        %shift_right_logical3A_525 = arith.shrui %get3A_513, %shift_right_logical3A_524 : vector<16xi32>
        %swap3A_526 = arith.constant 1 : i32
        %swap3A_527 = arith.index_cast %swap3A_526 : i32 to index
        %swap3A_528 = arith.constant 80 : index
        %swap3A_529 = tpu.vector_load %arg7[%swap3A_527, %swap3A_528] {strides = array<i32>} : memref<2x128xi32, #tpu.memory_space<vmem>>, vector<1x16xi32>,
        %swap3A_530 = vector.shape_cast %swap3A_529 : vector<1x16xi32> to vector<16xi32>
        %swap3A_531 = vector.shape_cast %shift_right_logical3A_525 : vector<16xi32> to vector<1x16xi32>
        tpu.vector_store %arg7[%swap3A_527, %swap3A_528], %swap3A_531 {strides = array<i32>} : memref<2x128xi32, #tpu.memory_space<vmem>>, vector<1x16xi32>,
        %get3A_532 = arith.index_cast %add3A_399 : i32 to index
        %get3A_533 = arith.constant 96 : index
        %get3A_534 = tpu.vector_load %arg6[%get3A_532, %get3A_533] {strides = array<i32>} : memref<80x128xi32, #tpu.memory_space<vmem>>, vector<1x16xi32>,
        %get3A_535 = vector.shape_cast %get3A_534 : vector<1x16xi32> to vector<16xi32>
        %and3A_536 = arith.constant 65535 : i32
        %and3A_537 = vector.broadcast %and3A_536 : i32 to vector<16xi32>
        %and3A_538 = arith.andi %get3A_535, %and3A_537 : vector<16xi32>
        %swap3A_539 = arith.constant 0 : i32
        %swap3A_540 = arith.index_cast %swap3A_539 : i32 to index
        %swap3A_541 = arith.constant 96 : index
        %swap3A_542 = tpu.vector_load %arg7[%swap3A_540, %swap3A_541] {strides = array<i32>} : memref<2x128xi32, #tpu.memory_space<vmem>>, vector<1x16xi32>,
        %swap3A_543 = vector.shape_cast %swap3A_542 : vector<1x16xi32> to vector<16xi32>
        %swap3A_544 = vector.shape_cast %and3A_538 : vector<16xi32> to vector<1x16xi32>
        tpu.vector_store %arg7[%swap3A_540, %swap3A_541], %swap3A_544 {strides = array<i32>} : memref<2x128xi32, #tpu.memory_space<vmem>>, vector<1x16xi32>,
        %shift_right_logical3A_545 = arith.constant 16 : i32
        %shift_right_logical3A_546 = vector.broadcast %shift_right_logical3A_545 : i32 to vector<16xi32>
        %shift_right_logical3A_547 = arith.shrui %get3A_535, %shift_right_logical3A_546 : vector<16xi32>
        %swap3A_548 = arith.constant 1 : i32
        %swap3A_549 = arith.index_cast %swap3A_548 : i32 to index
        %swap3A_550 = arith.constant 96 : index
        %swap3A_551 = tpu.vector_load %arg7[%swap3A_549, %swap3A_550] {strides = array<i32>} : memref<2x128xi32, #tpu.memory_space<vmem>>, vector<1x16xi32>,
        %swap3A_552 = vector.shape_cast %swap3A_551 : vector<1x16xi32> to vector<16xi32>
        %swap3A_553 = vector.shape_cast %shift_right_logical3A_547 : vector<16xi32> to vector<1x16xi32>
        tpu.vector_store %arg7[%swap3A_549, %swap3A_550], %swap3A_553 {strides = array<i32>} : memref<2x128xi32, #tpu.memory_space<vmem>>, vector<1x16xi32>,
        %get3A_554 = arith.index_cast %add3A_399 : i32 to index
        %get3A_555 = arith.constant 112 : index
        %get3A_556 = tpu.vector_load %arg6[%get3A_554, %get3A_555] {strides = array<i32>} : memref<80x128xi32, #tpu.memory_space<vmem>>, vector<1x16xi32>,
        %get3A_557 = vector.shape_cast %get3A_556 : vector<1x16xi32> to vector<16xi32>
        %and3A_558 = arith.constant 65535 : i32
        %and3A_559 = vector.broadcast %and3A_558 : i32 to vector<16xi32>
        %and3A_560 = arith.andi %get3A_557, %and3A_559 : vector<16xi32>
        %swap3A_561 = arith.constant 0 : i32
        %swap3A_562 = arith.index_cast %swap3A_561 : i32 to index
        %swap3A_563 = arith.constant 112 : index
        %swap3A_564 = tpu.vector_load %arg7[%swap3A_562, %swap3A_563] {strides = array<i32>} : memref<2x128xi32, #tpu.memory_space<vmem>>, vector<1x16xi32>,
        %swap3A_565 = vector.shape_cast %swap3A_564 : vector<1x16xi32> to vector<16xi32>
        %swap3A_566 = vector.shape_cast %and3A_560 : vector<16xi32> to vector<1x16xi32>
        tpu.vector_store %arg7[%swap3A_562, %swap3A_563], %swap3A_566 {strides = array<i32>} : memref<2x128xi32, #tpu.memory_space<vmem>>, vector<1x16xi32>,
        %shift_right_logical3A_567 = arith.constant 16 : i32
        %shift_right_logical3A_568 = vector.broadcast %shift_right_logical3A_567 : i32 to vector<16xi32>
        %shift_right_logical3A_569 = arith.shrui %get3A_557, %shift_right_logical3A_568 : vector<16xi32>
        %swap3A_570 = arith.constant 1 : i32
        %swap3A_571 = arith.index_cast %swap3A_570 : i32 to index
        %swap3A_572 = arith.constant 112 : index
        %swap3A_573 = tpu.vector_load %arg7[%swap3A_571, %swap3A_572] {strides = array<i32>} : memref<2x128xi32, #tpu.memory_space<vmem>>, vector<1x16xi32>,
        %swap3A_574 = vector.shape_cast %swap3A_573 : vector<1x16xi32> to vector<16xi32>
        %swap3A_575 = vector.shape_cast %shift_right_logical3A_569 : vector<16xi32> to vector<1x16xi32>
        tpu.vector_store %arg7[%swap3A_571, %swap3A_572], %swap3A_575 {strides = array<i32>} : memref<2x128xi32, #tpu.memory_space<vmem>>, vector<1x16xi32>,
        %dma_start3A_576 = arith.constant 0 : i32
        %dma_start3A_577 = arith.constant 0 : i32
        %dma_start3A_578 = tpu.memref_slice %arg7[%dma_start3A_576, %dma_start3A_577] : memref<2x128xi32, #tpu.memory_space<vmem>> -> memref<1x128xi32, #tpu.memory_space<vmem>>
        %dma_start3A_579 = tpu.memref_squeeze %dma_start3A_578 : memref<1x128xi32, #tpu.memory_space<vmem>> -> memref<128xi32, #tpu.memory_space<vmem>>
        %dma_start3A_580 = arith.constant 0 : i32
        %dma_start3A_581 = arith.constant 0 : i32
        %dma_start3A_582 = tpu.memref_slice %arg3[%dma_start3A_580, %dma_start3A_581] : memref<10240x128xf32, #tpu.memory_space<hbm>> -> memref<10240x128xf32, #tpu.memory_space<hbm>>
        tpu.enqueue_indirect_dma source(%dma_start3A_582 : memref<10240x128xf32, #tpu.memory_space<hbm>>) target(%arg9 : memref<128x128xf32, #tpu.memory_space<vmem>>) offsets(%dma_start3A_579 : memref<128xi32, #tpu.memory_space<vmem>>) semaphore(%arg12 : memref<!tpu.dma_semaphore, #tpu.memory_space<semaphore_mem>>)
      } else {
      }
      %dma_wait3A_390 = arith.constant 0 : i32
      %dma_wait3A_391 = arith.constant 0 : i32
      %dma_wait3A_392 = tpu.memref_slice %arg8[%dma_wait3A_390, %dma_wait3A_391] : memref<2x128xi32, #tpu.memory_space<vmem>> -> memref<1x128xi32, #tpu.memory_space<vmem>>
      %dma_wait3A_393 = tpu.memref_squeeze %dma_wait3A_392 : memref<1x128xi32, #tpu.memory_space<vmem>> -> memref<128xi32, #tpu.memory_space<vmem>>
      %dma_wait3A_394 = arith.constant 0 : i32
      %dma_wait3A_395 = arith.constant 0 : i32
      %dma_wait3A_396 = tpu.memref_slice %arg3[%dma_wait3A_394, %dma_wait3A_395] : memref<10240x128xf32, #tpu.memory_space<hbm>> -> memref<10240x128xf32, #tpu.memory_space<hbm>>
      tpu.wait_indirect_dma semaphore(%arg13 : memref<!tpu.dma_semaphore, #tpu.memory_space<semaphore_mem>>) src(%dma_wait3A_396 : memref<10240x128xf32, #tpu.memory_space<hbm>>) dst(%arg10 : memref<128x128xf32, #tpu.memory_space<vmem>>)
      %run_scoped3A_397 = arith.constant 1 : i32
      "tpu.region"() ({
        %run_scoped3A_398 = tpu.sem_alloc : memref<!tpu.dma_semaphore, #tpu.memory_space<semaphore_mem>>
        %dma_start3A_399 = arith.constant 0 : i32
        %dma_start3A_400 = tpu.memref_slice %arg8[%run_scoped3A_397, %dma_start3A_399] : memref<2x128xi32, #tpu.memory_space<vmem>> -> memref<1x128xi32, #tpu.memory_space<vmem>>
        %dma_start3A_401 = tpu.memref_squeeze %dma_start3A_400 : memref<1x128xi32, #tpu.memory_space<vmem>> -> memref<128xi32, #tpu.memory_space<vmem>>
        %dma_start3A_402 = arith.constant 0 : i32
        %dma_start3A_403 = arith.constant 0 : i32
        %dma_start3A_404 = tpu.memref_slice %arg11[%dma_start3A_402, %dma_start3A_403] : memref<10240x128xf32, #tpu.memory_space<vmem_shared>> -> memref<10240x128xf32, #tpu.memory_space<vmem_shared>>
        tpu.enqueue_indirect_dma source(%arg10 : memref<128x128xf32, #tpu.memory_space<vmem>>) target(%dma_start3A_404 : memref<10240x128xf32, #tpu.memory_space<vmem_shared>>) offsets(%dma_start3A_401 : memref<128xi32, #tpu.memory_space<vmem>>) semaphore(%run_scoped3A_398 : memref<!tpu.dma_semaphore, #tpu.memory_space<semaphore_mem>>) {add = true}
        %dma_wait3A_405 = arith.constant 0 : i32
        %dma_wait3A_406 = tpu.memref_slice %arg8[%run_scoped3A_397, %dma_wait3A_405] : memref<2x128xi32, #tpu.memory_space<vmem>> -> memref<1x128xi32, #tpu.memory_space<vmem>>
        %dma_wait3A_407 = tpu.memref_squeeze %dma_wait3A_406 : memref<1x128xi32, #tpu.memory_space<vmem>> -> memref<128xi32, #tpu.memory_space<vmem>>
        %dma_wait3A_408 = arith.constant 0 : i32
        %dma_wait3A_409 = arith.constant 0 : i32
        %dma_wait3A_410 = tpu.memref_slice %arg11[%dma_wait3A_408, %dma_wait3A_409] : memref<10240x128xf32, #tpu.memory_space<vmem_shared>> -> memref<10240x128xf32, #tpu.memory_space<vmem_shared>>
        tpu.wait_indirect_dma semaphore(%run_scoped3A_398 : memref<!tpu.dma_semaphore, #tpu.memory_space<semaphore_mem>>) src(%arg10 : memref<128x128xf32, #tpu.memory_space<vmem>>) dst(%dma_wait3A_410 : memref<10240x128xf32, #tpu.memory_space<vmem_shared>>)
        tpu.yield
      }) : () -> ()
    }
    %scan3A_191 = arith.constant 40 : i32
    %barrier3A_192 = arith.constant 0 : index
    tpu.barrier barrier_id(%barrier3A_192)
    "tpu.region"() ({
      %run_scoped3A = tpu.sem_alloc : memref<!tpu.dma_semaphore, #tpu.memory_space<semaphore_mem>>
      %dma_start3A_193 = arith.constant 0 : i32
      %dma_start3A_194 = tpu.memref_slice %arg5[%arg0, %mul3A_0, %dma_start3A_193] : memref<2x10240x128xf32, #tpu.memory_space<hbm>> -> memref<1x640x128xf32, #tpu.memory_space<hbm>>
      %dma_start3A_195 = tpu.memref_squeeze %dma_start3A_194 : memref<1x640x128xf32, #tpu.memory_space<hbm>> -> memref<640x128xf32, #tpu.memory_space<hbm>>
      %dma_start3A_196 = arith.constant 0 : i32
      %dma_start3A_197 = tpu.memref_slice %arg11[%mul3A_0, %dma_start3A_196] : memref<10240x128xf32, #tpu.memory_space<vmem_shared>> -> memref<640x128xf32, #tpu.memory_space<vmem_shared>>
      tpu.enqueue_dma source(%dma_start3A_197 : memref<640x128xf32, #tpu.memory_space<vmem_shared>>) target(%dma_start3A_195 : memref<640x128xf32, #tpu.memory_space<hbm>>) target_semaphore(%run_scoped3A : memref<!tpu.dma_semaphore, #tpu.memory_space<semaphore_mem>>)
      %dma_wait3A = arith.constant 0 : i32
      %dma_wait3A_198 = tpu.memref_slice %arg5[%arg0, %mul3A_0, %dma_wait3A] : memref<2x10240x128xf32, #tpu.memory_space<hbm>> -> memref<1x640x128xf32, #tpu.memory_space<hbm>>
      %dma_wait3A_199 = tpu.memref_squeeze %dma_wait3A_198 : memref<1x640x128xf32, #tpu.memory_space<hbm>> -> memref<640x128xf32, #tpu.memory_space<hbm>>
      %dma_wait3A_200 = arith.constant 0 : i32
      %dma_wait3A_201 = tpu.memref_slice %arg11[%mul3A_0, %dma_wait3A_200] : memref<10240x128xf32, #tpu.memory_space<vmem_shared>> -> memref<640x128xf32, #tpu.memory_space<vmem_shared>>
      tpu.wait_dma2 semaphore(%run_scoped3A : memref<!tpu.dma_semaphore, #tpu.memory_space<semaphore_mem>>) src(%dma_wait3A_201 : memref<640x128xf32, #tpu.memory_space<vmem_shared>>) dst(%dma_wait3A_199 : memref<640x128xf32, #tpu.memory_space<hbm>>)
      tpu.yield
    }) : () -> ()
    return
  }
}

module attributes {stable_mosaic.version = 14 : i64} {
  func.func @_cb_body(%arg0: i32, %arg1: memref<2x640x128xf32, #tpu.memory_space<vmem>>, %arg2: memref<2x640x128xf32, #tpu.memory_space<vmem>>, %arg3: memref<640x128xf32, #tpu.memory_space<vmem>>, %arg4: memref<1x128xf32, #tpu.memory_space<vmem>>, %arg5: memref<1x128xf32, #tpu.memory_space<vmem>>, %arg6: memref<128x128xf32, #tpu.memory_space<vmem>>, %arg7: memref<1x128xf32, #tpu.memory_space<vmem>>, %arg8: memref<128x128xf32, #tpu.memory_space<vmem>>, %arg9: memref<1x128xf32, #tpu.memory_space<vmem>>, %arg10: memref<640x128xf32, #tpu.memory_space<vmem>>, %arg11: memref<640x128xf32, #tpu.memory_space<vmem>>) attributes {dimension_semantics = [#tpu.dimension_semantics<arbitrary>], iteration_bounds = array<i64: 16>, scalar_prefetch = 0 : i64, scratch_operands = 0 : i64, tpu.core_type = #tpu.core_type<tc>, window_params = [{transform_indices = @transform_0, window_bounds = array<i64: 2, 640, 128>}, {transform_indices = @transform_1, window_bounds = array<i64: 2, 640, 128>}, {transform_indices = @transform_2, window_bounds = array<i64: 640, 128>}, {pipeline_mode = #tpu.pipeline_mode<synchronous>, transform_indices = @transform_3, window_bounds = array<i64: 1, 128>}, {pipeline_mode = #tpu.pipeline_mode<synchronous>, transform_indices = @transform_4, window_bounds = array<i64: 1, 128>}, {pipeline_mode = #tpu.pipeline_mode<synchronous>, transform_indices = @transform_5, window_bounds = array<i64: 128, 128>}, {pipeline_mode = #tpu.pipeline_mode<synchronous>, transform_indices = @transform_6, window_bounds = array<i64: 1, 128>}, {pipeline_mode = #tpu.pipeline_mode<synchronous>, transform_indices = @transform_7, window_bounds = array<i64: 128, 128>}, {pipeline_mode = #tpu.pipeline_mode<synchronous>, transform_indices = @transform_8, window_bounds = array<i64: 1, 128>}, {transform_indices = @transform_9, window_bounds = array<i64: 640, 128>}, {transform_indices = @transform_10, window_bounds = array<i64: 640, 128>}]} {
    %get3A = arith.constant 0 : index
    %get3A_0 = arith.constant 0 : index
    %get3A_1 = arith.constant 0 : index
    %get3A_2 = vector.load %arg2[%get3A, %get3A_0, %get3A_1] : memref<2x640x128xf32, #tpu.memory_space<vmem>>, vector<2x640x128xf32>
    %get3A_3 = arith.constant 0 : index
    %get3A_4 = arith.constant 0 : index
    %get3A_5 = arith.constant 0 : index
    %get3A_6 = vector.load %arg1[%get3A_3, %get3A_4, %get3A_5] : memref<2x640x128xf32, #tpu.memory_space<vmem>>, vector<2x640x128xf32>
    %get3A_7 = arith.constant 0 : index
    %get3A_8 = arith.constant 0 : index
    %get3A_9 = vector.load %arg3[%get3A_7, %get3A_8] : memref<640x128xf32, #tpu.memory_space<vmem>>, vector<640x128xf32>
    %get3A_10 = arith.constant 0 : index
    %get3A_11 = arith.constant 0 : index
    %get3A_12 = vector.load %arg4[%get3A_10, %get3A_11] : memref<1x128xf32, #tpu.memory_space<vmem>>, vector<1x128xf32>
    %get3A_13 = arith.constant 0 : index
    %get3A_14 = arith.constant 0 : index
    %get3A_15 = vector.load %arg5[%get3A_13, %get3A_14] : memref<1x128xf32, #tpu.memory_space<vmem>>, vector<1x128xf32>
    %slice3A = vector.extract_strided_slice %get3A_6 {offsets = [0, 0, 0], sizes = [1, 640, 128], strides = [1, 1, 1]} : vector<2x640x128xf32> to vector<1x640x128xf32>
    %squeeze3A = vector.shape_cast %slice3A : vector<1x640x128xf32> to vector<640x128xf32>
    %slice3A_16 = vector.extract_strided_slice %get3A_6 {offsets = [1, 0, 0], sizes = [1, 640, 128], strides = [1, 1, 1]} : vector<2x640x128xf32> to vector<1x640x128xf32>
    %squeeze3A_17 = vector.shape_cast %slice3A_16 : vector<1x640x128xf32> to vector<640x128xf32>
    %add3A = arith.addf %squeeze3A, %squeeze3A_17 : vector<640x128xf32>
    %slice3A_18 = vector.extract_strided_slice %get3A_2 {offsets = [1, 0, 0], sizes = [1, 640, 1], strides = [1, 1, 1]} : vector<2x640x128xf32> to vector<1x640x1xf32>
    %squeeze3A_19 = vector.shape_cast %slice3A_18 : vector<1x640x1xf32> to vector<640x1xf32>
    %max3A = arith.constant 1.000000e+00 : f32
    %max3A_20 = vector.broadcast %max3A : f32 to vector<640x1xf32>
    %max3A_21 = arith.maximumf %squeeze3A_19, %max3A_20 : vector<640x1xf32>
    %rsqrt3A = math.rsqrt %max3A_21 : vector<640x1xf32>
    %mul3A = vector.broadcast %rsqrt3A : vector<640x1xf32> to vector<640x128xf32>
    %mul3A_22 = arith.mulf %add3A, %mul3A : vector<640x128xf32>
    %add3A_23 = arith.addf %mul3A_22, %get3A_9 : vector<640x128xf32>
    %reduce_sum3A = arith.constant dense<0.000000e+00> : vector<640xf32>
    %reduce_sum3A_24 = vector.multi_reduction <add>, %add3A_23, %reduce_sum3A [1] : vector<640x128xf32> to vector<640xf32>
    %broadcast_in_dim3A = vector.shape_cast %reduce_sum3A_24 : vector<640xf32> to vector<640x1xf32>
    %div3A = arith.constant 1.280000e+02 : f32
    %div3A_25 = vector.broadcast %div3A : f32 to vector<640x1xf32>
    %div3A_26 = arith.divf %broadcast_in_dim3A, %div3A_25 : vector<640x1xf32>
    %sub3A = vector.broadcast %div3A_26 : vector<640x1xf32> to vector<640x128xf32>
    %sub3A_27 = arith.subf %add3A_23, %sub3A : vector<640x128xf32>
    %mul3A_28 = arith.mulf %sub3A_27, %sub3A_27 : vector<640x128xf32>
    %reduce_sum3A_29 = arith.constant dense<0.000000e+00> : vector<640xf32>
    %reduce_sum3A_30 = vector.multi_reduction <add>, %mul3A_28, %reduce_sum3A_29 [1] : vector<640x128xf32> to vector<640xf32>
    %broadcast_in_dim3A_31 = vector.shape_cast %reduce_sum3A_30 : vector<640xf32> to vector<640x1xf32>
    %div3A_32 = arith.constant 1.280000e+02 : f32
    %div3A_33 = vector.broadcast %div3A_32 : f32 to vector<640x1xf32>
    %div3A_34 = arith.divf %broadcast_in_dim3A_31, %div3A_33 : vector<640x1xf32>
    %add3A_35 = arith.constant 9.99999997E-7 : f32
    %add3A_36 = vector.broadcast %add3A_35 : f32 to vector<640x1xf32>
    %add3A_37 = arith.addf %div3A_34, %add3A_36 : vector<640x1xf32>
    %rsqrt3A_38 = math.rsqrt %add3A_37 : vector<640x1xf32>
    %mul3A_39 = vector.broadcast %rsqrt3A_38 : vector<640x1xf32> to vector<640x128xf32>
    %mul3A_40 = arith.mulf %sub3A_27, %mul3A_39 : vector<640x128xf32>
    %mul3A_41 = vector.broadcast %get3A_12 : vector<1x128xf32> to vector<640x128xf32>
    %mul3A_42 = arith.mulf %mul3A_40, %mul3A_41 : vector<640x128xf32>
    %add3A_43 = vector.broadcast %get3A_15 : vector<1x128xf32> to vector<640x128xf32>
    %add3A_44 = arith.addf %mul3A_42, %add3A_43 : vector<640x128xf32>
    %get3A_45 = arith.constant 0 : index
    %get3A_46 = arith.constant 0 : index
    %get3A_47 = vector.load %arg6[%get3A_45, %get3A_46] : memref<128x128xf32, #tpu.memory_space<vmem>>, vector<128x128xf32>
    %get3A_48 = arith.constant 0 : index
    %get3A_49 = arith.constant 0 : index
    %get3A_50 = vector.load %arg7[%get3A_48, %get3A_49] : memref<1x128xf32, #tpu.memory_space<vmem>>, vector<1x128xf32>
    %get3A_51 = arith.constant 0 : index
    %get3A_52 = arith.constant 0 : index
    %get3A_53 = vector.load %arg8[%get3A_51, %get3A_52] : memref<128x128xf32, #tpu.memory_space<vmem>>, vector<128x128xf32>
    %get3A_54 = arith.constant 0 : index
    %get3A_55 = arith.constant 0 : index
    %get3A_56 = vector.load %arg9[%get3A_54, %get3A_55] : memref<1x128xf32, #tpu.memory_space<vmem>>, vector<1x128xf32>
    %dot_general3A = arith.constant dense<0.000000e+00> : vector<640x128xf32>
    %dot_general3A_57 = tpu.matmul %add3A_44, %get3A_47, %dot_general3A {dimension_numbers = #tpu.dot_dimension_numbers<[1], [0], [0], [1], [0, 0, 1, 1], [], []>, transpose_lhs_hint = false} : vector<640x128xf32>, vector<128x128xf32>, vector<640x128xf32> -> vector<640x128xf32>
    %add3A_58 = vector.broadcast %get3A_50 : vector<1x128xf32> to vector<640x128xf32>
    %add3A_59 = arith.addf %dot_general3A_57, %add3A_58 : vector<640x128xf32>
    %max3A_60 = arith.constant 0.000000e+00 : f32
    %max3A_61 = vector.broadcast %max3A_60 : f32 to vector<640x128xf32>
    %max3A_62 = arith.maximumf %add3A_59, %max3A_61 : vector<640x128xf32>
    %dot_general3A_63 = arith.constant dense<0.000000e+00> : vector<640x128xf32>
    %dot_general3A_64 = tpu.matmul %max3A_62, %get3A_53, %dot_general3A_63 {dimension_numbers = #tpu.dot_dimension_numbers<[1], [0], [0], [1], [0, 0, 1, 1], [], []>, transpose_lhs_hint = false} : vector<640x128xf32>, vector<128x128xf32>, vector<640x128xf32> -> vector<640x128xf32>
    %add3A_65 = vector.broadcast %get3A_56 : vector<1x128xf32> to vector<640x128xf32>
    %add3A_66 = arith.addf %dot_general3A_64, %add3A_65 : vector<640x128xf32>
    %max3A_67 = arith.constant 0.000000e+00 : f32
    %max3A_68 = vector.broadcast %max3A_67 : f32 to vector<640x128xf32>
    %max3A_69 = arith.maximumf %add3A_66, %max3A_68 : vector<640x128xf32>
    %swap3A = arith.constant 0 : index
    %swap3A_70 = arith.constant 0 : index
    %swap3A_71 = vector.load %arg10[%swap3A, %swap3A_70] : memref<640x128xf32, #tpu.memory_space<vmem>>, vector<640x128xf32>
    tpu.vector_store %arg10[%swap3A, %swap3A_70], %add3A_44 {strides = array<i32>} : memref<640x128xf32, #tpu.memory_space<vmem>>, vector<640x128xf32>,
    %slice3A_72 = vector.extract_strided_slice %get3A_2 {offsets = [0, 0, 0], sizes = [1, 640, 1], strides = [1, 1, 1]} : vector<2x640x128xf32> to vector<1x640x1xf32>
    %squeeze3A_73 = vector.shape_cast %slice3A_72 : vector<1x640x1xf32> to vector<640x1xf32>
    %max3A_74 = arith.constant 1.000000e+00 : f32
    %max3A_75 = vector.broadcast %max3A_74 : f32 to vector<640x1xf32>
    %max3A_76 = arith.maximumf %squeeze3A_73, %max3A_75 : vector<640x1xf32>
    %rsqrt3A_77 = math.rsqrt %max3A_76 : vector<640x1xf32>
    %mul3A_78 = vector.broadcast %rsqrt3A_77 : vector<640x1xf32> to vector<640x128xf32>
    %mul3A_79 = arith.mulf %max3A_69, %mul3A_78 : vector<640x128xf32>
    %swap3A_80 = arith.constant 0 : index
    %swap3A_81 = arith.constant 0 : index
    %swap3A_82 = vector.load %arg11[%swap3A_80, %swap3A_81] : memref<640x128xf32, #tpu.memory_space<vmem>>, vector<640x128xf32>
    tpu.vector_store %arg11[%swap3A_80, %swap3A_81], %mul3A_79 {strides = array<i32>} : memref<640x128xf32, #tpu.memory_space<vmem>>, vector<640x128xf32>,
    return
  }
  func.func @transform_0(%arg0: i32) -> (i32, i32, i32) {
    %c0_i32 = arith.constant 0 : i32
    %c0_i32_0 = arith.constant 0 : i32
    %c0_i32_1 = arith.constant 0 : i32
    return %c0_i32, %arg0, %c0_i32_0 : i32, i32, i32
  }
  func.func @transform_1(%arg0: i32) -> (i32, i32, i32) {
    %c0_i32 = arith.constant 0 : i32
    %c0_i32_0 = arith.constant 0 : i32
    %c0_i32_1 = arith.constant 0 : i32
    return %c0_i32, %arg0, %c0_i32_0 : i32, i32, i32
  }
  func.func @transform_2(%arg0: i32) -> (i32, i32) {
    %c0_i32 = arith.constant 0 : i32
    %c0_i32_0 = arith.constant 0 : i32
    return %arg0, %c0_i32 : i32, i32
  }
  func.func @transform_3(%arg0: i32) -> (i32, i32) {
    %c0_i32 = arith.constant 0 : i32
    %c0_i32_0 = arith.constant 0 : i32
    %c0_i32_1 = arith.constant 0 : i32
    return %c0_i32, %c0_i32_0 : i32, i32
  }
  func.func @transform_4(%arg0: i32) -> (i32, i32) {
    %c0_i32 = arith.constant 0 : i32
    %c0_i32_0 = arith.constant 0 : i32
    %c0_i32_1 = arith.constant 0 : i32
    return %c0_i32, %c0_i32_0 : i32, i32
  }
  func.func @transform_5(%arg0: i32) -> (i32, i32) {
    %c0_i32 = arith.constant 0 : i32
    %c0_i32_0 = arith.constant 0 : i32
    %c0_i32_1 = arith.constant 0 : i32
    return %c0_i32, %c0_i32_0 : i32, i32
  }
  func.func @transform_6(%arg0: i32) -> (i32, i32) {
    %c0_i32 = arith.constant 0 : i32
    %c0_i32_0 = arith.constant 0 : i32
    %c0_i32_1 = arith.constant 0 : i32
    return %c0_i32, %c0_i32_0 : i32, i32
  }
  func.func @transform_7(%arg0: i32) -> (i32, i32) {
    %c0_i32 = arith.constant 0 : i32
    %c0_i32_0 = arith.constant 0 : i32
    %c0_i32_1 = arith.constant 0 : i32
    return %c0_i32, %c0_i32_0 : i32, i32
  }
  func.func @transform_8(%arg0: i32) -> (i32, i32) {
    %c0_i32 = arith.constant 0 : i32
    %c0_i32_0 = arith.constant 0 : i32
    %c0_i32_1 = arith.constant 0 : i32
    return %c0_i32, %c0_i32_0 : i32, i32
  }
  func.func @transform_9(%arg0: i32) -> (i32, i32) {
    %c0_i32 = arith.constant 0 : i32
    %c0_i32_0 = arith.constant 0 : i32
    return %arg0, %c0_i32 : i32, i32
  }
  func.func @transform_10(%arg0: i32) -> (i32, i32) {
    %c0_i32 = arith.constant 0 : i32
    %c0_i32_0 = arith.constant 0 : i32
    return %arg0, %c0_i32 : i32, i32
  }
}

module attributes {stable_mosaic.version = 14 : i64} {
  func.func @_cd_body(%arg0: i32, %arg1: memref<2x640x128xf32, #tpu.memory_space<vmem>>, %arg2: memref<2x640x128xf32, #tpu.memory_space<vmem>>, %arg3: memref<640x128xf32, #tpu.memory_space<vmem>>, %arg4: memref<1x128xf32, #tpu.memory_space<vmem>>, %arg5: memref<1x128xf32, #tpu.memory_space<vmem>>, %arg6: memref<128x128xf32, #tpu.memory_space<vmem>>, %arg7: memref<1x128xf32, #tpu.memory_space<vmem>>, %arg8: memref<640x128xf32, #tpu.memory_space<vmem>>) attributes {dimension_semantics = [#tpu.dimension_semantics<arbitrary>], iteration_bounds = array<i64: 16>, scalar_prefetch = 0 : i64, scratch_operands = 0 : i64, tpu.core_type = #tpu.core_type<tc>, window_params = [{transform_indices = @transform_0, window_bounds = array<i64: 2, 640, 128>}, {transform_indices = @transform_1, window_bounds = array<i64: 2, 640, 128>}, {transform_indices = @transform_2, window_bounds = array<i64: 640, 128>}, {pipeline_mode = #tpu.pipeline_mode<synchronous>, transform_indices = @transform_3, window_bounds = array<i64: 1, 128>}, {pipeline_mode = #tpu.pipeline_mode<synchronous>, transform_indices = @transform_4, window_bounds = array<i64: 1, 128>}, {pipeline_mode = #tpu.pipeline_mode<synchronous>, transform_indices = @transform_5, window_bounds = array<i64: 128, 128>}, {pipeline_mode = #tpu.pipeline_mode<synchronous>, transform_indices = @transform_6, window_bounds = array<i64: 1, 128>}, {transform_indices = @transform_7, window_bounds = array<i64: 640, 128>}]} {
    %get3A = arith.constant 0 : index
    %get3A_0 = arith.constant 0 : index
    %get3A_1 = arith.constant 0 : index
    %get3A_2 = vector.load %arg1[%get3A, %get3A_0, %get3A_1] : memref<2x640x128xf32, #tpu.memory_space<vmem>>, vector<2x640x128xf32>
    %get3A_3 = arith.constant 0 : index
    %get3A_4 = arith.constant 0 : index
    %get3A_5 = arith.constant 0 : index
    %get3A_6 = vector.load %arg2[%get3A_3, %get3A_4, %get3A_5] : memref<2x640x128xf32, #tpu.memory_space<vmem>>, vector<2x640x128xf32>
    %get3A_7 = arith.constant 0 : index
    %get3A_8 = arith.constant 0 : index
    %get3A_9 = vector.load %arg3[%get3A_7, %get3A_8] : memref<640x128xf32, #tpu.memory_space<vmem>>, vector<640x128xf32>
    %get3A_10 = arith.constant 0 : index
    %get3A_11 = arith.constant 0 : index
    %get3A_12 = vector.load %arg4[%get3A_10, %get3A_11] : memref<1x128xf32, #tpu.memory_space<vmem>>, vector<1x128xf32>
    %get3A_13 = arith.constant 0 : index
    %get3A_14 = arith.constant 0 : index
    %get3A_15 = vector.load %arg5[%get3A_13, %get3A_14] : memref<1x128xf32, #tpu.memory_space<vmem>>, vector<1x128xf32>
    %slice3A = vector.extract_strided_slice %get3A_2 {offsets = [0, 0, 0], sizes = [1, 640, 128], strides = [1, 1, 1]} : vector<2x640x128xf32> to vector<1x640x128xf32>
    %squeeze3A = vector.shape_cast %slice3A : vector<1x640x128xf32> to vector<640x128xf32>
    %slice3A_16 = vector.extract_strided_slice %get3A_2 {offsets = [1, 0, 0], sizes = [1, 640, 128], strides = [1, 1, 1]} : vector<2x640x128xf32> to vector<1x640x128xf32>
    %squeeze3A_17 = vector.shape_cast %slice3A_16 : vector<1x640x128xf32> to vector<640x128xf32>
    %add3A = arith.addf %squeeze3A, %squeeze3A_17 : vector<640x128xf32>
    %slice3A_18 = vector.extract_strided_slice %get3A_6 {offsets = [1, 0, 0], sizes = [1, 640, 1], strides = [1, 1, 1]} : vector<2x640x128xf32> to vector<1x640x1xf32>
    %squeeze3A_19 = vector.shape_cast %slice3A_18 : vector<1x640x1xf32> to vector<640x1xf32>
    %max3A = arith.constant 1.000000e+00 : f32
    %max3A_20 = vector.broadcast %max3A : f32 to vector<640x1xf32>
    %max3A_21 = arith.maximumf %squeeze3A_19, %max3A_20 : vector<640x1xf32>
    %rsqrt3A = math.rsqrt %max3A_21 : vector<640x1xf32>
    %mul3A = vector.broadcast %rsqrt3A : vector<640x1xf32> to vector<640x128xf32>
    %mul3A_22 = arith.mulf %add3A, %mul3A : vector<640x128xf32>
    %add3A_23 = arith.addf %mul3A_22, %get3A_9 : vector<640x128xf32>
    %reduce_sum3A = arith.constant dense<0.000000e+00> : vector<640xf32>
    %reduce_sum3A_24 = vector.multi_reduction <add>, %add3A_23, %reduce_sum3A [1] : vector<640x128xf32> to vector<640xf32>
    %broadcast_in_dim3A = vector.shape_cast %reduce_sum3A_24 : vector<640xf32> to vector<640x1xf32>
    %div3A = arith.constant 1.280000e+02 : f32
    %div3A_25 = vector.broadcast %div3A : f32 to vector<640x1xf32>
    %div3A_26 = arith.divf %broadcast_in_dim3A, %div3A_25 : vector<640x1xf32>
    %sub3A = vector.broadcast %div3A_26 : vector<640x1xf32> to vector<640x128xf32>
    %sub3A_27 = arith.subf %add3A_23, %sub3A : vector<640x128xf32>
    %mul3A_28 = arith.mulf %sub3A_27, %sub3A_27 : vector<640x128xf32>
    %reduce_sum3A_29 = arith.constant dense<0.000000e+00> : vector<640xf32>
    %reduce_sum3A_30 = vector.multi_reduction <add>, %mul3A_28, %reduce_sum3A_29 [1] : vector<640x128xf32> to vector<640xf32>
    %broadcast_in_dim3A_31 = vector.shape_cast %reduce_sum3A_30 : vector<640xf32> to vector<640x1xf32>
    %div3A_32 = arith.constant 1.280000e+02 : f32
    %div3A_33 = vector.broadcast %div3A_32 : f32 to vector<640x1xf32>
    %div3A_34 = arith.divf %broadcast_in_dim3A_31, %div3A_33 : vector<640x1xf32>
    %add3A_35 = arith.constant 9.99999997E-7 : f32
    %add3A_36 = vector.broadcast %add3A_35 : f32 to vector<640x1xf32>
    %add3A_37 = arith.addf %div3A_34, %add3A_36 : vector<640x1xf32>
    %rsqrt3A_38 = math.rsqrt %add3A_37 : vector<640x1xf32>
    %mul3A_39 = vector.broadcast %rsqrt3A_38 : vector<640x1xf32> to vector<640x128xf32>
    %mul3A_40 = arith.mulf %sub3A_27, %mul3A_39 : vector<640x128xf32>
    %mul3A_41 = vector.broadcast %get3A_12 : vector<1x128xf32> to vector<640x128xf32>
    %mul3A_42 = arith.mulf %mul3A_40, %mul3A_41 : vector<640x128xf32>
    %add3A_43 = vector.broadcast %get3A_15 : vector<1x128xf32> to vector<640x128xf32>
    %add3A_44 = arith.addf %mul3A_42, %add3A_43 : vector<640x128xf32>
    %get3A_45 = arith.constant 0 : index
    %get3A_46 = arith.constant 0 : index
    %get3A_47 = vector.load %arg6[%get3A_45, %get3A_46] : memref<128x128xf32, #tpu.memory_space<vmem>>, vector<128x128xf32>
    %dot_general3A = arith.constant dense<0.000000e+00> : vector<640x128xf32>
    %dot_general3A_48 = tpu.matmul %add3A_44, %get3A_47, %dot_general3A {dimension_numbers = #tpu.dot_dimension_numbers<[1], [0], [0], [1], [0, 0, 1, 1], [], []>, transpose_lhs_hint = false} : vector<640x128xf32>, vector<128x128xf32>, vector<640x128xf32> -> vector<640x128xf32>
    %get3A_49 = arith.constant 0 : index
    %get3A_50 = arith.constant 0 : index
    %get3A_51 = vector.load %arg7[%get3A_49, %get3A_50] : memref<1x128xf32, #tpu.memory_space<vmem>>, vector<1x128xf32>
    %add3A_52 = vector.broadcast %get3A_51 : vector<1x128xf32> to vector<640x128xf32>
    %add3A_53 = arith.addf %dot_general3A_48, %add3A_52 : vector<640x128xf32>
    %swap3A = arith.constant 0 : index
    %swap3A_54 = arith.constant 0 : index
    %swap3A_55 = vector.load %arg8[%swap3A, %swap3A_54] : memref<640x128xf32, #tpu.memory_space<vmem>>, vector<640x128xf32>
    tpu.vector_store %arg8[%swap3A, %swap3A_54], %add3A_53 {strides = array<i32>} : memref<640x128xf32, #tpu.memory_space<vmem>>, vector<640x128xf32>,
    return
  }
  func.func @transform_0(%arg0: i32) -> (i32, i32, i32) {
    %c0_i32 = arith.constant 0 : i32
    %c0_i32_0 = arith.constant 0 : i32
    %c0_i32_1 = arith.constant 0 : i32
    return %c0_i32, %arg0, %c0_i32_0 : i32, i32, i32
  }
  func.func @transform_1(%arg0: i32) -> (i32, i32, i32) {
    %c0_i32 = arith.constant 0 : i32
    %c0_i32_0 = arith.constant 0 : i32
    %c0_i32_1 = arith.constant 0 : i32
    return %c0_i32, %arg0, %c0_i32_0 : i32, i32, i32
  }
  func.func @transform_2(%arg0: i32) -> (i32, i32) {
    %c0_i32 = arith.constant 0 : i32
    %c0_i32_0 = arith.constant 0 : i32
    return %arg0, %c0_i32 : i32, i32
  }
  func.func @transform_3(%arg0: i32) -> (i32, i32) {
    %c0_i32 = arith.constant 0 : i32
    %c0_i32_0 = arith.constant 0 : i32
    %c0_i32_1 = arith.constant 0 : i32
    return %c0_i32, %c0_i32_0 : i32, i32
  }
  func.func @transform_4(%arg0: i32) -> (i32, i32) {
    %c0_i32 = arith.constant 0 : i32
    %c0_i32_0 = arith.constant 0 : i32
    %c0_i32_1 = arith.constant 0 : i32
    return %c0_i32, %c0_i32_0 : i32, i32
  }
  func.func @transform_5(%arg0: i32) -> (i32, i32) {
    %c0_i32 = arith.constant 0 : i32
    %c0_i32_0 = arith.constant 0 : i32
    %c0_i32_1 = arith.constant 0 : i32
    return %c0_i32, %c0_i32_0 : i32, i32
  }
  func.func @transform_6(%arg0: i32) -> (i32, i32) {
    %c0_i32 = arith.constant 0 : i32
    %c0_i32_0 = arith.constant 0 : i32
    %c0_i32_1 = arith.constant 0 : i32
    return %c0_i32, %c0_i32_0 : i32, i32
  }
  func.func @transform_7(%arg0: i32) -> (i32, i32) {
    %c0_i32 = arith.constant 0 : i32
    %c0_i32_0 = arith.constant 0 : i32
    return %arg0, %c0_i32 : i32, i32
  }
}

module attributes {stable_mosaic.version = 14 : i64} {
  func.func @_ab0_body(%arg0: i32, %arg1: memref<640x128xf32, #tpu.memory_space<vmem>>, %arg2: memref<2x640x128xf32, #tpu.memory_space<vmem>>, %arg3: memref<128x128xf32, #tpu.memory_space<vmem>>, %arg4: memref<1x128xf32, #tpu.memory_space<vmem>>, %arg5: memref<128x128xf32, #tpu.memory_space<vmem>>, %arg6: memref<1x128xf32, #tpu.memory_space<vmem>>, %arg7: memref<128x128xf32, #tpu.memory_space<vmem>>, %arg8: memref<1x128xf32, #tpu.memory_space<vmem>>, %arg9: memref<640x128xf32, #tpu.memory_space<vmem>>, %arg10: memref<640x128xf32, #tpu.memory_space<vmem>>) attributes {dimension_semantics = [#tpu.dimension_semantics<arbitrary>], iteration_bounds = array<i64: 16>, scalar_prefetch = 0 : i64, scratch_operands = 0 : i64, tpu.core_type = #tpu.core_type<tc>, window_params = [{transform_indices = @transform_0, window_bounds = array<i64: 640, 128>}, {transform_indices = @transform_1, window_bounds = array<i64: 2, 640, 128>}, {pipeline_mode = #tpu.pipeline_mode<synchronous>, transform_indices = @transform_2, window_bounds = array<i64: 128, 128>}, {pipeline_mode = #tpu.pipeline_mode<synchronous>, transform_indices = @transform_3, window_bounds = array<i64: 1, 128>}, {pipeline_mode = #tpu.pipeline_mode<synchronous>, transform_indices = @transform_4, window_bounds = array<i64: 128, 128>}, {pipeline_mode = #tpu.pipeline_mode<synchronous>, transform_indices = @transform_5, window_bounds = array<i64: 1, 128>}, {pipeline_mode = #tpu.pipeline_mode<synchronous>, transform_indices = @transform_6, window_bounds = array<i64: 128, 128>}, {pipeline_mode = #tpu.pipeline_mode<synchronous>, transform_indices = @transform_7, window_bounds = array<i64: 1, 128>}, {transform_indices = @transform_8, window_bounds = array<i64: 640, 128>}, {transform_indices = @transform_9, window_bounds = array<i64: 640, 128>}]} {
    %get3A = arith.constant 0 : index
    %get3A_0 = arith.constant 0 : index
    %get3A_1 = vector.load %arg1[%get3A, %get3A_0] : memref<640x128xf32, #tpu.memory_space<vmem>>, vector<640x128xf32>
    %get3A_2 = arith.constant 0 : index
    %get3A_3 = arith.constant 0 : index
    %get3A_4 = vector.load %arg3[%get3A_2, %get3A_3] : memref<128x128xf32, #tpu.memory_space<vmem>>, vector<128x128xf32>
    %dot_general3A = arith.constant dense<0.000000e+00> : vector<640x128xf32>
    %dot_general3A_5 = tpu.matmul %get3A_1, %get3A_4, %dot_general3A {dimension_numbers = #tpu.dot_dimension_numbers<[1], [0], [0], [1], [0, 0, 1, 1], [], []>, transpose_lhs_hint = false} : vector<640x128xf32>, vector<128x128xf32>, vector<640x128xf32> -> vector<640x128xf32>
    %get3A_6 = arith.constant 0 : index
    %get3A_7 = arith.constant 0 : index
    %get3A_8 = vector.load %arg4[%get3A_6, %get3A_7] : memref<1x128xf32, #tpu.memory_space<vmem>>, vector<1x128xf32>
    %add3A = vector.broadcast %get3A_8 : vector<1x128xf32> to vector<640x128xf32>
    %add3A_9 = arith.addf %dot_general3A_5, %add3A : vector<640x128xf32>
    %get3A_10 = arith.constant 0 : index
    %get3A_11 = arith.constant 0 : index
    %get3A_12 = vector.load %arg5[%get3A_10, %get3A_11] : memref<128x128xf32, #tpu.memory_space<vmem>>, vector<128x128xf32>
    %get3A_13 = arith.constant 0 : index
    %get3A_14 = arith.constant 0 : index
    %get3A_15 = vector.load %arg6[%get3A_13, %get3A_14] : memref<1x128xf32, #tpu.memory_space<vmem>>, vector<1x128xf32>
    %get3A_16 = arith.constant 0 : index
    %get3A_17 = arith.constant 0 : index
    %get3A_18 = vector.load %arg7[%get3A_16, %get3A_17] : memref<128x128xf32, #tpu.memory_space<vmem>>, vector<128x128xf32>
    %get3A_19 = arith.constant 0 : index
    %get3A_20 = arith.constant 0 : index
    %get3A_21 = vector.load %arg8[%get3A_19, %get3A_20] : memref<1x128xf32, #tpu.memory_space<vmem>>, vector<1x128xf32>
    %dot_general3A_22 = arith.constant dense<0.000000e+00> : vector<640x128xf32>
    %dot_general3A_23 = tpu.matmul %add3A_9, %get3A_12, %dot_general3A_22 {dimension_numbers = #tpu.dot_dimension_numbers<[1], [0], [0], [1], [0, 0, 1, 1], [], []>, transpose_lhs_hint = false} : vector<640x128xf32>, vector<128x128xf32>, vector<640x128xf32> -> vector<640x128xf32>
    %add3A_24 = vector.broadcast %get3A_15 : vector<1x128xf32> to vector<640x128xf32>
    %add3A_25 = arith.addf %dot_general3A_23, %add3A_24 : vector<640x128xf32>
    %max3A = arith.constant 0.000000e+00 : f32
    %max3A_26 = vector.broadcast %max3A : f32 to vector<640x128xf32>
    %max3A_27 = arith.maximumf %add3A_25, %max3A_26 : vector<640x128xf32>
    %dot_general3A_28 = arith.constant dense<0.000000e+00> : vector<640x128xf32>
    %dot_general3A_29 = tpu.matmul %max3A_27, %get3A_18, %dot_general3A_28 {dimension_numbers = #tpu.dot_dimension_numbers<[1], [0], [0], [1], [0, 0, 1, 1], [], []>, transpose_lhs_hint = false} : vector<640x128xf32>, vector<128x128xf32>, vector<640x128xf32> -> vector<640x128xf32>
    %add3A_30 = vector.broadcast %get3A_21 : vector<1x128xf32> to vector<640x128xf32>
    %add3A_31 = arith.addf %dot_general3A_29, %add3A_30 : vector<640x128xf32>
    %max3A_32 = arith.constant 0.000000e+00 : f32
    %max3A_33 = vector.broadcast %max3A_32 : f32 to vector<640x128xf32>
    %max3A_34 = arith.maximumf %add3A_31, %max3A_33 : vector<640x128xf32>
    %swap3A = arith.constant 0 : index
    %swap3A_35 = arith.constant 0 : index
    %swap3A_36 = vector.load %arg9[%swap3A, %swap3A_35] : memref<640x128xf32, #tpu.memory_space<vmem>>, vector<640x128xf32>
    tpu.vector_store %arg9[%swap3A, %swap3A_35], %add3A_9 {strides = array<i32>} : memref<640x128xf32, #tpu.memory_space<vmem>>, vector<640x128xf32>,
    %get3A_37 = arith.constant 0 : index
    %get3A_38 = arith.constant 0 : index
    %get3A_39 = arith.constant 0 : index
    %get3A_40 = vector.load %arg2[%get3A_37, %get3A_38, %get3A_39] : memref<2x640x128xf32, #tpu.memory_space<vmem>>, vector<2x640x128xf32>
    %slice3A = vector.extract_strided_slice %get3A_40 {offsets = [0, 0, 0], sizes = [1, 640, 1], strides = [1, 1, 1]} : vector<2x640x128xf32> to vector<1x640x1xf32>
    %squeeze3A = vector.shape_cast %slice3A : vector<1x640x1xf32> to vector<640x1xf32>
    %max3A_41 = arith.constant 1.000000e+00 : f32
    %max3A_42 = vector.broadcast %max3A_41 : f32 to vector<640x1xf32>
    %max3A_43 = arith.maximumf %squeeze3A, %max3A_42 : vector<640x1xf32>
    %rsqrt3A = math.rsqrt %max3A_43 : vector<640x1xf32>
    %mul3A = vector.broadcast %rsqrt3A : vector<640x1xf32> to vector<640x128xf32>
    %mul3A_44 = arith.mulf %max3A_34, %mul3A : vector<640x128xf32>
    %swap3A_45 = arith.constant 0 : index
    %swap3A_46 = arith.constant 0 : index
    %swap3A_47 = vector.load %arg10[%swap3A_45, %swap3A_46] : memref<640x128xf32, #tpu.memory_space<vmem>>, vector<640x128xf32>
    tpu.vector_store %arg10[%swap3A_45, %swap3A_46], %mul3A_44 {strides = array<i32>} : memref<640x128xf32, #tpu.memory_space<vmem>>, vector<640x128xf32>,
    return
  }
  func.func @transform_0(%arg0: i32) -> (i32, i32) {
    %c0_i32 = arith.constant 0 : i32
    %c0_i32_0 = arith.constant 0 : i32
    return %arg0, %c0_i32 : i32, i32
  }
  func.func @transform_1(%arg0: i32) -> (i32, i32, i32) {
    %c0_i32 = arith.constant 0 : i32
    %c0_i32_0 = arith.constant 0 : i32
    %c0_i32_1 = arith.constant 0 : i32
    return %c0_i32, %arg0, %c0_i32_0 : i32, i32, i32
  }
  func.func @transform_2(%arg0: i32) -> (i32, i32) {
    %c0_i32 = arith.constant 0 : i32
    %c0_i32_0 = arith.constant 0 : i32
    %c0_i32_1 = arith.constant 0 : i32
    return %c0_i32, %c0_i32_0 : i32, i32
  }
  func.func @transform_3(%arg0: i32) -> (i32, i32) {
    %c0_i32 = arith.constant 0 : i32
    %c0_i32_0 = arith.constant 0 : i32
    %c0_i32_1 = arith.constant 0 : i32
    return %c0_i32, %c0_i32_0 : i32, i32
  }
  func.func @transform_4(%arg0: i32) -> (i32, i32) {
    %c0_i32 = arith.constant 0 : i32
    %c0_i32_0 = arith.constant 0 : i32
    %c0_i32_1 = arith.constant 0 : i32
    return %c0_i32, %c0_i32_0 : i32, i32
  }
  func.func @transform_5(%arg0: i32) -> (i32, i32) {
    %c0_i32 = arith.constant 0 : i32
    %c0_i32_0 = arith.constant 0 : i32
    %c0_i32_1 = arith.constant 0 : i32
    return %c0_i32, %c0_i32_0 : i32, i32
  }
  func.func @transform_6(%arg0: i32) -> (i32, i32) {
    %c0_i32 = arith.constant 0 : i32
    %c0_i32_0 = arith.constant 0 : i32
    %c0_i32_1 = arith.constant 0 : i32
    return %c0_i32, %c0_i32_0 : i32, i32
  }
  func.func @transform_7(%arg0: i32) -> (i32, i32) {
    %c0_i32 = arith.constant 0 : i32
    %c0_i32_0 = arith.constant 0 : i32
    %c0_i32_1 = arith.constant 0 : i32
    return %c0_i32, %c0_i32_0 : i32, i32
  }
  func.func @transform_8(%arg0: i32) -> (i32, i32) {
    %c0_i32 = arith.constant 0 : i32
    %c0_i32_0 = arith.constant 0 : i32
    return %arg0, %c0_i32 : i32, i32
  }
  func.func @transform_9(%arg0: i32) -> (i32, i32) {
    %c0_i32 = arith.constant 0 : i32
    %c0_i32_0 = arith.constant 0 : i32
    return %arg0, %c0_i32 : i32, i32
  }
}

</mosaic_0001>

<sc_bundles>
// kernel: kernel.10.cloned.1.call-start
scs
__scs_entry_jumppad:
0x0: {  	(pc) =	sbr.rel $0x88, $3  }
0x1: {  	(tag) =	ssettag $0x0;
	lr =	simm.s32 $0x1  }
0x2: {  	[smem:$0x3F89] =	sst lr;
	_ =	strace $0xD0000000  }
0x3: {  	_ = 	snop  }
0x4: {  	_ = 	snop  }
0x5: {  	_ = 	snop  }
0x6: {  	_ = 	snop  }
0x7: {  	_ = 	snop  }
__scs_overlays_trampoline_lowered:
0x8: {  	[smem:$0x3F98] =	sst s0  }
0x9: {  	[smem:$0x3F99] =	sst s1  }
0xa: {  	[smem:$0x3F9A] =	sst s2  }
0xb: {  	[smem:$0x3F9B] =	sst s3  }
0xc: {  	[smem:$0x3F9C] =	sst s4  }
0xd: {  	[smem:$0x3F9D] =	sst s5  }
0xe: {  	[smem:$0x3F9E] =	sst s6  }
0xf: {  	[smem:$0x3F9F] =	sst s7  }
0x10: {  	[smem:$0x3FA0] =	sst s8  }
0x11: {  	[smem:$0x3FA1] =	sst s9;
	s0 =	simm.s32 @!p0 $0x0  }
0x12: {  	s1 =	sld [smem:$0x3F87];
	s0 =	simm.s32 @p0 $0x1  }
0x13: {  	[smem:$0x3FA2] =	sst s0;
	s0 =	simm.s32 @!p1 $0x0  }
0x14: {  	s2 =	sld [smem:$0x3F86];
	s0 =	simm.s32 @p1 $0x1  }
0x15: {  	[smem:$0x3FA3] =	sst s0;
	s0 =	simm.s32 @!p2 $0x0  }
0x16: {  	s3 =	sld [smem:$0x3FDB];
	s0 =	simm.s32 @p2 $0x1  }
0x17: {  	s4 =	simm.s32 $0x1BF5;
	[smem:$0x3FA5] =	sst s0  }
0x18: {  	s0 =	sld [smem:$0x3F88];
	_ =	swait.ge [sflag:s4], $0x0  }
0x19: {  	s7 =	sld [smem:$0x3F89]  }
0x1a: {  	s8 =	sadd.s32 $0xFFFFE003, lr  }
0x1b: {  	s9 =	sadd.s32 $0xFFFFFEF7, lr;
	s5 =	simm.s32 $0xFFFFFFFF;
	p2 =	slt.u32 s8, $0xFFFFF086  }
0x1c: {  	p1 =	slt.u32 s9, $0xF7A;
	s5 =	simm.s32 @!p2 $0x0  }
0x1d: {  	s5 =	simm.s32 @p1 $0x1;
	p0 =	seq.s32 s7, s2  }
0x1e: {  	s7 =	smul.u32 @!p0 $0xF7A, s2;
	p2 =	seq.s32 @!p0 s5, $0x0  }
0x1f: {  	s9 =	smul.u32 $0xF7A, s1;
	s8 =	simm.s32 @!p0 $0x1BF5;
	p2 =	por !p2, p0  }
0x20: {  	[sflag:s8] =	ssyncset.s32 @!p0 $0xFFFFF086;
	s6 =	sadd.s32 @!p0 s3, s7;
	s7 =	simm.s32 @!p0 $0x108  }
0x21: {  	s3 =	sadd.s32 s3, s9;
	s6 =	sadd.s32 @!p0 $0x88, s6;
	s7 =	simm.s32 @p2 $0x1082  }
0x22: {  	[simem:s7], [sflag:s8] =	dma.local @!p0 [hbm:s6], $0xF7A  }
0x23: {  	s9 =	sor.u32 $0xD0000000, s2;
	s6 =	simm.s32 $0x108;
	_ =	swait.ge @!p0 [sflag:s8], $0x0  }
0x24: {  	s3 =	sadd.s32 $0x88, s3;
	s6 =	simm.s32 @!p1 $0x1082;
	[sflag:s4] =	ssyncset.s32 $0xFFFFF086  }
0x25: {  	[simem:s6], [sflag:s4] =	dma.local [hbm:s3], $0xF7A  }
0x26: {  	[smem:$0x3F89] =	sst s1;
	(tag) =	ssettag s2;
	_ =	strace s9  }
0x27: {  	s1 =	sld [smem:$0x3F99]  }
0x28: {  	s2 =	sld [smem:$0x3F9A]  }
0x29: {  	s4 =	sld [smem:$0x3F9C]  }
0x2a: {  	p0 =	seq.s32 s5, $0x0;
	s5 =	sld [smem:$0x3F9D]  }
0x2b: {  	s6 =	sld [smem:$0x3F9E]  }
0x2c: {  	s7 =	sld [smem:$0x3F9F]  }
0x2d: {  	s3 =	simm.s32 $0x108;
	s8 =	sld [smem:$0x3FA0]  }
0x2e: {  	s3 =	simm.s32 @!p0 $0x1082;
	s9 =	sld [smem:$0x3FA1]  }
0x2f: {  	lr =	sadd.s32 s0, s3;
	s0 =	sld [smem:$0x3F98]  }
0x30: {  	s3 =	sld [smem:$0x3F9B]  }
0x31: {  	[smem:$0x3FA4] =	sst s10  }
0x32: {  	s10 =	sld [smem:$0x3FA2];
	_ =	sdelay $0x3  }
0x33: {  	p0 =	seq.s32 s10, $0x1;
	s10 =	sld [smem:$0x3FA4];
	_ =	sdelay $0x3  }
0x34: {  	[smem:$0x3FA4] =	sst s10  }
0x35: {  	s10 =	sld [smem:$0x3FA3];
	_ =	sdelay $0x3  }
0x36: {  	p1 =	seq.s32 s10, $0x1;
	s10 =	sld [smem:$0x3FA4];
	_ =	sdelay $0x3  }
0x37: {  	[smem:$0x3FA4] =	sst s10  }
0x38: {  	s10 =	sld [smem:$0x3FA5]  }
0x39: {  	_ = 	snop;
	(pc) =	sbr.ind lr, $3  }
0x3a: {  	_ = 	snop  }
0x3b: {  	_ = 	snop  }
0x3c: {  	p2 =	seq.s32 s10, $0x1;
	s10 =	sld [smem:$0x3FA4]  }
0x3d: {  	_ =	shalt  }
0x3e: {  	_ =	shalt  }
0x3f: {  	_ =	shalt  }
0x40: {  	_ =	shalt  }
0x41: {  	_ =	shalt  }
0x42: {  	_ =	shalt  }
0x43: {  	_ =	shalt  }
0x44: {  	_ =	shalt  }
0x45: {  	_ =	shalt  }
0x46: {  	_ =	shalt  }
0x47: {  	_ =	shalt  }
0x48: {  	_ =	shalt  }
0x49: {  	_ =	shalt  }
0x4a: {  	_ =	shalt  }
0x4b: {  	_ =	shalt  }
0x4c: {  	_ =	shalt  }
0x4d: {  	_ =	shalt  }
0x4e: {  	_ =	shalt  }
0x4f: {  	_ =	shalt  }
0x50: {  	_ =	shalt  }
0x51: {  	_ =	shalt  }
0x52: {  	_ =	shalt  }
0x53: {  	_ =	shalt  }
0x54: {  	_ =	shalt  }
0x55: {  	_ =	shalt  }
0x56: {  	_ =	shalt  }
0x57: {  	_ =	shalt  }
0x58: {  	_ =	shalt  }
0x59: {  	_ =	shalt  }
0x5a: {  	_ =	shalt  }
0x5b: {  	_ =	shalt  }
0x5c: {  	_ =	shalt  }
0x5d: {  	_ =	shalt  }
0x5e: {  	_ =	shalt  }
0x5f: {  	_ =	shalt  }
0x60: {  	_ =	shalt  }
0x61: {  	_ =	shalt  }
0x62: {  	_ =	shalt  }
0x63: {  	_ =	shalt  }
0x64: {  	_ =	shalt  }
0x65: {  	_ =	shalt  }
0x66: {  	_ =	shalt  }
0x67: {  	_ =	shalt  }
0x68: {  	_ =	shalt  }
0x69: {  	_ =	shalt  }
0x6a: {  	_ =	shalt  }
0x6b: {  	_ =	shalt  }
0x6c: {  	_ =	shalt  }
0x6d: {  	_ =	shalt  }
0x6e: {  	_ =	shalt  }
0x6f: {  	_ =	shalt  }
0x70: {  	_ =	shalt  }
0x71: {  	_ =	shalt  }
0x72: {  	_ =	shalt  }
0x73: {  	_ =	shalt  }
0x74: {  	_ =	shalt  }
0x75: {  	_ =	shalt  }
0x76: {  	_ =	shalt  }
0x77: {  	_ =	shalt  }
0x78: {  	_ =	shalt  }
0x79: {  	_ =	shalt  }
0x7a: {  	_ =	shalt  }
0x7b: {  	_ =	shalt  }
0x7c: {  	_ =	shalt  }
0x7d: {  	_ =	shalt  }
0x7e: {  	_ =	shalt  }
0x7f: {  	_ =	shalt  }
0x80: {  	_ =	shalt  }
0x81: {  	_ =	shalt  }
0x82: {  	_ =	shalt  }
0x83: {  	_ =	shalt  }
0x84: {  	_ =	shalt  }
0x85: {  	_ =	shalt  }
0x86: {  	_ =	shalt  }
0x87: {  	_ =	shalt  }
.Lfunc_end0:
.L_simem_size_0:
called_computation_lowered:
.L_overlay_start_0:
0x88: {  	s2 =	sld [smem:$0x3FD9]  }
0x89: {  	s3 =	sld [smem:$0x3FFE];
	_ =	sdelay $0x1  }
0x8a: {  	s1 =	srdreg.scid  }
0x8b: {  	s0 =	sand.u32 $0x1, s1  }
0x8c: {  	s16 =	sshll.u32 s0, $0xA;
	s2 =	sadd.s32 s3, s2  }
0x8d: {  	s2 =	sadd.s32 s2, s16  }
0x8e: {  	[smem:$0x3FB0] =	sst s2  }
0x8f: {  	_ = 	snop  }
0x90: {  	(tm) =	ssettm $0x1  }
0x91: {  	s17 =	sld [smem:$0x3FFB];
	_ =	sdelay $0x3  }
0x92: {  	_ =	strace s17  }
0x93: {  	s2 =	sld [smem:$0x3FFC];
	_ =	sdelay $0x3  }
0x94: {  	_ =	strace s2  }
0x95: {  	s2 =	sld [smem:$0x3FFD];
	_ =	sdelay $0x3  }
0x96: {  	_ =	strace s2  }
0x97: {  	_ =	strace $0x8FFFFFFF  }
0x98: {  	s18 =	sld [smem:$0x3FDB];
	_ =	sdelay $0x1  }
0x99: {  	s19 =	simm.s32 $_scs_section_size  }
0x9a: {  	s4 =	simm.s32 $_size__tile_overlayer_lowered;
	s5 =	simm.s32 $_tile_overlayer_lowered  }
0x9b: {  	s22 =	simm.s32 $0x1BFF;
	s21 =	sshll.u32 s5, $0x1;
	s2 =	sadd.s32 s19, s18  }
0x9c: {  	s6 =	simm.s32 $0x0;
	s20 =	sshll.u32 s4, $0x1;
	s4 =	sadd.s32 s21, s2  }
0x9d: {  	[timem:s6], [sflag:s22] =	dma.local [hbm:s4], s20  }
0x9e: {  	_ =	swait.ge [sflag:s22], s20  }
0x9f: {  	s3 =	ssub.s32 $0x0, s20;
	[sflag:s22] =	ssyncset.done $0x0  }
0xa0: {  	[sflag:s22] =	ssyncadd.s32 s3;
	_ =	sdelay $0x1  }
0xa1: {  	s23 =	simm.s32 $0x1B8B  }
0xa2: {  	_ =	swait.ge [sflag:s23], $0x1  }
0xa3: {  	[sflag:s23] =	ssyncset.done $0x0  }
0xa4: {  	s25 =	simm.s32 $0x1B8E;
	s24 =	sld [smem:$0x3FFE];
	[sflag:s23] =	ssyncadd.s32 $0xFFFFFFFF  }
0xa5: {  	s26 =	simm.s32 $execute0_lowered;
	[smem:$0x3FD2] =	sst s25  }
0xa6: {  	s4 =	sshll.u32 s26, $0x1;
	_ =	strace $0x80000046;
	[dreg:$0x1] =	wrdreg $0xFFFFFFFF  }
0xa7: {  	s28 =	simm.s32 $_size_execute0_lowered;
	s2 =	sadd.s32 s2, s4;
	[dreg:$0x0] =	wrdreg $0x0  }
0xa8: {  	s4 =	sshll.u32 s28, $0x1;
	[dreg:$0x2] =	wrdreg s2  }
0xa9: {  	[dreg:$0x3] =	wrdreg s4  }
0xaa: {  	[dreg:$0x4] =	wrdreg $0xC0  }
0xab: {  	_ =	task [dreg:s6], $0x5FFFF  }
0xac: {  	[dreg:$0x1] =	wrdreg $0xFFFFFFFF  }
0xad: {  	[dreg:$0x0] =	wrdreg $0x60  }
0xae: {  	[dreg:$0x2] =	wrdreg s24  }
0xaf: {  	[dreg:$0x3] =	wrdreg $0x91000  }
0xb0: {  	[dreg:$0x4] =	wrdreg $0x9  }
0xb1: {  	_ =	task.clear_ibuf [dreg:s6], $0x5FFFF;
	_ =	strace $0x90000046  }
0xb2: {  	s29 =	simm.s32 $0x9;
	_ =	strace $0x80000048  }
0xb3: {  	_ =	swait.ge [sflag:s29], $0x1  }
0xb4: {  	[sflag:s29] =	ssyncadd.s32 $0xFFFFFFFF  }
0xb5: {  	_ =	strace $0x90000048  }
0xb6: {  	_ =	sfence  }
0xb7: {  	s30 =	sld [smem:$0x0];
	_ =	sdelay $0x2  }
0xb8: {  	s31 =	sshll.u32 s1, $0xD;
	s1 =	sshrl.u32 s1, $0x2  }
0xb9: {  	s3 =	sand.u32 $0x4000, s31;
	s1 =	sadd.s32 s1, s30  }
0xba: {  	s0 =	sor.u32 s3, s0;
	s1 =	sshll.u32 s1, $0x11  }
0xbb: {  	s0 =	sor.u32 s1, s0  }
0xbc: {  	s0 =	sadd.s32 $0x8F2B, s0  }
0xbd: {  	[sflag:s0] =	ssyncadd.remote.s32 $0x1  }
0xbe: {  	_ =	sfence.sel $0xFFFF  }
0xbf: {  	[dreg:$0x0] =	wrdreg $0xFFFFFFFF;
	(pc) =	sbr.abs _section_cstart, $3  }
0xc0: {  	[dreg:$0x1] =	wrdreg $0xFFFFFFFF  }
0xc1: {  	_ =	task.clear_ibuf [dreg:s6], $0x2FFFF;
	_ =	strace $0x9FFFFFFF  }
0xc2: {  	(tm) =	ssettm $0x7FFFFFFF  }
0xc3: {  	_ =	shalt  }
tec
execute0_lowered:
.L_overlay_start_1:
0x0: {  	(tag) =	ssettag $0x1  }
0x1: {  	s7 =	rddreg [dreg:$0x0]  }
0x2: {  	s0 =	stileid.u32;
	s1 =	srdreg.scid  }
0x3: {  	s2 =	rddreg [dreg:$0x1];
	s4 =	simm.s32 $0x0;
	s14 =	simm.s32 $0x80  }
0x4: {  	s15 =	simm.s32 $0x5000;
	s16 =	simm.s32 $0x5080;
	s17 =	simm.s32 $0x1  }
0x5: {  	s18 =	simm.s32 $0x2;
	s19 =	simm.s32 $0x0;
	s5 =	smul.u32 $0xA00, s0  }
0x6: {  	s3 =	sand.u32 $0x1, s1;
	s1 =	rddreg [dreg:$0x2];
	s8 =	smul.u32 $0x14000, s0  }
0x7: {  	[smem:$0x7FF] =	sst s4;
	s11 =	smul.u32 $0x50000, s0;
	s12 =	sshll.u32 s0, $0x6  }
0x8: {  	s6 =	smul.u32 $0x140000, s3;
	_ =	strace $0x80000047;
	s10 =	ssub.s32 $0x2, s3  }
0x9: {  	p0 =	seq.s32 s3, $0x0;
	s12 =	sor.u32 $0x1C03, s12;
	s9 =	sadd.s32 s5, s7  }
0xa: {  	s5 =	sadd.s32 $0xEE00, s7;
	s30 =	sshrl.u32 s10, $0x1;
	s31 =	sshrl.u32 s11, $0x2  }
0xb: {  	s11 =	simm.s32 $0x5100;
	s6 =	sadd.s32 s8, s6;
	s10 =	ssub.s32 s10, s30  }
0xc: {  	s13 =	sadd.s32 s31, s2;
	s8 =	sshrl.u32 s6, $0x3;
	s6 =	sadd.s32 $0xF600, s7  }
0xd: {  	s13 =	sshrl.u32 s13, $0x3;
	s8 =	sadd.s32 s8, s7;
	s7 =	sadd.s32 $0x4E00, s9  }
0xe: {  	s9 =	smax.u32 s10, $0x1;
	s10 =	simm.s32 $0x3;
	s8 =	sadd.s32 $0x11E00, s8  }
.LBB2_1:
0xf: {  	[tilespmem:s4], [sflag:$0x3] =	stream.linear.gather [hbm4b:s7+s4], $0x5000, $0x38;
	[tilespmem:$0x1D100] =	vst v63  }
0x10: {  	_ =	swait.ge [sflag:s10], $0x5000  }
0x11: {  	[sflag:s10] =	ssyncset.done $0x0  }
0x12: {  	[sflag:s10] =	ssyncadd.s32 $0xFFFFB000  }
0x13: {  	[tilespmem:s11], [sflag:$0x3] =	stream.linear.gather [hbm4b:s5+s4], $0x4000, $0x38;
	[tilespmem:$0x1D100] =	vst v63  }
0x14: {  	_ =	swait.ge [sflag:s10], $0x4000  }
0x15: {  	[sflag:s10] =	ssyncset.done $0x0  }
0x16: {  	[sflag:s10] =	ssyncadd.s32 $0xFFFFC000  }
0x17: {  	[spmem:s13], [sflag:s12] =	dma.local [hbm:s6], $0x2800  }
0x18: {  	_ =	swait.ge [sflag:s10], $0x2800  }
0x19: {  	[sflag:s10] =	ssyncset.done $0x0  }
0x1a: {  	[sflag:s10] =	ssyncadd.s32 $0xFFFFD800  }
0x1b: {  	[bflag:$0x0] =	sbarrier.arrive $0xFFFF  }
0x1c: {  	v0 =	vld [tilespmem:$0x0]  }
0x1d: {  	v1 =	vld [tilespmem:$0x10]  }
0x1e: {  	v2 =	vld [tilespmem:$0x20]  }
0x1f: {  	v3 =	vld [tilespmem:$0x30]  }
0x20: {  	v4 =	vld [tilespmem:$0x40]  }
0x21: {  	v6 =	vld [tilespmem:$0x50];
	v5 =	vand.u32 $0xFFFF, v0;
	v0 =	vshrl.u32 v0, $0x10  }
0x22: {  	v7 =	vld [tilespmem:$0x60];
	v36 =	vand.u32 $0xFFFF, v1;
	v1 =	vshrl.u32 v1, $0x10;
	v0 =	vpsel p0, v5, v0  }
0x23: {  	v39 =	vld [tilespmem:$0x70];
	v38 =	vand.u32 $0xFFFF, v2;
	v2 =	vshrl.u32 v2, $0x10;
	v37 =	vpsel p0, v36, v1;
	[tilespmem:$0x5000] =	vst v0  }
0x24: {  	v41 =	vand.u32 $0xFFFF, v3;
	v42 =	vshrl.u32 v3, $0x10;
	v40 =	vpsel p0, v38, v2;
	[tilespmem:$0x5010] =	vst v37  }
0x25: {  	v44 =	vand.u32 $0xFFFF, v4;
	v45 =	vshrl.u32 v4, $0x10;
	v43 =	vpsel p0, v41, v42;
	[tilespmem:$0x5020] =	vst v40  }
0x26: {  	v47 =	vand.u32 $0xFFFF, v6;
	v48 =	vshrl.u32 v6, $0x10;
	v46 =	vpsel p0, v44, v45;
	[tilespmem:$0x5030] =	vst v43  }
0x27: {  	v50 =	vand.u32 $0xFFFF, v7;
	v51 =	vshrl.u32 v7, $0x10;
	v49 =	vpsel p0, v47, v48;
	[tilespmem:$0x5040] =	vst v46  }
0x28: {  	v53 =	vand.u32 $0xFFFF, v39;
	v54 =	vshrl.u32 v39, $0x10;
	v52 =	vpsel p0, v50, v51;
	[tilespmem:$0x5050] =	vst v49  }
0x29: {  	v55 =	vpsel p0, v53, v54;
	[tilespmem:$0x5060] =	vst v52  }
0x2a: {  	s20 =	simm.s32 $0x0;
	[tilespmem:$0x5070] =	vst v55  }
0x2b: {  	[spmem:s2] =	stream.indirect.scatter.add.f32 [tilespmem:s11], [sflag:$0x1], $0x80, s15, s14, $0xb8;
	[tilespmem:$0x1D100] =	vst v63  }
0x2c: {  	v0 =	vld [tilespmem:s20+$0x80];
	_ =	sdelay $0x4  }
0x2d: {  	v56 =	vand.u32 $0xFFFF, v0;
	v0 =	vshrl.u32 v0, $0x10  }
0x2e: {  	v0 =	vpsel p0, v56, v0  }
0x2f: {  	[tilespmem:$0x5080] =	vst v0  }
0x30: {  	v0 =	vld [tilespmem:s20+$0x90];
	_ =	sdelay $0x4  }
0x31: {  	v57 =	vand.u32 $0xFFFF, v0;
	v0 =	vshrl.u32 v0, $0x10  }
0x32: {  	v0 =	vpsel p0, v57, v0  }
0x33: {  	[tilespmem:$0x5090] =	vst v0  }
0x34: {  	v0 =	vld [tilespmem:s20+$0xA0];
	_ =	sdelay $0x4  }
0x35: {  	v58 =	vand.u32 $0xFFFF, v0;
	v0 =	vshrl.u32 v0, $0x10  }
0x36: {  	v0 =	vpsel p0, v58, v0  }
0x37: {  	[tilespmem:$0x50A0] =	vst v0  }
0x38: {  	v0 =	vld [tilespmem:s20+$0xB0];
	_ =	sdelay $0x4  }
0x39: {  	v59 =	vand.u32 $0xFFFF, v0;
	v0 =	vshrl.u32 v0, $0x10  }
0x3a: {  	v0 =	vpsel p0, v59, v0  }
0x3b: {  	[tilespmem:$0x50B0] =	vst v0  }
0x3c: {  	v0 =	vld [tilespmem:s20+$0xC0];
	_ =	sdelay $0x4  }
0x3d: {  	v60 =	vand.u32 $0xFFFF, v0;
	v0 =	vshrl.u32 v0, $0x10  }
0x3e: {  	v0 =	vpsel p0, v60, v0  }
0x3f: {  	[tilespmem:$0x50C0] =	vst v0  }
0x40: {  	v0 =	vld [tilespmem:s20+$0xD0];
	_ =	sdelay $0x4  }
0x41: {  	v61 =	vand.u32 $0xFFFF, v0;
	v0 =	vshrl.u32 v0, $0x10  }
0x42: {  	v0 =	vpsel p0, v61, v0  }
0x43: {  	[tilespmem:$0x50D0] =	vst v0  }
0x44: {  	v0 =	vld [tilespmem:s20+$0xE0];
	_ =	sdelay $0x4  }
0x45: {  	v62 =	vand.u32 $0xFFFF, v0;
	v0 =	vshrl.u32 v0, $0x10  }
0x46: {  	v0 =	vpsel p0, v62, v0  }
0x47: {  	[tilespmem:$0x50E0] =	vst v0  }
0x48: {  	v0 =	vld [tilespmem:s20+$0xF0];
	_ =	sdelay $0x4  }
0x49: {  	v63 =	vand.u32 $0xFFFF, v0;
	v0 =	vshrl.u32 v0, $0x10  }
0x4a: {  	v0 =	vpsel p0, v63, v0  }
0x4b: {  	[tilespmem:$0x50F0] =	vst v0  }
0x4c: {  	[spmem:s2] =	stream.indirect.scatter.add.f32 [tilespmem:s11], [sflag:$0x2], $0x80, s16, s14, $0xb8;
	[tilespmem:$0x1D100] =	vst v63  }
0x4d: {  	_ =	swait.ge [sflag:s17], $0x4000  }
0x4e: {  	p1 =	por $0x0, $0x0;
	[sflag:s17] =	ssyncset.done $0x0  }
0x4f: {  	s20 =	simm.s32 @!p1 $0x0;
	[sflag:s17] =	ssyncadd.s32 $0xFFFFC000  }
0x50: {  	v0 =	vld @!p1 [tilespmem:s20+$0x100];
	_ =	sdelay $0x3  }
0x51: {  	p2 =	seq.s32 @!p1 s3, $0x0  }
0x52: {  	p2 =	por !p2, p1;
	v1 =	vand.u32 @!p1 $0xFFFF, v0;
	v0 =	vshrl.u32 @!p1 v0, $0x10  }
0x53: {  	v0 =	vpsel p2, v0, v1  }
0x54: {  	[tilespmem:$0x5000] =	vst @!p1 v0  }
0x55: {  	v0 =	vld @!p1 [tilespmem:s20+$0x110];
	_ =	sdelay $0x4  }
0x56: {  	v1 =	vand.u32 @!p1 $0xFFFF, v0;
	v0 =	vshrl.u32 @!p1 v0, $0x10  }
0x57: {  	v0 =	vpsel p2, v0, v1  }
0x58: {  	[tilespmem:$0x5010] =	vst @!p1 v0  }
0x59: {  	v0 =	vld @!p1 [tilespmem:s20+$0x120];
	_ =	sdelay $0x4  }
0x5a: {  	v1 =	vand.u32 @!p1 $0xFFFF, v0;
	v0 =	vshrl.u32 @!p1 v0, $0x10  }
0x5b: {  	v0 =	vpsel p2, v0, v1  }
0x5c: {  	[tilespmem:$0x5020] =	vst @!p1 v0  }
0x5d: {  	v0 =	vld @!p1 [tilespmem:s20+$0x130];
	_ =	sdelay $0x4  }
0x5e: {  	v1 =	vand.u32 @!p1 $0xFFFF, v0;
	v0 =	vshrl.u32 @!p1 v0, $0x10  }
0x5f: {  	v0 =	vpsel p2, v0, v1  }
0x60: {  	[tilespmem:$0x5030] =	vst @!p1 v0  }
0x61: {  	v0 =	vld @!p1 [tilespmem:s20+$0x140];
	_ =	sdelay $0x4  }
0x62: {  	v1 =	vand.u32 @!p1 $0xFFFF, v0;
	v0 =	vshrl.u32 @!p1 v0, $0x10  }
0x63: {  	v0 =	vpsel p2, v0, v1  }
0x64: {  	[tilespmem:$0x5040] =	vst @!p1 v0  }
0x65: {  	v0 =	vld @!p1 [tilespmem:s20+$0x150];
	_ =	sdelay $0x4  }
0x66: {  	v1 =	vand.u32 @!p1 $0xFFFF, v0;
	v0 =	vshrl.u32 @!p1 v0, $0x10  }
0x67: {  	v0 =	vpsel p2, v0, v1  }
0x68: {  	[tilespmem:$0x5050] =	vst @!p1 v0  }
0x69: {  	v0 =	vld @!p1 [tilespmem:s20+$0x160];
	_ =	sdelay $0x4  }
0x6a: {  	v1 =	vand.u32 @!p1 $0xFFFF, v0;
	v0 =	vshrl.u32 @!p1 v0, $0x10  }
0x6b: {  	v0 =	vpsel p2, v0, v1  }
0x6c: {  	[tilespmem:$0x5060] =	vst @!p1 v0  }
0x6d: {  	v0 =	vld @!p1 [tilespmem:s20+$0x170];
	_ =	sdelay $0x4  }
0x6e: {  	v1 =	vand.u32 @!p1 $0xFFFF, v0;
	v0 =	vshrl.u32 @!p1 v0, $0x10  }
0x6f: {  	v0 =	vpsel p2, v0, v1  }
0x70: {  	s21 =	simm.s32 @!p1 $0x5000;
	s22 =	simm.s32 @!p1 $0x5100;
	s20 =	simm.s32 @!p1 $0x80;
	[tilespmem:$0x5070] =	vst @!p1 v0  }
0x71: {  	[spmem:s2] =	stream.indirect.scatter.add.f32 @!p1 [tilespmem:s22], [sflag:$0x1], $0x80, s21, s20, $0xb8;
	[tilespmem:$0x1D100] =	vst v63  }
0x72: {  	_ =	swait.ge [sflag:s18], $0x4000  }
0x73: {  	s20 =	simm.s32 $0x400;
	s21 =	simm.s32 $0x800;
	[sflag:s18] =	ssyncset.done $0x0  }
.LBB2_2:
0x74: {  	s23 =	sshra.s32 s20, $0x2  }
0x75: {  	[sflag:s18] =	ssyncadd.s32 $0xFFFFC000;
	s22 =	smov.u32 s21;
	s21 =	sadd.s32 $0x400, s21  }
0x76: {  	p1 =	sne.s32 s21, $0x14000;
	v0 =	vld [tilespmem:s23+$0x80];
	_ =	sdelay $0x4  }
0x77: {  	v1 =	vand.u32 $0xFFFF, v0;
	v0 =	vshrl.u32 v0, $0x10  }
0x78: {  	v0 =	vpsel p0, v1, v0  }
0x79: {  	[tilespmem:$0x5080] =	vst v0  }
0x7a: {  	v0 =	vld [tilespmem:s23+$0x90];
	_ =	sdelay $0x4  }
0x7b: {  	v1 =	vand.u32 $0xFFFF, v0;
	v0 =	vshrl.u32 v0, $0x10  }
0x7c: {  	v0 =	vpsel p0, v1, v0  }
0x7d: {  	[tilespmem:$0x5090] =	vst v0  }
0x7e: {  	v0 =	vld [tilespmem:s23+$0xA0];
	_ =	sdelay $0x4  }
0x7f: {  	v1 =	vand.u32 $0xFFFF, v0;
	v0 =	vshrl.u32 v0, $0x10  }
0x80: {  	v0 =	vpsel p0, v1, v0  }
0x81: {  	[tilespmem:$0x50A0] =	vst v0  }
0x82: {  	v0 =	vld [tilespmem:s23+$0xB0];
	_ =	sdelay $0x4  }
0x83: {  	v1 =	vand.u32 $0xFFFF, v0;
	v0 =	vshrl.u32 v0, $0x10  }
0x84: {  	v0 =	vpsel p0, v1, v0  }
0x85: {  	[tilespmem:$0x50B0] =	vst v0  }
0x86: {  	v0 =	vld [tilespmem:s23+$0xC0];
	_ =	sdelay $0x4  }
0x87: {  	v1 =	vand.u32 $0xFFFF, v0;
	v0 =	vshrl.u32 v0, $0x10  }
0x88: {  	v0 =	vpsel p0, v1, v0  }
0x89: {  	[tilespmem:$0x50C0] =	vst v0  }
0x8a: {  	v0 =	vld [tilespmem:s23+$0xD0];
	_ =	sdelay $0x4  }
0x8b: {  	v1 =	vand.u32 $0xFFFF, v0;
	v0 =	vshrl.u32 v0, $0x10  }
0x8c: {  	v0 =	vpsel p0, v1, v0  }
0x8d: {  	[tilespmem:$0x50D0] =	vst v0  }
0x8e: {  	v0 =	vld [tilespmem:s23+$0xE0];
	_ =	sdelay $0x4  }
0x8f: {  	v1 =	vand.u32 $0xFFFF, v0;
	v0 =	vshrl.u32 v0, $0x10  }
0x90: {  	v0 =	vpsel p0, v1, v0  }
0x91: {  	[tilespmem:$0x50E0] =	vst v0  }
0x92: {  	v0 =	vld [tilespmem:s23+$0xF0];
	_ =	sdelay $0x4  }
0x93: {  	v1 =	vand.u32 $0xFFFF, v0;
	v0 =	vshrl.u32 v0, $0x10  }
0x94: {  	v0 =	vpsel p0, v1, v0  }
0x95: {  	[tilespmem:$0x50F0] =	vst v0  }
0x96: {  	[spmem:s2] =	stream.indirect.scatter.add.f32 [tilespmem:s11], [sflag:$0x2], $0x80, s16, s14, $0xb8;
	[tilespmem:$0x1D100] =	vst v63  }
0x97: {  	_ =	swait.ge [sflag:s17], $0x4000  }
0x98: {  	p2 =	seq.s32 s20, $0x13C00;
	[sflag:s17] =	ssyncset.done $0x0  }
0x99: {  	p3 =	seq.s32 @!p2 s3, $0x0;
	s23 =	sshra.s32 @!p2 s20, $0x2;
	[sflag:s17] =	ssyncadd.s32 $0xFFFFC000  }
0x9a: {  	s20 =	smov.u32 s22;
	v0 =	vld @!p2 [tilespmem:s23+$0x100];
	_ =	sdelay $0x4  }
0x9b: {  	p3 =	por !p3, p2;
	v1 =	vand.u32 @!p2 $0xFFFF, v0;
	v0 =	vshrl.u32 @!p2 v0, $0x10  }
0x9c: {  	v0 =	vpsel p3, v0, v1  }
0x9d: {  	[tilespmem:$0x5000] =	vst @!p2 v0  }
0x9e: {  	v0 =	vld @!p2 [tilespmem:s23+$0x110];
	_ =	sdelay $0x4  }
0x9f: {  	v1 =	vand.u32 @!p2 $0xFFFF, v0;
	v0 =	vshrl.u32 @!p2 v0, $0x10  }
0xa0: {  	v0 =	vpsel p3, v0, v1  }
0xa1: {  	[tilespmem:$0x5010] =	vst @!p2 v0  }
0xa2: {  	v0 =	vld @!p2 [tilespmem:s23+$0x120];
	_ =	sdelay $0x4  }
0xa3: {  	v1 =	vand.u32 @!p2 $0xFFFF, v0;
	v0 =	vshrl.u32 @!p2 v0, $0x10  }
0xa4: {  	v0 =	vpsel p3, v0, v1  }
0xa5: {  	[tilespmem:$0x5020] =	vst @!p2 v0  }
0xa6: {  	v0 =	vld @!p2 [tilespmem:s23+$0x130];
	_ =	sdelay $0x4  }
0xa7: {  	v1 =	vand.u32 @!p2 $0xFFFF, v0;
	v0 =	vshrl.u32 @!p2 v0, $0x10  }
0xa8: {  	v0 =	vpsel p3, v0, v1  }
0xa9: {  	[tilespmem:$0x5030] =	vst @!p2 v0  }
0xaa: {  	v0 =	vld @!p2 [tilespmem:s23+$0x140];
	_ =	sdelay $0x4  }
0xab: {  	v1 =	vand.u32 @!p2 $0xFFFF, v0;
	v0 =	vshrl.u32 @!p2 v0, $0x10  }
0xac: {  	v0 =	vpsel p3, v0, v1  }
0xad: {  	[tilespmem:$0x5040] =	vst @!p2 v0  }
0xae: {  	v0 =	vld @!p2 [tilespmem:s23+$0x150];
	_ =	sdelay $0x4  }
0xaf: {  	v1 =	vand.u32 @!p2 $0xFFFF, v0;
	v0 =	vshrl.u32 @!p2 v0, $0x10  }
0xb0: {  	v0 =	vpsel p3, v0, v1  }
0xb1: {  	[tilespmem:$0x5050] =	vst @!p2 v0  }
0xb2: {  	v0 =	vld @!p2 [tilespmem:s23+$0x160];
	_ =	sdelay $0x4  }
0xb3: {  	v1 =	vand.u32 @!p2 $0xFFFF, v0;
	v0 =	vshrl.u32 @!p2 v0, $0x10  }
0xb4: {  	v0 =	vpsel p3, v0, v1  }
0xb5: {  	[tilespmem:$0x5060] =	vst @!p2 v0  }
0xb6: {  	v0 =	vld @!p2 [tilespmem:s23+$0x170];
	_ =	sdelay $0x4  }
0xb7: {  	v1 =	vand.u32 @!p2 $0xFFFF, v0;
	v0 =	vshrl.u32 @!p2 v0, $0x10  }
.Ltmp0:
0xb8: {  	v0 =	vpsel p3, v0, v1;
	(pc) =	sbr.rel @p1 .LBB2_2-.Ltmp0, $4  }
0xb9: {  	s24 =	simm.s32 @!p2 $0x5100;
	s22 =	simm.s32 @!p2 $0x80;
	s23 =	simm.s32 @!p2 $0x5000;
	[tilespmem:$0x5070] =	vst @!p2 v0  }
0xba: {  	[spmem:s2] =	stream.indirect.scatter.add.f32 @!p2 [tilespmem:s24], [sflag:$0x1], $0x80, s23, s22, $0xb8;
	[tilespmem:$0x1D100] =	vst v63  }
0xbb: {  	_ =	swait.ge [sflag:s18], $0x4000  }
0xbc: {  	[sflag:s18] =	ssyncset.done $0x0  }
0xbd: {  	s21 =	sshra.s32 s20, $0x2;
	[sflag:s18] =	ssyncadd.s32 $0xFFFFC000  }
0xbe: {  	v0 =	vld [tilespmem:s21+$0x80];
	_ =	sdelay $0x4  }
0xbf: {  	v1 =	vand.u32 $0xFFFF, v0;
	v0 =	vshrl.u32 v0, $0x10  }
0xc0: {  	v0 =	vpsel p0, v1, v0  }
0xc1: {  	[tilespmem:$0x5080] =	vst v0  }
0xc2: {  	v0 =	vld [tilespmem:s21+$0x90];
	_ =	sdelay $0x4  }
0xc3: {  	v57 =	vand.u32 $0xFFFF, v0;
	v0 =	vshrl.u32 v0, $0x10  }
0xc4: {  	v0 =	vpsel p0, v57, v0  }
0xc5: {  	[tilespmem:$0x5090] =	vst v0  }
0xc6: {  	v0 =	vld [tilespmem:s21+$0xA0];
	_ =	sdelay $0x4  }
0xc7: {  	v58 =	vand.u32 $0xFFFF, v0;
	v0 =	vshrl.u32 v0, $0x10  }
0xc8: {  	v0 =	vpsel p0, v58, v0  }
0xc9: {  	[tilespmem:$0x50A0] =	vst v0  }
0xca: {  	v0 =	vld [tilespmem:s21+$0xB0];
	_ =	sdelay $0x4  }
0xcb: {  	v59 =	vand.u32 $0xFFFF, v0;
	v0 =	vshrl.u32 v0, $0x10  }
0xcc: {  	v0 =	vpsel p0, v59, v0  }
0xcd: {  	[tilespmem:$0x50B0] =	vst v0  }
0xce: {  	v0 =	vld [tilespmem:s21+$0xC0];
	_ =	sdelay $0x4  }
0xcf: {  	v60 =	vand.u32 $0xFFFF, v0;
	v0 =	vshrl.u32 v0, $0x10  }
0xd0: {  	v0 =	vpsel p0, v60, v0  }
0xd1: {  	[tilespmem:$0x50C0] =	vst v0  }
0xd2: {  	v0 =	vld [tilespmem:s21+$0xD0];
	_ =	sdelay $0x4  }
0xd3: {  	v61 =	vand.u32 $0xFFFF, v0;
	v0 =	vshrl.u32 v0, $0x10  }
0xd4: {  	v0 =	vpsel p0, v61, v0  }
0xd5: {  	[tilespmem:$0x50D0] =	vst v0  }
0xd6: {  	v0 =	vld [tilespmem:s21+$0xE0];
	_ =	sdelay $0x4  }
0xd7: {  	v62 =	vand.u32 $0xFFFF, v0;
	v0 =	vshrl.u32 v0, $0x10  }
0xd8: {  	v0 =	vpsel p0, v62, v0  }
0xd9: {  	[tilespmem:$0x50E0] =	vst v0  }
0xda: {  	v0 =	vld [tilespmem:s21+$0xF0];
	_ =	sdelay $0x4  }
0xdb: {  	v63 =	vand.u32 $0xFFFF, v0;
	v0 =	vshrl.u32 v0, $0x10  }
0xdc: {  	v0 =	vpsel p0, v63, v0  }
0xdd: {  	[tilespmem:$0x50F0] =	vst v0  }
0xde: {  	[spmem:s2] =	stream.indirect.scatter.add.f32 [tilespmem:s11], [sflag:$0x2], $0x80, s16, s14, $0xb8;
	[tilespmem:$0x1D100] =	vst v63  }
0xdf: {  	_ =	swait.ge [sflag:s17], $0x4000  }
0xe0: {  	p1 =	seq.s32 s20, $0x13C00;
	[sflag:s17] =	ssyncset.done $0x0  }
0xe1: {  	s20 =	sshra.s32 @!p1 s20, $0x2;
	[sflag:s17] =	ssyncadd.s32 $0xFFFFC000  }
0xe2: {  	v0 =	vld @!p1 [tilespmem:s20+$0x100];
	_ =	sdelay $0x3  }
0xe3: {  	p2 =	seq.s32 @!p1 s3, $0x0  }
0xe4: {  	p2 =	por !p2, p1;
	v1 =	vand.u32 @!p1 $0xFFFF, v0;
	v0 =	vshrl.u32 @!p1 v0, $0x10  }
0xe5: {  	v0 =	vpsel p2, v0, v1  }
0xe6: {  	[tilespmem:$0x5000] =	vst @!p1 v0  }
0xe7: {  	v0 =	vld @!p1 [tilespmem:s20+$0x110];
	_ =	sdelay $0x4  }
0xe8: {  	v1 =	vand.u32 @!p1 $0xFFFF, v0;
	v0 =	vshrl.u32 @!p1 v0, $0x10  }
0xe9: {  	v0 =	vpsel p2, v0, v1  }
0xea: {  	[tilespmem:$0x5010] =	vst @!p1 v0  }
0xeb: {  	v0 =	vld @!p1 [tilespmem:s20+$0x120];
	_ =	sdelay $0x4  }
0xec: {  	v1 =	vand.u32 @!p1 $0xFFFF, v0;
	v0 =	vshrl.u32 @!p1 v0, $0x10  }
0xed: {  	v0 =	vpsel p2, v0, v1  }
0xee: {  	[tilespmem:$0x5020] =	vst @!p1 v0  }
0xef: {  	v0 =	vld @!p1 [tilespmem:s20+$0x130];
	_ =	sdelay $0x4  }
0xf0: {  	v1 =	vand.u32 @!p1 $0xFFFF, v0;
	v0 =	vshrl.u32 @!p1 v0, $0x10  }
0xf1: {  	v0 =	vpsel p2, v0, v1  }
0xf2: {  	[tilespmem:$0x5030] =	vst @!p1 v0  }
0xf3: {  	v0 =	vld @!p1 [tilespmem:s20+$0x140];
	_ =	sdelay $0x4  }
0xf4: {  	v1 =	vand.u32 @!p1 $0xFFFF, v0;
	v0 =	vshrl.u32 @!p1 v0, $0x10  }
0xf5: {  	v0 =	vpsel p2, v0, v1  }
0xf6: {  	[tilespmem:$0x5040] =	vst @!p1 v0  }
0xf7: {  	v0 =	vld @!p1 [tilespmem:s20+$0x150];
	_ =	sdelay $0x4  }
0xf8: {  	v1 =	vand.u32 @!p1 $0xFFFF, v0;
	v0 =	vshrl.u32 @!p1 v0, $0x10  }
0xf9: {  	v0 =	vpsel p2, v0, v1  }
0xfa: {  	[tilespmem:$0x5050] =	vst @!p1 v0  }
0xfb: {  	v0 =	vld @!p1 [tilespmem:s20+$0x160];
	_ =	sdelay $0x4  }
0xfc: {  	v1 =	vand.u32 @!p1 $0xFFFF, v0;
	v0 =	vshrl.u32 @!p1 v0, $0x10  }
0xfd: {  	v0 =	vpsel p2, v0, v1  }
0xfe: {  	[tilespmem:$0x5060] =	vst @!p1 v0  }
0xff: {  	v0 =	vld @!p1 [tilespmem:s20+$0x170];
	_ =	sdelay $0x4  }
0x100: {  	v1 =	vand.u32 @!p1 $0xFFFF, v0;
	v0 =	vshrl.u32 @!p1 v0, $0x10  }
0x101: {  	v0 =	vpsel p2, v0, v1  }
0x102: {  	s22 =	simm.s32 @!p1 $0x5100;
	s21 =	simm.s32 @!p1 $0x5000;
	s20 =	simm.s32 @!p1 $0x80;
	[tilespmem:$0x5070] =	vst @!p1 v0  }
0x103: {  	[spmem:s2] =	stream.indirect.scatter.add.f32 @!p1 [tilespmem:s22], [sflag:$0x1], $0x80, s21, s20, $0xb8;
	[tilespmem:$0x1D100] =	vst v63  }
0x104: {  	_ =	swait.ge [sflag:s18], $0x4000  }
0x105: {  	s19 =	sadd.s32 $0x1, s19;
	[sflag:s18] =	ssyncset.done $0x0  }
0x106: {  	p1 =	sne.s32 s19, s9;
	[sflag:s18] =	ssyncadd.s32 $0xFFFFC000  }
.Ltmp1:
0x107: {  	[bflag:$0x0] =	sbarrier.arrive $0xFFFF;
	(pc) =	sbr.rel @p1 .LBB2_1-.Ltmp1, $4  }
0x108: {  	[hbm:s8], [sflag:s12] =	dma.local [spmem:s13], $0x2800  }
0x109: {  	_ =	swait.ge [sflag:s10], $0x2800  }
0x10a: {  	[sflag:s10] =	ssyncset.done $0x0  }
0x10b: {  	[sflag:s10] =	ssyncadd.s32 $0xFFFFD800  }
0x10c: {  	_ =	sfence.sel $0x180000  }
0x10d: {  	[bflag:$0x0] =	sbarrier.arrive $0xFFFF  }
0x10e: {  	p0 =	sne.s32 s0, $0x0;
	_ =	strace $0x90000047  }
0x10f: {  	s0 =	sadd.s32 @!p0 $0x100000, s1;
	[bflag:$0x2] =	sbarrier.arrive $0xFFFF  }
0x110: {  	[sflag:s0] =	ssyncadd.tile.s32 @!p0 $0x1;
	_ =	shalt  }
.Lfunc_end2:
_tile_overlayer_lowered:
.L_overlay_start_2:
0x111: {  	(tag) =	ssettag $0x2  }
0x112: {  	s0 =	rddreg [dreg:$0x0];
	s2 =	stileid.u32  }
0x113: {  	s1 =	rddreg [dreg:$0x1];
	p0 =	sne.s32 s2, $0x0  }
0x114: {  	s3 =	rddreg [dreg:$0x2];
	[bflag:$0x3] =	sbarrier.arrive $0xFFFF;
	s2 =	simm.s32 @!p0 $0x1C03  }
0x115: {  	[timem:s3], [sflag:s2] =	dma.local @!p0 [hbm:s0], s1  }
0x116: {  	s0 =	simm.s32 @!p0 $0x3  }
0x117: {  	_ =	swait.ge @!p0 [sflag:s0], s1  }
0x118: {  	s1 =	ssub.s32 @!p0 $0x0, s1;
	[sflag:s0] =	ssyncset.done @!p0 $0x0  }
0x119: {  	[sflag:s0] =	ssyncadd.s32 @!p0 s1  }
0x11a: {  	[bflag:$0x3] =	sbarrier.arrive $0xFFFF  }
0x11b: {  	_ =	shalt  }

// kernel: kernel.13.cloned.1.call-start
scs
__scs_entry_jumppad:
0x0: {  	(pc) =	sbr.rel $0x88, $3  }
0x1: {  	(tag) =	ssettag $0x0;
	lr =	simm.s32 $0x1  }
0x2: {  	[smem:$0x3F89] =	sst lr;
	_ =	strace $0xD0000000  }
0x3: {  	_ = 	snop  }
0x4: {  	_ = 	snop  }
0x5: {  	_ = 	snop  }
0x6: {  	_ = 	snop  }
0x7: {  	_ = 	snop  }
__scs_overlays_trampoline_lowered:
0x8: {  	[smem:$0x3F98] =	sst s0  }
0x9: {  	[smem:$0x3F99] =	sst s1  }
0xa: {  	[smem:$0x3F9A] =	sst s2  }
0xb: {  	[smem:$0x3F9B] =	sst s3  }
0xc: {  	[smem:$0x3F9C] =	sst s4  }
0xd: {  	[smem:$0x3F9D] =	sst s5  }
0xe: {  	[smem:$0x3F9E] =	sst s6  }
0xf: {  	[smem:$0x3F9F] =	sst s7  }
0x10: {  	[smem:$0x3FA0] =	sst s8  }
0x11: {  	[smem:$0x3FA1] =	sst s9;
	s0 =	simm.s32 @!p0 $0x0  }
0x12: {  	s1 =	sld [smem:$0x3F87];
	s0 =	simm.s32 @p0 $0x1  }
0x13: {  	[smem:$0x3FA2] =	sst s0;
	s0 =	simm.s32 @!p1 $0x0  }
0x14: {  	s2 =	sld [smem:$0x3F86];
	s0 =	simm.s32 @p1 $0x1  }
0x15: {  	[smem:$0x3FA3] =	sst s0;
	s0 =	simm.s32 @!p2 $0x0  }
0x16: {  	s3 =	sld [smem:$0x3FDB];
	s0 =	simm.s32 @p2 $0x1  }
0x17: {  	s4 =	simm.s32 $0x1BF5;
	[smem:$0x3FA5] =	sst s0  }
0x18: {  	s0 =	sld [smem:$0x3F88];
	_ =	swait.ge [sflag:s4], $0x0  }
0x19: {  	s7 =	sld [smem:$0x3F89]  }
0x1a: {  	s8 =	sadd.s32 $0xFFFFE003, lr  }
0x1b: {  	s9 =	sadd.s32 $0xFFFFFEF7, lr;
	s5 =	simm.s32 $0xFFFFFFFF;
	p2 =	slt.u32 s8, $0xFFFFF086  }
0x1c: {  	p1 =	slt.u32 s9, $0xF7A;
	s5 =	simm.s32 @!p2 $0x0  }
0x1d: {  	s5 =	simm.s32 @p1 $0x1;
	p0 =	seq.s32 s7, s2  }
0x1e: {  	s7 =	smul.u32 @!p0 $0xF7A, s2;
	p2 =	seq.s32 @!p0 s5, $0x0  }
0x1f: {  	s9 =	smul.u32 $0xF7A, s1;
	s8 =	simm.s32 @!p0 $0x1BF5;
	p2 =	por !p2, p0  }
0x20: {  	[sflag:s8] =	ssyncset.s32 @!p0 $0xFFFFF086;
	s6 =	sadd.s32 @!p0 s3, s7;
	s7 =	simm.s32 @!p0 $0x108  }
0x21: {  	s3 =	sadd.s32 s3, s9;
	s6 =	sadd.s32 @!p0 $0x88, s6;
	s7 =	simm.s32 @p2 $0x1082  }
0x22: {  	[simem:s7], [sflag:s8] =	dma.local @!p0 [hbm:s6], $0xF7A  }
0x23: {  	s9 =	sor.u32 $0xD0000000, s2;
	s6 =	simm.s32 $0x108;
	_ =	swait.ge @!p0 [sflag:s8], $0x0  }
0x24: {  	s3 =	sadd.s32 $0x88, s3;
	s6 =	simm.s32 @!p1 $0x1082;
	[sflag:s4] =	ssyncset.s32 $0xFFFFF086  }
0x25: {  	[simem:s6], [sflag:s4] =	dma.local [hbm:s3], $0xF7A  }
0x26: {  	[smem:$0x3F89] =	sst s1;
	(tag) =	ssettag s2;
	_ =	strace s9  }
0x27: {  	s1 =	sld [smem:$0x3F99]  }
0x28: {  	s2 =	sld [smem:$0x3F9A]  }
0x29: {  	s4 =	sld [smem:$0x3F9C]  }
0x2a: {  	p0 =	seq.s32 s5, $0x0;
	s5 =	sld [smem:$0x3F9D]  }
0x2b: {  	s6 =	sld [smem:$0x3F9E]  }
0x2c: {  	s7 =	sld [smem:$0x3F9F]  }
0x2d: {  	s3 =	simm.s32 $0x108;
	s8 =	sld [smem:$0x3FA0]  }
0x2e: {  	s3 =	simm.s32 @!p0 $0x1082;
	s9 =	sld [smem:$0x3FA1]  }
0x2f: {  	lr =	sadd.s32 s0, s3;
	s0 =	sld [smem:$0x3F98]  }
0x30: {  	s3 =	sld [smem:$0x3F9B]  }
0x31: {  	[smem:$0x3FA4] =	sst s10  }
0x32: {  	s10 =	sld [smem:$0x3FA2];
	_ =	sdelay $0x3  }
0x33: {  	p0 =	seq.s32 s10, $0x1;
	s10 =	sld [smem:$0x3FA4];
	_ =	sdelay $0x3  }
0x34: {  	[smem:$0x3FA4] =	sst s10  }
0x35: {  	s10 =	sld [smem:$0x3FA3];
	_ =	sdelay $0x3  }
0x36: {  	p1 =	seq.s32 s10, $0x1;
	s10 =	sld [smem:$0x3FA4];
	_ =	sdelay $0x3  }
0x37: {  	[smem:$0x3FA4] =	sst s10  }
0x38: {  	s10 =	sld [smem:$0x3FA5]  }
0x39: {  	_ = 	snop;
	(pc) =	sbr.ind lr, $3  }
0x3a: {  	_ = 	snop  }
0x3b: {  	_ = 	snop  }
0x3c: {  	p2 =	seq.s32 s10, $0x1;
	s10 =	sld [smem:$0x3FA4]  }
0x3d: {  	_ =	shalt  }
0x3e: {  	_ =	shalt  }
0x3f: {  	_ =	shalt  }
0x40: {  	_ =	shalt  }
0x41: {  	_ =	shalt  }
0x42: {  	_ =	shalt  }
0x43: {  	_ =	shalt  }
0x44: {  	_ =	shalt  }
0x45: {  	_ =	shalt  }
0x46: {  	_ =	shalt  }
0x47: {  	_ =	shalt  }
0x48: {  	_ =	shalt  }
0x49: {  	_ =	shalt  }
0x4a: {  	_ =	shalt  }
0x4b: {  	_ =	shalt  }
0x4c: {  	_ =	shalt  }
0x4d: {  	_ =	shalt  }
0x4e: {  	_ =	shalt  }
0x4f: {  	_ =	shalt  }
0x50: {  	_ =	shalt  }
0x51: {  	_ =	shalt  }
0x52: {  	_ =	shalt  }
0x53: {  	_ =	shalt  }
0x54: {  	_ =	shalt  }
0x55: {  	_ =	shalt  }
0x56: {  	_ =	shalt  }
0x57: {  	_ =	shalt  }
0x58: {  	_ =	shalt  }
0x59: {  	_ =	shalt  }
0x5a: {  	_ =	shalt  }
0x5b: {  	_ =	shalt  }
0x5c: {  	_ =	shalt  }
0x5d: {  	_ =	shalt  }
0x5e: {  	_ =	shalt  }
0x5f: {  	_ =	shalt  }
0x60: {  	_ =	shalt  }
0x61: {  	_ =	shalt  }
0x62: {  	_ =	shalt  }
0x63: {  	_ =	shalt  }
0x64: {  	_ =	shalt  }
0x65: {  	_ =	shalt  }
0x66: {  	_ =	shalt  }
0x67: {  	_ =	shalt  }
0x68: {  	_ =	shalt  }
0x69: {  	_ =	shalt  }
0x6a: {  	_ =	shalt  }
0x6b: {  	_ =	shalt  }
0x6c: {  	_ =	shalt  }
0x6d: {  	_ =	shalt  }
0x6e: {  	_ =	shalt  }
0x6f: {  	_ =	shalt  }
0x70: {  	_ =	shalt  }
0x71: {  	_ =	shalt  }
0x72: {  	_ =	shalt  }
0x73: {  	_ =	shalt  }
0x74: {  	_ =	shalt  }
0x75: {  	_ =	shalt  }
0x76: {  	_ =	shalt  }
0x77: {  	_ =	shalt  }
0x78: {  	_ =	shalt  }
0x79: {  	_ =	shalt  }
0x7a: {  	_ =	shalt  }
0x7b: {  	_ =	shalt  }
0x7c: {  	_ =	shalt  }
0x7d: {  	_ =	shalt  }
0x7e: {  	_ =	shalt  }
0x7f: {  	_ =	shalt  }
0x80: {  	_ =	shalt  }
0x81: {  	_ =	shalt  }
0x82: {  	_ =	shalt  }
0x83: {  	_ =	shalt  }
0x84: {  	_ =	shalt  }
0x85: {  	_ =	shalt  }
0x86: {  	_ =	shalt  }
0x87: {  	_ =	shalt  }
.Lfunc_end0:
.L_simem_size_0:
called_computation.1_lowered:
.L_overlay_start_0:
0x88: {  	s2 =	sld [smem:$0x3FD9]  }
0x89: {  	s3 =	sld [smem:$0x3FFE];
	_ =	sdelay $0x1  }
0x8a: {  	s1 =	srdreg.scid  }
0x8b: {  	s0 =	sand.u32 $0x1, s1  }
0x8c: {  	s17 =	sshll.u32 s0, $0xA;
	s2 =	sadd.s32 s3, s2  }
0x8d: {  	s2 =	sadd.s32 s2, s17  }
0x8e: {  	[smem:$0x3FB0] =	sst s2  }
0x8f: {  	_ = 	snop  }
0x90: {  	s2 =	sld [smem:$0x3FD0];
	(tm) =	ssettm $0x1  }
0x91: {  	s18 =	sld [smem:$0x3FFB];
	_ =	sdelay $0x3  }
0x92: {  	_ =	strace s18  }
0x93: {  	s3 =	sld [smem:$0x3FFC];
	_ =	sdelay $0x3  }
0x94: {  	_ =	strace s3  }
0x95: {  	s3 =	sld [smem:$0x3FFD];
	_ =	sdelay $0x3  }
0x96: {  	_ =	strace s3  }
0x97: {  	_ =	strace $0x8FFFFFFF  }
0x98: {  	s19 =	sld [smem:$0x3FDB];
	_ =	sdelay $0x1  }
0x99: {  	s4 =	simm.s32 $_scs_section_size  }
0x9a: {  	s5 =	simm.s32 $_size__tile_overlayer_lowered;
	s6 =	simm.s32 $_tile_overlayer_lowered  }
0x9b: {  	s22 =	simm.s32 $0x1BFF;
	s21 =	sshll.u32 s6, $0x1;
	s3 =	sadd.s32 s4, s19  }
0x9c: {  	s7 =	simm.s32 $0x0;
	s20 =	sshll.u32 s5, $0x1;
	s5 =	sadd.s32 s21, s3  }
0x9d: {  	[timem:s7], [sflag:s22] =	dma.local [hbm:s5], s20  }
0x9e: {  	_ =	swait.ge [sflag:s22], s20  }
0x9f: {  	s4 =	ssub.s32 $0x0, s20;
	[sflag:s22] =	ssyncset.done $0x0  }
0xa0: {  	[sflag:s22] =	ssyncadd.s32 s4;
	_ =	sdelay $0x1  }
0xa1: {  	s23 =	simm.s32 $0x1B8B  }
0xa2: {  	_ =	swait.ge [sflag:s23], $0x1  }
0xa3: {  	[sflag:s23] =	ssyncset.done $0x0  }
0xa4: {  	s25 =	simm.s32 $0x1B8E;
	s24 =	sld [smem:$0x3FFE];
	[sflag:s23] =	ssyncadd.s32 $0xFFFFFFFF  }
0xa5: {  	s26 =	simm.s32 $execute0_lowered;
	[smem:$0x3FD2] =	sst s25  }
0xa6: {  	s5 =	sshll.u32 s26, $0x1;
	_ =	strace $0x80000049;
	[dreg:$0x1] =	wrdreg $0xFFFFFFFF  }
0xa7: {  	s28 =	simm.s32 $_size_execute0_lowered;
	s3 =	sadd.s32 s3, s5;
	[dreg:$0x0] =	wrdreg $0x0  }
0xa8: {  	s5 =	sshll.u32 s28, $0x1;
	[dreg:$0x2] =	wrdreg s3  }
0xa9: {  	[dreg:$0x3] =	wrdreg s5  }
0xaa: {  	[dreg:$0x4] =	wrdreg $0xC0  }
0xab: {  	_ =	task [dreg:s7], $0x5FFFF  }
0xac: {  	[dreg:$0x1] =	wrdreg $0xFFFFFFFF  }
0xad: {  	[dreg:$0x0] =	wrdreg $0x60  }
0xae: {  	[dreg:$0x2] =	wrdreg s2  }
0xaf: {  	[dreg:$0x3] =	wrdreg s24  }
0xb0: {  	[dreg:$0x4] =	wrdreg $0xAA000  }
0xb1: {  	[dreg:$0x5] =	wrdreg $0x9  }
0xb2: {  	_ =	task.clear_ibuf [dreg:s7], $0x6FFFF;
	_ =	strace $0x90000049  }
0xb3: {  	s29 =	simm.s32 $0x9;
	_ =	strace $0x8000004B  }
0xb4: {  	_ =	swait.ge [sflag:s29], $0x1  }
0xb5: {  	[sflag:s29] =	ssyncadd.s32 $0xFFFFFFFF  }
0xb6: {  	_ =	strace $0x9000004B  }
0xb7: {  	_ =	sfence  }
0xb8: {  	s30 =	sld [smem:$0x0];
	_ =	sdelay $0x2  }
0xb9: {  	s31 =	sshll.u32 s1, $0xD;
	s1 =	sshrl.u32 s1, $0x2  }
0xba: {  	s3 =	sand.u32 $0x4000, s31;
	s1 =	sadd.s32 s1, s30  }
0xbb: {  	s0 =	sor.u32 s3, s0;
	s1 =	sshll.u32 s1, $0x11  }
0xbc: {  	s0 =	sor.u32 s1, s0  }
0xbd: {  	s0 =	sadd.s32 $0x8F2B, s0  }
0xbe: {  	[sflag:s0] =	ssyncadd.remote.s32 $0x1  }
0xbf: {  	_ =	sfence.sel $0xFFFF  }
0xc0: {  	[dreg:$0x0] =	wrdreg $0xFFFFFFFF;
	(pc) =	sbr.abs _section_cstart, $3  }
0xc1: {  	[dreg:$0x1] =	wrdreg $0xFFFFFFFF  }
0xc2: {  	_ =	task.clear_ibuf [dreg:s7], $0x2FFFF;
	_ =	strace $0x9FFFFFFF  }
0xc3: {  	(tm) =	ssettm $0x7FFFFFFF  }
tec
execute0_lowered:
.L_overlay_start_1:
0x0: {  	(tag) =	ssettag $0x1  }
0x1: {  	s6 =	rddreg [dreg:$0x0]  }
0x2: {  	s7 =	rddreg [dreg:$0x1]  }
0x3: {  	s1 =	rddreg [dreg:$0x2]  }
0x4: {  	s2 =	srdreg.scid;
	s0 =	rddreg [dreg:$0x3]  }
0x5: {  	s3 =	simm.s32 $0x0;
	s13 =	simm.s32 $0x2800;
	s14 =	simm.s32 $0x2A00  }
0x6: {  	s15 =	simm.s32 $0x2900;
	s16 =	simm.s32 $0x6A00;
	s17 =	simm.s32 $0x1  }
0x7: {  	s18 =	simm.s32 $0x2880;
	s19 =	simm.s32 $0x2;
	s8 =	sand.u32 $0x1, s2  }
0x8: {  	s20 =	simm.s32 $0x2980;
	s2 =	stileid.u32;
	s9 =	smul.u32 $0x140000, s8  }
0x9: {  	s21 =	simm.s32 $0x0;
	[smem:$0x7FF] =	sst s3;
	s10 =	smul.u32 $0x14000, s2  }
0xa: {  	s4 =	sadd.s32 $0x61E00, s7;
	s5 =	sadd.s32 $0xF600, s7;
	s11 =	smul.u32 $0x28000, s8  }
0xb: {  	_ =	strace $0x8000004A;
	s25 =	smul.u32 $0x2800, s2;
	s8 =	ssub.s32 $0x2, s8  }
0xc: {  	s12 =	smul.u32 $0x50000, s2;
	s31 =	sshll.u32 s2, $0x6;
	s26 =	sshrl.u32 s8, $0x1  }
0xd: {  	s9 =	sadd.s32 s10, s9;
	s10 =	sadd.s32 s25, s11;
	s8 =	ssub.s32 s8, s26  }
0xe: {  	s29 =	sshrl.u32 s12, $0x2;
	s12 =	simm.s32 $0x80;
	s9 =	sshrl.u32 s9, $0x3  }
0xf: {  	s28 =	sshrl.u32 s10, $0x3;
	s30 =	sadd.s32 s29, s1;
	s8 =	smax.u32 s8, $0x1  }
0x10: {  	s10 =	sor.u32 $0x1C03, s31;
	s7 =	sadd.s32 s9, s7;
	s6 =	sadd.s32 s6, s28  }
0x11: {  	s9 =	simm.s32 $0x3;
	s11 =	sshrl.u32 s30, $0x3;
	s7 =	sadd.s32 $0x89E00, s7  }
.LBB2_1:
0x12: {  	[tilespmem:s3], [sflag:$0x3] =	stream.linear.gather [hbm4b:s6+s3], $0x2800, $0x38;
	[tilespmem:$0x1EA00] =	vst v63  }
0x13: {  	_ =	swait.ge [sflag:s9], $0x2800  }
0x14: {  	[sflag:s9] =	ssyncset.done $0x0  }
0x15: {  	[sflag:s9] =	ssyncadd.s32 $0xFFFFD800  }
0x16: {  	[spmem:s11], [sflag:s10] =	dma.local [hbm:s5], $0x2800  }
0x17: {  	_ =	swait.ge [sflag:s9], $0x2800  }
0x18: {  	[sflag:s9] =	ssyncset.done $0x0  }
0x19: {  	[sflag:s9] =	ssyncadd.s32 $0xFFFFD800  }
0x1a: {  	[bflag:$0x0] =	sbarrier.arrive $0xFFFF  }
0x1b: {  	v0 =	vld [tilespmem:$0x0];
	_ =	sdelay $0x1  }
0x1c: {  	v1 =	vld [tilespmem:$0x10];
	_ =	sdelay $0x1  }
0x1d: {  	v2 =	vld [tilespmem:$0x20]  }
0x1e: {  	v3 =	vand.u32 $0xFFFF, v0  }
0x1f: {  	v0 =	vshrl.u32 v0, $0x10;
	[tilespmem:$0x2800] =	vst v3;
	v3 =	vld [tilespmem:$0x30]  }
0x20: {  	[tilespmem:$0x2880] =	vst v0;
	v0 =	vand.u32 $0xFFFF, v1  }
0x21: {  	[tilespmem:$0x2810] =	vst v0;
	v0 =	vshrl.u32 v1, $0x10;
	v1 =	vld [tilespmem:$0x40]  }
0x22: {  	[tilespmem:$0x2890] =	vst v0;
	v0 =	vand.u32 $0xFFFF, v2  }
0x23: {  	[tilespmem:$0x2820] =	vst v0;
	v0 =	vshrl.u32 v2, $0x10;
	v2 =	vld [tilespmem:$0x50]  }
0x24: {  	[tilespmem:$0x28A0] =	vst v0;
	v0 =	vand.u32 $0xFFFF, v3  }
0x25: {  	[tilespmem:$0x2830] =	vst v0;
	v0 =	vshrl.u32 v3, $0x10;
	v3 =	vld [tilespmem:$0x60]  }
0x26: {  	[tilespmem:$0x28B0] =	vst v0;
	v0 =	vand.u32 $0xFFFF, v1  }
0x27: {  	[tilespmem:$0x2840] =	vst v0;
	v0 =	vshrl.u32 v1, $0x10;
	v1 =	vld [tilespmem:$0x70]  }
0x28: {  	[tilespmem:$0x28C0] =	vst v0;
	v0 =	vand.u32 $0xFFFF, v2  }
0x29: {  	[tilespmem:$0x2850] =	vst v0;
	v0 =	vshrl.u32 v2, $0x10  }
0x2a: {  	[tilespmem:$0x28D0] =	vst v0;
	v0 =	vand.u32 $0xFFFF, v3  }
0x2b: {  	[tilespmem:$0x2860] =	vst v0;
	v0 =	vshrl.u32 v3, $0x10  }
0x2c: {  	[tilespmem:$0x28E0] =	vst v0;
	v0 =	vand.u32 $0xFFFF, v1  }
0x2d: {  	[tilespmem:$0x2870] =	vst v0;
	v0 =	vshrl.u32 v1, $0x10  }
0x2e: {  	s22 =	simm.s32 $0x0;
	[tilespmem:$0x28F0] =	vst v0  }
0x2f: {  	[tilespmem:s14], [sflag:$0x1] =	stream.indirect.gather [hbm4b:s4+s12], $0x80, s13, s12, $0xb8;
	[tilespmem:$0x1EA00] =	vst v63  }
0x30: {  	v0 =	vld [tilespmem:s22+$0x80];
	_ =	sdelay $0x4  }
0x31: {  	v1 =	vand.u32 $0xFFFF, v0  }
0x32: {  	v0 =	vshrl.u32 v0, $0x10;
	[tilespmem:$0x2900] =	vst v1  }
0x33: {  	[tilespmem:$0x2980] =	vst v0  }
0x34: {  	v0 =	vld [tilespmem:s22+$0x90];
	_ =	sdelay $0x4  }
0x35: {  	v1 =	vand.u32 $0xFFFF, v0  }
0x36: {  	v0 =	vshrl.u32 v0, $0x10;
	[tilespmem:$0x2910] =	vst v1  }
0x37: {  	[tilespmem:$0x2990] =	vst v0  }
0x38: {  	v0 =	vld [tilespmem:s22+$0xA0];
	_ =	sdelay $0x4  }
0x39: {  	v1 =	vand.u32 $0xFFFF, v0  }
0x3a: {  	v0 =	vshrl.u32 v0, $0x10;
	[tilespmem:$0x2920] =	vst v1  }
0x3b: {  	[tilespmem:$0x29A0] =	vst v0  }
0x3c: {  	v0 =	vld [tilespmem:s22+$0xB0];
	_ =	sdelay $0x4  }
0x3d: {  	v1 =	vand.u32 $0xFFFF, v0  }
0x3e: {  	v0 =	vshrl.u32 v0, $0x10;
	[tilespmem:$0x2930] =	vst v1  }
0x3f: {  	[tilespmem:$0x29B0] =	vst v0  }
0x40: {  	v0 =	vld [tilespmem:s22+$0xC0];
	_ =	sdelay $0x4  }
0x41: {  	v1 =	vand.u32 $0xFFFF, v0  }
0x42: {  	v0 =	vshrl.u32 v0, $0x10;
	[tilespmem:$0x2940] =	vst v1  }
0x43: {  	[tilespmem:$0x29C0] =	vst v0  }
0x44: {  	v0 =	vld [tilespmem:s22+$0xD0];
	_ =	sdelay $0x4  }
0x45: {  	v1 =	vand.u32 $0xFFFF, v0  }
0x46: {  	v0 =	vshrl.u32 v0, $0x10;
	[tilespmem:$0x2950] =	vst v1  }
0x47: {  	[tilespmem:$0x29D0] =	vst v0  }
0x48: {  	v0 =	vld [tilespmem:s22+$0xE0];
	_ =	sdelay $0x4  }
0x49: {  	v1 =	vand.u32 $0xFFFF, v0  }
0x4a: {  	v0 =	vshrl.u32 v0, $0x10;
	[tilespmem:$0x2960] =	vst v1  }
0x4b: {  	[tilespmem:$0x29E0] =	vst v0  }
0x4c: {  	v0 =	vld [tilespmem:s22+$0xF0];
	_ =	sdelay $0x4  }
0x4d: {  	v1 =	vand.u32 $0xFFFF, v0  }
0x4e: {  	v0 =	vshrl.u32 v0, $0x10;
	[tilespmem:$0x2970] =	vst v1  }
0x4f: {  	[tilespmem:$0x29F0] =	vst v0  }
0x50: {  	[tilespmem:s16], [sflag:$0x2] =	stream.indirect.gather [hbm4b:s4+s12], $0x80, s15, s12, $0xb8;
	[tilespmem:$0x1EA00] =	vst v63  }
0x51: {  	_ =	swait.ge [sflag:s17], $0x4000  }
0x52: {  	[sflag:s17] =	ssyncset.done $0x0  }
0x53: {  	[sflag:s17] =	ssyncadd.s32 $0xFFFFC000  }
0x54: {  	[spmem:s1] =	stream.indirect.scatter.add.f32 [tilespmem:s14], [sflag:$0x3], $0x80, s18, s12, $0xb8;
	[tilespmem:$0x1EA00] =	vst v63  }
0x55: {  	_ =	swait.ge [sflag:s9], $0x4000  }
0x56: {  	p1 =	por $0x0, $0x0;
	[sflag:s9] =	ssyncset.done $0x0  }
0x57: {  	s23 =	simm.s32 @!p1 $0x0;
	[sflag:s9] =	ssyncadd.s32 $0xFFFFC000  }
0x58: {  	v0 =	vld @!p1 [tilespmem:s23+$0x100];
	_ =	sdelay $0x4  }
0x59: {  	v1 =	vand.u32 @!p1 $0xFFFF, v0  }
0x5a: {  	v0 =	vshrl.u32 @!p1 v0, $0x10;
	[tilespmem:$0x2800] =	vst @!p1 v1  }
0x5b: {  	[tilespmem:$0x2880] =	vst @!p1 v0  }
0x5c: {  	v0 =	vld @!p1 [tilespmem:s23+$0x110];
	_ =	sdelay $0x4  }
0x5d: {  	v1 =	vand.u32 @!p1 $0xFFFF, v0  }
0x5e: {  	v0 =	vshrl.u32 @!p1 v0, $0x10;
	[tilespmem:$0x2810] =	vst @!p1 v1  }
0x5f: {  	[tilespmem:$0x2890] =	vst @!p1 v0  }
0x60: {  	v0 =	vld @!p1 [tilespmem:s23+$0x120];
	_ =	sdelay $0x4  }
0x61: {  	v1 =	vand.u32 @!p1 $0xFFFF, v0  }
0x62: {  	v0 =	vshrl.u32 @!p1 v0, $0x10;
	[tilespmem:$0x2820] =	vst @!p1 v1  }
0x63: {  	[tilespmem:$0x28A0] =	vst @!p1 v0  }
0x64: {  	v0 =	vld @!p1 [tilespmem:s23+$0x130];
	_ =	sdelay $0x4  }
0x65: {  	v1 =	vand.u32 @!p1 $0xFFFF, v0  }
0x66: {  	v0 =	vshrl.u32 @!p1 v0, $0x10;
	[tilespmem:$0x2830] =	vst @!p1 v1  }
0x67: {  	[tilespmem:$0x28B0] =	vst @!p1 v0  }
0x68: {  	v0 =	vld @!p1 [tilespmem:s23+$0x140];
	_ =	sdelay $0x4  }
0x69: {  	v1 =	vand.u32 @!p1 $0xFFFF, v0  }
0x6a: {  	v0 =	vshrl.u32 @!p1 v0, $0x10;
	[tilespmem:$0x2840] =	vst @!p1 v1  }
0x6b: {  	[tilespmem:$0x28C0] =	vst @!p1 v0  }
0x6c: {  	v0 =	vld @!p1 [tilespmem:s23+$0x150];
	_ =	sdelay $0x4  }
0x6d: {  	v1 =	vand.u32 @!p1 $0xFFFF, v0  }
0x6e: {  	v0 =	vshrl.u32 @!p1 v0, $0x10;
	[tilespmem:$0x2850] =	vst @!p1 v1  }
0x6f: {  	[tilespmem:$0x28D0] =	vst @!p1 v0  }
0x70: {  	v0 =	vld @!p1 [tilespmem:s23+$0x160];
	_ =	sdelay $0x4  }
0x71: {  	s25 =	simm.s32 @!p1 $0x80;
	v1 =	vand.u32 @!p1 $0xFFFF, v0  }
0x72: {  	s26 =	simm.s32 @!p1 $0x2800;
	s28 =	simm.s32 @!p1 $0x2A00;
	s22 =	simm.s32 $0x400;
	v0 =	vshrl.u32 @!p1 v0, $0x10;
	[tilespmem:$0x2860] =	vst @!p1 v1  }
.LBB2_2:
0x73: {  	[tilespmem:$0x28E0] =	vst @!p1 v0;
	s24 =	smov.u32 s22;
	s22 =	sadd.s32 $0x400, s22  }
0x74: {  	p0 =	sne.s32 s22, $0xA000;
	v0 =	vld @!p1 [tilespmem:s23+$0x170];
	_ =	sdelay $0x4  }
0x75: {  	v1 =	vand.u32 @!p1 $0xFFFF, v0;
	v0 =	vshrl.u32 @!p1 v0, $0x10  }
0x76: {  	[tilespmem:$0x2870] =	vst @!p1 v1  }
0x77: {  	[tilespmem:$0x28F0] =	vst @!p1 v0  }
0x78: {  	[tilespmem:s28], [sflag:$0x1] =	stream.indirect.gather @!p1 [hbm4b:s4+s25], $0x80, s26, s25, $0xb8;
	[tilespmem:$0x1EA00] =	vst v63  }
0x79: {  	_ =	swait.ge [sflag:s19], $0x4000  }
0x7a: {  	[sflag:s19] =	ssyncset.done $0x0  }
0x7b: {  	[sflag:s19] =	ssyncadd.s32 $0xFFFFC000  }
0x7c: {  	[spmem:s1] =	stream.indirect.scatter.add.f32 [tilespmem:s16], [sflag:$0x3], $0x80, s20, s12, $0xb8;
	[tilespmem:$0x1EA00] =	vst v63  }
0x7d: {  	_ =	swait.ge [sflag:s9], $0x4000  }
0x7e: {  	[sflag:s9] =	ssyncset.done $0x0  }
0x7f: {  	s23 =	sshra.s32 s24, $0x2;
	[sflag:s9] =	ssyncadd.s32 $0xFFFFC000  }
0x80: {  	v0 =	vld [tilespmem:s23+$0x80];
	_ =	sdelay $0x4  }
0x81: {  	v1 =	vand.u32 $0xFFFF, v0;
	v0 =	vshrl.u32 v0, $0x10  }
0x82: {  	[tilespmem:$0x2900] =	vst v1  }
0x83: {  	[tilespmem:$0x2980] =	vst v0  }
0x84: {  	v0 =	vld [tilespmem:s23+$0x90];
	_ =	sdelay $0x4  }
0x85: {  	v1 =	vand.u32 $0xFFFF, v0;
	v0 =	vshrl.u32 v0, $0x10  }
0x86: {  	[tilespmem:$0x2910] =	vst v1  }
0x87: {  	[tilespmem:$0x2990] =	vst v0  }
0x88: {  	v0 =	vld [tilespmem:s23+$0xA0];
	_ =	sdelay $0x4  }
0x89: {  	v1 =	vand.u32 $0xFFFF, v0;
	v0 =	vshrl.u32 v0, $0x10  }
0x8a: {  	[tilespmem:$0x2920] =	vst v1  }
0x8b: {  	[tilespmem:$0x29A0] =	vst v0  }
0x8c: {  	v0 =	vld [tilespmem:s23+$0xB0];
	_ =	sdelay $0x4  }
0x8d: {  	v1 =	vand.u32 $0xFFFF, v0;
	v0 =	vshrl.u32 v0, $0x10  }
0x8e: {  	[tilespmem:$0x2930] =	vst v1  }
0x8f: {  	[tilespmem:$0x29B0] =	vst v0  }
0x90: {  	v0 =	vld [tilespmem:s23+$0xC0];
	_ =	sdelay $0x4  }
0x91: {  	v1 =	vand.u32 $0xFFFF, v0;
	v0 =	vshrl.u32 v0, $0x10  }
0x92: {  	[tilespmem:$0x2940] =	vst v1  }
0x93: {  	[tilespmem:$0x29C0] =	vst v0  }
0x94: {  	v0 =	vld [tilespmem:s23+$0xD0];
	_ =	sdelay $0x4  }
0x95: {  	v1 =	vand.u32 $0xFFFF, v0;
	v0 =	vshrl.u32 v0, $0x10  }
0x96: {  	[tilespmem:$0x2950] =	vst v1  }
0x97: {  	[tilespmem:$0x29D0] =	vst v0  }
0x98: {  	v0 =	vld [tilespmem:s23+$0xE0];
	_ =	sdelay $0x4  }
0x99: {  	v1 =	vand.u32 $0xFFFF, v0;
	v0 =	vshrl.u32 v0, $0x10  }
0x9a: {  	[tilespmem:$0x2960] =	vst v1  }
0x9b: {  	[tilespmem:$0x29E0] =	vst v0  }
0x9c: {  	v0 =	vld [tilespmem:s23+$0xF0];
	_ =	sdelay $0x4  }
0x9d: {  	v1 =	vand.u32 $0xFFFF, v0;
	v0 =	vshrl.u32 v0, $0x10  }
0x9e: {  	p1 =	seq.s32 s24, $0x9C00;
	[tilespmem:$0x2970] =	vst v1  }
0x9f: {  	s23 =	sshra.s32 @!p1 s24, $0x2;
	[tilespmem:$0x29F0] =	vst v0  }
0xa0: {  	[tilespmem:s16], [sflag:$0x2] =	stream.indirect.gather [hbm4b:s4+s12], $0x80, s15, s12, $0xb8;
	[tilespmem:$0x1EA00] =	vst v63  }
0xa1: {  	_ =	swait.ge [sflag:s17], $0x4000  }
0xa2: {  	[sflag:s17] =	ssyncset.done $0x0  }
0xa3: {  	[sflag:s17] =	ssyncadd.s32 $0xFFFFC000  }
0xa4: {  	[spmem:s1] =	stream.indirect.scatter.add.f32 [tilespmem:s14], [sflag:$0x3], $0x80, s18, s12, $0xb8;
	[tilespmem:$0x1EA00] =	vst v63  }
0xa5: {  	_ =	swait.ge [sflag:s9], $0x4000  }
0xa6: {  	[sflag:s9] =	ssyncset.done $0x0  }
0xa7: {  	[sflag:s9] =	ssyncadd.s32 $0xFFFFC000  }
0xa8: {  	v0 =	vld @!p1 [tilespmem:s23+$0x100];
	_ =	sdelay $0x4  }
0xa9: {  	v1 =	vand.u32 @!p1 $0xFFFF, v0;
	v0 =	vshrl.u32 @!p1 v0, $0x10  }
0xaa: {  	[tilespmem:$0x2800] =	vst @!p1 v1  }
0xab: {  	[tilespmem:$0x2880] =	vst @!p1 v0  }
0xac: {  	v0 =	vld @!p1 [tilespmem:s23+$0x110];
	_ =	sdelay $0x4  }
0xad: {  	v1 =	vand.u32 @!p1 $0xFFFF, v0;
	v0 =	vshrl.u32 @!p1 v0, $0x10  }
0xae: {  	[tilespmem:$0x2810] =	vst @!p1 v1  }
0xaf: {  	[tilespmem:$0x2890] =	vst @!p1 v0  }
0xb0: {  	v0 =	vld @!p1 [tilespmem:s23+$0x120];
	_ =	sdelay $0x4  }
0xb1: {  	v1 =	vand.u32 @!p1 $0xFFFF, v0;
	v0 =	vshrl.u32 @!p1 v0, $0x10  }
0xb2: {  	[tilespmem:$0x2820] =	vst @!p1 v1  }
0xb3: {  	[tilespmem:$0x28A0] =	vst @!p1 v0  }
0xb4: {  	v0 =	vld @!p1 [tilespmem:s23+$0x130];
	_ =	sdelay $0x4  }
0xb5: {  	v1 =	vand.u32 @!p1 $0xFFFF, v0;
	v0 =	vshrl.u32 @!p1 v0, $0x10  }
0xb6: {  	[tilespmem:$0x2830] =	vst @!p1 v1  }
0xb7: {  	[tilespmem:$0x28B0] =	vst @!p1 v0  }
0xb8: {  	v0 =	vld @!p1 [tilespmem:s23+$0x140];
	_ =	sdelay $0x4  }
0xb9: {  	v1 =	vand.u32 @!p1 $0xFFFF, v0;
	v0 =	vshrl.u32 @!p1 v0, $0x10  }
0xba: {  	[tilespmem:$0x2840] =	vst @!p1 v1  }
0xbb: {  	[tilespmem:$0x28C0] =	vst @!p1 v0  }
0xbc: {  	v0 =	vld @!p1 [tilespmem:s23+$0x150];
	_ =	sdelay $0x4  }
0xbd: {  	v1 =	vand.u32 @!p1 $0xFFFF, v0;
	v0 =	vshrl.u32 @!p1 v0, $0x10  }
0xbe: {  	[tilespmem:$0x2850] =	vst @!p1 v1  }
0xbf: {  	s25 =	simm.s32 @!p1 $0x80;
	s26 =	simm.s32 @!p1 $0x2800;
	s28 =	simm.s32 @!p1 $0x2A00;
	[tilespmem:$0x28D0] =	vst @!p1 v0  }
0xc0: {  	v0 =	vld @!p1 [tilespmem:s23+$0x160];
	_ =	sdelay $0x1  }
.Ltmp0:
0xc1: {  	(pc) =	sbr.rel @p0 .LBB2_2-.Ltmp0, $3  }
0xc2: {  	_ =	sdelay $0x1  }
0xc3: {  	v1 =	vand.u32 @!p1 $0xFFFF, v0;
	v0 =	vshrl.u32 @!p1 v0, $0x10  }
0xc4: {  	[tilespmem:$0x2860] =	vst @!p1 v1  }
0xc5: {  	[tilespmem:$0x28E0] =	vst @!p1 v0  }
0xc6: {  	v0 =	vld @!p1 [tilespmem:s23+$0x170];
	_ =	sdelay $0x4  }
0xc7: {  	v1 =	vand.u32 @!p1 $0xFFFF, v0  }
0xc8: {  	v0 =	vshrl.u32 @!p1 v0, $0x10;
	[tilespmem:$0x2870] =	vst @!p1 v1  }
0xc9: {  	[tilespmem:$0x28F0] =	vst @!p1 v0  }
0xca: {  	[tilespmem:s28], [sflag:$0x1] =	stream.indirect.gather @!p1 [hbm4b:s4+s25], $0x80, s26, s25, $0xb8;
	[tilespmem:$0x1EA00] =	vst v63  }
0xcb: {  	_ =	swait.ge [sflag:s19], $0x4000  }
0xcc: {  	[sflag:s19] =	ssyncset.done $0x0  }
0xcd: {  	[sflag:s19] =	ssyncadd.s32 $0xFFFFC000  }
0xce: {  	[spmem:s1] =	stream.indirect.scatter.add.f32 [tilespmem:s16], [sflag:$0x3], $0x80, s20, s12, $0xb8;
	[tilespmem:$0x1EA00] =	vst v63  }
0xcf: {  	_ =	swait.ge [sflag:s9], $0x4000  }
0xd0: {  	s21 =	sadd.s32 $0x1, s21;
	[sflag:s9] =	ssyncset.done $0x0  }
0xd1: {  	p0 =	sne.s32 s21, s8;
	[sflag:s9] =	ssyncadd.s32 $0xFFFFC000  }
.Ltmp1:
0xd2: {  	[bflag:$0x0] =	sbarrier.arrive $0xFFFF;
	(pc) =	sbr.rel @p0 .LBB2_1-.Ltmp1, $4  }
0xd3: {  	[hbm:s7], [sflag:s10] =	dma.local [spmem:s11], $0x2800  }
0xd4: {  	_ =	swait.ge [sflag:s9], $0x2800  }
0xd5: {  	[sflag:s9] =	ssyncset.done $0x0  }
0xd6: {  	[sflag:s9] =	ssyncadd.s32 $0xFFFFD800  }
0xd7: {  	_ =	sfence.sel $0x180000  }
0xd8: {  	[bflag:$0x0] =	sbarrier.arrive $0xFFFF  }
0xd9: {  	p0 =	sne.s32 s2, $0x0;
	_ =	strace $0x9000004A  }
0xda: {  	s0 =	sadd.s32 @!p0 $0x100000, s0;
	[bflag:$0x2] =	sbarrier.arrive $0xFFFF  }
0xdb: {  	[sflag:s0] =	ssyncadd.tile.s32 @!p0 $0x1;
	_ =	shalt  }
.Lfunc_end2:
_tile_overlayer_lowered:
.L_overlay_start_2:
0xdc: {  	(tag) =	ssettag $0x2  }
0xdd: {  	s0 =	rddreg [dreg:$0x0];
	s2 =	stileid.u32  }
0xde: {  	s1 =	rddreg [dreg:$0x1];
	p0 =	sne.s32 s2, $0x0  }
0xdf: {  	s3 =	rddreg [dreg:$0x2];
	[bflag:$0x3] =	sbarrier.arrive $0xFFFF;
	s2 =	simm.s32 @!p0 $0x1C03  }
0xe0: {  	[timem:s3], [sflag:s2] =	dma.local @!p0 [hbm:s0], s1  }
0xe1: {  	s0 =	simm.s32 @!p0 $0x3  }
0xe2: {  	_ =	swait.ge @!p0 [sflag:s0], s1  }
0xe3: {  	s1 =	ssub.s32 @!p0 $0x0, s1;
	[sflag:s0] =	ssyncset.done @!p0 $0x0  }
0xe4: {  	[sflag:s0] =	ssyncadd.s32 @!p0 s1  }
0xe5: {  	[bflag:$0x3] =	sbarrier.arrive $0xFFFF  }
0xe6: {  	_ =	shalt  }

// kernel: kernel.16.cloned.1.call-start
scs
__scs_entry_jumppad:
0x0: {  	(pc) =	sbr.rel $0x88, $3  }
0x1: {  	(tag) =	ssettag $0x0;
	lr =	simm.s32 $0x1  }
0x2: {  	[smem:$0x3F89] =	sst lr;
	_ =	strace $0xD0000000  }
0x3: {  	_ = 	snop  }
0x4: {  	_ = 	snop  }
0x5: {  	_ = 	snop  }
0x6: {  	_ = 	snop  }
0x7: {  	_ = 	snop  }
__scs_overlays_trampoline_lowered:
0x8: {  	[smem:$0x3F98] =	sst s0  }
0x9: {  	[smem:$0x3F99] =	sst s1  }
0xa: {  	[smem:$0x3F9A] =	sst s2  }
0xb: {  	[smem:$0x3F9B] =	sst s3  }
0xc: {  	[smem:$0x3F9C] =	sst s4  }
0xd: {  	[smem:$0x3F9D] =	sst s5  }
0xe: {  	[smem:$0x3F9E] =	sst s6  }
0xf: {  	[smem:$0x3F9F] =	sst s7  }
0x10: {  	[smem:$0x3FA0] =	sst s8  }
0x11: {  	[smem:$0x3FA1] =	sst s9;
	s0 =	simm.s32 @!p0 $0x0  }
0x12: {  	s1 =	sld [smem:$0x3F87];
	s0 =	simm.s32 @p0 $0x1  }
0x13: {  	[smem:$0x3FA2] =	sst s0;
	s0 =	simm.s32 @!p1 $0x0  }
0x14: {  	s2 =	sld [smem:$0x3F86];
	s0 =	simm.s32 @p1 $0x1  }
0x15: {  	[smem:$0x3FA3] =	sst s0;
	s0 =	simm.s32 @!p2 $0x0  }
0x16: {  	s3 =	sld [smem:$0x3FDB];
	s0 =	simm.s32 @p2 $0x1  }
0x17: {  	s4 =	simm.s32 $0x1BF5;
	[smem:$0x3FA5] =	sst s0  }
0x18: {  	s0 =	sld [smem:$0x3F88];
	_ =	swait.ge [sflag:s4], $0x0  }
0x19: {  	s7 =	sld [smem:$0x3F89]  }
0x1a: {  	s8 =	sadd.s32 $0xFFFFE003, lr  }
0x1b: {  	s9 =	sadd.s32 $0xFFFFFEF7, lr;
	s5 =	simm.s32 $0xFFFFFFFF;
	p2 =	slt.u32 s8, $0xFFFFF086  }
0x1c: {  	p1 =	slt.u32 s9, $0xF7A;
	s5 =	simm.s32 @!p2 $0x0  }
0x1d: {  	s5 =	simm.s32 @p1 $0x1;
	p0 =	seq.s32 s7, s2  }
0x1e: {  	s7 =	smul.u32 @!p0 $0xF7A, s2;
	p2 =	seq.s32 @!p0 s5, $0x0  }
0x1f: {  	s9 =	smul.u32 $0xF7A, s1;
	s8 =	simm.s32 @!p0 $0x1BF5;
	p2 =	por !p2, p0  }
0x20: {  	[sflag:s8] =	ssyncset.s32 @!p0 $0xFFFFF086;
	s6 =	sadd.s32 @!p0 s3, s7;
	s7 =	simm.s32 @!p0 $0x108  }
0x21: {  	s3 =	sadd.s32 s3, s9;
	s6 =	sadd.s32 @!p0 $0x88, s6;
	s7 =	simm.s32 @p2 $0x1082  }
0x22: {  	[simem:s7], [sflag:s8] =	dma.local @!p0 [hbm:s6], $0xF7A  }
0x23: {  	s9 =	sor.u32 $0xD0000000, s2;
	s6 =	simm.s32 $0x108;
	_ =	swait.ge @!p0 [sflag:s8], $0x0  }
0x24: {  	s3 =	sadd.s32 $0x88, s3;
	s6 =	simm.s32 @!p1 $0x1082;
	[sflag:s4] =	ssyncset.s32 $0xFFFFF086  }
0x25: {  	[simem:s6], [sflag:s4] =	dma.local [hbm:s3], $0xF7A  }
0x26: {  	[smem:$0x3F89] =	sst s1;
	(tag) =	ssettag s2;
	_ =	strace s9  }
0x27: {  	s1 =	sld [smem:$0x3F99]  }
0x28: {  	s2 =	sld [smem:$0x3F9A]  }
0x29: {  	s4 =	sld [smem:$0x3F9C]  }
0x2a: {  	p0 =	seq.s32 s5, $0x0;
	s5 =	sld [smem:$0x3F9D]  }
0x2b: {  	s6 =	sld [smem:$0x3F9E]  }
0x2c: {  	s7 =	sld [smem:$0x3F9F]  }
0x2d: {  	s3 =	simm.s32 $0x108;
	s8 =	sld [smem:$0x3FA0]  }
0x2e: {  	s3 =	simm.s32 @!p0 $0x1082;
	s9 =	sld [smem:$0x3FA1]  }
0x2f: {  	lr =	sadd.s32 s0, s3;
	s0 =	sld [smem:$0x3F98]  }
0x30: {  	s3 =	sld [smem:$0x3F9B]  }
0x31: {  	[smem:$0x3FA4] =	sst s10  }
0x32: {  	s10 =	sld [smem:$0x3FA2];
	_ =	sdelay $0x3  }
0x33: {  	p0 =	seq.s32 s10, $0x1;
	s10 =	sld [smem:$0x3FA4];
	_ =	sdelay $0x3  }
0x34: {  	[smem:$0x3FA4] =	sst s10  }
0x35: {  	s10 =	sld [smem:$0x3FA3];
	_ =	sdelay $0x3  }
0x36: {  	p1 =	seq.s32 s10, $0x1;
	s10 =	sld [smem:$0x3FA4];
	_ =	sdelay $0x3  }
0x37: {  	[smem:$0x3FA4] =	sst s10  }
0x38: {  	s10 =	sld [smem:$0x3FA5]  }
0x39: {  	_ = 	snop;
	(pc) =	sbr.ind lr, $3  }
0x3a: {  	_ = 	snop  }
0x3b: {  	_ = 	snop  }
0x3c: {  	p2 =	seq.s32 s10, $0x1;
	s10 =	sld [smem:$0x3FA4]  }
0x3d: {  	_ =	shalt  }
0x3e: {  	_ =	shalt  }
0x3f: {  	_ =	shalt  }
0x40: {  	_ =	shalt  }
0x41: {  	_ =	shalt  }
0x42: {  	_ =	shalt  }
0x43: {  	_ =	shalt  }
0x44: {  	_ =	shalt  }
0x45: {  	_ =	shalt  }
0x46: {  	_ =	shalt  }
0x47: {  	_ =	shalt  }
0x48: {  	_ =	shalt  }
0x49: {  	_ =	shalt  }
0x4a: {  	_ =	shalt  }
0x4b: {  	_ =	shalt  }
0x4c: {  	_ =	shalt  }
0x4d: {  	_ =	shalt  }
0x4e: {  	_ =	shalt  }
0x4f: {  	_ =	shalt  }
0x50: {  	_ =	shalt  }
0x51: {  	_ =	shalt  }
0x52: {  	_ =	shalt  }
0x53: {  	_ =	shalt  }
0x54: {  	_ =	shalt  }
0x55: {  	_ =	shalt  }
0x56: {  	_ =	shalt  }
0x57: {  	_ =	shalt  }
0x58: {  	_ =	shalt  }
0x59: {  	_ =	shalt  }
0x5a: {  	_ =	shalt  }
0x5b: {  	_ =	shalt  }
0x5c: {  	_ =	shalt  }
0x5d: {  	_ =	shalt  }
0x5e: {  	_ =	shalt  }
0x5f: {  	_ =	shalt  }
0x60: {  	_ =	shalt  }
0x61: {  	_ =	shalt  }
0x62: {  	_ =	shalt  }
0x63: {  	_ =	shalt  }
0x64: {  	_ =	shalt  }
0x65: {  	_ =	shalt  }
0x66: {  	_ =	shalt  }
0x67: {  	_ =	shalt  }
0x68: {  	_ =	shalt  }
0x69: {  	_ =	shalt  }
0x6a: {  	_ =	shalt  }
0x6b: {  	_ =	shalt  }
0x6c: {  	_ =	shalt  }
0x6d: {  	_ =	shalt  }
0x6e: {  	_ =	shalt  }
0x6f: {  	_ =	shalt  }
0x70: {  	_ =	shalt  }
0x71: {  	_ =	shalt  }
0x72: {  	_ =	shalt  }
0x73: {  	_ =	shalt  }
0x74: {  	_ =	shalt  }
0x75: {  	_ =	shalt  }
0x76: {  	_ =	shalt  }
0x77: {  	_ =	shalt  }
0x78: {  	_ =	shalt  }
0x79: {  	_ =	shalt  }
0x7a: {  	_ =	shalt  }
0x7b: {  	_ =	shalt  }
0x7c: {  	_ =	shalt  }
0x7d: {  	_ =	shalt  }
0x7e: {  	_ =	shalt  }
0x7f: {  	_ =	shalt  }
0x80: {  	_ =	shalt  }
0x81: {  	_ =	shalt  }
0x82: {  	_ =	shalt  }
0x83: {  	_ =	shalt  }
0x84: {  	_ =	shalt  }
0x85: {  	_ =	shalt  }
0x86: {  	_ =	shalt  }
0x87: {  	_ =	shalt  }
.Lfunc_end0:
.L_simem_size_0:
called_computation.2_lowered:
.L_overlay_start_0:
0x88: {  	s2 =	sld [smem:$0x3FD9]  }
0x89: {  	s3 =	sld [smem:$0x3FFE];
	_ =	sdelay $0x1  }
0x8a: {  	s1 =	srdreg.scid  }
0x8b: {  	s0 =	sand.u32 $0x1, s1  }
0x8c: {  	s17 =	sshll.u32 s0, $0xA;
	s2 =	sadd.s32 s3, s2  }
0x8d: {  	s2 =	sadd.s32 s2, s17  }
0x8e: {  	[smem:$0x3FB0] =	sst s2  }
0x8f: {  	_ = 	snop  }
0x90: {  	s2 =	sld [smem:$0x3FD0];
	(tm) =	ssettm $0x1  }
0x91: {  	s18 =	sld [smem:$0x3FFB];
	_ =	sdelay $0x3  }
0x92: {  	_ =	strace s18  }
0x93: {  	s3 =	sld [smem:$0x3FFC];
	_ =	sdelay $0x3  }
0x94: {  	_ =	strace s3  }
0x95: {  	s3 =	sld [smem:$0x3FFD];
	_ =	sdelay $0x3  }
0x96: {  	_ =	strace s3  }
0x97: {  	_ =	strace $0x8FFFFFFF  }
0x98: {  	s19 =	sld [smem:$0x3FDB];
	_ =	sdelay $0x1  }
0x99: {  	s4 =	simm.s32 $_scs_section_size  }
0x9a: {  	s5 =	simm.s32 $_size__tile_overlayer_lowered;
	s6 =	simm.s32 $_tile_overlayer_lowered  }
0x9b: {  	s22 =	simm.s32 $0x1BFF;
	s21 =	sshll.u32 s6, $0x1;
	s3 =	sadd.s32 s4, s19  }
0x9c: {  	s7 =	simm.s32 $0x0;
	s20 =	sshll.u32 s5, $0x1;
	s5 =	sadd.s32 s21, s3  }
0x9d: {  	[timem:s7], [sflag:s22] =	dma.local [hbm:s5], s20  }
0x9e: {  	_ =	swait.ge [sflag:s22], s20  }
0x9f: {  	s4 =	ssub.s32 $0x0, s20;
	[sflag:s22] =	ssyncset.done $0x0  }
0xa0: {  	[sflag:s22] =	ssyncadd.s32 s4;
	_ =	sdelay $0x1  }
0xa1: {  	s23 =	simm.s32 $0x1B8B  }
0xa2: {  	_ =	swait.ge [sflag:s23], $0x1  }
0xa3: {  	[sflag:s23] =	ssyncset.done $0x0  }
0xa4: {  	s25 =	simm.s32 $0x1B8E;
	s24 =	sld [smem:$0x3FFE];
	[sflag:s23] =	ssyncadd.s32 $0xFFFFFFFF  }
0xa5: {  	s26 =	simm.s32 $execute0_lowered;
	[smem:$0x3FD2] =	sst s25  }
0xa6: {  	s5 =	sshll.u32 s26, $0x1;
	_ =	strace $0x8000004C;
	[dreg:$0x1] =	wrdreg $0xFFFFFFFF  }
0xa7: {  	s28 =	simm.s32 $_size_execute0_lowered;
	s3 =	sadd.s32 s3, s5;
	[dreg:$0x0] =	wrdreg $0x0  }
0xa8: {  	s5 =	sshll.u32 s28, $0x1;
	[dreg:$0x2] =	wrdreg s3  }
0xa9: {  	[dreg:$0x3] =	wrdreg s5  }
0xaa: {  	[dreg:$0x4] =	wrdreg $0xC0  }
0xab: {  	_ =	task [dreg:s7], $0x5FFFF  }
0xac: {  	[dreg:$0x1] =	wrdreg $0xFFFFFFFF  }
0xad: {  	[dreg:$0x0] =	wrdreg $0x60  }
0xae: {  	[dreg:$0x2] =	wrdreg s2  }
0xaf: {  	[dreg:$0x3] =	wrdreg s24  }
0xb0: {  	[dreg:$0x4] =	wrdreg $0xAA000  }
0xb1: {  	[dreg:$0x5] =	wrdreg $0x9  }
0xb2: {  	_ =	task.clear_ibuf [dreg:s7], $0x6FFFF;
	_ =	strace $0x9000004C  }
0xb3: {  	s29 =	simm.s32 $0x9;
	_ =	strace $0x8000004E  }
0xb4: {  	_ =	swait.ge [sflag:s29], $0x1  }
0xb5: {  	[sflag:s29] =	ssyncadd.s32 $0xFFFFFFFF  }
0xb6: {  	_ =	strace $0x9000004E  }
0xb7: {  	_ =	sfence  }
0xb8: {  	s30 =	sld [smem:$0x0];
	_ =	sdelay $0x2  }
0xb9: {  	s31 =	sshll.u32 s1, $0xD;
	s1 =	sshrl.u32 s1, $0x2  }
0xba: {  	s3 =	sand.u32 $0x4000, s31;
	s1 =	sadd.s32 s1, s30  }
0xbb: {  	s0 =	sor.u32 s3, s0;
	s1 =	sshll.u32 s1, $0x11  }
0xbc: {  	s0 =	sor.u32 s1, s0  }
0xbd: {  	s0 =	sadd.s32 $0x8F2B, s0  }
0xbe: {  	[sflag:s0] =	ssyncadd.remote.s32 $0x1  }
0xbf: {  	_ =	sfence.sel $0xFFFF  }
0xc0: {  	[dreg:$0x0] =	wrdreg $0xFFFFFFFF;
	(pc) =	sbr.abs _section_cstart, $3  }
0xc1: {  	[dreg:$0x1] =	wrdreg $0xFFFFFFFF  }
0xc2: {  	_ =	task.clear_ibuf [dreg:s7], $0x2FFFF;
	_ =	strace $0x9FFFFFFF  }
0xc3: {  	(tm) =	ssettm $0x7FFFFFFF  }
tec
execute0_lowered:
.L_overlay_start_1:
0x0: {  	(tag) =	ssettag $0x1  }
0x1: {  	s6 =	rddreg [dreg:$0x0]  }
0x2: {  	s7 =	rddreg [dreg:$0x1]  }
0x3: {  	s1 =	rddreg [dreg:$0x2]  }
0x4: {  	s2 =	srdreg.scid;
	s0 =	rddreg [dreg:$0x3]  }
0x5: {  	s3 =	simm.s32 $0x0;
	s13 =	simm.s32 $0x2800;
	s14 =	simm.s32 $0x2A00  }
0x6: {  	s15 =	simm.s32 $0x2900;
	s16 =	simm.s32 $0x6A00;
	s17 =	simm.s32 $0x1  }
0x7: {  	s18 =	simm.s32 $0x2880;
	s19 =	simm.s32 $0x2;
	s8 =	sand.u32 $0x1, s2  }
0x8: {  	s20 =	simm.s32 $0x2980;
	s2 =	stileid.u32;
	s9 =	smul.u32 $0x140000, s8  }
0x9: {  	s21 =	simm.s32 $0x0;
	[smem:$0x7FF] =	sst s3;
	s10 =	smul.u32 $0x14000, s2  }
0xa: {  	s4 =	sadd.s32 $0x61E00, s7;
	s5 =	sadd.s32 $0xF600, s7;
	s11 =	smul.u32 $0x28000, s8  }
0xb: {  	_ =	strace $0x8000004D;
	s25 =	smul.u32 $0x2800, s2;
	s8 =	ssub.s32 $0x2, s8  }
0xc: {  	s12 =	smul.u32 $0x50000, s2;
	s31 =	sshll.u32 s2, $0x6;
	s26 =	sshrl.u32 s8, $0x1  }
0xd: {  	s9 =	sadd.s32 s10, s9;
	s10 =	sadd.s32 s25, s11;
	s8 =	ssub.s32 s8, s26  }
0xe: {  	s29 =	sshrl.u32 s12, $0x2;
	s12 =	simm.s32 $0x80;
	s9 =	sshrl.u32 s9, $0x3  }
0xf: {  	s28 =	sshrl.u32 s10, $0x3;
	s30 =	sadd.s32 s29, s1;
	s8 =	smax.u32 s8, $0x1  }
0x10: {  	s10 =	sor.u32 $0x1C03, s31;
	s7 =	sadd.s32 s9, s7;
	s6 =	sadd.s32 s6, s28  }
0x11: {  	s9 =	simm.s32 $0x3;
	s11 =	sshrl.u32 s30, $0x3;
	s7 =	sadd.s32 $0x89E00, s7  }
.LBB2_1:
0x12: {  	[tilespmem:s3], [sflag:$0x3] =	stream.linear.gather [hbm4b:s6+s3], $0x2800, $0x38;
	[tilespmem:$0x1EA00] =	vst v63  }
0x13: {  	_ =	swait.ge [sflag:s9], $0x2800  }
0x14: {  	[sflag:s9] =	ssyncset.done $0x0  }
0x15: {  	[sflag:s9] =	ssyncadd.s32 $0xFFFFD800  }
0x16: {  	[spmem:s11], [sflag:s10] =	dma.local [hbm:s5], $0x2800  }
0x17: {  	_ =	swait.ge [sflag:s9], $0x2800  }
0x18: {  	[sflag:s9] =	ssyncset.done $0x0  }
0x19: {  	[sflag:s9] =	ssyncadd.s32 $0xFFFFD800  }
0x1a: {  	[bflag:$0x0] =	sbarrier.arrive $0xFFFF  }
0x1b: {  	v0 =	vld [tilespmem:$0x0];
	_ =	sdelay $0x1  }
0x1c: {  	v1 =	vld [tilespmem:$0x10];
	_ =	sdelay $0x1  }
0x1d: {  	v2 =	vld [tilespmem:$0x20]  }
0x1e: {  	v3 =	vand.u32 $0xFFFF, v0  }
0x1f: {  	v0 =	vshrl.u32 v0, $0x10;
	[tilespmem:$0x2800] =	vst v3;
	v3 =	vld [tilespmem:$0x30]  }
0x20: {  	[tilespmem:$0x2880] =	vst v0;
	v0 =	vand.u32 $0xFFFF, v1  }
0x21: {  	[tilespmem:$0x2810] =	vst v0;
	v0 =	vshrl.u32 v1, $0x10;
	v1 =	vld [tilespmem:$0x40]  }
0x22: {  	[tilespmem:$0x2890] =	vst v0;
	v0 =	vand.u32 $0xFFFF, v2  }
0x23: {  	[tilespmem:$0x2820] =	vst v0;
	v0 =	vshrl.u32 v2, $0x10;
	v2 =	vld [tilespmem:$0x50]  }
0x24: {  	[tilespmem:$0x28A0] =	vst v0;
	v0 =	vand.u32 $0xFFFF, v3  }
0x25: {  	[tilespmem:$0x2830] =	vst v0;
	v0 =	vshrl.u32 v3, $0x10;
	v3 =	vld [tilespmem:$0x60]  }
0x26: {  	[tilespmem:$0x28B0] =	vst v0;
	v0 =	vand.u32 $0xFFFF, v1  }
0x27: {  	[tilespmem:$0x2840] =	vst v0;
	v0 =	vshrl.u32 v1, $0x10;
	v1 =	vld [tilespmem:$0x70]  }
0x28: {  	[tilespmem:$0x28C0] =	vst v0;
	v0 =	vand.u32 $0xFFFF, v2  }
0x29: {  	[tilespmem:$0x2850] =	vst v0;
	v0 =	vshrl.u32 v2, $0x10  }
0x2a: {  	[tilespmem:$0x28D0] =	vst v0;
	v0 =	vand.u32 $0xFFFF, v3  }
0x2b: {  	[tilespmem:$0x2860] =	vst v0;
	v0 =	vshrl.u32 v3, $0x10  }
0x2c: {  	[tilespmem:$0x28E0] =	vst v0;
	v0 =	vand.u32 $0xFFFF, v1  }
0x2d: {  	[tilespmem:$0x2870] =	vst v0;
	v0 =	vshrl.u32 v1, $0x10  }
0x2e: {  	s22 =	simm.s32 $0x0;
	[tilespmem:$0x28F0] =	vst v0  }
0x2f: {  	[tilespmem:s14], [sflag:$0x1] =	stream.indirect.gather [hbm4b:s4+s12], $0x80, s13, s12, $0xb8;
	[tilespmem:$0x1EA00] =	vst v63  }
0x30: {  	v0 =	vld [tilespmem:s22+$0x80];
	_ =	sdelay $0x4  }
0x31: {  	v1 =	vand.u32 $0xFFFF, v0  }
0x32: {  	v0 =	vshrl.u32 v0, $0x10;
	[tilespmem:$0x2900] =	vst v1  }
0x33: {  	[tilespmem:$0x2980] =	vst v0  }
0x34: {  	v0 =	vld [tilespmem:s22+$0x90];
	_ =	sdelay $0x4  }
0x35: {  	v1 =	vand.u32 $0xFFFF, v0  }
0x36: {  	v0 =	vshrl.u32 v0, $0x10;
	[tilespmem:$0x2910] =	vst v1  }
0x37: {  	[tilespmem:$0x2990] =	vst v0  }
0x38: {  	v0 =	vld [tilespmem:s22+$0xA0];
	_ =	sdelay $0x4  }
0x39: {  	v1 =	vand.u32 $0xFFFF, v0  }
0x3a: {  	v0 =	vshrl.u32 v0, $0x10;
	[tilespmem:$0x2920] =	vst v1  }
0x3b: {  	[tilespmem:$0x29A0] =	vst v0  }
0x3c: {  	v0 =	vld [tilespmem:s22+$0xB0];
	_ =	sdelay $0x4  }
0x3d: {  	v1 =	vand.u32 $0xFFFF, v0  }
0x3e: {  	v0 =	vshrl.u32 v0, $0x10;
	[tilespmem:$0x2930] =	vst v1  }
0x3f: {  	[tilespmem:$0x29B0] =	vst v0  }
0x40: {  	v0 =	vld [tilespmem:s22+$0xC0];
	_ =	sdelay $0x4  }
0x41: {  	v1 =	vand.u32 $0xFFFF, v0  }
0x42: {  	v0 =	vshrl.u32 v0, $0x10;
	[tilespmem:$0x2940] =	vst v1  }
0x43: {  	[tilespmem:$0x29C0] =	vst v0  }
0x44: {  	v0 =	vld [tilespmem:s22+$0xD0];
	_ =	sdelay $0x4  }
0x45: {  	v1 =	vand.u32 $0xFFFF, v0  }
0x46: {  	v0 =	vshrl.u32 v0, $0x10;
	[tilespmem:$0x2950] =	vst v1  }
0x47: {  	[tilespmem:$0x29D0] =	vst v0  }
0x48: {  	v0 =	vld [tilespmem:s22+$0xE0];
	_ =	sdelay $0x4  }
0x49: {  	v1 =	vand.u32 $0xFFFF, v0  }
0x4a: {  	v0 =	vshrl.u32 v0, $0x10;
	[tilespmem:$0x2960] =	vst v1  }
0x4b: {  	[tilespmem:$0x29E0] =	vst v0  }
0x4c: {  	v0 =	vld [tilespmem:s22+$0xF0];
	_ =	sdelay $0x4  }
0x4d: {  	v1 =	vand.u32 $0xFFFF, v0  }
0x4e: {  	v0 =	vshrl.u32 v0, $0x10;
	[tilespmem:$0x2970] =	vst v1  }
0x4f: {  	[tilespmem:$0x29F0] =	vst v0  }
0x50: {  	[tilespmem:s16], [sflag:$0x2] =	stream.indirect.gather [hbm4b:s4+s12], $0x80, s15, s12, $0xb8;
	[tilespmem:$0x1EA00] =	vst v63  }
0x51: {  	_ =	swait.ge [sflag:s17], $0x4000  }
0x52: {  	[sflag:s17] =	ssyncset.done $0x0  }
0x53: {  	[sflag:s17] =	ssyncadd.s32 $0xFFFFC000  }
0x54: {  	[spmem:s1] =	stream.indirect.scatter.add.f32 [tilespmem:s14], [sflag:$0x3], $0x80, s18, s12, $0xb8;
	[tilespmem:$0x1EA00] =	vst v63  }
0x55: {  	_ =	swait.ge [sflag:s9], $0x4000  }
0x56: {  	p1 =	por $0x0, $0x0;
	[sflag:s9] =	ssyncset.done $0x0  }
0x57: {  	s23 =	simm.s32 @!p1 $0x0;
	[sflag:s9] =	ssyncadd.s32 $0xFFFFC000  }
0x58: {  	v0 =	vld @!p1 [tilespmem:s23+$0x100];
	_ =	sdelay $0x4  }
0x59: {  	v1 =	vand.u32 @!p1 $0xFFFF, v0  }
0x5a: {  	v0 =	vshrl.u32 @!p1 v0, $0x10;
	[tilespmem:$0x2800] =	vst @!p1 v1  }
0x5b: {  	[tilespmem:$0x2880] =	vst @!p1 v0  }
0x5c: {  	v0 =	vld @!p1 [tilespmem:s23+$0x110];
	_ =	sdelay $0x4  }
0x5d: {  	v1 =	vand.u32 @!p1 $0xFFFF, v0  }
0x5e: {  	v0 =	vshrl.u32 @!p1 v0, $0x10;
	[tilespmem:$0x2810] =	vst @!p1 v1  }
0x5f: {  	[tilespmem:$0x2890] =	vst @!p1 v0  }
0x60: {  	v0 =	vld @!p1 [tilespmem:s23+$0x120];
	_ =	sdelay $0x4  }
0x61: {  	v1 =	vand.u32 @!p1 $0xFFFF, v0  }
0x62: {  	v0 =	vshrl.u32 @!p1 v0, $0x10;
	[tilespmem:$0x2820] =	vst @!p1 v1  }
0x63: {  	[tilespmem:$0x28A0] =	vst @!p1 v0  }
0x64: {  	v0 =	vld @!p1 [tilespmem:s23+$0x130];
	_ =	sdelay $0x4  }
0x65: {  	v1 =	vand.u32 @!p1 $0xFFFF, v0  }
0x66: {  	v0 =	vshrl.u32 @!p1 v0, $0x10;
	[tilespmem:$0x2830] =	vst @!p1 v1  }
0x67: {  	[tilespmem:$0x28B0] =	vst @!p1 v0  }
0x68: {  	v0 =	vld @!p1 [tilespmem:s23+$0x140];
	_ =	sdelay $0x4  }
0x69: {  	v1 =	vand.u32 @!p1 $0xFFFF, v0  }
0x6a: {  	v0 =	vshrl.u32 @!p1 v0, $0x10;
	[tilespmem:$0x2840] =	vst @!p1 v1  }
0x6b: {  	[tilespmem:$0x28C0] =	vst @!p1 v0  }
0x6c: {  	v0 =	vld @!p1 [tilespmem:s23+$0x150];
	_ =	sdelay $0x4  }
0x6d: {  	v1 =	vand.u32 @!p1 $0xFFFF, v0  }
0x6e: {  	v0 =	vshrl.u32 @!p1 v0, $0x10;
	[tilespmem:$0x2850] =	vst @!p1 v1  }
0x6f: {  	[tilespmem:$0x28D0] =	vst @!p1 v0  }
0x70: {  	v0 =	vld @!p1 [tilespmem:s23+$0x160];
	_ =	sdelay $0x4  }
0x71: {  	s25 =	simm.s32 @!p1 $0x80;
	v1 =	vand.u32 @!p1 $0xFFFF, v0  }
0x72: {  	s26 =	simm.s32 @!p1 $0x2800;
	s28 =	simm.s32 @!p1 $0x2A00;
	s22 =	simm.s32 $0x400;
	v0 =	vshrl.u32 @!p1 v0, $0x10;
	[tilespmem:$0x2860] =	vst @!p1 v1  }
.LBB2_2:
0x73: {  	[tilespmem:$0x28E0] =	vst @!p1 v0;
	s24 =	smov.u32 s22;
	s22 =	sadd.s32 $0x400, s22  }
0x74: {  	p0 =	sne.s32 s22, $0xA000;
	v0 =	vld @!p1 [tilespmem:s23+$0x170];
	_ =	sdelay $0x4  }
0x75: {  	v1 =	vand.u32 @!p1 $0xFFFF, v0;
	v0 =	vshrl.u32 @!p1 v0, $0x10  }
0x76: {  	[tilespmem:$0x2870] =	vst @!p1 v1  }
0x77: {  	[tilespmem:$0x28F0] =	vst @!p1 v0  }
0x78: {  	[tilespmem:s28], [sflag:$0x1] =	stream.indirect.gather @!p1 [hbm4b:s4+s25], $0x80, s26, s25, $0xb8;
	[tilespmem:$0x1EA00] =	vst v63  }
0x79: {  	_ =	swait.ge [sflag:s19], $0x4000  }
0x7a: {  	[sflag:s19] =	ssyncset.done $0x0  }
0x7b: {  	[sflag:s19] =	ssyncadd.s32 $0xFFFFC000  }
0x7c: {  	[spmem:s1] =	stream.indirect.scatter.add.f32 [tilespmem:s16], [sflag:$0x3], $0x80, s20, s12, $0xb8;
	[tilespmem:$0x1EA00] =	vst v63  }
0x7d: {  	_ =	swait.ge [sflag:s9], $0x4000  }
0x7e: {  	[sflag:s9] =	ssyncset.done $0x0  }
0x7f: {  	s23 =	sshra.s32 s24, $0x2;
	[sflag:s9] =	ssyncadd.s32 $0xFFFFC000  }
0x80: {  	v0 =	vld [tilespmem:s23+$0x80];
	_ =	sdelay $0x4  }
0x81: {  	v1 =	vand.u32 $0xFFFF, v0;
	v0 =	vshrl.u32 v0, $0x10  }
0x82: {  	[tilespmem:$0x2900] =	vst v1  }
0x83: {  	[tilespmem:$0x2980] =	vst v0  }
0x84: {  	v0 =	vld [tilespmem:s23+$0x90];
	_ =	sdelay $0x4  }
0x85: {  	v1 =	vand.u32 $0xFFFF, v0;
	v0 =	vshrl.u32 v0, $0x10  }
0x86: {  	[tilespmem:$0x2910] =	vst v1  }
0x87: {  	[tilespmem:$0x2990] =	vst v0  }
0x88: {  	v0 =	vld [tilespmem:s23+$0xA0];
	_ =	sdelay $0x4  }
0x89: {  	v1 =	vand.u32 $0xFFFF, v0;
	v0 =	vshrl.u32 v0, $0x10  }
0x8a: {  	[tilespmem:$0x2920] =	vst v1  }
0x8b: {  	[tilespmem:$0x29A0] =	vst v0  }
0x8c: {  	v0 =	vld [tilespmem:s23+$0xB0];
	_ =	sdelay $0x4  }
0x8d: {  	v1 =	vand.u32 $0xFFFF, v0;
	v0 =	vshrl.u32 v0, $0x10  }
0x8e: {  	[tilespmem:$0x2930] =	vst v1  }
0x8f: {  	[tilespmem:$0x29B0] =	vst v0  }
0x90: {  	v0 =	vld [tilespmem:s23+$0xC0];
	_ =	sdelay $0x4  }
0x91: {  	v1 =	vand.u32 $0xFFFF, v0;
	v0 =	vshrl.u32 v0, $0x10  }
0x92: {  	[tilespmem:$0x2940] =	vst v1  }
0x93: {  	[tilespmem:$0x29C0] =	vst v0  }
0x94: {  	v0 =	vld [tilespmem:s23+$0xD0];
	_ =	sdelay $0x4  }
0x95: {  	v1 =	vand.u32 $0xFFFF, v0;
	v0 =	vshrl.u32 v0, $0x10  }
0x96: {  	[tilespmem:$0x2950] =	vst v1  }
0x97: {  	[tilespmem:$0x29D0] =	vst v0  }
0x98: {  	v0 =	vld [tilespmem:s23+$0xE0];
	_ =	sdelay $0x4  }
0x99: {  	v1 =	vand.u32 $0xFFFF, v0;
	v0 =	vshrl.u32 v0, $0x10  }
0x9a: {  	[tilespmem:$0x2960] =	vst v1  }
0x9b: {  	[tilespmem:$0x29E0] =	vst v0  }
0x9c: {  	v0 =	vld [tilespmem:s23+$0xF0];
	_ =	sdelay $0x4  }
0x9d: {  	v1 =	vand.u32 $0xFFFF, v0;
	v0 =	vshrl.u32 v0, $0x10  }
0x9e: {  	p1 =	seq.s32 s24, $0x9C00;
	[tilespmem:$0x2970] =	vst v1  }
0x9f: {  	s23 =	sshra.s32 @!p1 s24, $0x2;
	[tilespmem:$0x29F0] =	vst v0  }
0xa0: {  	[tilespmem:s16], [sflag:$0x2] =	stream.indirect.gather [hbm4b:s4+s12], $0x80, s15, s12, $0xb8;
	[tilespmem:$0x1EA00] =	vst v63  }
0xa1: {  	_ =	swait.ge [sflag:s17], $0x4000  }
0xa2: {  	[sflag:s17] =	ssyncset.done $0x0  }
0xa3: {  	[sflag:s17] =	ssyncadd.s32 $0xFFFFC000  }
0xa4: {  	[spmem:s1] =	stream.indirect.scatter.add.f32 [tilespmem:s14], [sflag:$0x3], $0x80, s18, s12, $0xb8;
	[tilespmem:$0x1EA00] =	vst v63  }
0xa5: {  	_ =	swait.ge [sflag:s9], $0x4000  }
0xa6: {  	[sflag:s9] =	ssyncset.done $0x0  }
0xa7: {  	[sflag:s9] =	ssyncadd.s32 $0xFFFFC000  }
0xa8: {  	v0 =	vld @!p1 [tilespmem:s23+$0x100];
	_ =	sdelay $0x4  }
0xa9: {  	v1 =	vand.u32 @!p1 $0xFFFF, v0;
	v0 =	vshrl.u32 @!p1 v0, $0x10  }
0xaa: {  	[tilespmem:$0x2800] =	vst @!p1 v1  }
0xab: {  	[tilespmem:$0x2880] =	vst @!p1 v0  }
0xac: {  	v0 =	vld @!p1 [tilespmem:s23+$0x110];
	_ =	sdelay $0x4  }
0xad: {  	v1 =	vand.u32 @!p1 $0xFFFF, v0;
	v0 =	vshrl.u32 @!p1 v0, $0x10  }
0xae: {  	[tilespmem:$0x2810] =	vst @!p1 v1  }
0xaf: {  	[tilespmem:$0x2890] =	vst @!p1 v0  }
0xb0: {  	v0 =	vld @!p1 [tilespmem:s23+$0x120];
	_ =	sdelay $0x4  }
0xb1: {  	v1 =	vand.u32 @!p1 $0xFFFF, v0;
	v0 =	vshrl.u32 @!p1 v0, $0x10  }
0xb2: {  	[tilespmem:$0x2820] =	vst @!p1 v1  }
0xb3: {  	[tilespmem:$0x28A0] =	vst @!p1 v0  }
0xb4: {  	v0 =	vld @!p1 [tilespmem:s23+$0x130];
	_ =	sdelay $0x4  }
0xb5: {  	v1 =	vand.u32 @!p1 $0xFFFF, v0;
	v0 =	vshrl.u32 @!p1 v0, $0x10  }
0xb6: {  	[tilespmem:$0x2830] =	vst @!p1 v1  }
0xb7: {  	[tilespmem:$0x28B0] =	vst @!p1 v0  }
0xb8: {  	v0 =	vld @!p1 [tilespmem:s23+$0x140];
	_ =	sdelay $0x4  }
0xb9: {  	v1 =	vand.u32 @!p1 $0xFFFF, v0;
	v0 =	vshrl.u32 @!p1 v0, $0x10  }
0xba: {  	[tilespmem:$0x2840] =	vst @!p1 v1  }
0xbb: {  	[tilespmem:$0x28C0] =	vst @!p1 v0  }
0xbc: {  	v0 =	vld @!p1 [tilespmem:s23+$0x150];
	_ =	sdelay $0x4  }
0xbd: {  	v1 =	vand.u32 @!p1 $0xFFFF, v0;
	v0 =	vshrl.u32 @!p1 v0, $0x10  }
0xbe: {  	[tilespmem:$0x2850] =	vst @!p1 v1  }
0xbf: {  	s25 =	simm.s32 @!p1 $0x80;
	s26 =	simm.s32 @!p1 $0x2800;
	s28 =	simm.s32 @!p1 $0x2A00;
	[tilespmem:$0x28D0] =	vst @!p1 v0  }
0xc0: {  	v0 =	vld @!p1 [tilespmem:s23+$0x160];
	_ =	sdelay $0x1  }
.Ltmp0:
0xc1: {  	(pc) =	sbr.rel @p0 .LBB2_2-.Ltmp0, $3  }
0xc2: {  	_ =	sdelay $0x1  }
0xc3: {  	v1 =	vand.u32 @!p1 $0xFFFF, v0;
	v0 =	vshrl.u32 @!p1 v0, $0x10  }
0xc4: {  	[tilespmem:$0x2860] =	vst @!p1 v1  }
0xc5: {  	[tilespmem:$0x28E0] =	vst @!p1 v0  }
0xc6: {  	v0 =	vld @!p1 [tilespmem:s23+$0x170];
	_ =	sdelay $0x4  }
0xc7: {  	v1 =	vand.u32 @!p1 $0xFFFF, v0  }
0xc8: {  	v0 =	vshrl.u32 @!p1 v0, $0x10;
	[tilespmem:$0x2870] =	vst @!p1 v1  }
0xc9: {  	[tilespmem:$0x28F0] =	vst @!p1 v0  }
0xca: {  	[tilespmem:s28], [sflag:$0x1] =	stream.indirect.gather @!p1 [hbm4b:s4+s25], $0x80, s26, s25, $0xb8;
	[tilespmem:$0x1EA00] =	vst v63  }
0xcb: {  	_ =	swait.ge [sflag:s19], $0x4000  }
0xcc: {  	[sflag:s19] =	ssyncset.done $0x0  }
0xcd: {  	[sflag:s19] =	ssyncadd.s32 $0xFFFFC000  }
0xce: {  	[spmem:s1] =	stream.indirect.scatter.add.f32 [tilespmem:s16], [sflag:$0x3], $0x80, s20, s12, $0xb8;
	[tilespmem:$0x1EA00] =	vst v63  }
0xcf: {  	_ =	swait.ge [sflag:s9], $0x4000  }
0xd0: {  	s21 =	sadd.s32 $0x1, s21;
	[sflag:s9] =	ssyncset.done $0x0  }
0xd1: {  	p0 =	sne.s32 s21, s8;
	[sflag:s9] =	ssyncadd.s32 $0xFFFFC000  }
.Ltmp1:
0xd2: {  	[bflag:$0x0] =	sbarrier.arrive $0xFFFF;
	(pc) =	sbr.rel @p0 .LBB2_1-.Ltmp1, $4  }
0xd3: {  	[hbm:s7], [sflag:s10] =	dma.local [spmem:s11], $0x2800  }
0xd4: {  	_ =	swait.ge [sflag:s9], $0x2800  }
0xd5: {  	[sflag:s9] =	ssyncset.done $0x0  }
0xd6: {  	[sflag:s9] =	ssyncadd.s32 $0xFFFFD800  }
0xd7: {  	_ =	sfence.sel $0x180000  }
0xd8: {  	[bflag:$0x0] =	sbarrier.arrive $0xFFFF  }
0xd9: {  	p0 =	sne.s32 s2, $0x0;
	_ =	strace $0x9000004D  }
0xda: {  	s0 =	sadd.s32 @!p0 $0x100000, s0;
	[bflag:$0x2] =	sbarrier.arrive $0xFFFF  }
0xdb: {  	[sflag:s0] =	ssyncadd.tile.s32 @!p0 $0x1;
	_ =	shalt  }
.Lfunc_end2:
_tile_overlayer_lowered:
.L_overlay_start_2:
0xdc: {  	(tag) =	ssettag $0x2  }
0xdd: {  	s0 =	rddreg [dreg:$0x0];
	s2 =	stileid.u32  }
0xde: {  	s1 =	rddreg [dreg:$0x1];
	p0 =	sne.s32 s2, $0x0  }
0xdf: {  	s3 =	rddreg [dreg:$0x2];
	[bflag:$0x3] =	sbarrier.arrive $0xFFFF;
	s2 =	simm.s32 @!p0 $0x1C03  }
0xe0: {  	[timem:s3], [sflag:s2] =	dma.local @!p0 [hbm:s0], s1  }
0xe1: {  	s0 =	simm.s32 @!p0 $0x3  }
0xe2: {  	_ =	swait.ge @!p0 [sflag:s0], s1  }
0xe3: {  	s1 =	ssub.s32 @!p0 $0x0, s1;
	[sflag:s0] =	ssyncset.done @!p0 $0x0  }
0xe4: {  	[sflag:s0] =	ssyncadd.s32 @!p0 s1  }
0xe5: {  	[bflag:$0x3] =	sbarrier.arrive $0xFFFF  }
0xe6: {  	_ =	shalt  }

// kernel: kernel.19.cloned.1.call-start
scs
__scs_entry_jumppad:
0x0: {  	(pc) =	sbr.rel $0x88, $3  }
0x1: {  	(tag) =	ssettag $0x0;
	lr =	simm.s32 $0x1  }
0x2: {  	[smem:$0x3F89] =	sst lr;
	_ =	strace $0xD0000000  }
0x3: {  	_ = 	snop  }
0x4: {  	_ = 	snop  }
0x5: {  	_ = 	snop  }
0x6: {  	_ = 	snop  }
0x7: {  	_ = 	snop  }
__scs_overlays_trampoline_lowered:
0x8: {  	[smem:$0x3F98] =	sst s0  }
0x9: {  	[smem:$0x3F99] =	sst s1  }
0xa: {  	[smem:$0x3F9A] =	sst s2  }
0xb: {  	[smem:$0x3F9B] =	sst s3  }
0xc: {  	[smem:$0x3F9C] =	sst s4  }
0xd: {  	[smem:$0x3F9D] =	sst s5  }
0xe: {  	[smem:$0x3F9E] =	sst s6  }
0xf: {  	[smem:$0x3F9F] =	sst s7  }
0x10: {  	[smem:$0x3FA0] =	sst s8  }
0x11: {  	[smem:$0x3FA1] =	sst s9;
	s0 =	simm.s32 @!p0 $0x0  }
0x12: {  	s1 =	sld [smem:$0x3F87];
	s0 =	simm.s32 @p0 $0x1  }
0x13: {  	[smem:$0x3FA2] =	sst s0;
	s0 =	simm.s32 @!p1 $0x0  }
0x14: {  	s2 =	sld [smem:$0x3F86];
	s0 =	simm.s32 @p1 $0x1  }
0x15: {  	[smem:$0x3FA3] =	sst s0;
	s0 =	simm.s32 @!p2 $0x0  }
0x16: {  	s3 =	sld [smem:$0x3FDB];
	s0 =	simm.s32 @p2 $0x1  }
0x17: {  	s4 =	simm.s32 $0x1BF5;
	[smem:$0x3FA5] =	sst s0  }
0x18: {  	s0 =	sld [smem:$0x3F88];
	_ =	swait.ge [sflag:s4], $0x0  }
0x19: {  	s7 =	sld [smem:$0x3F89]  }
0x1a: {  	s8 =	sadd.s32 $0xFFFFE003, lr  }
0x1b: {  	s9 =	sadd.s32 $0xFFFFFEF7, lr;
	s5 =	simm.s32 $0xFFFFFFFF;
	p2 =	slt.u32 s8, $0xFFFFF086  }
0x1c: {  	p1 =	slt.u32 s9, $0xF7A;
	s5 =	simm.s32 @!p2 $0x0  }
0x1d: {  	s5 =	simm.s32 @p1 $0x1;
	p0 =	seq.s32 s7, s2  }
0x1e: {  	s7 =	smul.u32 @!p0 $0xF7A, s2;
	p2 =	seq.s32 @!p0 s5, $0x0  }
0x1f: {  	s9 =	smul.u32 $0xF7A, s1;
	s8 =	simm.s32 @!p0 $0x1BF5;
	p2 =	por !p2, p0  }
0x20: {  	[sflag:s8] =	ssyncset.s32 @!p0 $0xFFFFF086;
	s6 =	sadd.s32 @!p0 s3, s7;
	s7 =	simm.s32 @!p0 $0x108  }
0x21: {  	s3 =	sadd.s32 s3, s9;
	s6 =	sadd.s32 @!p0 $0x88, s6;
	s7 =	simm.s32 @p2 $0x1082  }
0x22: {  	[simem:s7], [sflag:s8] =	dma.local @!p0 [hbm:s6], $0xF7A  }
0x23: {  	s9 =	sor.u32 $0xD0000000, s2;
	s6 =	simm.s32 $0x108;
	_ =	swait.ge @!p0 [sflag:s8], $0x0  }
0x24: {  	s3 =	sadd.s32 $0x88, s3;
	s6 =	simm.s32 @!p1 $0x1082;
	[sflag:s4] =	ssyncset.s32 $0xFFFFF086  }
0x25: {  	[simem:s6], [sflag:s4] =	dma.local [hbm:s3], $0xF7A  }
0x26: {  	[smem:$0x3F89] =	sst s1;
	(tag) =	ssettag s2;
	_ =	strace s9  }
0x27: {  	s1 =	sld [smem:$0x3F99]  }
0x28: {  	s2 =	sld [smem:$0x3F9A]  }
0x29: {  	s4 =	sld [smem:$0x3F9C]  }
0x2a: {  	p0 =	seq.s32 s5, $0x0;
	s5 =	sld [smem:$0x3F9D]  }
0x2b: {  	s6 =	sld [smem:$0x3F9E]  }
0x2c: {  	s7 =	sld [smem:$0x3F9F]  }
0x2d: {  	s3 =	simm.s32 $0x108;
	s8 =	sld [smem:$0x3FA0]  }
0x2e: {  	s3 =	simm.s32 @!p0 $0x1082;
	s9 =	sld [smem:$0x3FA1]  }
0x2f: {  	lr =	sadd.s32 s0, s3;
	s0 =	sld [smem:$0x3F98]  }
0x30: {  	s3 =	sld [smem:$0x3F9B]  }
0x31: {  	[smem:$0x3FA4] =	sst s10  }
0x32: {  	s10 =	sld [smem:$0x3FA2];
	_ =	sdelay $0x3  }
0x33: {  	p0 =	seq.s32 s10, $0x1;
	s10 =	sld [smem:$0x3FA4];
	_ =	sdelay $0x3  }
0x34: {  	[smem:$0x3FA4] =	sst s10  }
0x35: {  	s10 =	sld [smem:$0x3FA3];
	_ =	sdelay $0x3  }
0x36: {  	p1 =	seq.s32 s10, $0x1;
	s10 =	sld [smem:$0x3FA4];
	_ =	sdelay $0x3  }
0x37: {  	[smem:$0x3FA4] =	sst s10  }
0x38: {  	s10 =	sld [smem:$0x3FA5]  }
0x39: {  	_ = 	snop;
	(pc) =	sbr.ind lr, $3  }
0x3a: {  	_ = 	snop  }
0x3b: {  	_ = 	snop  }
0x3c: {  	p2 =	seq.s32 s10, $0x1;
	s10 =	sld [smem:$0x3FA4]  }
0x3d: {  	_ =	shalt  }
0x3e: {  	_ =	shalt  }
0x3f: {  	_ =	shalt  }
0x40: {  	_ =	shalt  }
0x41: {  	_ =	shalt  }
0x42: {  	_ =	shalt  }
0x43: {  	_ =	shalt  }
0x44: {  	_ =	shalt  }
0x45: {  	_ =	shalt  }
0x46: {  	_ =	shalt  }
0x47: {  	_ =	shalt  }
0x48: {  	_ =	shalt  }
0x49: {  	_ =	shalt  }
0x4a: {  	_ =	shalt  }
0x4b: {  	_ =	shalt  }
0x4c: {  	_ =	shalt  }
0x4d: {  	_ =	shalt  }
0x4e: {  	_ =	shalt  }
0x4f: {  	_ =	shalt  }
0x50: {  	_ =	shalt  }
0x51: {  	_ =	shalt  }
0x52: {  	_ =	shalt  }
0x53: {  	_ =	shalt  }
0x54: {  	_ =	shalt  }
0x55: {  	_ =	shalt  }
0x56: {  	_ =	shalt  }
0x57: {  	_ =	shalt  }
0x58: {  	_ =	shalt  }
0x59: {  	_ =	shalt  }
0x5a: {  	_ =	shalt  }
0x5b: {  	_ =	shalt  }
0x5c: {  	_ =	shalt  }
0x5d: {  	_ =	shalt  }
0x5e: {  	_ =	shalt  }
0x5f: {  	_ =	shalt  }
0x60: {  	_ =	shalt  }
0x61: {  	_ =	shalt  }
0x62: {  	_ =	shalt  }
0x63: {  	_ =	shalt  }
0x64: {  	_ =	shalt  }
0x65: {  	_ =	shalt  }
0x66: {  	_ =	shalt  }
0x67: {  	_ =	shalt  }
0x68: {  	_ =	shalt  }
0x69: {  	_ =	shalt  }
0x6a: {  	_ =	shalt  }
0x6b: {  	_ =	shalt  }
0x6c: {  	_ =	shalt  }
0x6d: {  	_ =	shalt  }
0x6e: {  	_ =	shalt  }
0x6f: {  	_ =	shalt  }
0x70: {  	_ =	shalt  }
0x71: {  	_ =	shalt  }
0x72: {  	_ =	shalt  }
0x73: {  	_ =	shalt  }
0x74: {  	_ =	shalt  }
0x75: {  	_ =	shalt  }
0x76: {  	_ =	shalt  }
0x77: {  	_ =	shalt  }
0x78: {  	_ =	shalt  }
0x79: {  	_ =	shalt  }
0x7a: {  	_ =	shalt  }
0x7b: {  	_ =	shalt  }
0x7c: {  	_ =	shalt  }
0x7d: {  	_ =	shalt  }
0x7e: {  	_ =	shalt  }
0x7f: {  	_ =	shalt  }
0x80: {  	_ =	shalt  }
0x81: {  	_ =	shalt  }
0x82: {  	_ =	shalt  }
0x83: {  	_ =	shalt  }
0x84: {  	_ =	shalt  }
0x85: {  	_ =	shalt  }
0x86: {  	_ =	shalt  }
0x87: {  	_ =	shalt  }
.Lfunc_end0:
.L_simem_size_0:
called_computation.3_lowered:
.L_overlay_start_0:
0x88: {  	s2 =	sld [smem:$0x3FD9]  }
0x89: {  	s3 =	sld [smem:$0x3FFE];
	_ =	sdelay $0x1  }
0x8a: {  	s1 =	srdreg.scid  }
0x8b: {  	s0 =	sand.u32 $0x1, s1  }
0x8c: {  	s17 =	sshll.u32 s0, $0xA;
	s2 =	sadd.s32 s3, s2  }
0x8d: {  	s2 =	sadd.s32 s2, s17  }
0x8e: {  	[smem:$0x3FB0] =	sst s2  }
0x8f: {  	_ = 	snop  }
0x90: {  	s2 =	sld [smem:$0x3FD0];
	(tm) =	ssettm $0x1  }
0x91: {  	s18 =	sld [smem:$0x3FFB];
	_ =	sdelay $0x3  }
0x92: {  	_ =	strace s18  }
0x93: {  	s3 =	sld [smem:$0x3FFC];
	_ =	sdelay $0x3  }
0x94: {  	_ =	strace s3  }
0x95: {  	s3 =	sld [smem:$0x3FFD];
	_ =	sdelay $0x3  }
0x96: {  	_ =	strace s3  }
0x97: {  	_ =	strace $0x8FFFFFFF  }
0x98: {  	s19 =	sld [smem:$0x3FDB];
	_ =	sdelay $0x1  }
0x99: {  	s4 =	simm.s32 $_scs_section_size  }
0x9a: {  	s5 =	simm.s32 $_size__tile_overlayer_lowered;
	s6 =	simm.s32 $_tile_overlayer_lowered  }
0x9b: {  	s22 =	simm.s32 $0x1BFF;
	s21 =	sshll.u32 s6, $0x1;
	s3 =	sadd.s32 s4, s19  }
0x9c: {  	s7 =	simm.s32 $0x0;
	s20 =	sshll.u32 s5, $0x1;
	s5 =	sadd.s32 s21, s3  }
0x9d: {  	[timem:s7], [sflag:s22] =	dma.local [hbm:s5], s20  }
0x9e: {  	_ =	swait.ge [sflag:s22], s20  }
0x9f: {  	s4 =	ssub.s32 $0x0, s20;
	[sflag:s22] =	ssyncset.done $0x0  }
0xa0: {  	[sflag:s22] =	ssyncadd.s32 s4;
	_ =	sdelay $0x1  }
0xa1: {  	s23 =	simm.s32 $0x1B8B  }
0xa2: {  	_ =	swait.ge [sflag:s23], $0x1  }
0xa3: {  	[sflag:s23] =	ssyncset.done $0x0  }
0xa4: {  	s25 =	simm.s32 $0x1B8E;
	s24 =	sld [smem:$0x3FFE];
	[sflag:s23] =	ssyncadd.s32 $0xFFFFFFFF  }
0xa5: {  	s26 =	simm.s32 $execute0_lowered;
	[smem:$0x3FD2] =	sst s25  }
0xa6: {  	s5 =	sshll.u32 s26, $0x1;
	_ =	strace $0x8000004F;
	[dreg:$0x1] =	wrdreg $0xFFFFFFFF  }
0xa7: {  	s28 =	simm.s32 $_size_execute0_lowered;
	s3 =	sadd.s32 s3, s5;
	[dreg:$0x0] =	wrdreg $0x0  }
0xa8: {  	s5 =	sshll.u32 s28, $0x1;
	[dreg:$0x2] =	wrdreg s3  }
0xa9: {  	[dreg:$0x3] =	wrdreg s5  }
0xaa: {  	[dreg:$0x4] =	wrdreg $0xC0  }
0xab: {  	_ =	task [dreg:s7], $0x5FFFF  }
0xac: {  	[dreg:$0x1] =	wrdreg $0xFFFFFFFF  }
0xad: {  	[dreg:$0x0] =	wrdreg $0x60  }
0xae: {  	[dreg:$0x2] =	wrdreg s2  }
0xaf: {  	[dreg:$0x3] =	wrdreg s24  }
0xb0: {  	[dreg:$0x4] =	wrdreg $0xAA000  }
0xb1: {  	[dreg:$0x5] =	wrdreg $0x9  }
0xb2: {  	_ =	task.clear_ibuf [dreg:s7], $0x6FFFF;
	_ =	strace $0x9000004F  }
0xb3: {  	s29 =	simm.s32 $0x9;
	_ =	strace $0x80000051  }
0xb4: {  	_ =	swait.ge [sflag:s29], $0x1  }
0xb5: {  	[sflag:s29] =	ssyncadd.s32 $0xFFFFFFFF  }
0xb6: {  	_ =	strace $0x90000051  }
0xb7: {  	_ =	sfence  }
0xb8: {  	s30 =	sld [smem:$0x0];
	_ =	sdelay $0x2  }
0xb9: {  	s31 =	sshll.u32 s1, $0xD;
	s1 =	sshrl.u32 s1, $0x2  }
0xba: {  	s3 =	sand.u32 $0x4000, s31;
	s1 =	sadd.s32 s1, s30  }
0xbb: {  	s0 =	sor.u32 s3, s0;
	s1 =	sshll.u32 s1, $0x11  }
0xbc: {  	s0 =	sor.u32 s1, s0  }
0xbd: {  	s0 =	sadd.s32 $0x8F2B, s0  }
0xbe: {  	[sflag:s0] =	ssyncadd.remote.s32 $0x1  }
0xbf: {  	_ =	sfence.sel $0xFFFF  }
0xc0: {  	[dreg:$0x0] =	wrdreg $0xFFFFFFFF;
	(pc) =	sbr.abs _section_cstart, $3  }
0xc1: {  	[dreg:$0x1] =	wrdreg $0xFFFFFFFF  }
0xc2: {  	_ =	task.clear_ibuf [dreg:s7], $0x2FFFF;
	_ =	strace $0x9FFFFFFF  }
0xc3: {  	(tm) =	ssettm $0x7FFFFFFF  }
tec
execute0_lowered:
.L_overlay_start_1:
0x0: {  	(tag) =	ssettag $0x1  }
0x1: {  	s6 =	rddreg [dreg:$0x0]  }
0x2: {  	s7 =	rddreg [dreg:$0x1]  }
0x3: {  	s1 =	rddreg [dreg:$0x2]  }
0x4: {  	s2 =	srdreg.scid;
	s0 =	rddreg [dreg:$0x3]  }
0x5: {  	s3 =	simm.s32 $0x0;
	s13 =	simm.s32 $0x2800;
	s14 =	simm.s32 $0x2A00  }
0x6: {  	s15 =	simm.s32 $0x2900;
	s16 =	simm.s32 $0x6A00;
	s17 =	simm.s32 $0x1  }
0x7: {  	s18 =	simm.s32 $0x2880;
	s19 =	simm.s32 $0x2;
	s8 =	sand.u32 $0x1, s2  }
0x8: {  	s20 =	simm.s32 $0x2980;
	s2 =	stileid.u32;
	s9 =	smul.u32 $0x140000, s8  }
0x9: {  	s21 =	simm.s32 $0x0;
	[smem:$0x7FF] =	sst s3;
	s10 =	smul.u32 $0x14000, s2  }
0xa: {  	s4 =	sadd.s32 $0x61E00, s7;
	s5 =	sadd.s32 $0xF600, s7;
	s11 =	smul.u32 $0x28000, s8  }
0xb: {  	_ =	strace $0x80000050;
	s25 =	smul.u32 $0x2800, s2;
	s8 =	ssub.s32 $0x2, s8  }
0xc: {  	s12 =	smul.u32 $0x50000, s2;
	s31 =	sshll.u32 s2, $0x6;
	s26 =	sshrl.u32 s8, $0x1  }
0xd: {  	s9 =	sadd.s32 s10, s9;
	s10 =	sadd.s32 s25, s11;
	s8 =	ssub.s32 s8, s26  }
0xe: {  	s29 =	sshrl.u32 s12, $0x2;
	s12 =	simm.s32 $0x80;
	s9 =	sshrl.u32 s9, $0x3  }
0xf: {  	s28 =	sshrl.u32 s10, $0x3;
	s30 =	sadd.s32 s29, s1;
	s8 =	smax.u32 s8, $0x1  }
0x10: {  	s10 =	sor.u32 $0x1C03, s31;
	s7 =	sadd.s32 s9, s7;
	s6 =	sadd.s32 s6, s28  }
0x11: {  	s9 =	simm.s32 $0x3;
	s11 =	sshrl.u32 s30, $0x3;
	s7 =	sadd.s32 $0x89E00, s7  }
.LBB2_1:
0x12: {  	[tilespmem:s3], [sflag:$0x3] =	stream.linear.gather [hbm4b:s6+s3], $0x2800, $0x38;
	[tilespmem:$0x1EA00] =	vst v63  }
0x13: {  	_ =	swait.ge [sflag:s9], $0x2800  }
0x14: {  	[sflag:s9] =	ssyncset.done $0x0  }
0x15: {  	[sflag:s9] =	ssyncadd.s32 $0xFFFFD800  }
0x16: {  	[spmem:s11], [sflag:s10] =	dma.local [hbm:s5], $0x2800  }
0x17: {  	_ =	swait.ge [sflag:s9], $0x2800  }
0x18: {  	[sflag:s9] =	ssyncset.done $0x0  }
0x19: {  	[sflag:s9] =	ssyncadd.s32 $0xFFFFD800  }
0x1a: {  	[bflag:$0x0] =	sbarrier.arrive $0xFFFF  }
0x1b: {  	v0 =	vld [tilespmem:$0x0];
	_ =	sdelay $0x1  }
0x1c: {  	v1 =	vld [tilespmem:$0x10];
	_ =	sdelay $0x1  }
0x1d: {  	v2 =	vld [tilespmem:$0x20]  }
0x1e: {  	v3 =	vand.u32 $0xFFFF, v0  }
0x1f: {  	v0 =	vshrl.u32 v0, $0x10;
	[tilespmem:$0x2800] =	vst v3;
	v3 =	vld [tilespmem:$0x30]  }
0x20: {  	[tilespmem:$0x2880] =	vst v0;
	v0 =	vand.u32 $0xFFFF, v1  }
0x21: {  	[tilespmem:$0x2810] =	vst v0;
	v0 =	vshrl.u32 v1, $0x10;
	v1 =	vld [tilespmem:$0x40]  }
0x22: {  	[tilespmem:$0x2890] =	vst v0;
	v0 =	vand.u32 $0xFFFF, v2  }
0x23: {  	[tilespmem:$0x2820] =	vst v0;
	v0 =	vshrl.u32 v2, $0x10;
	v2 =	vld [tilespmem:$0x50]  }
0x24: {  	[tilespmem:$0x28A0] =	vst v0;
	v0 =	vand.u32 $0xFFFF, v3  }
0x25: {  	[tilespmem:$0x2830] =	vst v0;
	v0 =	vshrl.u32 v3, $0x10;
	v3 =	vld [tilespmem:$0x60]  }
0x26: {  	[tilespmem:$0x28B0] =	vst v0;
	v0 =	vand.u32 $0xFFFF, v1  }
0x27: {  	[tilespmem:$0x2840] =	vst v0;
	v0 =	vshrl.u32 v1, $0x10;
	v1 =	vld [tilespmem:$0x70]  }
0x28: {  	[tilespmem:$0x28C0] =	vst v0;
	v0 =	vand.u32 $0xFFFF, v2  }
0x29: {  	[tilespmem:$0x2850] =	vst v0;
	v0 =	vshrl.u32 v2, $0x10  }
0x2a: {  	[tilespmem:$0x28D0] =	vst v0;
	v0 =	vand.u32 $0xFFFF, v3  }
0x2b: {  	[tilespmem:$0x2860] =	vst v0;
	v0 =	vshrl.u32 v3, $0x10  }
0x2c: {  	[tilespmem:$0x28E0] =	vst v0;
	v0 =	vand.u32 $0xFFFF, v1  }
0x2d: {  	[tilespmem:$0x2870] =	vst v0;
	v0 =	vshrl.u32 v1, $0x10  }
0x2e: {  	s22 =	simm.s32 $0x0;
	[tilespmem:$0x28F0] =	vst v0  }
0x2f: {  	[tilespmem:s14], [sflag:$0x1] =	stream.indirect.gather [hbm4b:s4+s12], $0x80, s13, s12, $0xb8;
	[tilespmem:$0x1EA00] =	vst v63  }
0x30: {  	v0 =	vld [tilespmem:s22+$0x80];
	_ =	sdelay $0x4  }
0x31: {  	v1 =	vand.u32 $0xFFFF, v0  }
0x32: {  	v0 =	vshrl.u32 v0, $0x10;
	[tilespmem:$0x2900] =	vst v1  }
0x33: {  	[tilespmem:$0x2980] =	vst v0  }
0x34: {  	v0 =	vld [tilespmem:s22+$0x90];
	_ =	sdelay $0x4  }
0x35: {  	v1 =	vand.u32 $0xFFFF, v0  }
0x36: {  	v0 =	vshrl.u32 v0, $0x10;
	[tilespmem:$0x2910] =	vst v1  }
0x37: {  	[tilespmem:$0x2990] =	vst v0  }
0x38: {  	v0 =	vld [tilespmem:s22+$0xA0];
	_ =	sdelay $0x4  }
0x39: {  	v1 =	vand.u32 $0xFFFF, v0  }
0x3a: {  	v0 =	vshrl.u32 v0, $0x10;
	[tilespmem:$0x2920] =	vst v1  }
0x3b: {  	[tilespmem:$0x29A0] =	vst v0  }
0x3c: {  	v0 =	vld [tilespmem:s22+$0xB0];
	_ =	sdelay $0x4  }
0x3d: {  	v1 =	vand.u32 $0xFFFF, v0  }
0x3e: {  	v0 =	vshrl.u32 v0, $0x10;
	[tilespmem:$0x2930] =	vst v1  }
0x3f: {  	[tilespmem:$0x29B0] =	vst v0  }
0x40: {  	v0 =	vld [tilespmem:s22+$0xC0];
	_ =	sdelay $0x4  }
0x41: {  	v1 =	vand.u32 $0xFFFF, v0  }
0x42: {  	v0 =	vshrl.u32 v0, $0x10;
	[tilespmem:$0x2940] =	vst v1  }
0x43: {  	[tilespmem:$0x29C0] =	vst v0  }
0x44: {  	v0 =	vld [tilespmem:s22+$0xD0];
	_ =	sdelay $0x4  }
0x45: {  	v1 =	vand.u32 $0xFFFF, v0  }
0x46: {  	v0 =	vshrl.u32 v0, $0x10;
	[tilespmem:$0x2950] =	vst v1  }
0x47: {  	[tilespmem:$0x29D0] =	vst v0  }
0x48: {  	v0 =	vld [tilespmem:s22+$0xE0];
	_ =	sdelay $0x4  }
0x49: {  	v1 =	vand.u32 $0xFFFF, v0  }
0x4a: {  	v0 =	vshrl.u32 v0, $0x10;
	[tilespmem:$0x2960] =	vst v1  }
0x4b: {  	[tilespmem:$0x29E0] =	vst v0  }
0x4c: {  	v0 =	vld [tilespmem:s22+$0xF0];
	_ =	sdelay $0x4  }
0x4d: {  	v1 =	vand.u32 $0xFFFF, v0  }
0x4e: {  	v0 =	vshrl.u32 v0, $0x10;
	[tilespmem:$0x2970] =	vst v1  }
0x4f: {  	[tilespmem:$0x29F0] =	vst v0  }
0x50: {  	[tilespmem:s16], [sflag:$0x2] =	stream.indirect.gather [hbm4b:s4+s12], $0x80, s15, s12, $0xb8;
	[tilespmem:$0x1EA00] =	vst v63  }
0x51: {  	_ =	swait.ge [sflag:s17], $0x4000  }
0x52: {  	[sflag:s17] =	ssyncset.done $0x0  }
0x53: {  	[sflag:s17] =	ssyncadd.s32 $0xFFFFC000  }
0x54: {  	[spmem:s1] =	stream.indirect.scatter.add.f32 [tilespmem:s14], [sflag:$0x3], $0x80, s18, s12, $0xb8;
	[tilespmem:$0x1EA00] =	vst v63  }
0x55: {  	_ =	swait.ge [sflag:s9], $0x4000  }
0x56: {  	p1 =	por $0x0, $0x0;
	[sflag:s9] =	ssyncset.done $0x0  }
0x57: {  	s23 =	simm.s32 @!p1 $0x0;
	[sflag:s9] =	ssyncadd.s32 $0xFFFFC000  }
0x58: {  	v0 =	vld @!p1 [tilespmem:s23+$0x100];
	_ =	sdelay $0x4  }
0x59: {  	v1 =	vand.u32 @!p1 $0xFFFF, v0  }
0x5a: {  	v0 =	vshrl.u32 @!p1 v0, $0x10;
	[tilespmem:$0x2800] =	vst @!p1 v1  }
0x5b: {  	[tilespmem:$0x2880] =	vst @!p1 v0  }
0x5c: {  	v0 =	vld @!p1 [tilespmem:s23+$0x110];
	_ =	sdelay $0x4  }
0x5d: {  	v1 =	vand.u32 @!p1 $0xFFFF, v0  }
0x5e: {  	v0 =	vshrl.u32 @!p1 v0, $0x10;
	[tilespmem:$0x2810] =	vst @!p1 v1  }
0x5f: {  	[tilespmem:$0x2890] =	vst @!p1 v0  }
0x60: {  	v0 =	vld @!p1 [tilespmem:s23+$0x120];
	_ =	sdelay $0x4  }
0x61: {  	v1 =	vand.u32 @!p1 $0xFFFF, v0  }
0x62: {  	v0 =	vshrl.u32 @!p1 v0, $0x10;
	[tilespmem:$0x2820] =	vst @!p1 v1  }
0x63: {  	[tilespmem:$0x28A0] =	vst @!p1 v0  }
0x64: {  	v0 =	vld @!p1 [tilespmem:s23+$0x130];
	_ =	sdelay $0x4  }
0x65: {  	v1 =	vand.u32 @!p1 $0xFFFF, v0  }
0x66: {  	v0 =	vshrl.u32 @!p1 v0, $0x10;
	[tilespmem:$0x2830] =	vst @!p1 v1  }
0x67: {  	[tilespmem:$0x28B0] =	vst @!p1 v0  }
0x68: {  	v0 =	vld @!p1 [tilespmem:s23+$0x140];
	_ =	sdelay $0x4  }
0x69: {  	v1 =	vand.u32 @!p1 $0xFFFF, v0  }
0x6a: {  	v0 =	vshrl.u32 @!p1 v0, $0x10;
	[tilespmem:$0x2840] =	vst @!p1 v1  }
0x6b: {  	[tilespmem:$0x28C0] =	vst @!p1 v0  }
0x6c: {  	v0 =	vld @!p1 [tilespmem:s23+$0x150];
	_ =	sdelay $0x4  }
0x6d: {  	v1 =	vand.u32 @!p1 $0xFFFF, v0  }
0x6e: {  	v0 =	vshrl.u32 @!p1 v0, $0x10;
	[tilespmem:$0x2850] =	vst @!p1 v1  }
0x6f: {  	[tilespmem:$0x28D0] =	vst @!p1 v0  }
0x70: {  	v0 =	vld @!p1 [tilespmem:s23+$0x160];
	_ =	sdelay $0x4  }
0x71: {  	s25 =	simm.s32 @!p1 $0x80;
	v1 =	vand.u32 @!p1 $0xFFFF, v0  }
0x72: {  	s26 =	simm.s32 @!p1 $0x2800;
	s28 =	simm.s32 @!p1 $0x2A00;
	s22 =	simm.s32 $0x400;
	v0 =	vshrl.u32 @!p1 v0, $0x10;
	[tilespmem:$0x2860] =	vst @!p1 v1  }
.LBB2_2:
0x73: {  	[tilespmem:$0x28E0] =	vst @!p1 v0;
	s24 =	smov.u32 s22;
	s22 =	sadd.s32 $0x400, s22  }
0x74: {  	p0 =	sne.s32 s22, $0xA000;
	v0 =	vld @!p1 [tilespmem:s23+$0x170];
	_ =	sdelay $0x4  }
0x75: {  	v1 =	vand.u32 @!p1 $0xFFFF, v0;
	v0 =	vshrl.u32 @!p1 v0, $0x10  }
0x76: {  	[tilespmem:$0x2870] =	vst @!p1 v1  }
0x77: {  	[tilespmem:$0x28F0] =	vst @!p1 v0  }
0x78: {  	[tilespmem:s28], [sflag:$0x1] =	stream.indirect.gather @!p1 [hbm4b:s4+s25], $0x80, s26, s25, $0xb8;
	[tilespmem:$0x1EA00] =	vst v63  }
0x79: {  	_ =	swait.ge [sflag:s19], $0x4000  }
0x7a: {  	[sflag:s19] =	ssyncset.done $0x0  }
0x7b: {  	[sflag:s19] =	ssyncadd.s32 $0xFFFFC000  }
0x7c: {  	[spmem:s1] =	stream.indirect.scatter.add.f32 [tilespmem:s16], [sflag:$0x3], $0x80, s20, s12, $0xb8;
	[tilespmem:$0x1EA00] =	vst v63  }
0x7d: {  	_ =	swait.ge [sflag:s9], $0x4000  }
0x7e: {  	[sflag:s9] =	ssyncset.done $0x0  }
0x7f: {  	s23 =	sshra.s32 s24, $0x2;
	[sflag:s9] =	ssyncadd.s32 $0xFFFFC000  }
0x80: {  	v0 =	vld [tilespmem:s23+$0x80];
	_ =	sdelay $0x4  }
0x81: {  	v1 =	vand.u32 $0xFFFF, v0;
	v0 =	vshrl.u32 v0, $0x10  }
0x82: {  	[tilespmem:$0x2900] =	vst v1  }
0x83: {  	[tilespmem:$0x2980] =	vst v0  }
0x84: {  	v0 =	vld [tilespmem:s23+$0x90];
	_ =	sdelay $0x4  }
0x85: {  	v1 =	vand.u32 $0xFFFF, v0;
	v0 =	vshrl.u32 v0, $0x10  }
0x86: {  	[tilespmem:$0x2910] =	vst v1  }
0x87: {  	[tilespmem:$0x2990] =	vst v0  }
0x88: {  	v0 =	vld [tilespmem:s23+$0xA0];
	_ =	sdelay $0x4  }
0x89: {  	v1 =	vand.u32 $0xFFFF, v0;
	v0 =	vshrl.u32 v0, $0x10  }
0x8a: {  	[tilespmem:$0x2920] =	vst v1  }
0x8b: {  	[tilespmem:$0x29A0] =	vst v0  }
0x8c: {  	v0 =	vld [tilespmem:s23+$0xB0];
	_ =	sdelay $0x4  }
0x8d: {  	v1 =	vand.u32 $0xFFFF, v0;
	v0 =	vshrl.u32 v0, $0x10  }
0x8e: {  	[tilespmem:$0x2930] =	vst v1  }
0x8f: {  	[tilespmem:$0x29B0] =	vst v0  }
0x90: {  	v0 =	vld [tilespmem:s23+$0xC0];
	_ =	sdelay $0x4  }
0x91: {  	v1 =	vand.u32 $0xFFFF, v0;
	v0 =	vshrl.u32 v0, $0x10  }
0x92: {  	[tilespmem:$0x2940] =	vst v1  }
0x93: {  	[tilespmem:$0x29C0] =	vst v0  }
0x94: {  	v0 =	vld [tilespmem:s23+$0xD0];
	_ =	sdelay $0x4  }
0x95: {  	v1 =	vand.u32 $0xFFFF, v0;
	v0 =	vshrl.u32 v0, $0x10  }
0x96: {  	[tilespmem:$0x2950] =	vst v1  }
0x97: {  	[tilespmem:$0x29D0] =	vst v0  }
0x98: {  	v0 =	vld [tilespmem:s23+$0xE0];
	_ =	sdelay $0x4  }
0x99: {  	v1 =	vand.u32 $0xFFFF, v0;
	v0 =	vshrl.u32 v0, $0x10  }
0x9a: {  	[tilespmem:$0x2960] =	vst v1  }
0x9b: {  	[tilespmem:$0x29E0] =	vst v0  }
0x9c: {  	v0 =	vld [tilespmem:s23+$0xF0];
	_ =	sdelay $0x4  }
0x9d: {  	v1 =	vand.u32 $0xFFFF, v0;
	v0 =	vshrl.u32 v0, $0x10  }
0x9e: {  	p1 =	seq.s32 s24, $0x9C00;
	[tilespmem:$0x2970] =	vst v1  }
0x9f: {  	s23 =	sshra.s32 @!p1 s24, $0x2;
	[tilespmem:$0x29F0] =	vst v0  }
0xa0: {  	[tilespmem:s16], [sflag:$0x2] =	stream.indirect.gather [hbm4b:s4+s12], $0x80, s15, s12, $0xb8;
	[tilespmem:$0x1EA00] =	vst v63  }
0xa1: {  	_ =	swait.ge [sflag:s17], $0x4000  }
0xa2: {  	[sflag:s17] =	ssyncset.done $0x0  }
0xa3: {  	[sflag:s17] =	ssyncadd.s32 $0xFFFFC000  }
0xa4: {  	[spmem:s1] =	stream.indirect.scatter.add.f32 [tilespmem:s14], [sflag:$0x3], $0x80, s18, s12, $0xb8;
	[tilespmem:$0x1EA00] =	vst v63  }
0xa5: {  	_ =	swait.ge [sflag:s9], $0x4000  }
0xa6: {  	[sflag:s9] =	ssyncset.done $0x0  }
0xa7: {  	[sflag:s9] =	ssyncadd.s32 $0xFFFFC000  }
0xa8: {  	v0 =	vld @!p1 [tilespmem:s23+$0x100];
	_ =	sdelay $0x4  }
0xa9: {  	v1 =	vand.u32 @!p1 $0xFFFF, v0;
	v0 =	vshrl.u32 @!p1 v0, $0x10  }
0xaa: {  	[tilespmem:$0x2800] =	vst @!p1 v1  }
0xab: {  	[tilespmem:$0x2880] =	vst @!p1 v0  }
0xac: {  	v0 =	vld @!p1 [tilespmem:s23+$0x110];
	_ =	sdelay $0x4  }
0xad: {  	v1 =	vand.u32 @!p1 $0xFFFF, v0;
	v0 =	vshrl.u32 @!p1 v0, $0x10  }
0xae: {  	[tilespmem:$0x2810] =	vst @!p1 v1  }
0xaf: {  	[tilespmem:$0x2890] =	vst @!p1 v0  }
0xb0: {  	v0 =	vld @!p1 [tilespmem:s23+$0x120];
	_ =	sdelay $0x4  }
0xb1: {  	v1 =	vand.u32 @!p1 $0xFFFF, v0;
	v0 =	vshrl.u32 @!p1 v0, $0x10  }
0xb2: {  	[tilespmem:$0x2820] =	vst @!p1 v1  }
0xb3: {  	[tilespmem:$0x28A0] =	vst @!p1 v0  }
0xb4: {  	v0 =	vld @!p1 [tilespmem:s23+$0x130];
	_ =	sdelay $0x4  }
0xb5: {  	v1 =	vand.u32 @!p1 $0xFFFF, v0;
	v0 =	vshrl.u32 @!p1 v0, $0x10  }
0xb6: {  	[tilespmem:$0x2830] =	vst @!p1 v1  }
0xb7: {  	[tilespmem:$0x28B0] =	vst @!p1 v0  }
0xb8: {  	v0 =	vld @!p1 [tilespmem:s23+$0x140];
	_ =	sdelay $0x4  }
0xb9: {  	v1 =	vand.u32 @!p1 $0xFFFF, v0;
	v0 =	vshrl.u32 @!p1 v0, $0x10  }
0xba: {  	[tilespmem:$0x2840] =	vst @!p1 v1  }
0xbb: {  	[tilespmem:$0x28C0] =	vst @!p1 v0  }
0xbc: {  	v0 =	vld @!p1 [tilespmem:s23+$0x150];
	_ =	sdelay $0x4  }
0xbd: {  	v1 =	vand.u32 @!p1 $0xFFFF, v0;
	v0 =	vshrl.u32 @!p1 v0, $0x10  }
0xbe: {  	[tilespmem:$0x2850] =	vst @!p1 v1  }
0xbf: {  	s25 =	simm.s32 @!p1 $0x80;
	s26 =	simm.s32 @!p1 $0x2800;
	s28 =	simm.s32 @!p1 $0x2A00;
	[tilespmem:$0x28D0] =	vst @!p1 v0  }
0xc0: {  	v0 =	vld @!p1 [tilespmem:s23+$0x160];
	_ =	sdelay $0x1  }
.Ltmp0:
0xc1: {  	(pc) =	sbr.rel @p0 .LBB2_2-.Ltmp0, $3  }
0xc2: {  	_ =	sdelay $0x1  }
0xc3: {  	v1 =	vand.u32 @!p1 $0xFFFF, v0;
	v0 =	vshrl.u32 @!p1 v0, $0x10  }
0xc4: {  	[tilespmem:$0x2860] =	vst @!p1 v1  }
0xc5: {  	[tilespmem:$0x28E0] =	vst @!p1 v0  }
0xc6: {  	v0 =	vld @!p1 [tilespmem:s23+$0x170];
	_ =	sdelay $0x4  }
0xc7: {  	v1 =	vand.u32 @!p1 $0xFFFF, v0  }
0xc8: {  	v0 =	vshrl.u32 @!p1 v0, $0x10;
	[tilespmem:$0x2870] =	vst @!p1 v1  }
0xc9: {  	[tilespmem:$0x28F0] =	vst @!p1 v0  }
0xca: {  	[tilespmem:s28], [sflag:$0x1] =	stream.indirect.gather @!p1 [hbm4b:s4+s25], $0x80, s26, s25, $0xb8;
	[tilespmem:$0x1EA00] =	vst v63  }
0xcb: {  	_ =	swait.ge [sflag:s19], $0x4000  }
0xcc: {  	[sflag:s19] =	ssyncset.done $0x0  }
0xcd: {  	[sflag:s19] =	ssyncadd.s32 $0xFFFFC000  }
0xce: {  	[spmem:s1] =	stream.indirect.scatter.add.f32 [tilespmem:s16], [sflag:$0x3], $0x80, s20, s12, $0xb8;
	[tilespmem:$0x1EA00] =	vst v63  }
0xcf: {  	_ =	swait.ge [sflag:s9], $0x4000  }
0xd0: {  	s21 =	sadd.s32 $0x1, s21;
	[sflag:s9] =	ssyncset.done $0x0  }
0xd1: {  	p0 =	sne.s32 s21, s8;
	[sflag:s9] =	ssyncadd.s32 $0xFFFFC000  }
.Ltmp1:
0xd2: {  	[bflag:$0x0] =	sbarrier.arrive $0xFFFF;
	(pc) =	sbr.rel @p0 .LBB2_1-.Ltmp1, $4  }
0xd3: {  	[hbm:s7], [sflag:s10] =	dma.local [spmem:s11], $0x2800  }
0xd4: {  	_ =	swait.ge [sflag:s9], $0x2800  }
0xd5: {  	[sflag:s9] =	ssyncset.done $0x0  }
0xd6: {  	[sflag:s9] =	ssyncadd.s32 $0xFFFFD800  }
0xd7: {  	_ =	sfence.sel $0x180000  }
0xd8: {  	[bflag:$0x0] =	sbarrier.arrive $0xFFFF  }
0xd9: {  	p0 =	sne.s32 s2, $0x0;
	_ =	strace $0x90000050  }
0xda: {  	s0 =	sadd.s32 @!p0 $0x100000, s0;
	[bflag:$0x2] =	sbarrier.arrive $0xFFFF  }
0xdb: {  	[sflag:s0] =	ssyncadd.tile.s32 @!p0 $0x1;
	_ =	shalt  }
.Lfunc_end2:
_tile_overlayer_lowered:
.L_overlay_start_2:
0xdc: {  	(tag) =	ssettag $0x2  }
0xdd: {  	s0 =	rddreg [dreg:$0x0];
	s2 =	stileid.u32  }
0xde: {  	s1 =	rddreg [dreg:$0x1];
	p0 =	sne.s32 s2, $0x0  }
0xdf: {  	s3 =	rddreg [dreg:$0x2];
	[bflag:$0x3] =	sbarrier.arrive $0xFFFF;
	s2 =	simm.s32 @!p0 $0x1C03  }
0xe0: {  	[timem:s3], [sflag:s2] =	dma.local @!p0 [hbm:s0], s1  }
0xe1: {  	s0 =	simm.s32 @!p0 $0x3  }
0xe2: {  	_ =	swait.ge @!p0 [sflag:s0], s1  }
0xe3: {  	s1 =	ssub.s32 @!p0 $0x0, s1;
	[sflag:s0] =	ssyncset.done @!p0 $0x0  }
0xe4: {  	[sflag:s0] =	ssyncadd.s32 @!p0 s1  }
0xe5: {  	[bflag:$0x3] =	sbarrier.arrive $0xFFFF  }
0xe6: {  	_ =	shalt  }

</sc_bundles>
